<compile_context>
chip_gen: v7x
topology: tpu7x:2x2x1
jax: 0.10.2.dev20260603
libtpu: 0.0.44.dev20260713+nightly
codegen_flags: <defaults>
</compile_context>

<pallas_src>
import functools

import jax
import jax.numpy as jnp
from jax import lax
from jax.experimental import pallas as pl
from jax.experimental.pallas import tpu as pltpu
from jax.experimental.pallas import tpu_sc as plsc

N = 10000
E = 320000
F = 128
H = 256
AVS = 128
P = 16384

NC = 2
NS = 16
NW = NC * NS
EW = E // NW
B = 128
NBLK = 80
EWP = NBLK * B
CH = 8
NCH = NBLK // CH
NP = 10112
RS = NP // NS
HH = NP // 2
K = 2

_MESH = plsc.VectorSubcoreMesh(core_axis_name="c", subcore_axis_name="s")


def _make_edge_pass(C):

  @functools.partial(
      pl.kernel,
      out_type=(jax.ShapeDtypeStruct((2, C, NP, F), jnp.float32),
                jax.ShapeDtypeStruct((NW * NP,), jnp.float32)),
      mesh=_MESH,
      compiler_params=pltpu.CompilerParams(needs_layout_passes=False),
      scratch_types=(
          [pltpu.VMEM((B,), jnp.int32) for _ in range(2 * K)]
          + [pltpu.VMEM((B, F), jnp.float32) for _ in range(K)]
          + [pltpu.VMEM((NP + 16,), jnp.float32)]
          + [pltpu.SemaphoreType.DMA for _ in range(4 * K)]
          + [pltpu.VMEM_SHARED((NP, F), jnp.float32)]
      ),
  )
  def edge_kernel(table_hbm, srcoff_hbm, dst_hbm, zeros_hbm, out_hbm,
                  degout_hbm, *rest):
    srcb = rest[:K]
    dstb = rest[K:2 * K]
    rows = rest[2 * K:3 * K]
    hist = rest[3 * K]
    sems = rest[3 * K + 1:3 * K + 1 + 4 * K]
    gsem = sems[:K]
    ssem = sems[K:2 * K]
    isem = sems[2 * K:3 * K]
    dsem = sems[3 * K:4 * K]
    acc = rest[3 * K + 1 + 4 * K]
    c = lax.axis_index("c")
    s = lax.axis_index("s")
    w = c * NS + s
    rbase = s * RS
    lane = lax.iota(jnp.int32, 16)
    zero16 = jnp.zeros((16,), jnp.float32)

    def zbody(j, carry):
      hist[pl.ds(j * 16, 16)] = zero16
      return carry

    lax.fori_loop(0, (NP + 16) // 16, zbody, 0)
    for h in range(C):
      pltpu.sync_copy(zeros_hbm.at[pl.ds(rbase, RS)], acc.at[pl.ds(rbase, RS)])
      plsc.subcore_barrier()

      for k in range(K):
        pltpu.sync_copy(srcoff_hbm.at[h, w, k], srcb[k])
        pltpu.sync_copy(dst_hbm.at[w, k], dstb[k])
        pltpu.async_copy(table_hbm.at[srcb[k]], rows[k], gsem[k])

      def body(j, carry):
        for k in range(K):
          i = j * K + k

          @pl.when(i < NBLK)
          def _process():
            nxt = i + K
            pltpu.make_async_copy(table_hbm.at[srcb[0]], rows[k],
                                  gsem[k]).wait()

            @pl.when(nxt < NBLK)
            def _prefetch_src():
              pltpu.async_copy(srcoff_hbm.at[h, w, nxt], srcb[k], isem[k])

            @pl.when(i >= K)
            def _wait_dst():
              pltpu.make_async_copy(dst_hbm.at[w, 0], dstb[k], dsem[k]).wait()

            pltpu.async_copy(rows[k], acc.at[dstb[k]], ssem[k], add=True)

            if h == 0:
              for u in range(B // 16):
                d = dstb[k][pl.ds(u * 16, 16)]
                occ, last = plsc.scan_count(d)
                idx = jnp.where(last, d, NP + lane)
                cur = plsc.load_gather(hist, [idx])
                plsc.store_scatter(hist, [idx], cur + occ.astype(jnp.float32))

            @pl.when(nxt < NBLK)
            def _refill():
              pltpu.make_async_copy(rows[k], acc.at[dstb[0]], ssem[k]).wait()
              pltpu.async_copy(dst_hbm.at[w, nxt], dstb[k], dsem[k])
              pltpu.make_async_copy(srcoff_hbm.at[h, w, 0], srcb[k],
                                    isem[k]).wait()
              pltpu.async_copy(table_hbm.at[srcb[k]], rows[k], gsem[k])

        return carry

      lax.fori_loop(0, (NBLK + K - 1) // K, body, 0)
      for k in range(K):
        pltpu.make_async_copy(rows[k], acc.at[dstb[0]], ssem[k]).wait()
      if h == 0:
        pltpu.sync_copy(hist.at[pl.ds(0, NP)],
                        degout_hbm.at[pl.ds(w * NP, NP)])
      plsc.subcore_barrier()
      pltpu.sync_copy(acc.at[pl.ds(rbase, RS)],
                      out_hbm.at[c, h, pl.ds(rbase, RS)])
      plsc.subcore_barrier()

  return edge_kernel


_edge_pass_1 = _make_edge_pass(1)
_edge_pass_2 = _make_edge_pass(2)


PB = P // NW
AB = 128


@functools.partial(
    pl.kernel,
    out_type=jax.ShapeDtypeStruct((2, P, AVS), jnp.float32),
    mesh=_MESH,
    scratch_types=[
        pltpu.VMEM((AB,), jnp.int32),
        pltpu.VMEM((AB, AVS), jnp.float32),
        pltpu.SemaphoreType.DMA,
    ],
)
def _action_gather(final_hbm, a01_hbm, out_hbm, idx_v, rows_v, sem):
  c = lax.axis_index("c")
  s = lax.axis_index("s")
  w = c * NS + s
  base = w * PB
  for t in range(2):

    def body(i, carry):
      off = base + i * AB
      pltpu.sync_copy(a01_hbm.at[pl.ds(t * P + off, AB)], idx_v)
      pltpu.async_copy(final_hbm.at[idx_v], rows_v, sem).wait()
      pltpu.sync_copy(rows_v, out_hbm.at[t, pl.ds(off, AB)])
      return carry

    lax.fori_loop(0, PB // AB, body, 0)


def _prep_body(W2l, W2r, b2, W3l, W3r, b3, WlA, blA, WlB, blB, Wout, bout,
               GL, GR, gb, bfin):
  f32 = jnp.float32
  T = jnp.dot(WlB[...], Wout[...], preferred_element_type=f32)
  Whead = jnp.dot(WlA[...], T, preferred_element_type=f32)
  bhead = (jnp.dot(blA[...], T, preferred_element_type=f32)
           + jnp.dot(blB[...], Wout[...], preferred_element_type=f32)
           + bout[...])
  C3 = jnp.dot(W3l[...], Whead, preferred_element_type=f32)
  D3 = jnp.dot(W3r[...], Whead, preferred_element_type=f32)
  CD = jnp.concatenate([C3, D3], axis=1)
  GL[...] = jnp.dot(W2l[...], CD, preferred_element_type=f32)
  GR[...] = jnp.dot(W2r[...], CD, preferred_element_type=f32)
  gb[...] = jnp.dot(b2[...], CD, preferred_element_type=f32)
  bfin[...] = jnp.dot(b3[...], Whead, preferred_element_type=f32) + bhead


NB = 1000


def _degsum(deg_ref):
  return jnp.maximum(jnp.sum(deg_ref[...], axis=1), 1.0)[:, None]


def _combine1_body(parts, deg_ref, obs, W1l, W1r, b1, x1T):
  agg = parts[0, 0] + parts[1, 0]
  mean = agg / _degsum(deg_ref)
  x1 = (jnp.dot(mean, W1l[...], preferred_element_type=jnp.float32)
        + jnp.dot(obs[...], W1r[...], preferred_element_type=jnp.float32)
        + b1[...])
  x1T[0] = x1[:, :F]
  x1T[1] = x1[:, F:]


def _combine2_body(parts, deg_ref, x1T, GL, GR, gb, y3T, z):
  a0 = parts[0, 0] + parts[1, 0]
  a1 = parts[0, 1] + parts[1, 1]
  mean = jnp.concatenate([a0, a1], axis=1) / _degsum(deg_ref)
  x1 = jnp.concatenate([x1T[0], x1T[1]], axis=1)
  yz = (jnp.dot(mean, GL[...], preferred_element_type=jnp.float32)
        + jnp.dot(x1, GR[...], preferred_element_type=jnp.float32)
        + gb[...])
  y3T[...] = yz[:, :F]
  z[...] = yz[:, F:]


def _combine3_body(parts, deg_ref, z, bfin, final):
  agg = parts[0, 0] + parts[1, 0]
  final[...] = agg / _degsum(deg_ref) + z[...] + bfin[...]


def _dotsoft_body(g, out):
  sv = g[0, :, :AVS // 2]
  dv = g[1, :, AVS // 2:]
  logits = jnp.sum(sv * dv, axis=1)
  m = jnp.max(logits)
  e = jnp.exp(logits - m)
  out[0, :] = e / jnp.sum(e)


def kernel(actions, obs, eic, eid, eit, W1l, W1r, b1, W2l, W2r, b2,
           W3l, W3r, b3, WlA, blA, WlB, blB, Wout, bout):
  i32 = jnp.int32
  f32 = jnp.float32
  s_t, d_t = eit[0].astype(i32), eit[1].astype(i32)
  s_c, d_c = eic[0].astype(i32), eic[1].astype(i32)
  s_d, d_d = eid[0].astype(i32), eid[1].astype(i32)
  a01 = jnp.concatenate([actions[..., 0].reshape(-1).astype(i32),
                         actions[..., 1].reshape(-1).astype(i32)])

  def pad_edges(sa, da):
    s2 = sa.reshape(NW, EW)
    d2 = da.reshape(NW, EW)
    padv = jnp.broadcast_to(jnp.arange(EWP - EW, dtype=i32)[None],
                            (NW, EWP - EW))
    s2p = jnp.concatenate([s2, padv % N], axis=1)
    d2p = jnp.concatenate([d2, padv % (NP - N) + N], axis=1)
    return s2p, d2p

  s_tp, d_tp = pad_edges(s_t, d_t)
  s_cp, d_cp = pad_edges(s_c, d_c)
  s_dp, d_dp = pad_edges(s_d, d_d)
  zeros = jnp.zeros((NP, F), f32)
  b1r = b1.reshape(1, H)
  b2r = b2.reshape(1, H)
  b3r = b3.reshape(1, H)
  blAr = blA.reshape(1, H)
  blBr = blB.reshape(1, H)
  boutr = bout.reshape(1, AVS)

  full = lambda shp: pl.BlockSpec(shp, lambda i: (0,) * len(shp))

  GL, GR, gb, bfin = pl.pallas_call(
      _prep_body,
      grid=(1,),
      in_specs=[full((H, H)), full((H, H)), full((1, H)), full((H, H)),
                full((H, H)), full((1, H)), full((H, H)), full((1, H)),
                full((H, H)), full((1, H)), full((H, AVS)), full((1, AVS))],
      out_specs=[full((H, H)), full((H, H)), full((1, H)), full((1, AVS))],
      out_shape=[jax.ShapeDtypeStruct((H, H), f32),
                 jax.ShapeDtypeStruct((H, H), f32),
                 jax.ShapeDtypeStruct((1, H), f32),
                 jax.ShapeDtypeStruct((1, AVS), f32)],
  )(W2l, W2r, b2r, W3l, W3r, b3r, WlA, blAr, WlB, blBr, Wout, boutr)

  p1, deg_t = _edge_pass_1(obs, s_tp.reshape(1, NW, NBLK, B),
                           d_tp.reshape(NW, NBLK, B), zeros)
  deg_t = deg_t.reshape(NW, NP).T

  x1T = pl.pallas_call(
      _combine1_body,
      grid=(N // NB,),
      in_specs=[
          pl.BlockSpec((2, 1, NB, F), lambda i: (0, 0, i, 0)),
          pl.BlockSpec((NB, NW), lambda i: (i, 0)),
          pl.BlockSpec((NB, F), lambda i: (i, 0)),
          full((F, H)), full((F, H)), full((1, H)),
      ],
      out_specs=pl.BlockSpec((2, NB, F), lambda i: (0, i, 0)),
      out_shape=jax.ShapeDtypeStruct((2, N, F), f32),
  )(p1, deg_t, obs, W1l, W1r, b1r)

  srcoff_c = jnp.stack([s_cp, s_cp + N]).reshape(2, NW, NBLK, B)
  p2, deg_c = _edge_pass_2(x1T.reshape(2 * N, F), srcoff_c,
                           d_cp.reshape(NW, NBLK, B), zeros)
  deg_c = deg_c.reshape(NW, NP).T

  y3T, z = pl.pallas_call(
      _combine2_body,
      grid=(N // NB,),
      in_specs=[
          pl.BlockSpec((2, 2, NB, F), lambda i: (0, 0, i, 0)),
          pl.BlockSpec((NB, NW), lambda i: (i, 0)),
          pl.BlockSpec((2, NB, F), lambda i: (0, i, 0)),
          full((H, H)), full((H, H)), full((1, H)),
      ],
      out_specs=[pl.BlockSpec((NB, F), lambda i: (i, 0)),
                 pl.BlockSpec((NB, AVS), lambda i: (i, 0))],
      out_shape=[jax.ShapeDtypeStruct((N, F), f32),
                 jax.ShapeDtypeStruct((N, AVS), f32)],
  )(p2, deg_c, x1T, GL, GR, gb)

  p3, deg_d = _edge_pass_1(y3T, s_dp.reshape(1, NW, NBLK, B),
                           d_dp.reshape(NW, NBLK, B), zeros)
  deg_d = deg_d.reshape(NW, NP).T

  final = pl.pallas_call(
      _combine3_body,
      grid=(N // NB,),
      in_specs=[
          pl.BlockSpec((2, 1, NB, F), lambda i: (0, 0, i, 0)),
          pl.BlockSpec((NB, NW), lambda i: (i, 0)),
          pl.BlockSpec((NB, AVS), lambda i: (i, 0)),
          full((1, AVS)),
      ],
      out_specs=pl.BlockSpec((NB, AVS), lambda i: (i, 0)),
      out_shape=jax.ShapeDtypeStruct((N, AVS), f32),
  )(p3, deg_d, z, bfin)

  g = _action_gather(final, a01)
  probs = pl.pallas_call(
      _dotsoft_body,
      grid=(1,),
      in_specs=[full((2, P, AVS))],
      out_specs=full((1, P)),
      out_shape=jax.ShapeDtypeStruct((1, P), f32),
  )(g)
  return probs

# --- scband reference (transcript-rebuilt; emitter-appended) ---
"""Pipeline reference for scband-policy-net-42477226557680 (READ-ONLY COPY).

The authoritative reference and input builder live on the scoring server;
editing this copy changes nothing except your own understanding.
"""

import jax, jax.numpy as jnp
import numpy as np

N = 10000
E = 320000
F = 128
H = 256
AVS = 128
A1 = 128
A2 = 128


def _init(key, shape, fan_in):
    return jax.random.uniform(key, shape, jnp.float32, -1.0, 1.0) / np.sqrt(fan_in)


def setup_inputs(seed: int = 0) -> dict:
    key = jax.random.key(seed)
    ks = jax.random.split(key, 24)
    obs = jax.random.normal(ks[0], (N, F), jnp.float32)
    eic = jax.random.randint(ks[1], (2, E), 0, N, jnp.int64)
    eid = jax.random.randint(ks[2], (2, E), 0, N, jnp.int64)
    eit = jax.random.randint(ks[3], (2, E), 0, N, jnp.int64)
    actions = jax.random.randint(ks[4], (A1, A2, 2), 0, N, jnp.int64)
    params = {
        'W1l': _init(ks[5], (F, H), F), 'W1r': _init(ks[6], (F, H), F), 'b1': jnp.zeros((H,), jnp.float32),
        'W2l': _init(ks[7], (H, H), H), 'W2r': _init(ks[8], (H, H), H), 'b2': jnp.zeros((H,), jnp.float32),
        'W3l': _init(ks[9], (H, H), H), 'W3r': _init(ks[10], (H, H), H), 'b3': jnp.zeros((H,), jnp.float32),
        'WlA': _init(ks[11], (H, H), H), 'blA': jnp.zeros((H,), jnp.float32),
        'WlB': _init(ks[12], (H, H), H), 'blB': jnp.zeros((H,), jnp.float32),
        'Wout': _init(ks[13], (H, AVS), H), 'bout': jnp.zeros((AVS,), jnp.float32),
    }
    inp = {'actions': actions, 'obs': obs, 'eic': eic, 'eid': eid, 'eit': eit}
    inp.update(params)
    return inp


def _sage_conv(x, edge_index, Wl, Wr, b):
    # SAGEConv with mean aggregation: lin_l(mean_{j in N(i)} x_j) + lin_r(x_i)
    src = edge_index[0]
    dst = edge_index[1]
    msg = jnp.take(x, src, axis=0)
    agg = jax.ops.segment_sum(msg, dst, num_segments=N)
    deg = jax.ops.segment_sum(jnp.ones((edge_index.shape[1],), x.dtype), dst, num_segments=N)
    agg = agg / jnp.maximum(deg, 1.0)[:, None]
    return agg @ Wl + b + x @ Wr


def reference(actions, obs, eic, eid, eit, W1l, W1r, b1, W2l, W2r, b2, W3l, W3r, b3, WlA, blA, WlB, blB, Wout, bout):
    # calc_probs (batch dim of 1 is implicit; math identical)
    x = _sage_conv(obs, eit, W1l, W1r, b1)
    x = _sage_conv(x, eic, W2l, W2r, b2)
    x = _sage_conv(x, eid, W3l, W3r, b3)
    x = x @ WlA + blA
    x = x @ WlB + blB
    x = x @ Wout + bout  # [N, AVS]
    n = AVS // 2
    start_vecs = x[:, :n]
    dest_vecs = x[:, n:]
    # get_prob
    a0 = actions[..., 0].reshape(-1)
    a1 = actions[..., 1].reshape(-1)
    starts = jnp.take(start_vecs, a0, axis=0)[None]  # [1, P, n]
    dests = jnp.take(dest_vecs, a1, axis=0)[None]    # [1, P, n]
    probs = jnp.einsum('bij,bij->bi', starts, dests)  # [1, P]
    probs = jax.nn.softmax(probs, axis=1)
    return probs

if __name__ == "__main__":
    import jax
    _d = setup_inputs()
    print(jax.jit(kernel)(*tuple(_d.values())))

</pallas_src>

<mosaic_0001>
#map = affine_map<(d0, d1) -> (0, 0)>
#map1 = affine_map<(d0, d1) -> (0, 0, 0, 0)>
#map2 = affine_map<(d0, d1) -> (0, 0, 0)>
#map3 = affine_map<(d0, d1) -> (0)>
module attributes {stable_mosaic.version = 14 : i64} {
  func.func @edge_kernel(%arg0: i32, %arg1: i32, %arg2: memref<10000x128xf32, #tpu.memory_space<hbm>>, %arg3: memref<1x32x80x128xi32, #tpu.memory_space<hbm>>, %arg4: memref<32x80x128xi32, #tpu.memory_space<hbm>>, %arg5: memref<10112x128xf32, #tpu.memory_space<hbm>>, %arg6: memref<2x1x10112x128xf32, #tpu.memory_space<hbm>>, %arg7: memref<323584xf32, #tpu.memory_space<hbm>>, %arg8: memref<128xi32, #tpu.memory_space<vmem>>, %arg9: memref<128xi32, #tpu.memory_space<vmem>>, %arg10: memref<128xi32, #tpu.memory_space<vmem>>, %arg11: memref<128xi32, #tpu.memory_space<vmem>>, %arg12: memref<128x128xf32, #tpu.memory_space<vmem>>, %arg13: memref<128x128xf32, #tpu.memory_space<vmem>>, %arg14: memref<10128xf32, #tpu.memory_space<vmem>>, %arg15: memref<!tpu.dma_semaphore, #tpu.memory_space<semaphore_mem>>, %arg16: memref<!tpu.dma_semaphore, #tpu.memory_space<semaphore_mem>>, %arg17: memref<!tpu.dma_semaphore, #tpu.memory_space<semaphore_mem>>, %arg18: memref<!tpu.dma_semaphore, #tpu.memory_space<semaphore_mem>>, %arg19: memref<!tpu.dma_semaphore, #tpu.memory_space<semaphore_mem>>, %arg20: memref<!tpu.dma_semaphore, #tpu.memory_space<semaphore_mem>>, %arg21: memref<!tpu.dma_semaphore, #tpu.memory_space<semaphore_mem>>, %arg22: memref<!tpu.dma_semaphore, #tpu.memory_space<semaphore_mem>>, %arg23: memref<10112x128xf32, #tpu.memory_space<vmem_shared>>) attributes {dimension_semantics = [#tpu.dimension_semantics<core_parallel>, #tpu.dimension_semantics<subcore_parallel>], iteration_bounds = array<i64: 2, 16>, scalar_prefetch = 0 : i64, scratch_operands = 16 : i64, tpu.core_type = #tpu.core_type<sc_vector_subcore>, window_params = [{transform_indices = #map}, {transform_indices = #map1}, {transform_indices = #map2}, {transform_indices = #map}, {transform_indices = #map1}, {transform_indices = #map3}]} {
    %mul3A = arith.constant 16 : i32
    %mul3A_0 = arith.muli %arg0, %mul3A : i32
    %add3A = arith.addi %mul3A_0, %arg1 : i32
    %mul3A_1 = arith.constant 632 : i32
    %mul3A_2 = arith.muli %arg1, %mul3A_1 : i32
    %iota3A = tpu.iota {dimensions = array<i32: 0>} : vector<16xi32>
    %broadcast_in_dim3A = arith.constant 0.000000e+00 : f32
    %broadcast_in_dim3A_3 = vector.broadcast %broadcast_in_dim3A : f32 to vector<16xf32>
    %scan3A = arith.constant 0 : i32
    %scan3A_4 = arith.constant 0 : i32
    %scan3A_5 = arith.constant 633 : i32
    %scan3A_6 = arith.addi %scan3A_4, %scan3A_5 : i32
    %scan3A_7 = arith.constant 1 : i32
    scf.for %scan3A_35 = %scan3A_4 to %scan3A_6 step %scan3A_7  : i32 {
      %mul3A_36 = arith.constant 16 : i32
      %mul3A_37 = arith.muli %scan3A_35, %mul3A_36 : i32
      %swap3A = arith.index_cast %mul3A_37 : i32 to index
      %swap3A_38 = tpu.vector_load %arg14[%swap3A] {strides = array<i32>} : memref<10128xf32, #tpu.memory_space<vmem>>, vector<16xf32>,
      tpu.vector_store %arg14[%swap3A], %broadcast_in_dim3A_3 {strides = array<i32>} : memref<10128xf32, #tpu.memory_space<vmem>>, vector<16xf32>,
    }
    %scan3A_8 = arith.constant 633 : i32
    "tpu.region"() ({
      %run_scoped3A_35 = tpu.sem_alloc : memref<!tpu.dma_semaphore, #tpu.memory_space<semaphore_mem>>
      %dma_start3A_36 = arith.constant 0 : i32
      %dma_start3A_37 = tpu.memref_slice %arg23[%mul3A_2, %dma_start3A_36] : memref<10112x128xf32, #tpu.memory_space<vmem_shared>> -> memref<632x128xf32, #tpu.memory_space<vmem_shared>>
      %dma_start3A_38 = arith.constant 0 : i32
      %dma_start3A_39 = tpu.memref_slice %arg5[%mul3A_2, %dma_start3A_38] : memref<10112x128xf32, #tpu.memory_space<hbm>> -> memref<632x128xf32, #tpu.memory_space<hbm>>
      tpu.enqueue_dma source(%dma_start3A_39 : memref<632x128xf32, #tpu.memory_space<hbm>>) target(%dma_start3A_37 : memref<632x128xf32, #tpu.memory_space<vmem_shared>>) target_semaphore(%run_scoped3A_35 : memref<!tpu.dma_semaphore, #tpu.memory_space<semaphore_mem>>)
      %dma_wait3A_40 = arith.constant 0 : i32
      %dma_wait3A_41 = tpu.memref_slice %arg23[%mul3A_2, %dma_wait3A_40] : memref<10112x128xf32, #tpu.memory_space<vmem_shared>> -> memref<632x128xf32, #tpu.memory_space<vmem_shared>>
      %dma_wait3A_42 = arith.constant 0 : i32
      %dma_wait3A_43 = tpu.memref_slice %arg5[%mul3A_2, %dma_wait3A_42] : memref<10112x128xf32, #tpu.memory_space<hbm>> -> memref<632x128xf32, #tpu.memory_space<hbm>>
      tpu.wait_dma2 semaphore(%run_scoped3A_35 : memref<!tpu.dma_semaphore, #tpu.memory_space<semaphore_mem>>) src(%dma_wait3A_43 : memref<632x128xf32, #tpu.memory_space<hbm>>) dst(%dma_wait3A_41 : memref<632x128xf32, #tpu.memory_space<vmem_shared>>)
      tpu.yield
    }) : () -> ()
    %barrier3A = arith.constant 0 : index
    tpu.barrier barrier_id(%barrier3A)
    %run_scoped3A = arith.constant 0 : i32
    %run_scoped3A_9 = arith.constant 0 : i32
    "tpu.region"() ({
      %run_scoped3A_35 = tpu.sem_alloc : memref<!tpu.dma_semaphore, #tpu.memory_space<semaphore_mem>>
      %dma_start3A_36 = arith.constant 0 : i32
      %dma_start3A_37 = tpu.memref_slice %arg3[%run_scoped3A, %add3A, %run_scoped3A_9, %dma_start3A_36] : memref<1x32x80x128xi32, #tpu.memory_space<hbm>> -> memref<1x1x1x128xi32, #tpu.memory_space<hbm>>
      %dma_start3A_38 = tpu.memref_squeeze %dma_start3A_37 : memref<1x1x1x128xi32, #tpu.memory_space<hbm>> -> memref<128xi32, #tpu.memory_space<hbm>>
      %dma_start3A_39 = arith.constant 0 : i32
      %dma_start3A_40 = tpu.memref_slice %arg3[%run_scoped3A, %add3A, %run_scoped3A_9, %dma_start3A_39] : memref<1x32x80x128xi32, #tpu.memory_space<hbm>> -> memref<1x1x1x128xi32, #tpu.memory_space<hbm>>
      %dma_start3A_41 = tpu.memref_squeeze %dma_start3A_40 : memref<1x1x1x128xi32, #tpu.memory_space<hbm>> -> memref<128xi32, #tpu.memory_space<hbm>>
      tpu.enqueue_dma source(%dma_start3A_41 : memref<128xi32, #tpu.memory_space<hbm>>) target(%arg8 : memref<128xi32, #tpu.memory_space<vmem>>) target_semaphore(%run_scoped3A_35 : memref<!tpu.dma_semaphore, #tpu.memory_space<semaphore_mem>>)
      %dma_wait3A_42 = arith.constant 0 : i32
      %dma_wait3A_43 = tpu.memref_slice %arg3[%run_scoped3A, %add3A, %run_scoped3A_9, %dma_wait3A_42] : memref<1x32x80x128xi32, #tpu.memory_space<hbm>> -> memref<1x1x1x128xi32, #tpu.memory_space<hbm>>
      %dma_wait3A_44 = tpu.memref_squeeze %dma_wait3A_43 : memref<1x1x1x128xi32, #tpu.memory_space<hbm>> -> memref<128xi32, #tpu.memory_space<hbm>>
      %dma_wait3A_45 = arith.constant 0 : i32
      %dma_wait3A_46 = tpu.memref_slice %arg3[%run_scoped3A, %add3A, %run_scoped3A_9, %dma_wait3A_45] : memref<1x32x80x128xi32, #tpu.memory_space<hbm>> -> memref<1x1x1x128xi32, #tpu.memory_space<hbm>>
      %dma_wait3A_47 = tpu.memref_squeeze %dma_wait3A_46 : memref<1x1x1x128xi32, #tpu.memory_space<hbm>> -> memref<128xi32, #tpu.memory_space<hbm>>
      tpu.wait_dma2 semaphore(%run_scoped3A_35 : memref<!tpu.dma_semaphore, #tpu.memory_space<semaphore_mem>>) src(%dma_wait3A_47 : memref<128xi32, #tpu.memory_space<hbm>>) dst(%arg8 : memref<128xi32, #tpu.memory_space<vmem>>)
      tpu.yield
    }) : () -> ()
    %run_scoped3A_10 = arith.constant 0 : i32
    "tpu.region"() ({
      %run_scoped3A_35 = tpu.sem_alloc : memref<!tpu.dma_semaphore, #tpu.memory_space<semaphore_mem>>
      %dma_start3A_36 = arith.constant 0 : i32
      %dma_start3A_37 = tpu.memref_slice %arg4[%add3A, %run_scoped3A_10, %dma_start3A_36] : memref<32x80x128xi32, #tpu.memory_space<hbm>> -> memref<1x1x128xi32, #tpu.memory_space<hbm>>
      %dma_start3A_38 = tpu.memref_squeeze %dma_start3A_37 : memref<1x1x128xi32, #tpu.memory_space<hbm>> -> memref<128xi32, #tpu.memory_space<hbm>>
      %dma_start3A_39 = arith.constant 0 : i32
      %dma_start3A_40 = tpu.memref_slice %arg4[%add3A, %run_scoped3A_10, %dma_start3A_39] : memref<32x80x128xi32, #tpu.memory_space<hbm>> -> memref<1x1x128xi32, #tpu.memory_space<hbm>>
      %dma_start3A_41 = tpu.memref_squeeze %dma_start3A_40 : memref<1x1x128xi32, #tpu.memory_space<hbm>> -> memref<128xi32, #tpu.memory_space<hbm>>
      tpu.enqueue_dma source(%dma_start3A_41 : memref<128xi32, #tpu.memory_space<hbm>>) target(%arg10 : memref<128xi32, #tpu.memory_space<vmem>>) target_semaphore(%run_scoped3A_35 : memref<!tpu.dma_semaphore, #tpu.memory_space<semaphore_mem>>)
      %dma_wait3A_42 = arith.constant 0 : i32
      %dma_wait3A_43 = tpu.memref_slice %arg4[%add3A, %run_scoped3A_10, %dma_wait3A_42] : memref<32x80x128xi32, #tpu.memory_space<hbm>> -> memref<1x1x128xi32, #tpu.memory_space<hbm>>
      %dma_wait3A_44 = tpu.memref_squeeze %dma_wait3A_43 : memref<1x1x128xi32, #tpu.memory_space<hbm>> -> memref<128xi32, #tpu.memory_space<hbm>>
      %dma_wait3A_45 = arith.constant 0 : i32
      %dma_wait3A_46 = tpu.memref_slice %arg4[%add3A, %run_scoped3A_10, %dma_wait3A_45] : memref<32x80x128xi32, #tpu.memory_space<hbm>> -> memref<1x1x128xi32, #tpu.memory_space<hbm>>
      %dma_wait3A_47 = tpu.memref_squeeze %dma_wait3A_46 : memref<1x1x128xi32, #tpu.memory_space<hbm>> -> memref<128xi32, #tpu.memory_space<hbm>>
      tpu.wait_dma2 semaphore(%run_scoped3A_35 : memref<!tpu.dma_semaphore, #tpu.memory_space<semaphore_mem>>) src(%dma_wait3A_47 : memref<128xi32, #tpu.memory_space<hbm>>) dst(%arg10 : memref<128xi32, #tpu.memory_space<vmem>>)
      tpu.yield
    }) : () -> ()
    %dma_start3A = arith.constant 0 : i32
    %dma_start3A_11 = arith.constant 0 : i32
    %dma_start3A_12 = tpu.memref_slice %arg2[%dma_start3A, %dma_start3A_11] : memref<10000x128xf32, #tpu.memory_space<hbm>> -> memref<10000x128xf32, #tpu.memory_space<hbm>>
    tpu.enqueue_indirect_dma source(%dma_start3A_12 : memref<10000x128xf32, #tpu.memory_space<hbm>>) target(%arg12 : memref<128x128xf32, #tpu.memory_space<vmem>>) offsets(%arg8 : memref<128xi32, #tpu.memory_space<vmem>>) semaphore(%arg15 : memref<!tpu.dma_semaphore, #tpu.memory_space<semaphore_mem>>)
    %run_scoped3A_13 = arith.constant 0 : i32
    %run_scoped3A_14 = arith.constant 1 : i32
    "tpu.region"() ({
      %run_scoped3A_35 = tpu.sem_alloc : memref<!tpu.dma_semaphore, #tpu.memory_space<semaphore_mem>>
      %dma_start3A_36 = arith.constant 0 : i32
      %dma_start3A_37 = tpu.memref_slice %arg3[%run_scoped3A_13, %add3A, %run_scoped3A_14, %dma_start3A_36] : memref<1x32x80x128xi32, #tpu.memory_space<hbm>> -> memref<1x1x1x128xi32, #tpu.memory_space<hbm>>
      %dma_start3A_38 = tpu.memref_squeeze %dma_start3A_37 : memref<1x1x1x128xi32, #tpu.memory_space<hbm>> -> memref<128xi32, #tpu.memory_space<hbm>>
      %dma_start3A_39 = arith.constant 0 : i32
      %dma_start3A_40 = tpu.memref_slice %arg3[%run_scoped3A_13, %add3A, %run_scoped3A_14, %dma_start3A_39] : memref<1x32x80x128xi32, #tpu.memory_space<hbm>> -> memref<1x1x1x128xi32, #tpu.memory_space<hbm>>
      %dma_start3A_41 = tpu.memref_squeeze %dma_start3A_40 : memref<1x1x1x128xi32, #tpu.memory_space<hbm>> -> memref<128xi32, #tpu.memory_space<hbm>>
      tpu.enqueue_dma source(%dma_start3A_41 : memref<128xi32, #tpu.memory_space<hbm>>) target(%arg9 : memref<128xi32, #tpu.memory_space<vmem>>) target_semaphore(%run_scoped3A_35 : memref<!tpu.dma_semaphore, #tpu.memory_space<semaphore_mem>>)
      %dma_wait3A_42 = arith.constant 0 : i32
      %dma_wait3A_43 = tpu.memref_slice %arg3[%run_scoped3A_13, %add3A, %run_scoped3A_14, %dma_wait3A_42] : memref<1x32x80x128xi32, #tpu.memory_space<hbm>> -> memref<1x1x1x128xi32, #tpu.memory_space<hbm>>
      %dma_wait3A_44 = tpu.memref_squeeze %dma_wait3A_43 : memref<1x1x1x128xi32, #tpu.memory_space<hbm>> -> memref<128xi32, #tpu.memory_space<hbm>>
      %dma_wait3A_45 = arith.constant 0 : i32
      %dma_wait3A_46 = tpu.memref_slice %arg3[%run_scoped3A_13, %add3A, %run_scoped3A_14, %dma_wait3A_45] : memref<1x32x80x128xi32, #tpu.memory_space<hbm>> -> memref<1x1x1x128xi32, #tpu.memory_space<hbm>>
      %dma_wait3A_47 = tpu.memref_squeeze %dma_wait3A_46 : memref<1x1x1x128xi32, #tpu.memory_space<hbm>> -> memref<128xi32, #tpu.memory_space<hbm>>
      tpu.wait_dma2 semaphore(%run_scoped3A_35 : memref<!tpu.dma_semaphore, #tpu.memory_space<semaphore_mem>>) src(%dma_wait3A_47 : memref<128xi32, #tpu.memory_space<hbm>>) dst(%arg9 : memref<128xi32, #tpu.memory_space<vmem>>)
      tpu.yield
    }) : () -> ()
    %run_scoped3A_15 = arith.constant 1 : i32
    "tpu.region"() ({
      %run_scoped3A_35 = tpu.sem_alloc : memref<!tpu.dma_semaphore, #tpu.memory_space<semaphore_mem>>
      %dma_start3A_36 = arith.constant 0 : i32
      %dma_start3A_37 = tpu.memref_slice %arg4[%add3A, %run_scoped3A_15, %dma_start3A_36] : memref<32x80x128xi32, #tpu.memory_space<hbm>> -> memref<1x1x128xi32, #tpu.memory_space<hbm>>
      %dma_start3A_38 = tpu.memref_squeeze %dma_start3A_37 : memref<1x1x128xi32, #tpu.memory_space<hbm>> -> memref<128xi32, #tpu.memory_space<hbm>>
      %dma_start3A_39 = arith.constant 0 : i32
      %dma_start3A_40 = tpu.memref_slice %arg4[%add3A, %run_scoped3A_15, %dma_start3A_39] : memref<32x80x128xi32, #tpu.memory_space<hbm>> -> memref<1x1x128xi32, #tpu.memory_space<hbm>>
      %dma_start3A_41 = tpu.memref_squeeze %dma_start3A_40 : memref<1x1x128xi32, #tpu.memory_space<hbm>> -> memref<128xi32, #tpu.memory_space<hbm>>
      tpu.enqueue_dma source(%dma_start3A_41 : memref<128xi32, #tpu.memory_space<hbm>>) target(%arg11 : memref<128xi32, #tpu.memory_space<vmem>>) target_semaphore(%run_scoped3A_35 : memref<!tpu.dma_semaphore, #tpu.memory_space<semaphore_mem>>)
      %dma_wait3A_42 = arith.constant 0 : i32
      %dma_wait3A_43 = tpu.memref_slice %arg4[%add3A, %run_scoped3A_15, %dma_wait3A_42] : memref<32x80x128xi32, #tpu.memory_space<hbm>> -> memref<1x1x128xi32, #tpu.memory_space<hbm>>
      %dma_wait3A_44 = tpu.memref_squeeze %dma_wait3A_43 : memref<1x1x128xi32, #tpu.memory_space<hbm>> -> memref<128xi32, #tpu.memory_space<hbm>>
      %dma_wait3A_45 = arith.constant 0 : i32
      %dma_wait3A_46 = tpu.memref_slice %arg4[%add3A, %run_scoped3A_15, %dma_wait3A_45] : memref<32x80x128xi32, #tpu.memory_space<hbm>> -> memref<1x1x128xi32, #tpu.memory_space<hbm>>
      %dma_wait3A_47 = tpu.memref_squeeze %dma_wait3A_46 : memref<1x1x128xi32, #tpu.memory_space<hbm>> -> memref<128xi32, #tpu.memory_space<hbm>>
      tpu.wait_dma2 semaphore(%run_scoped3A_35 : memref<!tpu.dma_semaphore, #tpu.memory_space<semaphore_mem>>) src(%dma_wait3A_47 : memref<128xi32, #tpu.memory_space<hbm>>) dst(%arg11 : memref<128xi32, #tpu.memory_space<vmem>>)
      tpu.yield
    }) : () -> ()
    %dma_start3A_16 = arith.constant 0 : i32
    %dma_start3A_17 = arith.constant 0 : i32
    %dma_start3A_18 = tpu.memref_slice %arg2[%dma_start3A_16, %dma_start3A_17] : memref<10000x128xf32, #tpu.memory_space<hbm>> -> memref<10000x128xf32, #tpu.memory_space<hbm>>
    tpu.enqueue_indirect_dma source(%dma_start3A_18 : memref<10000x128xf32, #tpu.memory_space<hbm>>) target(%arg13 : memref<128x128xf32, #tpu.memory_space<vmem>>) offsets(%arg9 : memref<128xi32, #tpu.memory_space<vmem>>) semaphore(%arg16 : memref<!tpu.dma_semaphore, #tpu.memory_space<semaphore_mem>>)
    %scan3A_19 = arith.constant 0 : i32
    %scan3A_20 = arith.constant 0 : i32
    %scan3A_21 = arith.constant 40 : i32
    %scan3A_22 = arith.addi %scan3A_20, %scan3A_21 : i32
    %scan3A_23 = arith.constant 1 : i32
    scf.for %scan3A_35 = %scan3A_20 to %scan3A_22 step %scan3A_23  : i32 {
      %mul3A_36 = arith.constant 2 : i32
      %mul3A_37 = arith.muli %scan3A_35, %mul3A_36 : i32
      %add3A_38 = arith.constant 0 : i32
      %add3A_39 = arith.addi %mul3A_37, %add3A_38 : i32
      %lt3A = arith.constant 80 : i32
      %lt3A_40 = arith.cmpi slt, %add3A_39, %lt3A : i32
      %convert_element_type3A = arith.extui %lt3A_40 : i1 to i32
      %cond3A = arith.constant 0 : i32
      %cond3A_41 = arith.cmpi ne, %convert_element_type3A, %cond3A : i32
      scf.if %cond3A_41 {
        %add3A_51 = arith.constant 2 : i32
        %add3A_52 = arith.addi %add3A_39, %add3A_51 : i32
        %dma_wait3A_53 = arith.constant 0 : i32
        %dma_wait3A_54 = arith.constant 0 : i32
        %dma_wait3A_55 = tpu.memref_slice %arg2[%dma_wait3A_53, %dma_wait3A_54] : memref<10000x128xf32, #tpu.memory_space<hbm>> -> memref<10000x128xf32, #tpu.memory_space<hbm>>
        tpu.wait_indirect_dma semaphore(%arg15 : memref<!tpu.dma_semaphore, #tpu.memory_space<semaphore_mem>>) src(%dma_wait3A_55 : memref<10000x128xf32, #tpu.memory_space<hbm>>) dst(%arg12 : memref<128x128xf32, #tpu.memory_space<vmem>>)
        %lt3A_56 = arith.constant 80 : i32
        %lt3A_57 = arith.cmpi slt, %add3A_52, %lt3A_56 : i32
        %convert_element_type3A_58 = arith.extui %lt3A_57 : i1 to i32
        %cond3A_59 = arith.constant 0 : i32
        %cond3A_60 = arith.cmpi ne, %convert_element_type3A_58, %cond3A_59 : i32
        scf.if %cond3A_60 {
          %dma_start3A_173 = arith.constant 0 : i32
          %dma_start3A_174 = arith.constant 0 : i32
          %dma_start3A_175 = tpu.memref_slice %arg3[%dma_start3A_173, %add3A, %add3A_52, %dma_start3A_174] : memref<1x32x80x128xi32, #tpu.memory_space<hbm>> -> memref<1x1x1x128xi32, #tpu.memory_space<hbm>>
          %dma_start3A_176 = tpu.memref_squeeze %dma_start3A_175 : memref<1x1x1x128xi32, #tpu.memory_space<hbm>> -> memref<128xi32, #tpu.memory_space<hbm>>
          %dma_start3A_177 = arith.constant 0 : i32
          %dma_start3A_178 = tpu.memref_slice %arg3[%dma_start3A_173, %add3A, %add3A_52, %dma_start3A_177] : memref<1x32x80x128xi32, #tpu.memory_space<hbm>> -> memref<1x1x1x128xi32, #tpu.memory_space<hbm>>
          %dma_start3A_179 = tpu.memref_squeeze %dma_start3A_178 : memref<1x1x1x128xi32, #tpu.memory_space<hbm>> -> memref<128xi32, #tpu.memory_space<hbm>>
          tpu.enqueue_dma source(%dma_start3A_179 : memref<128xi32, #tpu.memory_space<hbm>>) target(%arg8 : memref<128xi32, #tpu.memory_space<vmem>>) target_semaphore(%arg19 : memref<!tpu.dma_semaphore, #tpu.memory_space<semaphore_mem>>)
        } else {
        }
        %ge3A = arith.constant 2 : i32
        %ge3A_61 = arith.cmpi sge, %add3A_39, %ge3A : i32
        %convert_element_type3A_62 = arith.extui %ge3A_61 : i1 to i32
        %cond3A_63 = arith.constant 0 : i32
        %cond3A_64 = arith.cmpi ne, %convert_element_type3A_62, %cond3A_63 : i32
        scf.if %cond3A_64 {
          %dma_wait3A_173 = arith.constant 0 : i32
          %dma_wait3A_174 = arith.constant 0 : i32
          %dma_wait3A_175 = tpu.memref_slice %arg4[%add3A, %dma_wait3A_173, %dma_wait3A_174] : memref<32x80x128xi32, #tpu.memory_space<hbm>> -> memref<1x1x128xi32, #tpu.memory_space<hbm>>
          %dma_wait3A_176 = tpu.memref_squeeze %dma_wait3A_175 : memref<1x1x128xi32, #tpu.memory_space<hbm>> -> memref<128xi32, #tpu.memory_space<hbm>>
          %dma_wait3A_177 = arith.constant 0 : i32
          %dma_wait3A_178 = tpu.memref_slice %arg4[%add3A, %dma_wait3A_173, %dma_wait3A_177] : memref<32x80x128xi32, #tpu.memory_space<hbm>> -> memref<1x1x128xi32, #tpu.memory_space<hbm>>
          %dma_wait3A_179 = tpu.memref_squeeze %dma_wait3A_178 : memref<1x1x128xi32, #tpu.memory_space<hbm>> -> memref<128xi32, #tpu.memory_space<hbm>>
          tpu.wait_dma2 semaphore(%arg21 : memref<!tpu.dma_semaphore, #tpu.memory_space<semaphore_mem>>) src(%dma_wait3A_179 : memref<128xi32, #tpu.memory_space<hbm>>) dst(%arg10 : memref<128xi32, #tpu.memory_space<vmem>>)
        } else {
        }
        %dma_start3A_65 = arith.constant 0 : i32
        %dma_start3A_66 = arith.constant 0 : i32
        %dma_start3A_67 = tpu.memref_slice %arg23[%dma_start3A_65, %dma_start3A_66] : memref<10112x128xf32, #tpu.memory_space<vmem_shared>> -> memref<10112x128xf32, #tpu.memory_space<vmem_shared>>
        tpu.enqueue_indirect_dma source(%arg12 : memref<128x128xf32, #tpu.memory_space<vmem>>) target(%dma_start3A_67 : memref<10112x128xf32, #tpu.memory_space<vmem_shared>>) offsets(%arg10 : memref<128xi32, #tpu.memory_space<vmem>>) semaphore(%arg17 : memref<!tpu.dma_semaphore, #tpu.memory_space<semaphore_mem>>) {add = true}
        %get3A = arith.constant 0 : index
        %get3A_68 = tpu.vector_load %arg10[%get3A] {strides = array<i32>} : memref<128xi32, #tpu.memory_space<vmem>>, vector<16xi32>,
        %broadcast_in_dim3A_69 = arith.constant true
        %broadcast_in_dim3A_70 = vector.broadcast %broadcast_in_dim3A_69 : i1 to vector<16xi1>
        %unique3A, %unique3A_71 = tpu.scan_count mask(%broadcast_in_dim3A_70 : vector<16xi1>) value(%get3A_68 : vector<16xi32>) : vector<16xi1>, vector<16xi32>
        %add3A_72 = arith.constant 10112 : i32
        %add3A_73 = vector.broadcast %add3A_72 : i32 to vector<16xi32>
        %add3A_74 = arith.addi %add3A_73, %iota3A : vector<16xi32>
        %select_n3A = arith.select %unique3A, %get3A_68, %add3A_74 : vector<16xi1>, vector<16xi32>
        %gather3A = tpu.vector_load_idx %arg14[%select_n3A] : memref<10128xf32, #tpu.memory_space<vmem>>[vector<16xi32>], vector<16xf32>,
        %convert_element_type3A_75 = arith.sitofp %unique3A_71 : vector<16xi32> to vector<16xf32>
        %add3A_76 = arith.addf %gather3A, %convert_element_type3A_75 : vector<16xf32>
        tpu.vector_store_idx %arg14[%select_n3A], %add3A_76 : memref<10128xf32, #tpu.memory_space<vmem>>[vector<16xi32>], vector<16xf32>,
        %get3A_77 = arith.constant 16 : index
        %get3A_78 = tpu.vector_load %arg10[%get3A_77] {strides = array<i32>} : memref<128xi32, #tpu.memory_space<vmem>>, vector<16xi32>,
        %broadcast_in_dim3A_79 = arith.constant true
        %broadcast_in_dim3A_80 = vector.broadcast %broadcast_in_dim3A_79 : i1 to vector<16xi1>
        %unique3A_81, %unique3A_82 = tpu.scan_count mask(%broadcast_in_dim3A_80 : vector<16xi1>) value(%get3A_78 : vector<16xi32>) : vector<16xi1>, vector<16xi32>
        %add3A_83 = arith.constant 10112 : i32
        %add3A_84 = vector.broadcast %add3A_83 : i32 to vector<16xi32>
        %add3A_85 = arith.addi %add3A_84, %iota3A : vector<16xi32>
        %select_n3A_86 = arith.select %unique3A_81, %get3A_78, %add3A_85 : vector<16xi1>, vector<16xi32>
        %gather3A_87 = tpu.vector_load_idx %arg14[%select_n3A_86] : memref<10128xf32, #tpu.memory_space<vmem>>[vector<16xi32>], vector<16xf32>,
        %convert_element_type3A_88 = arith.sitofp %unique3A_82 : vector<16xi32> to vector<16xf32>
        %add3A_89 = arith.addf %gather3A_87, %convert_element_type3A_88 : vector<16xf32>
        tpu.vector_store_idx %arg14[%select_n3A_86], %add3A_89 : memref<10128xf32, #tpu.memory_space<vmem>>[vector<16xi32>], vector<16xf32>,
        %get3A_90 = arith.constant 32 : index
        %get3A_91 = tpu.vector_load %arg10[%get3A_90] {strides = array<i32>} : memref<128xi32, #tpu.memory_space<vmem>>, vector<16xi32>,
        %broadcast_in_dim3A_92 = arith.constant true
        %broadcast_in_dim3A_93 = vector.broadcast %broadcast_in_dim3A_92 : i1 to vector<16xi1>
        %unique3A_94, %unique3A_95 = tpu.scan_count mask(%broadcast_in_dim3A_93 : vector<16xi1>) value(%get3A_91 : vector<16xi32>) : vector<16xi1>, vector<16xi32>
        %add3A_96 = arith.constant 10112 : i32
        %add3A_97 = vector.broadcast %add3A_96 : i32 to vector<16xi32>
        %add3A_98 = arith.addi %add3A_97, %iota3A : vector<16xi32>
        %select_n3A_99 = arith.select %unique3A_94, %get3A_91, %add3A_98 : vector<16xi1>, vector<16xi32>
        %gather3A_100 = tpu.vector_load_idx %arg14[%select_n3A_99] : memref<10128xf32, #tpu.memory_space<vmem>>[vector<16xi32>], vector<16xf32>,
        %convert_element_type3A_101 = arith.sitofp %unique3A_95 : vector<16xi32> to vector<16xf32>
        %add3A_102 = arith.addf %gather3A_100, %convert_element_type3A_101 : vector<16xf32>
        tpu.vector_store_idx %arg14[%select_n3A_99], %add3A_102 : memref<10128xf32, #tpu.memory_space<vmem>>[vector<16xi32>], vector<16xf32>,
        %get3A_103 = arith.constant 48 : index
        %get3A_104 = tpu.vector_load %arg10[%get3A_103] {strides = array<i32>} : memref<128xi32, #tpu.memory_space<vmem>>, vector<16xi32>,
        %broadcast_in_dim3A_105 = arith.constant true
        %broadcast_in_dim3A_106 = vector.broadcast %broadcast_in_dim3A_105 : i1 to vector<16xi1>
        %unique3A_107, %unique3A_108 = tpu.scan_count mask(%broadcast_in_dim3A_106 : vector<16xi1>) value(%get3A_104 : vector<16xi32>) : vector<16xi1>, vector<16xi32>
        %add3A_109 = arith.constant 10112 : i32
        %add3A_110 = vector.broadcast %add3A_109 : i32 to vector<16xi32>
        %add3A_111 = arith.addi %add3A_110, %iota3A : vector<16xi32>
        %select_n3A_112 = arith.select %unique3A_107, %get3A_104, %add3A_111 : vector<16xi1>, vector<16xi32>
        %gather3A_113 = tpu.vector_load_idx %arg14[%select_n3A_112] : memref<10128xf32, #tpu.memory_space<vmem>>[vector<16xi32>], vector<16xf32>,
        %convert_element_type3A_114 = arith.sitofp %unique3A_108 : vector<16xi32> to vector<16xf32>
        %add3A_115 = arith.addf %gather3A_113, %convert_element_type3A_114 : vector<16xf32>
        tpu.vector_store_idx %arg14[%select_n3A_112], %add3A_115 : memref<10128xf32, #tpu.memory_space<vmem>>[vector<16xi32>], vector<16xf32>,
        %get3A_116 = arith.constant 64 : index
        %get3A_117 = tpu.vector_load %arg10[%get3A_116] {strides = array<i32>} : memref<128xi32, #tpu.memory_space<vmem>>, vector<16xi32>,
        %broadcast_in_dim3A_118 = arith.constant true
        %broadcast_in_dim3A_119 = vector.broadcast %broadcast_in_dim3A_118 : i1 to vector<16xi1>
        %unique3A_120, %unique3A_121 = tpu.scan_count mask(%broadcast_in_dim3A_119 : vector<16xi1>) value(%get3A_117 : vector<16xi32>) : vector<16xi1>, vector<16xi32>
        %add3A_122 = arith.constant 10112 : i32
        %add3A_123 = vector.broadcast %add3A_122 : i32 to vector<16xi32>
        %add3A_124 = arith.addi %add3A_123, %iota3A : vector<16xi32>
        %select_n3A_125 = arith.select %unique3A_120, %get3A_117, %add3A_124 : vector<16xi1>, vector<16xi32>
        %gather3A_126 = tpu.vector_load_idx %arg14[%select_n3A_125] : memref<10128xf32, #tpu.memory_space<vmem>>[vector<16xi32>], vector<16xf32>,
        %convert_element_type3A_127 = arith.sitofp %unique3A_121 : vector<16xi32> to vector<16xf32>
        %add3A_128 = arith.addf %gather3A_126, %convert_element_type3A_127 : vector<16xf32>
        tpu.vector_store_idx %arg14[%select_n3A_125], %add3A_128 : memref<10128xf32, #tpu.memory_space<vmem>>[vector<16xi32>], vector<16xf32>,
        %get3A_129 = arith.constant 80 : index
        %get3A_130 = tpu.vector_load %arg10[%get3A_129] {strides = array<i32>} : memref<128xi32, #tpu.memory_space<vmem>>, vector<16xi32>,
        %broadcast_in_dim3A_131 = arith.constant true
        %broadcast_in_dim3A_132 = vector.broadcast %broadcast_in_dim3A_131 : i1 to vector<16xi1>
        %unique3A_133, %unique3A_134 = tpu.scan_count mask(%broadcast_in_dim3A_132 : vector<16xi1>) value(%get3A_130 : vector<16xi32>) : vector<16xi1>, vector<16xi32>
        %add3A_135 = arith.constant 10112 : i32
        %add3A_136 = vector.broadcast %add3A_135 : i32 to vector<16xi32>
        %add3A_137 = arith.addi %add3A_136, %iota3A : vector<16xi32>
        %select_n3A_138 = arith.select %unique3A_133, %get3A_130, %add3A_137 : vector<16xi1>, vector<16xi32>
        %gather3A_139 = tpu.vector_load_idx %arg14[%select_n3A_138] : memref<10128xf32, #tpu.memory_space<vmem>>[vector<16xi32>], vector<16xf32>,
        %convert_element_type3A_140 = arith.sitofp %unique3A_134 : vector<16xi32> to vector<16xf32>
        %add3A_141 = arith.addf %gather3A_139, %convert_element_type3A_140 : vector<16xf32>
        tpu.vector_store_idx %arg14[%select_n3A_138], %add3A_141 : memref<10128xf32, #tpu.memory_space<vmem>>[vector<16xi32>], vector<16xf32>,
        %get3A_142 = arith.constant 96 : index
        %get3A_143 = tpu.vector_load %arg10[%get3A_142] {strides = array<i32>} : memref<128xi32, #tpu.memory_space<vmem>>, vector<16xi32>,
        %broadcast_in_dim3A_144 = arith.constant true
        %broadcast_in_dim3A_145 = vector.broadcast %broadcast_in_dim3A_144 : i1 to vector<16xi1>
        %unique3A_146, %unique3A_147 = tpu.scan_count mask(%broadcast_in_dim3A_145 : vector<16xi1>) value(%get3A_143 : vector<16xi32>) : vector<16xi1>, vector<16xi32>
        %add3A_148 = arith.constant 10112 : i32
        %add3A_149 = vector.broadcast %add3A_148 : i32 to vector<16xi32>
        %add3A_150 = arith.addi %add3A_149, %iota3A : vector<16xi32>
        %select_n3A_151 = arith.select %unique3A_146, %get3A_143, %add3A_150 : vector<16xi1>, vector<16xi32>
        %gather3A_152 = tpu.vector_load_idx %arg14[%select_n3A_151] : memref<10128xf32, #tpu.memory_space<vmem>>[vector<16xi32>], vector<16xf32>,
        %convert_element_type3A_153 = arith.sitofp %unique3A_147 : vector<16xi32> to vector<16xf32>
        %add3A_154 = arith.addf %gather3A_152, %convert_element_type3A_153 : vector<16xf32>
        tpu.vector_store_idx %arg14[%select_n3A_151], %add3A_154 : memref<10128xf32, #tpu.memory_space<vmem>>[vector<16xi32>], vector<16xf32>,
        %get3A_155 = arith.constant 112 : index
        %get3A_156 = tpu.vector_load %arg10[%get3A_155] {strides = array<i32>} : memref<128xi32, #tpu.memory_space<vmem>>, vector<16xi32>,
        %broadcast_in_dim3A_157 = arith.constant true
        %broadcast_in_dim3A_158 = vector.broadcast %broadcast_in_dim3A_157 : i1 to vector<16xi1>
        %unique3A_159, %unique3A_160 = tpu.scan_count mask(%broadcast_in_dim3A_158 : vector<16xi1>) value(%get3A_156 : vector<16xi32>) : vector<16xi1>, vector<16xi32>
        %add3A_161 = arith.constant 10112 : i32
        %add3A_162 = vector.broadcast %add3A_161 : i32 to vector<16xi32>
        %add3A_163 = arith.addi %add3A_162, %iota3A : vector<16xi32>
        %select_n3A_164 = arith.select %unique3A_159, %get3A_156, %add3A_163 : vector<16xi1>, vector<16xi32>
        %gather3A_165 = tpu.vector_load_idx %arg14[%select_n3A_164] : memref<10128xf32, #tpu.memory_space<vmem>>[vector<16xi32>], vector<16xf32>,
        %convert_element_type3A_166 = arith.sitofp %unique3A_160 : vector<16xi32> to vector<16xf32>
        %add3A_167 = arith.addf %gather3A_165, %convert_element_type3A_166 : vector<16xf32>
        tpu.vector_store_idx %arg14[%select_n3A_164], %add3A_167 : memref<10128xf32, #tpu.memory_space<vmem>>[vector<16xi32>], vector<16xf32>,
        %lt3A_168 = arith.constant 80 : i32
        %lt3A_169 = arith.cmpi slt, %add3A_52, %lt3A_168 : i32
        %convert_element_type3A_170 = arith.extui %lt3A_169 : i1 to i32
        %cond3A_171 = arith.constant 0 : i32
        %cond3A_172 = arith.cmpi ne, %convert_element_type3A_170, %cond3A_171 : i32
        scf.if %cond3A_172 {
          %dma_wait3A_173 = arith.constant 0 : i32
          %dma_wait3A_174 = arith.constant 0 : i32
          %dma_wait3A_175 = tpu.memref_slice %arg23[%dma_wait3A_173, %dma_wait3A_174] : memref<10112x128xf32, #tpu.memory_space<vmem_shared>> -> memref<10112x128xf32, #tpu.memory_space<vmem_shared>>
          tpu.wait_indirect_dma semaphore(%arg17 : memref<!tpu.dma_semaphore, #tpu.memory_space<semaphore_mem>>) src(%arg12 : memref<128x128xf32, #tpu.memory_space<vmem>>) dst(%dma_wait3A_175 : memref<10112x128xf32, #tpu.memory_space<vmem_shared>>)
          %dma_start3A_176 = arith.constant 0 : i32
          %dma_start3A_177 = tpu.memref_slice %arg4[%add3A, %add3A_52, %dma_start3A_176] : memref<32x80x128xi32, #tpu.memory_space<hbm>> -> memref<1x1x128xi32, #tpu.memory_space<hbm>>
          %dma_start3A_178 = tpu.memref_squeeze %dma_start3A_177 : memref<1x1x128xi32, #tpu.memory_space<hbm>> -> memref<128xi32, #tpu.memory_space<hbm>>
          %dma_start3A_179 = arith.constant 0 : i32
          %dma_start3A_180 = tpu.memref_slice %arg4[%add3A, %add3A_52, %dma_start3A_179] : memref<32x80x128xi32, #tpu.memory_space<hbm>> -> memref<1x1x128xi32, #tpu.memory_space<hbm>>
          %dma_start3A_181 = tpu.memref_squeeze %dma_start3A_180 : memref<1x1x128xi32, #tpu.memory_space<hbm>> -> memref<128xi32, #tpu.memory_space<hbm>>
          tpu.enqueue_dma source(%dma_start3A_181 : memref<128xi32, #tpu.memory_space<hbm>>) target(%arg10 : memref<128xi32, #tpu.memory_space<vmem>>) target_semaphore(%arg21 : memref<!tpu.dma_semaphore, #tpu.memory_space<semaphore_mem>>)
          %dma_wait3A_182 = arith.constant 0 : i32
          %dma_wait3A_183 = arith.constant 0 : i32
          %dma_wait3A_184 = arith.constant 0 : i32
          %dma_wait3A_185 = tpu.memref_slice %arg3[%dma_wait3A_182, %add3A, %dma_wait3A_183, %dma_wait3A_184] : memref<1x32x80x128xi32, #tpu.memory_space<hbm>> -> memref<1x1x1x128xi32, #tpu.memory_space<hbm>>
          %dma_wait3A_186 = tpu.memref_squeeze %dma_wait3A_185 : memref<1x1x1x128xi32, #tpu.memory_space<hbm>> -> memref<128xi32, #tpu.memory_space<hbm>>
          %dma_wait3A_187 = arith.constant 0 : i32
          %dma_wait3A_188 = tpu.memref_slice %arg3[%dma_wait3A_182, %add3A, %dma_wait3A_183, %dma_wait3A_187] : memref<1x32x80x128xi32, #tpu.memory_space<hbm>> -> memref<1x1x1x128xi32, #tpu.memory_space<hbm>>
          %dma_wait3A_189 = tpu.memref_squeeze %dma_wait3A_188 : memref<1x1x1x128xi32, #tpu.memory_space<hbm>> -> memref<128xi32, #tpu.memory_space<hbm>>
          tpu.wait_dma2 semaphore(%arg19 : memref<!tpu.dma_semaphore, #tpu.memory_space<semaphore_mem>>) src(%dma_wait3A_189 : memref<128xi32, #tpu.memory_space<hbm>>) dst(%arg8 : memref<128xi32, #tpu.memory_space<vmem>>)
          %dma_start3A_190 = arith.constant 0 : i32
          %dma_start3A_191 = arith.constant 0 : i32
          %dma_start3A_192 = tpu.memref_slice %arg2[%dma_start3A_190, %dma_start3A_191] : memref<10000x128xf32, #tpu.memory_space<hbm>> -> memref<10000x128xf32, #tpu.memory_space<hbm>>
          tpu.enqueue_indirect_dma source(%dma_start3A_192 : memref<10000x128xf32, #tpu.memory_space<hbm>>) target(%arg12 : memref<128x128xf32, #tpu.memory_space<vmem>>) offsets(%arg8 : memref<128xi32, #tpu.memory_space<vmem>>) semaphore(%arg15 : memref<!tpu.dma_semaphore, #tpu.memory_space<semaphore_mem>>)
        } else {
        }
      } else {
      }
      %mul3A_42 = arith.constant 2 : i32
      %mul3A_43 = arith.muli %scan3A_35, %mul3A_42 : i32
      %add3A_44 = arith.constant 1 : i32
      %add3A_45 = arith.addi %mul3A_43, %add3A_44 : i32
      %lt3A_46 = arith.constant 80 : i32
      %lt3A_47 = arith.cmpi slt, %add3A_45, %lt3A_46 : i32
      %convert_element_type3A_48 = arith.extui %lt3A_47 : i1 to i32
      %cond3A_49 = arith.constant 0 : i32
      %cond3A_50 = arith.cmpi ne, %convert_element_type3A_48, %cond3A_49 : i32
      scf.if %cond3A_50 {
        %add3A_51 = arith.constant 2 : i32
        %add3A_52 = arith.addi %add3A_45, %add3A_51 : i32
        %dma_wait3A_53 = arith.constant 0 : i32
        %dma_wait3A_54 = arith.constant 0 : i32
        %dma_wait3A_55 = tpu.memref_slice %arg2[%dma_wait3A_53, %dma_wait3A_54] : memref<10000x128xf32, #tpu.memory_space<hbm>> -> memref<10000x128xf32, #tpu.memory_space<hbm>>
        tpu.wait_indirect_dma semaphore(%arg16 : memref<!tpu.dma_semaphore, #tpu.memory_space<semaphore_mem>>) src(%dma_wait3A_55 : memref<10000x128xf32, #tpu.memory_space<hbm>>) dst(%arg13 : memref<128x128xf32, #tpu.memory_space<vmem>>)
        %lt3A_56 = arith.constant 80 : i32
        %lt3A_57 = arith.cmpi slt, %add3A_52, %lt3A_56 : i32
        %convert_element_type3A_58 = arith.extui %lt3A_57 : i1 to i32
        %cond3A_59 = arith.constant 0 : i32
        %cond3A_60 = arith.cmpi ne, %convert_element_type3A_58, %cond3A_59 : i32
        scf.if %cond3A_60 {
          %dma_start3A_173 = arith.constant 0 : i32
          %dma_start3A_174 = arith.constant 0 : i32
          %dma_start3A_175 = tpu.memref_slice %arg3[%dma_start3A_173, %add3A, %add3A_52, %dma_start3A_174] : memref<1x32x80x128xi32, #tpu.memory_space<hbm>> -> memref<1x1x1x128xi32, #tpu.memory_space<hbm>>
          %dma_start3A_176 = tpu.memref_squeeze %dma_start3A_175 : memref<1x1x1x128xi32, #tpu.memory_space<hbm>> -> memref<128xi32, #tpu.memory_space<hbm>>
          %dma_start3A_177 = arith.constant 0 : i32
          %dma_start3A_178 = tpu.memref_slice %arg3[%dma_start3A_173, %add3A, %add3A_52, %dma_start3A_177] : memref<1x32x80x128xi32, #tpu.memory_space<hbm>> -> memref<1x1x1x128xi32, #tpu.memory_space<hbm>>
          %dma_start3A_179 = tpu.memref_squeeze %dma_start3A_178 : memref<1x1x1x128xi32, #tpu.memory_space<hbm>> -> memref<128xi32, #tpu.memory_space<hbm>>
          tpu.enqueue_dma source(%dma_start3A_179 : memref<128xi32, #tpu.memory_space<hbm>>) target(%arg9 : memref<128xi32, #tpu.memory_space<vmem>>) target_semaphore(%arg20 : memref<!tpu.dma_semaphore, #tpu.memory_space<semaphore_mem>>)
        } else {
        }
        %ge3A = arith.constant 2 : i32
        %ge3A_61 = arith.cmpi sge, %add3A_45, %ge3A : i32
        %convert_element_type3A_62 = arith.extui %ge3A_61 : i1 to i32
        %cond3A_63 = arith.constant 0 : i32
        %cond3A_64 = arith.cmpi ne, %convert_element_type3A_62, %cond3A_63 : i32
        scf.if %cond3A_64 {
          %dma_wait3A_173 = arith.constant 0 : i32
          %dma_wait3A_174 = arith.constant 0 : i32
          %dma_wait3A_175 = tpu.memref_slice %arg4[%add3A, %dma_wait3A_173, %dma_wait3A_174] : memref<32x80x128xi32, #tpu.memory_space<hbm>> -> memref<1x1x128xi32, #tpu.memory_space<hbm>>
          %dma_wait3A_176 = tpu.memref_squeeze %dma_wait3A_175 : memref<1x1x128xi32, #tpu.memory_space<hbm>> -> memref<128xi32, #tpu.memory_space<hbm>>
          %dma_wait3A_177 = arith.constant 0 : i32
          %dma_wait3A_178 = tpu.memref_slice %arg4[%add3A, %dma_wait3A_173, %dma_wait3A_177] : memref<32x80x128xi32, #tpu.memory_space<hbm>> -> memref<1x1x128xi32, #tpu.memory_space<hbm>>
          %dma_wait3A_179 = tpu.memref_squeeze %dma_wait3A_178 : memref<1x1x128xi32, #tpu.memory_space<hbm>> -> memref<128xi32, #tpu.memory_space<hbm>>
          tpu.wait_dma2 semaphore(%arg22 : memref<!tpu.dma_semaphore, #tpu.memory_space<semaphore_mem>>) src(%dma_wait3A_179 : memref<128xi32, #tpu.memory_space<hbm>>) dst(%arg11 : memref<128xi32, #tpu.memory_space<vmem>>)
        } else {
        }
        %dma_start3A_65 = arith.constant 0 : i32
        %dma_start3A_66 = arith.constant 0 : i32
        %dma_start3A_67 = tpu.memref_slice %arg23[%dma_start3A_65, %dma_start3A_66] : memref<10112x128xf32, #tpu.memory_space<vmem_shared>> -> memref<10112x128xf32, #tpu.memory_space<vmem_shared>>
        tpu.enqueue_indirect_dma source(%arg13 : memref<128x128xf32, #tpu.memory_space<vmem>>) target(%dma_start3A_67 : memref<10112x128xf32, #tpu.memory_space<vmem_shared>>) offsets(%arg11 : memref<128xi32, #tpu.memory_space<vmem>>) semaphore(%arg18 : memref<!tpu.dma_semaphore, #tpu.memory_space<semaphore_mem>>) {add = true}
        %get3A = arith.constant 0 : index
        %get3A_68 = tpu.vector_load %arg11[%get3A] {strides = array<i32>} : memref<128xi32, #tpu.memory_space<vmem>>, vector<16xi32>,
        %broadcast_in_dim3A_69 = arith.constant true
        %broadcast_in_dim3A_70 = vector.broadcast %broadcast_in_dim3A_69 : i1 to vector<16xi1>
        %unique3A, %unique3A_71 = tpu.scan_count mask(%broadcast_in_dim3A_70 : vector<16xi1>) value(%get3A_68 : vector<16xi32>) : vector<16xi1>, vector<16xi32>
        %add3A_72 = arith.constant 10112 : i32
        %add3A_73 = vector.broadcast %add3A_72 : i32 to vector<16xi32>
        %add3A_74 = arith.addi %add3A_73, %iota3A : vector<16xi32>
        %select_n3A = arith.select %unique3A, %get3A_68, %add3A_74 : vector<16xi1>, vector<16xi32>
        %gather3A = tpu.vector_load_idx %arg14[%select_n3A] : memref<10128xf32, #tpu.memory_space<vmem>>[vector<16xi32>], vector<16xf32>,
        %convert_element_type3A_75 = arith.sitofp %unique3A_71 : vector<16xi32> to vector<16xf32>
        %add3A_76 = arith.addf %gather3A, %convert_element_type3A_75 : vector<16xf32>
        tpu.vector_store_idx %arg14[%select_n3A], %add3A_76 : memref<10128xf32, #tpu.memory_space<vmem>>[vector<16xi32>], vector<16xf32>,
        %get3A_77 = arith.constant 16 : index
        %get3A_78 = tpu.vector_load %arg11[%get3A_77] {strides = array<i32>} : memref<128xi32, #tpu.memory_space<vmem>>, vector<16xi32>,
        %broadcast_in_dim3A_79 = arith.constant true
        %broadcast_in_dim3A_80 = vector.broadcast %broadcast_in_dim3A_79 : i1 to vector<16xi1>
        %unique3A_81, %unique3A_82 = tpu.scan_count mask(%broadcast_in_dim3A_80 : vector<16xi1>) value(%get3A_78 : vector<16xi32>) : vector<16xi1>, vector<16xi32>
        %add3A_83 = arith.constant 10112 : i32
        %add3A_84 = vector.broadcast %add3A_83 : i32 to vector<16xi32>
        %add3A_85 = arith.addi %add3A_84, %iota3A : vector<16xi32>
        %select_n3A_86 = arith.select %unique3A_81, %get3A_78, %add3A_85 : vector<16xi1>, vector<16xi32>
        %gather3A_87 = tpu.vector_load_idx %arg14[%select_n3A_86] : memref<10128xf32, #tpu.memory_space<vmem>>[vector<16xi32>], vector<16xf32>,
        %convert_element_type3A_88 = arith.sitofp %unique3A_82 : vector<16xi32> to vector<16xf32>
        %add3A_89 = arith.addf %gather3A_87, %convert_element_type3A_88 : vector<16xf32>
        tpu.vector_store_idx %arg14[%select_n3A_86], %add3A_89 : memref<10128xf32, #tpu.memory_space<vmem>>[vector<16xi32>], vector<16xf32>,
        %get3A_90 = arith.constant 32 : index
        %get3A_91 = tpu.vector_load %arg11[%get3A_90] {strides = array<i32>} : memref<128xi32, #tpu.memory_space<vmem>>, vector<16xi32>,
        %broadcast_in_dim3A_92 = arith.constant true
        %broadcast_in_dim3A_93 = vector.broadcast %broadcast_in_dim3A_92 : i1 to vector<16xi1>
        %unique3A_94, %unique3A_95 = tpu.scan_count mask(%broadcast_in_dim3A_93 : vector<16xi1>) value(%get3A_91 : vector<16xi32>) : vector<16xi1>, vector<16xi32>
        %add3A_96 = arith.constant 10112 : i32
        %add3A_97 = vector.broadcast %add3A_96 : i32 to vector<16xi32>
        %add3A_98 = arith.addi %add3A_97, %iota3A : vector<16xi32>
        %select_n3A_99 = arith.select %unique3A_94, %get3A_91, %add3A_98 : vector<16xi1>, vector<16xi32>
        %gather3A_100 = tpu.vector_load_idx %arg14[%select_n3A_99] : memref<10128xf32, #tpu.memory_space<vmem>>[vector<16xi32>], vector<16xf32>,
        %convert_element_type3A_101 = arith.sitofp %unique3A_95 : vector<16xi32> to vector<16xf32>
        %add3A_102 = arith.addf %gather3A_100, %convert_element_type3A_101 : vector<16xf32>
        tpu.vector_store_idx %arg14[%select_n3A_99], %add3A_102 : memref<10128xf32, #tpu.memory_space<vmem>>[vector<16xi32>], vector<16xf32>,
        %get3A_103 = arith.constant 48 : index
        %get3A_104 = tpu.vector_load %arg11[%get3A_103] {strides = array<i32>} : memref<128xi32, #tpu.memory_space<vmem>>, vector<16xi32>,
        %broadcast_in_dim3A_105 = arith.constant true
        %broadcast_in_dim3A_106 = vector.broadcast %broadcast_in_dim3A_105 : i1 to vector<16xi1>
        %unique3A_107, %unique3A_108 = tpu.scan_count mask(%broadcast_in_dim3A_106 : vector<16xi1>) value(%get3A_104 : vector<16xi32>) : vector<16xi1>, vector<16xi32>
        %add3A_109 = arith.constant 10112 : i32
        %add3A_110 = vector.broadcast %add3A_109 : i32 to vector<16xi32>
        %add3A_111 = arith.addi %add3A_110, %iota3A : vector<16xi32>
        %select_n3A_112 = arith.select %unique3A_107, %get3A_104, %add3A_111 : vector<16xi1>, vector<16xi32>
        %gather3A_113 = tpu.vector_load_idx %arg14[%select_n3A_112] : memref<10128xf32, #tpu.memory_space<vmem>>[vector<16xi32>], vector<16xf32>,
        %convert_element_type3A_114 = arith.sitofp %unique3A_108 : vector<16xi32> to vector<16xf32>
        %add3A_115 = arith.addf %gather3A_113, %convert_element_type3A_114 : vector<16xf32>
        tpu.vector_store_idx %arg14[%select_n3A_112], %add3A_115 : memref<10128xf32, #tpu.memory_space<vmem>>[vector<16xi32>], vector<16xf32>,
        %get3A_116 = arith.constant 64 : index
        %get3A_117 = tpu.vector_load %arg11[%get3A_116] {strides = array<i32>} : memref<128xi32, #tpu.memory_space<vmem>>, vector<16xi32>,
        %broadcast_in_dim3A_118 = arith.constant true
        %broadcast_in_dim3A_119 = vector.broadcast %broadcast_in_dim3A_118 : i1 to vector<16xi1>
        %unique3A_120, %unique3A_121 = tpu.scan_count mask(%broadcast_in_dim3A_119 : vector<16xi1>) value(%get3A_117 : vector<16xi32>) : vector<16xi1>, vector<16xi32>
        %add3A_122 = arith.constant 10112 : i32
        %add3A_123 = vector.broadcast %add3A_122 : i32 to vector<16xi32>
        %add3A_124 = arith.addi %add3A_123, %iota3A : vector<16xi32>
        %select_n3A_125 = arith.select %unique3A_120, %get3A_117, %add3A_124 : vector<16xi1>, vector<16xi32>
        %gather3A_126 = tpu.vector_load_idx %arg14[%select_n3A_125] : memref<10128xf32, #tpu.memory_space<vmem>>[vector<16xi32>], vector<16xf32>,
        %convert_element_type3A_127 = arith.sitofp %unique3A_121 : vector<16xi32> to vector<16xf32>
        %add3A_128 = arith.addf %gather3A_126, %convert_element_type3A_127 : vector<16xf32>
        tpu.vector_store_idx %arg14[%select_n3A_125], %add3A_128 : memref<10128xf32, #tpu.memory_space<vmem>>[vector<16xi32>], vector<16xf32>,
        %get3A_129 = arith.constant 80 : index
        %get3A_130 = tpu.vector_load %arg11[%get3A_129] {strides = array<i32>} : memref<128xi32, #tpu.memory_space<vmem>>, vector<16xi32>,
        %broadcast_in_dim3A_131 = arith.constant true
        %broadcast_in_dim3A_132 = vector.broadcast %broadcast_in_dim3A_131 : i1 to vector<16xi1>
        %unique3A_133, %unique3A_134 = tpu.scan_count mask(%broadcast_in_dim3A_132 : vector<16xi1>) value(%get3A_130 : vector<16xi32>) : vector<16xi1>, vector<16xi32>
        %add3A_135 = arith.constant 10112 : i32
        %add3A_136 = vector.broadcast %add3A_135 : i32 to vector<16xi32>
        %add3A_137 = arith.addi %add3A_136, %iota3A : vector<16xi32>
        %select_n3A_138 = arith.select %unique3A_133, %get3A_130, %add3A_137 : vector<16xi1>, vector<16xi32>
        %gather3A_139 = tpu.vector_load_idx %arg14[%select_n3A_138] : memref<10128xf32, #tpu.memory_space<vmem>>[vector<16xi32>], vector<16xf32>,
        %convert_element_type3A_140 = arith.sitofp %unique3A_134 : vector<16xi32> to vector<16xf32>
        %add3A_141 = arith.addf %gather3A_139, %convert_element_type3A_140 : vector<16xf32>
        tpu.vector_store_idx %arg14[%select_n3A_138], %add3A_141 : memref<10128xf32, #tpu.memory_space<vmem>>[vector<16xi32>], vector<16xf32>,
        %get3A_142 = arith.constant 96 : index
        %get3A_143 = tpu.vector_load %arg11[%get3A_142] {strides = array<i32>} : memref<128xi32, #tpu.memory_space<vmem>>, vector<16xi32>,
        %broadcast_in_dim3A_144 = arith.constant true
        %broadcast_in_dim3A_145 = vector.broadcast %broadcast_in_dim3A_144 : i1 to vector<16xi1>
        %unique3A_146, %unique3A_147 = tpu.scan_count mask(%broadcast_in_dim3A_145 : vector<16xi1>) value(%get3A_143 : vector<16xi32>) : vector<16xi1>, vector<16xi32>
        %add3A_148 = arith.constant 10112 : i32
        %add3A_149 = vector.broadcast %add3A_148 : i32 to vector<16xi32>
        %add3A_150 = arith.addi %add3A_149, %iota3A : vector<16xi32>
        %select_n3A_151 = arith.select %unique3A_146, %get3A_143, %add3A_150 : vector<16xi1>, vector<16xi32>
        %gather3A_152 = tpu.vector_load_idx %arg14[%select_n3A_151] : memref<10128xf32, #tpu.memory_space<vmem>>[vector<16xi32>], vector<16xf32>,
        %convert_element_type3A_153 = arith.sitofp %unique3A_147 : vector<16xi32> to vector<16xf32>
        %add3A_154 = arith.addf %gather3A_152, %convert_element_type3A_153 : vector<16xf32>
        tpu.vector_store_idx %arg14[%select_n3A_151], %add3A_154 : memref<10128xf32, #tpu.memory_space<vmem>>[vector<16xi32>], vector<16xf32>,
        %get3A_155 = arith.constant 112 : index
        %get3A_156 = tpu.vector_load %arg11[%get3A_155] {strides = array<i32>} : memref<128xi32, #tpu.memory_space<vmem>>, vector<16xi32>,
        %broadcast_in_dim3A_157 = arith.constant true
        %broadcast_in_dim3A_158 = vector.broadcast %broadcast_in_dim3A_157 : i1 to vector<16xi1>
        %unique3A_159, %unique3A_160 = tpu.scan_count mask(%broadcast_in_dim3A_158 : vector<16xi1>) value(%get3A_156 : vector<16xi32>) : vector<16xi1>, vector<16xi32>
        %add3A_161 = arith.constant 10112 : i32
        %add3A_162 = vector.broadcast %add3A_161 : i32 to vector<16xi32>
        %add3A_163 = arith.addi %add3A_162, %iota3A : vector<16xi32>
        %select_n3A_164 = arith.select %unique3A_159, %get3A_156, %add3A_163 : vector<16xi1>, vector<16xi32>
        %gather3A_165 = tpu.vector_load_idx %arg14[%select_n3A_164] : memref<10128xf32, #tpu.memory_space<vmem>>[vector<16xi32>], vector<16xf32>,
        %convert_element_type3A_166 = arith.sitofp %unique3A_160 : vector<16xi32> to vector<16xf32>
        %add3A_167 = arith.addf %gather3A_165, %convert_element_type3A_166 : vector<16xf32>
        tpu.vector_store_idx %arg14[%select_n3A_164], %add3A_167 : memref<10128xf32, #tpu.memory_space<vmem>>[vector<16xi32>], vector<16xf32>,
        %lt3A_168 = arith.constant 80 : i32
        %lt3A_169 = arith.cmpi slt, %add3A_52, %lt3A_168 : i32
        %convert_element_type3A_170 = arith.extui %lt3A_169 : i1 to i32
        %cond3A_171 = arith.constant 0 : i32
        %cond3A_172 = arith.cmpi ne, %convert_element_type3A_170, %cond3A_171 : i32
        scf.if %cond3A_172 {
          %dma_wait3A_173 = arith.constant 0 : i32
          %dma_wait3A_174 = arith.constant 0 : i32
          %dma_wait3A_175 = tpu.memref_slice %arg23[%dma_wait3A_173, %dma_wait3A_174] : memref<10112x128xf32, #tpu.memory_space<vmem_shared>> -> memref<10112x128xf32, #tpu.memory_space<vmem_shared>>
          tpu.wait_indirect_dma semaphore(%arg18 : memref<!tpu.dma_semaphore, #tpu.memory_space<semaphore_mem>>) src(%arg13 : memref<128x128xf32, #tpu.memory_space<vmem>>) dst(%dma_wait3A_175 : memref<10112x128xf32, #tpu.memory_space<vmem_shared>>)
          %dma_start3A_176 = arith.constant 0 : i32
          %dma_start3A_177 = tpu.memref_slice %arg4[%add3A, %add3A_52, %dma_start3A_176] : memref<32x80x128xi32, #tpu.memory_space<hbm>> -> memref<1x1x128xi32, #tpu.memory_space<hbm>>
          %dma_start3A_178 = tpu.memref_squeeze %dma_start3A_177 : memref<1x1x128xi32, #tpu.memory_space<hbm>> -> memref<128xi32, #tpu.memory_space<hbm>>
          %dma_start3A_179 = arith.constant 0 : i32
          %dma_start3A_180 = tpu.memref_slice %arg4[%add3A, %add3A_52, %dma_start3A_179] : memref<32x80x128xi32, #tpu.memory_space<hbm>> -> memref<1x1x128xi32, #tpu.memory_space<hbm>>
          %dma_start3A_181 = tpu.memref_squeeze %dma_start3A_180 : memref<1x1x128xi32, #tpu.memory_space<hbm>> -> memref<128xi32, #tpu.memory_space<hbm>>
          tpu.enqueue_dma source(%dma_start3A_181 : memref<128xi32, #tpu.memory_space<hbm>>) target(%arg11 : memref<128xi32, #tpu.memory_space<vmem>>) target_semaphore(%arg22 : memref<!tpu.dma_semaphore, #tpu.memory_space<semaphore_mem>>)
          %dma_wait3A_182 = arith.constant 0 : i32
          %dma_wait3A_183 = arith.constant 0 : i32
          %dma_wait3A_184 = arith.constant 0 : i32
          %dma_wait3A_185 = tpu.memref_slice %arg3[%dma_wait3A_182, %add3A, %dma_wait3A_183, %dma_wait3A_184] : memref<1x32x80x128xi32, #tpu.memory_space<hbm>> -> memref<1x1x1x128xi32, #tpu.memory_space<hbm>>
          %dma_wait3A_186 = tpu.memref_squeeze %dma_wait3A_185 : memref<1x1x1x128xi32, #tpu.memory_space<hbm>> -> memref<128xi32, #tpu.memory_space<hbm>>
          %dma_wait3A_187 = arith.constant 0 : i32
          %dma_wait3A_188 = tpu.memref_slice %arg3[%dma_wait3A_182, %add3A, %dma_wait3A_183, %dma_wait3A_187] : memref<1x32x80x128xi32, #tpu.memory_space<hbm>> -> memref<1x1x1x128xi32, #tpu.memory_space<hbm>>
          %dma_wait3A_189 = tpu.memref_squeeze %dma_wait3A_188 : memref<1x1x1x128xi32, #tpu.memory_space<hbm>> -> memref<128xi32, #tpu.memory_space<hbm>>
          tpu.wait_dma2 semaphore(%arg20 : memref<!tpu.dma_semaphore, #tpu.memory_space<semaphore_mem>>) src(%dma_wait3A_189 : memref<128xi32, #tpu.memory_space<hbm>>) dst(%arg9 : memref<128xi32, #tpu.memory_space<vmem>>)
          %dma_start3A_190 = arith.constant 0 : i32
          %dma_start3A_191 = arith.constant 0 : i32
          %dma_start3A_192 = tpu.memref_slice %arg2[%dma_start3A_190, %dma_start3A_191] : memref<10000x128xf32, #tpu.memory_space<hbm>> -> memref<10000x128xf32, #tpu.memory_space<hbm>>
          tpu.enqueue_indirect_dma source(%dma_start3A_192 : memref<10000x128xf32, #tpu.memory_space<hbm>>) target(%arg13 : memref<128x128xf32, #tpu.memory_space<vmem>>) offsets(%arg9 : memref<128xi32, #tpu.memory_space<vmem>>) semaphore(%arg16 : memref<!tpu.dma_semaphore, #tpu.memory_space<semaphore_mem>>)
        } else {
        }
      } else {
      }
    }
    %scan3A_24 = arith.constant 40 : i32
    %dma_wait3A = arith.constant 0 : i32
    %dma_wait3A_25 = arith.constant 0 : i32
    %dma_wait3A_26 = tpu.memref_slice %arg23[%dma_wait3A, %dma_wait3A_25] : memref<10112x128xf32, #tpu.memory_space<vmem_shared>> -> memref<10112x128xf32, #tpu.memory_space<vmem_shared>>
    tpu.wait_indirect_dma semaphore(%arg17 : memref<!tpu.dma_semaphore, #tpu.memory_space<semaphore_mem>>) src(%arg12 : memref<128x128xf32, #tpu.memory_space<vmem>>) dst(%dma_wait3A_26 : memref<10112x128xf32, #tpu.memory_space<vmem_shared>>)
    %dma_wait3A_27 = arith.constant 0 : i32
    %dma_wait3A_28 = arith.constant 0 : i32
    %dma_wait3A_29 = tpu.memref_slice %arg23[%dma_wait3A_27, %dma_wait3A_28] : memref<10112x128xf32, #tpu.memory_space<vmem_shared>> -> memref<10112x128xf32, #tpu.memory_space<vmem_shared>>
    tpu.wait_indirect_dma semaphore(%arg18 : memref<!tpu.dma_semaphore, #tpu.memory_space<semaphore_mem>>) src(%arg13 : memref<128x128xf32, #tpu.memory_space<vmem>>) dst(%dma_wait3A_29 : memref<10112x128xf32, #tpu.memory_space<vmem_shared>>)
    %mul3A_30 = arith.constant 10112 : i32
    %mul3A_31 = arith.muli %add3A, %mul3A_30 : i32
    "tpu.region"() ({
      %run_scoped3A_35 = tpu.sem_alloc : memref<!tpu.dma_semaphore, #tpu.memory_space<semaphore_mem>>
      %dma_start3A_36 = arith.constant 0 : i32
      %dma_start3A_37 = tpu.memref_slice %arg14[%dma_start3A_36] : memref<10128xf32, #tpu.memory_space<vmem>> -> memref<10112xf32, #tpu.memory_space<vmem>>
      %dma_start3A_38 = tpu.memref_slice %arg7[%mul3A_31] : memref<323584xf32, #tpu.memory_space<hbm>> -> memref<10112xf32, #tpu.memory_space<hbm>>
      %dma_start3A_39 = tpu.memref_slice %arg7[%mul3A_31] : memref<323584xf32, #tpu.memory_space<hbm>> -> memref<10112xf32, #tpu.memory_space<hbm>>
      %dma_start3A_40 = arith.constant 0 : i32
      %dma_start3A_41 = tpu.memref_slice %arg14[%dma_start3A_40] : memref<10128xf32, #tpu.memory_space<vmem>> -> memref<10112xf32, #tpu.memory_space<vmem>>
      tpu.enqueue_dma source(%dma_start3A_41 : memref<10112xf32, #tpu.memory_space<vmem>>) target(%dma_start3A_39 : memref<10112xf32, #tpu.memory_space<hbm>>) target_semaphore(%run_scoped3A_35 : memref<!tpu.dma_semaphore, #tpu.memory_space<semaphore_mem>>)
      %dma_wait3A_42 = arith.constant 0 : i32
      %dma_wait3A_43 = tpu.memref_slice %arg14[%dma_wait3A_42] : memref<10128xf32, #tpu.memory_space<vmem>> -> memref<10112xf32, #tpu.memory_space<vmem>>
      %dma_wait3A_44 = tpu.memref_slice %arg7[%mul3A_31] : memref<323584xf32, #tpu.memory_space<hbm>> -> memref<10112xf32, #tpu.memory_space<hbm>>
      %dma_wait3A_45 = tpu.memref_slice %arg7[%mul3A_31] : memref<323584xf32, #tpu.memory_space<hbm>> -> memref<10112xf32, #tpu.memory_space<hbm>>
      %dma_wait3A_46 = arith.constant 0 : i32
      %dma_wait3A_47 = tpu.memref_slice %arg14[%dma_wait3A_46] : memref<10128xf32, #tpu.memory_space<vmem>> -> memref<10112xf32, #tpu.memory_space<vmem>>
      tpu.wait_dma2 semaphore(%run_scoped3A_35 : memref<!tpu.dma_semaphore, #tpu.memory_space<semaphore_mem>>) src(%dma_wait3A_47 : memref<10112xf32, #tpu.memory_space<vmem>>) dst(%dma_wait3A_45 : memref<10112xf32, #tpu.memory_space<hbm>>)
      tpu.yield
    }) : () -> ()
    %barrier3A_32 = arith.constant 0 : index
    tpu.barrier barrier_id(%barrier3A_32)
    %run_scoped3A_33 = arith.constant 0 : i32
    "tpu.region"() ({
      %run_scoped3A_35 = tpu.sem_alloc : memref<!tpu.dma_semaphore, #tpu.memory_space<semaphore_mem>>
      %dma_start3A_36 = arith.constant 0 : i32
      %dma_start3A_37 = tpu.memref_slice %arg6[%arg0, %run_scoped3A_33, %mul3A_2, %dma_start3A_36] : memref<2x1x10112x128xf32, #tpu.memory_space<hbm>> -> memref<1x1x632x128xf32, #tpu.memory_space<hbm>>
      %dma_start3A_38 = tpu.memref_squeeze %dma_start3A_37 : memref<1x1x632x128xf32, #tpu.memory_space<hbm>> -> memref<632x128xf32, #tpu.memory_space<hbm>>
      %dma_start3A_39 = arith.constant 0 : i32
      %dma_start3A_40 = tpu.memref_slice %arg23[%mul3A_2, %dma_start3A_39] : memref<10112x128xf32, #tpu.memory_space<vmem_shared>> -> memref<632x128xf32, #tpu.memory_space<vmem_shared>>
      tpu.enqueue_dma source(%dma_start3A_40 : memref<632x128xf32, #tpu.memory_space<vmem_shared>>) target(%dma_start3A_38 : memref<632x128xf32, #tpu.memory_space<hbm>>) target_semaphore(%run_scoped3A_35 : memref<!tpu.dma_semaphore, #tpu.memory_space<semaphore_mem>>)
      %dma_wait3A_41 = arith.constant 0 : i32
      %dma_wait3A_42 = tpu.memref_slice %arg6[%arg0, %run_scoped3A_33, %mul3A_2, %dma_wait3A_41] : memref<2x1x10112x128xf32, #tpu.memory_space<hbm>> -> memref<1x1x632x128xf32, #tpu.memory_space<hbm>>
      %dma_wait3A_43 = tpu.memref_squeeze %dma_wait3A_42 : memref<1x1x632x128xf32, #tpu.memory_space<hbm>> -> memref<632x128xf32, #tpu.memory_space<hbm>>
      %dma_wait3A_44 = arith.constant 0 : i32
      %dma_wait3A_45 = tpu.memref_slice %arg23[%mul3A_2, %dma_wait3A_44] : memref<10112x128xf32, #tpu.memory_space<vmem_shared>> -> memref<632x128xf32, #tpu.memory_space<vmem_shared>>
      tpu.wait_dma2 semaphore(%run_scoped3A_35 : memref<!tpu.dma_semaphore, #tpu.memory_space<semaphore_mem>>) src(%dma_wait3A_45 : memref<632x128xf32, #tpu.memory_space<vmem_shared>>) dst(%dma_wait3A_43 : memref<632x128xf32, #tpu.memory_space<hbm>>)
      tpu.yield
    }) : () -> ()
    %barrier3A_34 = arith.constant 0 : index
    tpu.barrier barrier_id(%barrier3A_34)
    return
  }
}

#map = affine_map<(d0, d1) -> (0, 0)>
#map1 = affine_map<(d0, d1) -> (0, 0, 0, 0)>
#map2 = affine_map<(d0, d1) -> (0, 0, 0)>
#map3 = affine_map<(d0, d1) -> (0)>
module attributes {stable_mosaic.version = 14 : i64} {
  func.func @edge_kernel(%arg0: i32, %arg1: i32, %arg2: memref<10000x128xf32, #tpu.memory_space<hbm>>, %arg3: memref<1x32x80x128xi32, #tpu.memory_space<hbm>>, %arg4: memref<32x80x128xi32, #tpu.memory_space<hbm>>, %arg5: memref<10112x128xf32, #tpu.memory_space<hbm>>, %arg6: memref<2x1x10112x128xf32, #tpu.memory_space<hbm>>, %arg7: memref<323584xf32, #tpu.memory_space<hbm>>, %arg8: memref<128xi32, #tpu.memory_space<vmem>>, %arg9: memref<128xi32, #tpu.memory_space<vmem>>, %arg10: memref<128xi32, #tpu.memory_space<vmem>>, %arg11: memref<128xi32, #tpu.memory_space<vmem>>, %arg12: memref<128x128xf32, #tpu.memory_space<vmem>>, %arg13: memref<128x128xf32, #tpu.memory_space<vmem>>, %arg14: memref<10128xf32, #tpu.memory_space<vmem>>, %arg15: memref<!tpu.dma_semaphore, #tpu.memory_space<semaphore_mem>>, %arg16: memref<!tpu.dma_semaphore, #tpu.memory_space<semaphore_mem>>, %arg17: memref<!tpu.dma_semaphore, #tpu.memory_space<semaphore_mem>>, %arg18: memref<!tpu.dma_semaphore, #tpu.memory_space<semaphore_mem>>, %arg19: memref<!tpu.dma_semaphore, #tpu.memory_space<semaphore_mem>>, %arg20: memref<!tpu.dma_semaphore, #tpu.memory_space<semaphore_mem>>, %arg21: memref<!tpu.dma_semaphore, #tpu.memory_space<semaphore_mem>>, %arg22: memref<!tpu.dma_semaphore, #tpu.memory_space<semaphore_mem>>, %arg23: memref<10112x128xf32, #tpu.memory_space<vmem_shared>>) attributes {dimension_semantics = [#tpu.dimension_semantics<core_parallel>, #tpu.dimension_semantics<subcore_parallel>], iteration_bounds = array<i64: 2, 16>, scalar_prefetch = 0 : i64, scratch_operands = 16 : i64, tpu.core_type = #tpu.core_type<sc_vector_subcore>, window_params = [{transform_indices = #map}, {transform_indices = #map1}, {transform_indices = #map2}, {transform_indices = #map}, {transform_indices = #map1}, {transform_indices = #map3}]} {
    %mul3A = arith.constant 16 : i32
    %mul3A_0 = arith.muli %arg0, %mul3A : i32
    %add3A = arith.addi %mul3A_0, %arg1 : i32
    %mul3A_1 = arith.constant 632 : i32
    %mul3A_2 = arith.muli %arg1, %mul3A_1 : i32
    %iota3A = tpu.iota {dimensions = array<i32: 0>} : vector<16xi32>
    %broadcast_in_dim3A = arith.constant 0.000000e+00 : f32
    %broadcast_in_dim3A_3 = vector.broadcast %broadcast_in_dim3A : f32 to vector<16xf32>
    %scan3A = arith.constant 0 : i32
    %scan3A_4 = arith.constant 0 : i32
    %scan3A_5 = arith.constant 633 : i32
    %scan3A_6 = arith.addi %scan3A_4, %scan3A_5 : i32
    %scan3A_7 = arith.constant 1 : i32
    scf.for %scan3A_35 = %scan3A_4 to %scan3A_6 step %scan3A_7  : i32 {
      %mul3A_36 = arith.constant 16 : i32
      %mul3A_37 = arith.muli %scan3A_35, %mul3A_36 : i32
      %swap3A = arith.index_cast %mul3A_37 : i32 to index
      %swap3A_38 = tpu.vector_load %arg14[%swap3A] {strides = array<i32>} : memref<10128xf32, #tpu.memory_space<vmem>>, vector<16xf32>,
      tpu.vector_store %arg14[%swap3A], %broadcast_in_dim3A_3 {strides = array<i32>} : memref<10128xf32, #tpu.memory_space<vmem>>, vector<16xf32>,
    }
    %scan3A_8 = arith.constant 633 : i32
    "tpu.region"() ({
      %run_scoped3A_35 = tpu.sem_alloc : memref<!tpu.dma_semaphore, #tpu.memory_space<semaphore_mem>>
      %dma_start3A_36 = arith.constant 0 : i32
      %dma_start3A_37 = tpu.memref_slice %arg23[%mul3A_2, %dma_start3A_36] : memref<10112x128xf32, #tpu.memory_space<vmem_shared>> -> memref<632x128xf32, #tpu.memory_space<vmem_shared>>
      %dma_start3A_38 = arith.constant 0 : i32
      %dma_start3A_39 = tpu.memref_slice %arg5[%mul3A_2, %dma_start3A_38] : memref<10112x128xf32, #tpu.memory_space<hbm>> -> memref<632x128xf32, #tpu.memory_space<hbm>>
      tpu.enqueue_dma source(%dma_start3A_39 : memref<632x128xf32, #tpu.memory_space<hbm>>) target(%dma_start3A_37 : memref<632x128xf32, #tpu.memory_space<vmem_shared>>) target_semaphore(%run_scoped3A_35 : memref<!tpu.dma_semaphore, #tpu.memory_space<semaphore_mem>>)
      %dma_wait3A_40 = arith.constant 0 : i32
      %dma_wait3A_41 = tpu.memref_slice %arg23[%mul3A_2, %dma_wait3A_40] : memref<10112x128xf32, #tpu.memory_space<vmem_shared>> -> memref<632x128xf32, #tpu.memory_space<vmem_shared>>
      %dma_wait3A_42 = arith.constant 0 : i32
      %dma_wait3A_43 = tpu.memref_slice %arg5[%mul3A_2, %dma_wait3A_42] : memref<10112x128xf32, #tpu.memory_space<hbm>> -> memref<632x128xf32, #tpu.memory_space<hbm>>
      tpu.wait_dma2 semaphore(%run_scoped3A_35 : memref<!tpu.dma_semaphore, #tpu.memory_space<semaphore_mem>>) src(%dma_wait3A_43 : memref<632x128xf32, #tpu.memory_space<hbm>>) dst(%dma_wait3A_41 : memref<632x128xf32, #tpu.memory_space<vmem_shared>>)
      tpu.yield
    }) : () -> ()
    %barrier3A = arith.constant 0 : index
    tpu.barrier barrier_id(%barrier3A)
    %run_scoped3A = arith.constant 0 : i32
    %run_scoped3A_9 = arith.constant 0 : i32
    "tpu.region"() ({
      %run_scoped3A_35 = tpu.sem_alloc : memref<!tpu.dma_semaphore, #tpu.memory_space<semaphore_mem>>
      %dma_start3A_36 = arith.constant 0 : i32
      %dma_start3A_37 = tpu.memref_slice %arg3[%run_scoped3A, %add3A, %run_scoped3A_9, %dma_start3A_36] : memref<1x32x80x128xi32, #tpu.memory_space<hbm>> -> memref<1x1x1x128xi32, #tpu.memory_space<hbm>>
      %dma_start3A_38 = tpu.memref_squeeze %dma_start3A_37 : memref<1x1x1x128xi32, #tpu.memory_space<hbm>> -> memref<128xi32, #tpu.memory_space<hbm>>
      %dma_start3A_39 = arith.constant 0 : i32
      %dma_start3A_40 = tpu.memref_slice %arg3[%run_scoped3A, %add3A, %run_scoped3A_9, %dma_start3A_39] : memref<1x32x80x128xi32, #tpu.memory_space<hbm>> -> memref<1x1x1x128xi32, #tpu.memory_space<hbm>>
      %dma_start3A_41 = tpu.memref_squeeze %dma_start3A_40 : memref<1x1x1x128xi32, #tpu.memory_space<hbm>> -> memref<128xi32, #tpu.memory_space<hbm>>
      tpu.enqueue_dma source(%dma_start3A_41 : memref<128xi32, #tpu.memory_space<hbm>>) target(%arg8 : memref<128xi32, #tpu.memory_space<vmem>>) target_semaphore(%run_scoped3A_35 : memref<!tpu.dma_semaphore, #tpu.memory_space<semaphore_mem>>)
      %dma_wait3A_42 = arith.constant 0 : i32
      %dma_wait3A_43 = tpu.memref_slice %arg3[%run_scoped3A, %add3A, %run_scoped3A_9, %dma_wait3A_42] : memref<1x32x80x128xi32, #tpu.memory_space<hbm>> -> memref<1x1x1x128xi32, #tpu.memory_space<hbm>>
      %dma_wait3A_44 = tpu.memref_squeeze %dma_wait3A_43 : memref<1x1x1x128xi32, #tpu.memory_space<hbm>> -> memref<128xi32, #tpu.memory_space<hbm>>
      %dma_wait3A_45 = arith.constant 0 : i32
      %dma_wait3A_46 = tpu.memref_slice %arg3[%run_scoped3A, %add3A, %run_scoped3A_9, %dma_wait3A_45] : memref<1x32x80x128xi32, #tpu.memory_space<hbm>> -> memref<1x1x1x128xi32, #tpu.memory_space<hbm>>
      %dma_wait3A_47 = tpu.memref_squeeze %dma_wait3A_46 : memref<1x1x1x128xi32, #tpu.memory_space<hbm>> -> memref<128xi32, #tpu.memory_space<hbm>>
      tpu.wait_dma2 semaphore(%run_scoped3A_35 : memref<!tpu.dma_semaphore, #tpu.memory_space<semaphore_mem>>) src(%dma_wait3A_47 : memref<128xi32, #tpu.memory_space<hbm>>) dst(%arg8 : memref<128xi32, #tpu.memory_space<vmem>>)
      tpu.yield
    }) : () -> ()
    %run_scoped3A_10 = arith.constant 0 : i32
    "tpu.region"() ({
      %run_scoped3A_35 = tpu.sem_alloc : memref<!tpu.dma_semaphore, #tpu.memory_space<semaphore_mem>>
      %dma_start3A_36 = arith.constant 0 : i32
      %dma_start3A_37 = tpu.memref_slice %arg4[%add3A, %run_scoped3A_10, %dma_start3A_36] : memref<32x80x128xi32, #tpu.memory_space<hbm>> -> memref<1x1x128xi32, #tpu.memory_space<hbm>>
      %dma_start3A_38 = tpu.memref_squeeze %dma_start3A_37 : memref<1x1x128xi32, #tpu.memory_space<hbm>> -> memref<128xi32, #tpu.memory_space<hbm>>
      %dma_start3A_39 = arith.constant 0 : i32
      %dma_start3A_40 = tpu.memref_slice %arg4[%add3A, %run_scoped3A_10, %dma_start3A_39] : memref<32x80x128xi32, #tpu.memory_space<hbm>> -> memref<1x1x128xi32, #tpu.memory_space<hbm>>
      %dma_start3A_41 = tpu.memref_squeeze %dma_start3A_40 : memref<1x1x128xi32, #tpu.memory_space<hbm>> -> memref<128xi32, #tpu.memory_space<hbm>>
      tpu.enqueue_dma source(%dma_start3A_41 : memref<128xi32, #tpu.memory_space<hbm>>) target(%arg10 : memref<128xi32, #tpu.memory_space<vmem>>) target_semaphore(%run_scoped3A_35 : memref<!tpu.dma_semaphore, #tpu.memory_space<semaphore_mem>>)
      %dma_wait3A_42 = arith.constant 0 : i32
      %dma_wait3A_43 = tpu.memref_slice %arg4[%add3A, %run_scoped3A_10, %dma_wait3A_42] : memref<32x80x128xi32, #tpu.memory_space<hbm>> -> memref<1x1x128xi32, #tpu.memory_space<hbm>>
      %dma_wait3A_44 = tpu.memref_squeeze %dma_wait3A_43 : memref<1x1x128xi32, #tpu.memory_space<hbm>> -> memref<128xi32, #tpu.memory_space<hbm>>
      %dma_wait3A_45 = arith.constant 0 : i32
      %dma_wait3A_46 = tpu.memref_slice %arg4[%add3A, %run_scoped3A_10, %dma_wait3A_45] : memref<32x80x128xi32, #tpu.memory_space<hbm>> -> memref<1x1x128xi32, #tpu.memory_space<hbm>>
      %dma_wait3A_47 = tpu.memref_squeeze %dma_wait3A_46 : memref<1x1x128xi32, #tpu.memory_space<hbm>> -> memref<128xi32, #tpu.memory_space<hbm>>
      tpu.wait_dma2 semaphore(%run_scoped3A_35 : memref<!tpu.dma_semaphore, #tpu.memory_space<semaphore_mem>>) src(%dma_wait3A_47 : memref<128xi32, #tpu.memory_space<hbm>>) dst(%arg10 : memref<128xi32, #tpu.memory_space<vmem>>)
      tpu.yield
    }) : () -> ()
    %dma_start3A = arith.constant 0 : i32
    %dma_start3A_11 = arith.constant 0 : i32
    %dma_start3A_12 = tpu.memref_slice %arg2[%dma_start3A, %dma_start3A_11] : memref<10000x128xf32, #tpu.memory_space<hbm>> -> memref<10000x128xf32, #tpu.memory_space<hbm>>
    tpu.enqueue_indirect_dma source(%dma_start3A_12 : memref<10000x128xf32, #tpu.memory_space<hbm>>) target(%arg12 : memref<128x128xf32, #tpu.memory_space<vmem>>) offsets(%arg8 : memref<128xi32, #tpu.memory_space<vmem>>) semaphore(%arg15 : memref<!tpu.dma_semaphore, #tpu.memory_space<semaphore_mem>>)
    %run_scoped3A_13 = arith.constant 0 : i32
    %run_scoped3A_14 = arith.constant 1 : i32
    "tpu.region"() ({
      %run_scoped3A_35 = tpu.sem_alloc : memref<!tpu.dma_semaphore, #tpu.memory_space<semaphore_mem>>
      %dma_start3A_36 = arith.constant 0 : i32
      %dma_start3A_37 = tpu.memref_slice %arg3[%run_scoped3A_13, %add3A, %run_scoped3A_14, %dma_start3A_36] : memref<1x32x80x128xi32, #tpu.memory_space<hbm>> -> memref<1x1x1x128xi32, #tpu.memory_space<hbm>>
      %dma_start3A_38 = tpu.memref_squeeze %dma_start3A_37 : memref<1x1x1x128xi32, #tpu.memory_space<hbm>> -> memref<128xi32, #tpu.memory_space<hbm>>
      %dma_start3A_39 = arith.constant 0 : i32
      %dma_start3A_40 = tpu.memref_slice %arg3[%run_scoped3A_13, %add3A, %run_scoped3A_14, %dma_start3A_39] : memref<1x32x80x128xi32, #tpu.memory_space<hbm>> -> memref<1x1x1x128xi32, #tpu.memory_space<hbm>>
      %dma_start3A_41 = tpu.memref_squeeze %dma_start3A_40 : memref<1x1x1x128xi32, #tpu.memory_space<hbm>> -> memref<128xi32, #tpu.memory_space<hbm>>
      tpu.enqueue_dma source(%dma_start3A_41 : memref<128xi32, #tpu.memory_space<hbm>>) target(%arg9 : memref<128xi32, #tpu.memory_space<vmem>>) target_semaphore(%run_scoped3A_35 : memref<!tpu.dma_semaphore, #tpu.memory_space<semaphore_mem>>)
      %dma_wait3A_42 = arith.constant 0 : i32
      %dma_wait3A_43 = tpu.memref_slice %arg3[%run_scoped3A_13, %add3A, %run_scoped3A_14, %dma_wait3A_42] : memref<1x32x80x128xi32, #tpu.memory_space<hbm>> -> memref<1x1x1x128xi32, #tpu.memory_space<hbm>>
      %dma_wait3A_44 = tpu.memref_squeeze %dma_wait3A_43 : memref<1x1x1x128xi32, #tpu.memory_space<hbm>> -> memref<128xi32, #tpu.memory_space<hbm>>
      %dma_wait3A_45 = arith.constant 0 : i32
      %dma_wait3A_46 = tpu.memref_slice %arg3[%run_scoped3A_13, %add3A, %run_scoped3A_14, %dma_wait3A_45] : memref<1x32x80x128xi32, #tpu.memory_space<hbm>> -> memref<1x1x1x128xi32, #tpu.memory_space<hbm>>
      %dma_wait3A_47 = tpu.memref_squeeze %dma_wait3A_46 : memref<1x1x1x128xi32, #tpu.memory_space<hbm>> -> memref<128xi32, #tpu.memory_space<hbm>>
      tpu.wait_dma2 semaphore(%run_scoped3A_35 : memref<!tpu.dma_semaphore, #tpu.memory_space<semaphore_mem>>) src(%dma_wait3A_47 : memref<128xi32, #tpu.memory_space<hbm>>) dst(%arg9 : memref<128xi32, #tpu.memory_space<vmem>>)
      tpu.yield
    }) : () -> ()
    %run_scoped3A_15 = arith.constant 1 : i32
    "tpu.region"() ({
      %run_scoped3A_35 = tpu.sem_alloc : memref<!tpu.dma_semaphore, #tpu.memory_space<semaphore_mem>>
      %dma_start3A_36 = arith.constant 0 : i32
      %dma_start3A_37 = tpu.memref_slice %arg4[%add3A, %run_scoped3A_15, %dma_start3A_36] : memref<32x80x128xi32, #tpu.memory_space<hbm>> -> memref<1x1x128xi32, #tpu.memory_space<hbm>>
      %dma_start3A_38 = tpu.memref_squeeze %dma_start3A_37 : memref<1x1x128xi32, #tpu.memory_space<hbm>> -> memref<128xi32, #tpu.memory_space<hbm>>
      %dma_start3A_39 = arith.constant 0 : i32
      %dma_start3A_40 = tpu.memref_slice %arg4[%add3A, %run_scoped3A_15, %dma_start3A_39] : memref<32x80x128xi32, #tpu.memory_space<hbm>> -> memref<1x1x128xi32, #tpu.memory_space<hbm>>
      %dma_start3A_41 = tpu.memref_squeeze %dma_start3A_40 : memref<1x1x128xi32, #tpu.memory_space<hbm>> -> memref<128xi32, #tpu.memory_space<hbm>>
      tpu.enqueue_dma source(%dma_start3A_41 : memref<128xi32, #tpu.memory_space<hbm>>) target(%arg11 : memref<128xi32, #tpu.memory_space<vmem>>) target_semaphore(%run_scoped3A_35 : memref<!tpu.dma_semaphore, #tpu.memory_space<semaphore_mem>>)
      %dma_wait3A_42 = arith.constant 0 : i32
      %dma_wait3A_43 = tpu.memref_slice %arg4[%add3A, %run_scoped3A_15, %dma_wait3A_42] : memref<32x80x128xi32, #tpu.memory_space<hbm>> -> memref<1x1x128xi32, #tpu.memory_space<hbm>>
      %dma_wait3A_44 = tpu.memref_squeeze %dma_wait3A_43 : memref<1x1x128xi32, #tpu.memory_space<hbm>> -> memref<128xi32, #tpu.memory_space<hbm>>
      %dma_wait3A_45 = arith.constant 0 : i32
      %dma_wait3A_46 = tpu.memref_slice %arg4[%add3A, %run_scoped3A_15, %dma_wait3A_45] : memref<32x80x128xi32, #tpu.memory_space<hbm>> -> memref<1x1x128xi32, #tpu.memory_space<hbm>>
      %dma_wait3A_47 = tpu.memref_squeeze %dma_wait3A_46 : memref<1x1x128xi32, #tpu.memory_space<hbm>> -> memref<128xi32, #tpu.memory_space<hbm>>
      tpu.wait_dma2 semaphore(%run_scoped3A_35 : memref<!tpu.dma_semaphore, #tpu.memory_space<semaphore_mem>>) src(%dma_wait3A_47 : memref<128xi32, #tpu.memory_space<hbm>>) dst(%arg11 : memref<128xi32, #tpu.memory_space<vmem>>)
      tpu.yield
    }) : () -> ()
    %dma_start3A_16 = arith.constant 0 : i32
    %dma_start3A_17 = arith.constant 0 : i32
    %dma_start3A_18 = tpu.memref_slice %arg2[%dma_start3A_16, %dma_start3A_17] : memref<10000x128xf32, #tpu.memory_space<hbm>> -> memref<10000x128xf32, #tpu.memory_space<hbm>>
    tpu.enqueue_indirect_dma source(%dma_start3A_18 : memref<10000x128xf32, #tpu.memory_space<hbm>>) target(%arg13 : memref<128x128xf32, #tpu.memory_space<vmem>>) offsets(%arg9 : memref<128xi32, #tpu.memory_space<vmem>>) semaphore(%arg16 : memref<!tpu.dma_semaphore, #tpu.memory_space<semaphore_mem>>)
    %scan3A_19 = arith.constant 0 : i32
    %scan3A_20 = arith.constant 0 : i32
    %scan3A_21 = arith.constant 40 : i32
    %scan3A_22 = arith.addi %scan3A_20, %scan3A_21 : i32
    %scan3A_23 = arith.constant 1 : i32
    scf.for %scan3A_35 = %scan3A_20 to %scan3A_22 step %scan3A_23  : i32 {
      %mul3A_36 = arith.constant 2 : i32
      %mul3A_37 = arith.muli %scan3A_35, %mul3A_36 : i32
      %add3A_38 = arith.constant 0 : i32
      %add3A_39 = arith.addi %mul3A_37, %add3A_38 : i32
      %lt3A = arith.constant 80 : i32
      %lt3A_40 = arith.cmpi slt, %add3A_39, %lt3A : i32
      %convert_element_type3A = arith.extui %lt3A_40 : i1 to i32
      %cond3A = arith.constant 0 : i32
      %cond3A_41 = arith.cmpi ne, %convert_element_type3A, %cond3A : i32
      scf.if %cond3A_41 {
        %add3A_51 = arith.constant 2 : i32
        %add3A_52 = arith.addi %add3A_39, %add3A_51 : i32
        %dma_wait3A_53 = arith.constant 0 : i32
        %dma_wait3A_54 = arith.constant 0 : i32
        %dma_wait3A_55 = tpu.memref_slice %arg2[%dma_wait3A_53, %dma_wait3A_54] : memref<10000x128xf32, #tpu.memory_space<hbm>> -> memref<10000x128xf32, #tpu.memory_space<hbm>>
        tpu.wait_indirect_dma semaphore(%arg15 : memref<!tpu.dma_semaphore, #tpu.memory_space<semaphore_mem>>) src(%dma_wait3A_55 : memref<10000x128xf32, #tpu.memory_space<hbm>>) dst(%arg12 : memref<128x128xf32, #tpu.memory_space<vmem>>)
        %lt3A_56 = arith.constant 80 : i32
        %lt3A_57 = arith.cmpi slt, %add3A_52, %lt3A_56 : i32
        %convert_element_type3A_58 = arith.extui %lt3A_57 : i1 to i32
        %cond3A_59 = arith.constant 0 : i32
        %cond3A_60 = arith.cmpi ne, %convert_element_type3A_58, %cond3A_59 : i32
        scf.if %cond3A_60 {
          %dma_start3A_173 = arith.constant 0 : i32
          %dma_start3A_174 = arith.constant 0 : i32
          %dma_start3A_175 = tpu.memref_slice %arg3[%dma_start3A_173, %add3A, %add3A_52, %dma_start3A_174] : memref<1x32x80x128xi32, #tpu.memory_space<hbm>> -> memref<1x1x1x128xi32, #tpu.memory_space<hbm>>
          %dma_start3A_176 = tpu.memref_squeeze %dma_start3A_175 : memref<1x1x1x128xi32, #tpu.memory_space<hbm>> -> memref<128xi32, #tpu.memory_space<hbm>>
          %dma_start3A_177 = arith.constant 0 : i32
          %dma_start3A_178 = tpu.memref_slice %arg3[%dma_start3A_173, %add3A, %add3A_52, %dma_start3A_177] : memref<1x32x80x128xi32, #tpu.memory_space<hbm>> -> memref<1x1x1x128xi32, #tpu.memory_space<hbm>>
          %dma_start3A_179 = tpu.memref_squeeze %dma_start3A_178 : memref<1x1x1x128xi32, #tpu.memory_space<hbm>> -> memref<128xi32, #tpu.memory_space<hbm>>
          tpu.enqueue_dma source(%dma_start3A_179 : memref<128xi32, #tpu.memory_space<hbm>>) target(%arg8 : memref<128xi32, #tpu.memory_space<vmem>>) target_semaphore(%arg19 : memref<!tpu.dma_semaphore, #tpu.memory_space<semaphore_mem>>)
        } else {
        }
        %ge3A = arith.constant 2 : i32
        %ge3A_61 = arith.cmpi sge, %add3A_39, %ge3A : i32
        %convert_element_type3A_62 = arith.extui %ge3A_61 : i1 to i32
        %cond3A_63 = arith.constant 0 : i32
        %cond3A_64 = arith.cmpi ne, %convert_element_type3A_62, %cond3A_63 : i32
        scf.if %cond3A_64 {
          %dma_wait3A_173 = arith.constant 0 : i32
          %dma_wait3A_174 = arith.constant 0 : i32
          %dma_wait3A_175 = tpu.memref_slice %arg4[%add3A, %dma_wait3A_173, %dma_wait3A_174] : memref<32x80x128xi32, #tpu.memory_space<hbm>> -> memref<1x1x128xi32, #tpu.memory_space<hbm>>
          %dma_wait3A_176 = tpu.memref_squeeze %dma_wait3A_175 : memref<1x1x128xi32, #tpu.memory_space<hbm>> -> memref<128xi32, #tpu.memory_space<hbm>>
          %dma_wait3A_177 = arith.constant 0 : i32
          %dma_wait3A_178 = tpu.memref_slice %arg4[%add3A, %dma_wait3A_173, %dma_wait3A_177] : memref<32x80x128xi32, #tpu.memory_space<hbm>> -> memref<1x1x128xi32, #tpu.memory_space<hbm>>
          %dma_wait3A_179 = tpu.memref_squeeze %dma_wait3A_178 : memref<1x1x128xi32, #tpu.memory_space<hbm>> -> memref<128xi32, #tpu.memory_space<hbm>>
          tpu.wait_dma2 semaphore(%arg21 : memref<!tpu.dma_semaphore, #tpu.memory_space<semaphore_mem>>) src(%dma_wait3A_179 : memref<128xi32, #tpu.memory_space<hbm>>) dst(%arg10 : memref<128xi32, #tpu.memory_space<vmem>>)
        } else {
        }
        %dma_start3A_65 = arith.constant 0 : i32
        %dma_start3A_66 = arith.constant 0 : i32
        %dma_start3A_67 = tpu.memref_slice %arg23[%dma_start3A_65, %dma_start3A_66] : memref<10112x128xf32, #tpu.memory_space<vmem_shared>> -> memref<10112x128xf32, #tpu.memory_space<vmem_shared>>
        tpu.enqueue_indirect_dma source(%arg12 : memref<128x128xf32, #tpu.memory_space<vmem>>) target(%dma_start3A_67 : memref<10112x128xf32, #tpu.memory_space<vmem_shared>>) offsets(%arg10 : memref<128xi32, #tpu.memory_space<vmem>>) semaphore(%arg17 : memref<!tpu.dma_semaphore, #tpu.memory_space<semaphore_mem>>) {add = true}
        %get3A = arith.constant 0 : index
        %get3A_68 = tpu.vector_load %arg10[%get3A] {strides = array<i32>} : memref<128xi32, #tpu.memory_space<vmem>>, vector<16xi32>,
        %broadcast_in_dim3A_69 = arith.constant true
        %broadcast_in_dim3A_70 = vector.broadcast %broadcast_in_dim3A_69 : i1 to vector<16xi1>
        %unique3A, %unique3A_71 = tpu.scan_count mask(%broadcast_in_dim3A_70 : vector<16xi1>) value(%get3A_68 : vector<16xi32>) : vector<16xi1>, vector<16xi32>
        %add3A_72 = arith.constant 10112 : i32
        %add3A_73 = vector.broadcast %add3A_72 : i32 to vector<16xi32>
        %add3A_74 = arith.addi %add3A_73, %iota3A : vector<16xi32>
        %select_n3A = arith.select %unique3A, %get3A_68, %add3A_74 : vector<16xi1>, vector<16xi32>
        %gather3A = tpu.vector_load_idx %arg14[%select_n3A] : memref<10128xf32, #tpu.memory_space<vmem>>[vector<16xi32>], vector<16xf32>,
        %convert_element_type3A_75 = arith.sitofp %unique3A_71 : vector<16xi32> to vector<16xf32>
        %add3A_76 = arith.addf %gather3A, %convert_element_type3A_75 : vector<16xf32>
        tpu.vector_store_idx %arg14[%select_n3A], %add3A_76 : memref<10128xf32, #tpu.memory_space<vmem>>[vector<16xi32>], vector<16xf32>,
        %get3A_77 = arith.constant 16 : index
        %get3A_78 = tpu.vector_load %arg10[%get3A_77] {strides = array<i32>} : memref<128xi32, #tpu.memory_space<vmem>>, vector<16xi32>,
        %broadcast_in_dim3A_79 = arith.constant true
        %broadcast_in_dim3A_80 = vector.broadcast %broadcast_in_dim3A_79 : i1 to vector<16xi1>
        %unique3A_81, %unique3A_82 = tpu.scan_count mask(%broadcast_in_dim3A_80 : vector<16xi1>) value(%get3A_78 : vector<16xi32>) : vector<16xi1>, vector<16xi32>
        %add3A_83 = arith.constant 10112 : i32
        %add3A_84 = vector.broadcast %add3A_83 : i32 to vector<16xi32>
        %add3A_85 = arith.addi %add3A_84, %iota3A : vector<16xi32>
        %select_n3A_86 = arith.select %unique3A_81, %get3A_78, %add3A_85 : vector<16xi1>, vector<16xi32>
        %gather3A_87 = tpu.vector_load_idx %arg14[%select_n3A_86] : memref<10128xf32, #tpu.memory_space<vmem>>[vector<16xi32>], vector<16xf32>,
        %convert_element_type3A_88 = arith.sitofp %unique3A_82 : vector<16xi32> to vector<16xf32>
        %add3A_89 = arith.addf %gather3A_87, %convert_element_type3A_88 : vector<16xf32>
        tpu.vector_store_idx %arg14[%select_n3A_86], %add3A_89 : memref<10128xf32, #tpu.memory_space<vmem>>[vector<16xi32>], vector<16xf32>,
        %get3A_90 = arith.constant 32 : index
        %get3A_91 = tpu.vector_load %arg10[%get3A_90] {strides = array<i32>} : memref<128xi32, #tpu.memory_space<vmem>>, vector<16xi32>,
        %broadcast_in_dim3A_92 = arith.constant true
        %broadcast_in_dim3A_93 = vector.broadcast %broadcast_in_dim3A_92 : i1 to vector<16xi1>
        %unique3A_94, %unique3A_95 = tpu.scan_count mask(%broadcast_in_dim3A_93 : vector<16xi1>) value(%get3A_91 : vector<16xi32>) : vector<16xi1>, vector<16xi32>
        %add3A_96 = arith.constant 10112 : i32
        %add3A_97 = vector.broadcast %add3A_96 : i32 to vector<16xi32>
        %add3A_98 = arith.addi %add3A_97, %iota3A : vector<16xi32>
        %select_n3A_99 = arith.select %unique3A_94, %get3A_91, %add3A_98 : vector<16xi1>, vector<16xi32>
        %gather3A_100 = tpu.vector_load_idx %arg14[%select_n3A_99] : memref<10128xf32, #tpu.memory_space<vmem>>[vector<16xi32>], vector<16xf32>,
        %convert_element_type3A_101 = arith.sitofp %unique3A_95 : vector<16xi32> to vector<16xf32>
        %add3A_102 = arith.addf %gather3A_100, %convert_element_type3A_101 : vector<16xf32>
        tpu.vector_store_idx %arg14[%select_n3A_99], %add3A_102 : memref<10128xf32, #tpu.memory_space<vmem>>[vector<16xi32>], vector<16xf32>,
        %get3A_103 = arith.constant 48 : index
        %get3A_104 = tpu.vector_load %arg10[%get3A_103] {strides = array<i32>} : memref<128xi32, #tpu.memory_space<vmem>>, vector<16xi32>,
        %broadcast_in_dim3A_105 = arith.constant true
        %broadcast_in_dim3A_106 = vector.broadcast %broadcast_in_dim3A_105 : i1 to vector<16xi1>
        %unique3A_107, %unique3A_108 = tpu.scan_count mask(%broadcast_in_dim3A_106 : vector<16xi1>) value(%get3A_104 : vector<16xi32>) : vector<16xi1>, vector<16xi32>
        %add3A_109 = arith.constant 10112 : i32
        %add3A_110 = vector.broadcast %add3A_109 : i32 to vector<16xi32>
        %add3A_111 = arith.addi %add3A_110, %iota3A : vector<16xi32>
        %select_n3A_112 = arith.select %unique3A_107, %get3A_104, %add3A_111 : vector<16xi1>, vector<16xi32>
        %gather3A_113 = tpu.vector_load_idx %arg14[%select_n3A_112] : memref<10128xf32, #tpu.memory_space<vmem>>[vector<16xi32>], vector<16xf32>,
        %convert_element_type3A_114 = arith.sitofp %unique3A_108 : vector<16xi32> to vector<16xf32>
        %add3A_115 = arith.addf %gather3A_113, %convert_element_type3A_114 : vector<16xf32>
        tpu.vector_store_idx %arg14[%select_n3A_112], %add3A_115 : memref<10128xf32, #tpu.memory_space<vmem>>[vector<16xi32>], vector<16xf32>,
        %get3A_116 = arith.constant 64 : index
        %get3A_117 = tpu.vector_load %arg10[%get3A_116] {strides = array<i32>} : memref<128xi32, #tpu.memory_space<vmem>>, vector<16xi32>,
        %broadcast_in_dim3A_118 = arith.constant true
        %broadcast_in_dim3A_119 = vector.broadcast %broadcast_in_dim3A_118 : i1 to vector<16xi1>
        %unique3A_120, %unique3A_121 = tpu.scan_count mask(%broadcast_in_dim3A_119 : vector<16xi1>) value(%get3A_117 : vector<16xi32>) : vector<16xi1>, vector<16xi32>
        %add3A_122 = arith.constant 10112 : i32
        %add3A_123 = vector.broadcast %add3A_122 : i32 to vector<16xi32>
        %add3A_124 = arith.addi %add3A_123, %iota3A : vector<16xi32>
        %select_n3A_125 = arith.select %unique3A_120, %get3A_117, %add3A_124 : vector<16xi1>, vector<16xi32>
        %gather3A_126 = tpu.vector_load_idx %arg14[%select_n3A_125] : memref<10128xf32, #tpu.memory_space<vmem>>[vector<16xi32>], vector<16xf32>,
        %convert_element_type3A_127 = arith.sitofp %unique3A_121 : vector<16xi32> to vector<16xf32>
        %add3A_128 = arith.addf %gather3A_126, %convert_element_type3A_127 : vector<16xf32>
        tpu.vector_store_idx %arg14[%select_n3A_125], %add3A_128 : memref<10128xf32, #tpu.memory_space<vmem>>[vector<16xi32>], vector<16xf32>,
        %get3A_129 = arith.constant 80 : index
        %get3A_130 = tpu.vector_load %arg10[%get3A_129] {strides = array<i32>} : memref<128xi32, #tpu.memory_space<vmem>>, vector<16xi32>,
        %broadcast_in_dim3A_131 = arith.constant true
        %broadcast_in_dim3A_132 = vector.broadcast %broadcast_in_dim3A_131 : i1 to vector<16xi1>
        %unique3A_133, %unique3A_134 = tpu.scan_count mask(%broadcast_in_dim3A_132 : vector<16xi1>) value(%get3A_130 : vector<16xi32>) : vector<16xi1>, vector<16xi32>
        %add3A_135 = arith.constant 10112 : i32
        %add3A_136 = vector.broadcast %add3A_135 : i32 to vector<16xi32>
        %add3A_137 = arith.addi %add3A_136, %iota3A : vector<16xi32>
        %select_n3A_138 = arith.select %unique3A_133, %get3A_130, %add3A_137 : vector<16xi1>, vector<16xi32>
        %gather3A_139 = tpu.vector_load_idx %arg14[%select_n3A_138] : memref<10128xf32, #tpu.memory_space<vmem>>[vector<16xi32>], vector<16xf32>,
        %convert_element_type3A_140 = arith.sitofp %unique3A_134 : vector<16xi32> to vector<16xf32>
        %add3A_141 = arith.addf %gather3A_139, %convert_element_type3A_140 : vector<16xf32>
        tpu.vector_store_idx %arg14[%select_n3A_138], %add3A_141 : memref<10128xf32, #tpu.memory_space<vmem>>[vector<16xi32>], vector<16xf32>,
        %get3A_142 = arith.constant 96 : index
        %get3A_143 = tpu.vector_load %arg10[%get3A_142] {strides = array<i32>} : memref<128xi32, #tpu.memory_space<vmem>>, vector<16xi32>,
        %broadcast_in_dim3A_144 = arith.constant true
        %broadcast_in_dim3A_145 = vector.broadcast %broadcast_in_dim3A_144 : i1 to vector<16xi1>
        %unique3A_146, %unique3A_147 = tpu.scan_count mask(%broadcast_in_dim3A_145 : vector<16xi1>) value(%get3A_143 : vector<16xi32>) : vector<16xi1>, vector<16xi32>
        %add3A_148 = arith.constant 10112 : i32
        %add3A_149 = vector.broadcast %add3A_148 : i32 to vector<16xi32>
        %add3A_150 = arith.addi %add3A_149, %iota3A : vector<16xi32>
        %select_n3A_151 = arith.select %unique3A_146, %get3A_143, %add3A_150 : vector<16xi1>, vector<16xi32>
        %gather3A_152 = tpu.vector_load_idx %arg14[%select_n3A_151] : memref<10128xf32, #tpu.memory_space<vmem>>[vector<16xi32>], vector<16xf32>,
        %convert_element_type3A_153 = arith.sitofp %unique3A_147 : vector<16xi32> to vector<16xf32>
        %add3A_154 = arith.addf %gather3A_152, %convert_element_type3A_153 : vector<16xf32>
        tpu.vector_store_idx %arg14[%select_n3A_151], %add3A_154 : memref<10128xf32, #tpu.memory_space<vmem>>[vector<16xi32>], vector<16xf32>,
        %get3A_155 = arith.constant 112 : index
        %get3A_156 = tpu.vector_load %arg10[%get3A_155] {strides = array<i32>} : memref<128xi32, #tpu.memory_space<vmem>>, vector<16xi32>,
        %broadcast_in_dim3A_157 = arith.constant true
        %broadcast_in_dim3A_158 = vector.broadcast %broadcast_in_dim3A_157 : i1 to vector<16xi1>
        %unique3A_159, %unique3A_160 = tpu.scan_count mask(%broadcast_in_dim3A_158 : vector<16xi1>) value(%get3A_156 : vector<16xi32>) : vector<16xi1>, vector<16xi32>
        %add3A_161 = arith.constant 10112 : i32
        %add3A_162 = vector.broadcast %add3A_161 : i32 to vector<16xi32>
        %add3A_163 = arith.addi %add3A_162, %iota3A : vector<16xi32>
        %select_n3A_164 = arith.select %unique3A_159, %get3A_156, %add3A_163 : vector<16xi1>, vector<16xi32>
        %gather3A_165 = tpu.vector_load_idx %arg14[%select_n3A_164] : memref<10128xf32, #tpu.memory_space<vmem>>[vector<16xi32>], vector<16xf32>,
        %convert_element_type3A_166 = arith.sitofp %unique3A_160 : vector<16xi32> to vector<16xf32>
        %add3A_167 = arith.addf %gather3A_165, %convert_element_type3A_166 : vector<16xf32>
        tpu.vector_store_idx %arg14[%select_n3A_164], %add3A_167 : memref<10128xf32, #tpu.memory_space<vmem>>[vector<16xi32>], vector<16xf32>,
        %lt3A_168 = arith.constant 80 : i32
        %lt3A_169 = arith.cmpi slt, %add3A_52, %lt3A_168 : i32
        %convert_element_type3A_170 = arith.extui %lt3A_169 : i1 to i32
        %cond3A_171 = arith.constant 0 : i32
        %cond3A_172 = arith.cmpi ne, %convert_element_type3A_170, %cond3A_171 : i32
        scf.if %cond3A_172 {
          %dma_wait3A_173 = arith.constant 0 : i32
          %dma_wait3A_174 = arith.constant 0 : i32
          %dma_wait3A_175 = tpu.memref_slice %arg23[%dma_wait3A_173, %dma_wait3A_174] : memref<10112x128xf32, #tpu.memory_space<vmem_shared>> -> memref<10112x128xf32, #tpu.memory_space<vmem_shared>>
          tpu.wait_indirect_dma semaphore(%arg17 : memref<!tpu.dma_semaphore, #tpu.memory_space<semaphore_mem>>) src(%arg12 : memref<128x128xf32, #tpu.memory_space<vmem>>) dst(%dma_wait3A_175 : memref<10112x128xf32, #tpu.memory_space<vmem_shared>>)
          %dma_start3A_176 = arith.constant 0 : i32
          %dma_start3A_177 = tpu.memref_slice %arg4[%add3A, %add3A_52, %dma_start3A_176] : memref<32x80x128xi32, #tpu.memory_space<hbm>> -> memref<1x1x128xi32, #tpu.memory_space<hbm>>
          %dma_start3A_178 = tpu.memref_squeeze %dma_start3A_177 : memref<1x1x128xi32, #tpu.memory_space<hbm>> -> memref<128xi32, #tpu.memory_space<hbm>>
          %dma_start3A_179 = arith.constant 0 : i32
          %dma_start3A_180 = tpu.memref_slice %arg4[%add3A, %add3A_52, %dma_start3A_179] : memref<32x80x128xi32, #tpu.memory_space<hbm>> -> memref<1x1x128xi32, #tpu.memory_space<hbm>>
          %dma_start3A_181 = tpu.memref_squeeze %dma_start3A_180 : memref<1x1x128xi32, #tpu.memory_space<hbm>> -> memref<128xi32, #tpu.memory_space<hbm>>
          tpu.enqueue_dma source(%dma_start3A_181 : memref<128xi32, #tpu.memory_space<hbm>>) target(%arg10 : memref<128xi32, #tpu.memory_space<vmem>>) target_semaphore(%arg21 : memref<!tpu.dma_semaphore, #tpu.memory_space<semaphore_mem>>)
          %dma_wait3A_182 = arith.constant 0 : i32
          %dma_wait3A_183 = arith.constant 0 : i32
          %dma_wait3A_184 = arith.constant 0 : i32
          %dma_wait3A_185 = tpu.memref_slice %arg3[%dma_wait3A_182, %add3A, %dma_wait3A_183, %dma_wait3A_184] : memref<1x32x80x128xi32, #tpu.memory_space<hbm>> -> memref<1x1x1x128xi32, #tpu.memory_space<hbm>>
          %dma_wait3A_186 = tpu.memref_squeeze %dma_wait3A_185 : memref<1x1x1x128xi32, #tpu.memory_space<hbm>> -> memref<128xi32, #tpu.memory_space<hbm>>
          %dma_wait3A_187 = arith.constant 0 : i32
          %dma_wait3A_188 = tpu.memref_slice %arg3[%dma_wait3A_182, %add3A, %dma_wait3A_183, %dma_wait3A_187] : memref<1x32x80x128xi32, #tpu.memory_space<hbm>> -> memref<1x1x1x128xi32, #tpu.memory_space<hbm>>
          %dma_wait3A_189 = tpu.memref_squeeze %dma_wait3A_188 : memref<1x1x1x128xi32, #tpu.memory_space<hbm>> -> memref<128xi32, #tpu.memory_space<hbm>>
          tpu.wait_dma2 semaphore(%arg19 : memref<!tpu.dma_semaphore, #tpu.memory_space<semaphore_mem>>) src(%dma_wait3A_189 : memref<128xi32, #tpu.memory_space<hbm>>) dst(%arg8 : memref<128xi32, #tpu.memory_space<vmem>>)
          %dma_start3A_190 = arith.constant 0 : i32
          %dma_start3A_191 = arith.constant 0 : i32
          %dma_start3A_192 = tpu.memref_slice %arg2[%dma_start3A_190, %dma_start3A_191] : memref<10000x128xf32, #tpu.memory_space<hbm>> -> memref<10000x128xf32, #tpu.memory_space<hbm>>
          tpu.enqueue_indirect_dma source(%dma_start3A_192 : memref<10000x128xf32, #tpu.memory_space<hbm>>) target(%arg12 : memref<128x128xf32, #tpu.memory_space<vmem>>) offsets(%arg8 : memref<128xi32, #tpu.memory_space<vmem>>) semaphore(%arg15 : memref<!tpu.dma_semaphore, #tpu.memory_space<semaphore_mem>>)
        } else {
        }
      } else {
      }
      %mul3A_42 = arith.constant 2 : i32
      %mul3A_43 = arith.muli %scan3A_35, %mul3A_42 : i32
      %add3A_44 = arith.constant 1 : i32
      %add3A_45 = arith.addi %mul3A_43, %add3A_44 : i32
      %lt3A_46 = arith.constant 80 : i32
      %lt3A_47 = arith.cmpi slt, %add3A_45, %lt3A_46 : i32
      %convert_element_type3A_48 = arith.extui %lt3A_47 : i1 to i32
      %cond3A_49 = arith.constant 0 : i32
      %cond3A_50 = arith.cmpi ne, %convert_element_type3A_48, %cond3A_49 : i32
      scf.if %cond3A_50 {
        %add3A_51 = arith.constant 2 : i32
        %add3A_52 = arith.addi %add3A_45, %add3A_51 : i32
        %dma_wait3A_53 = arith.constant 0 : i32
        %dma_wait3A_54 = arith.constant 0 : i32
        %dma_wait3A_55 = tpu.memref_slice %arg2[%dma_wait3A_53, %dma_wait3A_54] : memref<10000x128xf32, #tpu.memory_space<hbm>> -> memref<10000x128xf32, #tpu.memory_space<hbm>>
        tpu.wait_indirect_dma semaphore(%arg16 : memref<!tpu.dma_semaphore, #tpu.memory_space<semaphore_mem>>) src(%dma_wait3A_55 : memref<10000x128xf32, #tpu.memory_space<hbm>>) dst(%arg13 : memref<128x128xf32, #tpu.memory_space<vmem>>)
        %lt3A_56 = arith.constant 80 : i32
        %lt3A_57 = arith.cmpi slt, %add3A_52, %lt3A_56 : i32
        %convert_element_type3A_58 = arith.extui %lt3A_57 : i1 to i32
        %cond3A_59 = arith.constant 0 : i32
        %cond3A_60 = arith.cmpi ne, %convert_element_type3A_58, %cond3A_59 : i32
        scf.if %cond3A_60 {
          %dma_start3A_173 = arith.constant 0 : i32
          %dma_start3A_174 = arith.constant 0 : i32
          %dma_start3A_175 = tpu.memref_slice %arg3[%dma_start3A_173, %add3A, %add3A_52, %dma_start3A_174] : memref<1x32x80x128xi32, #tpu.memory_space<hbm>> -> memref<1x1x1x128xi32, #tpu.memory_space<hbm>>
          %dma_start3A_176 = tpu.memref_squeeze %dma_start3A_175 : memref<1x1x1x128xi32, #tpu.memory_space<hbm>> -> memref<128xi32, #tpu.memory_space<hbm>>
          %dma_start3A_177 = arith.constant 0 : i32
          %dma_start3A_178 = tpu.memref_slice %arg3[%dma_start3A_173, %add3A, %add3A_52, %dma_start3A_177] : memref<1x32x80x128xi32, #tpu.memory_space<hbm>> -> memref<1x1x1x128xi32, #tpu.memory_space<hbm>>
          %dma_start3A_179 = tpu.memref_squeeze %dma_start3A_178 : memref<1x1x1x128xi32, #tpu.memory_space<hbm>> -> memref<128xi32, #tpu.memory_space<hbm>>
          tpu.enqueue_dma source(%dma_start3A_179 : memref<128xi32, #tpu.memory_space<hbm>>) target(%arg9 : memref<128xi32, #tpu.memory_space<vmem>>) target_semaphore(%arg20 : memref<!tpu.dma_semaphore, #tpu.memory_space<semaphore_mem>>)
        } else {
        }
        %ge3A = arith.constant 2 : i32
        %ge3A_61 = arith.cmpi sge, %add3A_45, %ge3A : i32
        %convert_element_type3A_62 = arith.extui %ge3A_61 : i1 to i32
        %cond3A_63 = arith.constant 0 : i32
        %cond3A_64 = arith.cmpi ne, %convert_element_type3A_62, %cond3A_63 : i32
        scf.if %cond3A_64 {
          %dma_wait3A_173 = arith.constant 0 : i32
          %dma_wait3A_174 = arith.constant 0 : i32
          %dma_wait3A_175 = tpu.memref_slice %arg4[%add3A, %dma_wait3A_173, %dma_wait3A_174] : memref<32x80x128xi32, #tpu.memory_space<hbm>> -> memref<1x1x128xi32, #tpu.memory_space<hbm>>
          %dma_wait3A_176 = tpu.memref_squeeze %dma_wait3A_175 : memref<1x1x128xi32, #tpu.memory_space<hbm>> -> memref<128xi32, #tpu.memory_space<hbm>>
          %dma_wait3A_177 = arith.constant 0 : i32
          %dma_wait3A_178 = tpu.memref_slice %arg4[%add3A, %dma_wait3A_173, %dma_wait3A_177] : memref<32x80x128xi32, #tpu.memory_space<hbm>> -> memref<1x1x128xi32, #tpu.memory_space<hbm>>
          %dma_wait3A_179 = tpu.memref_squeeze %dma_wait3A_178 : memref<1x1x128xi32, #tpu.memory_space<hbm>> -> memref<128xi32, #tpu.memory_space<hbm>>
          tpu.wait_dma2 semaphore(%arg22 : memref<!tpu.dma_semaphore, #tpu.memory_space<semaphore_mem>>) src(%dma_wait3A_179 : memref<128xi32, #tpu.memory_space<hbm>>) dst(%arg11 : memref<128xi32, #tpu.memory_space<vmem>>)
        } else {
        }
        %dma_start3A_65 = arith.constant 0 : i32
        %dma_start3A_66 = arith.constant 0 : i32
        %dma_start3A_67 = tpu.memref_slice %arg23[%dma_start3A_65, %dma_start3A_66] : memref<10112x128xf32, #tpu.memory_space<vmem_shared>> -> memref<10112x128xf32, #tpu.memory_space<vmem_shared>>
        tpu.enqueue_indirect_dma source(%arg13 : memref<128x128xf32, #tpu.memory_space<vmem>>) target(%dma_start3A_67 : memref<10112x128xf32, #tpu.memory_space<vmem_shared>>) offsets(%arg11 : memref<128xi32, #tpu.memory_space<vmem>>) semaphore(%arg18 : memref<!tpu.dma_semaphore, #tpu.memory_space<semaphore_mem>>) {add = true}
        %get3A = arith.constant 0 : index
        %get3A_68 = tpu.vector_load %arg11[%get3A] {strides = array<i32>} : memref<128xi32, #tpu.memory_space<vmem>>, vector<16xi32>,
        %broadcast_in_dim3A_69 = arith.constant true
        %broadcast_in_dim3A_70 = vector.broadcast %broadcast_in_dim3A_69 : i1 to vector<16xi1>
        %unique3A, %unique3A_71 = tpu.scan_count mask(%broadcast_in_dim3A_70 : vector<16xi1>) value(%get3A_68 : vector<16xi32>) : vector<16xi1>, vector<16xi32>
        %add3A_72 = arith.constant 10112 : i32
        %add3A_73 = vector.broadcast %add3A_72 : i32 to vector<16xi32>
        %add3A_74 = arith.addi %add3A_73, %iota3A : vector<16xi32>
        %select_n3A = arith.select %unique3A, %get3A_68, %add3A_74 : vector<16xi1>, vector<16xi32>
        %gather3A = tpu.vector_load_idx %arg14[%select_n3A] : memref<10128xf32, #tpu.memory_space<vmem>>[vector<16xi32>], vector<16xf32>,
        %convert_element_type3A_75 = arith.sitofp %unique3A_71 : vector<16xi32> to vector<16xf32>
        %add3A_76 = arith.addf %gather3A, %convert_element_type3A_75 : vector<16xf32>
        tpu.vector_store_idx %arg14[%select_n3A], %add3A_76 : memref<10128xf32, #tpu.memory_space<vmem>>[vector<16xi32>], vector<16xf32>,
        %get3A_77 = arith.constant 16 : index
        %get3A_78 = tpu.vector_load %arg11[%get3A_77] {strides = array<i32>} : memref<128xi32, #tpu.memory_space<vmem>>, vector<16xi32>,
        %broadcast_in_dim3A_79 = arith.constant true
        %broadcast_in_dim3A_80 = vector.broadcast %broadcast_in_dim3A_79 : i1 to vector<16xi1>
        %unique3A_81, %unique3A_82 = tpu.scan_count mask(%broadcast_in_dim3A_80 : vector<16xi1>) value(%get3A_78 : vector<16xi32>) : vector<16xi1>, vector<16xi32>
        %add3A_83 = arith.constant 10112 : i32
        %add3A_84 = vector.broadcast %add3A_83 : i32 to vector<16xi32>
        %add3A_85 = arith.addi %add3A_84, %iota3A : vector<16xi32>
        %select_n3A_86 = arith.select %unique3A_81, %get3A_78, %add3A_85 : vector<16xi1>, vector<16xi32>
        %gather3A_87 = tpu.vector_load_idx %arg14[%select_n3A_86] : memref<10128xf32, #tpu.memory_space<vmem>>[vector<16xi32>], vector<16xf32>,
        %convert_element_type3A_88 = arith.sitofp %unique3A_82 : vector<16xi32> to vector<16xf32>
        %add3A_89 = arith.addf %gather3A_87, %convert_element_type3A_88 : vector<16xf32>
        tpu.vector_store_idx %arg14[%select_n3A_86], %add3A_89 : memref<10128xf32, #tpu.memory_space<vmem>>[vector<16xi32>], vector<16xf32>,
        %get3A_90 = arith.constant 32 : index
        %get3A_91 = tpu.vector_load %arg11[%get3A_90] {strides = array<i32>} : memref<128xi32, #tpu.memory_space<vmem>>, vector<16xi32>,
        %broadcast_in_dim3A_92 = arith.constant true
        %broadcast_in_dim3A_93 = vector.broadcast %broadcast_in_dim3A_92 : i1 to vector<16xi1>
        %unique3A_94, %unique3A_95 = tpu.scan_count mask(%broadcast_in_dim3A_93 : vector<16xi1>) value(%get3A_91 : vector<16xi32>) : vector<16xi1>, vector<16xi32>
        %add3A_96 = arith.constant 10112 : i32
        %add3A_97 = vector.broadcast %add3A_96 : i32 to vector<16xi32>
        %add3A_98 = arith.addi %add3A_97, %iota3A : vector<16xi32>
        %select_n3A_99 = arith.select %unique3A_94, %get3A_91, %add3A_98 : vector<16xi1>, vector<16xi32>
        %gather3A_100 = tpu.vector_load_idx %arg14[%select_n3A_99] : memref<10128xf32, #tpu.memory_space<vmem>>[vector<16xi32>], vector<16xf32>,
        %convert_element_type3A_101 = arith.sitofp %unique3A_95 : vector<16xi32> to vector<16xf32>
        %add3A_102 = arith.addf %gather3A_100, %convert_element_type3A_101 : vector<16xf32>
        tpu.vector_store_idx %arg14[%select_n3A_99], %add3A_102 : memref<10128xf32, #tpu.memory_space<vmem>>[vector<16xi32>], vector<16xf32>,
        %get3A_103 = arith.constant 48 : index
        %get3A_104 = tpu.vector_load %arg11[%get3A_103] {strides = array<i32>} : memref<128xi32, #tpu.memory_space<vmem>>, vector<16xi32>,
        %broadcast_in_dim3A_105 = arith.constant true
        %broadcast_in_dim3A_106 = vector.broadcast %broadcast_in_dim3A_105 : i1 to vector<16xi1>
        %unique3A_107, %unique3A_108 = tpu.scan_count mask(%broadcast_in_dim3A_106 : vector<16xi1>) value(%get3A_104 : vector<16xi32>) : vector<16xi1>, vector<16xi32>
        %add3A_109 = arith.constant 10112 : i32
        %add3A_110 = vector.broadcast %add3A_109 : i32 to vector<16xi32>
        %add3A_111 = arith.addi %add3A_110, %iota3A : vector<16xi32>
        %select_n3A_112 = arith.select %unique3A_107, %get3A_104, %add3A_111 : vector<16xi1>, vector<16xi32>
        %gather3A_113 = tpu.vector_load_idx %arg14[%select_n3A_112] : memref<10128xf32, #tpu.memory_space<vmem>>[vector<16xi32>], vector<16xf32>,
        %convert_element_type3A_114 = arith.sitofp %unique3A_108 : vector<16xi32> to vector<16xf32>
        %add3A_115 = arith.addf %gather3A_113, %convert_element_type3A_114 : vector<16xf32>
        tpu.vector_store_idx %arg14[%select_n3A_112], %add3A_115 : memref<10128xf32, #tpu.memory_space<vmem>>[vector<16xi32>], vector<16xf32>,
        %get3A_116 = arith.constant 64 : index
        %get3A_117 = tpu.vector_load %arg11[%get3A_116] {strides = array<i32>} : memref<128xi32, #tpu.memory_space<vmem>>, vector<16xi32>,
        %broadcast_in_dim3A_118 = arith.constant true
        %broadcast_in_dim3A_119 = vector.broadcast %broadcast_in_dim3A_118 : i1 to vector<16xi1>
        %unique3A_120, %unique3A_121 = tpu.scan_count mask(%broadcast_in_dim3A_119 : vector<16xi1>) value(%get3A_117 : vector<16xi32>) : vector<16xi1>, vector<16xi32>
        %add3A_122 = arith.constant 10112 : i32
        %add3A_123 = vector.broadcast %add3A_122 : i32 to vector<16xi32>
        %add3A_124 = arith.addi %add3A_123, %iota3A : vector<16xi32>
        %select_n3A_125 = arith.select %unique3A_120, %get3A_117, %add3A_124 : vector<16xi1>, vector<16xi32>
        %gather3A_126 = tpu.vector_load_idx %arg14[%select_n3A_125] : memref<10128xf32, #tpu.memory_space<vmem>>[vector<16xi32>], vector<16xf32>,
        %convert_element_type3A_127 = arith.sitofp %unique3A_121 : vector<16xi32> to vector<16xf32>
        %add3A_128 = arith.addf %gather3A_126, %convert_element_type3A_127 : vector<16xf32>
        tpu.vector_store_idx %arg14[%select_n3A_125], %add3A_128 : memref<10128xf32, #tpu.memory_space<vmem>>[vector<16xi32>], vector<16xf32>,
        %get3A_129 = arith.constant 80 : index
        %get3A_130 = tpu.vector_load %arg11[%get3A_129] {strides = array<i32>} : memref<128xi32, #tpu.memory_space<vmem>>, vector<16xi32>,
        %broadcast_in_dim3A_131 = arith.constant true
        %broadcast_in_dim3A_132 = vector.broadcast %broadcast_in_dim3A_131 : i1 to vector<16xi1>
        %unique3A_133, %unique3A_134 = tpu.scan_count mask(%broadcast_in_dim3A_132 : vector<16xi1>) value(%get3A_130 : vector<16xi32>) : vector<16xi1>, vector<16xi32>
        %add3A_135 = arith.constant 10112 : i32
        %add3A_136 = vector.broadcast %add3A_135 : i32 to vector<16xi32>
        %add3A_137 = arith.addi %add3A_136, %iota3A : vector<16xi32>
        %select_n3A_138 = arith.select %unique3A_133, %get3A_130, %add3A_137 : vector<16xi1>, vector<16xi32>
        %gather3A_139 = tpu.vector_load_idx %arg14[%select_n3A_138] : memref<10128xf32, #tpu.memory_space<vmem>>[vector<16xi32>], vector<16xf32>,
        %convert_element_type3A_140 = arith.sitofp %unique3A_134 : vector<16xi32> to vector<16xf32>
        %add3A_141 = arith.addf %gather3A_139, %convert_element_type3A_140 : vector<16xf32>
        tpu.vector_store_idx %arg14[%select_n3A_138], %add3A_141 : memref<10128xf32, #tpu.memory_space<vmem>>[vector<16xi32>], vector<16xf32>,
        %get3A_142 = arith.constant 96 : index
        %get3A_143 = tpu.vector_load %arg11[%get3A_142] {strides = array<i32>} : memref<128xi32, #tpu.memory_space<vmem>>, vector<16xi32>,
        %broadcast_in_dim3A_144 = arith.constant true
        %broadcast_in_dim3A_145 = vector.broadcast %broadcast_in_dim3A_144 : i1 to vector<16xi1>
        %unique3A_146, %unique3A_147 = tpu.scan_count mask(%broadcast_in_dim3A_145 : vector<16xi1>) value(%get3A_143 : vector<16xi32>) : vector<16xi1>, vector<16xi32>
        %add3A_148 = arith.constant 10112 : i32
        %add3A_149 = vector.broadcast %add3A_148 : i32 to vector<16xi32>
        %add3A_150 = arith.addi %add3A_149, %iota3A : vector<16xi32>
        %select_n3A_151 = arith.select %unique3A_146, %get3A_143, %add3A_150 : vector<16xi1>, vector<16xi32>
        %gather3A_152 = tpu.vector_load_idx %arg14[%select_n3A_151] : memref<10128xf32, #tpu.memory_space<vmem>>[vector<16xi32>], vector<16xf32>,
        %convert_element_type3A_153 = arith.sitofp %unique3A_147 : vector<16xi32> to vector<16xf32>
        %add3A_154 = arith.addf %gather3A_152, %convert_element_type3A_153 : vector<16xf32>
        tpu.vector_store_idx %arg14[%select_n3A_151], %add3A_154 : memref<10128xf32, #tpu.memory_space<vmem>>[vector<16xi32>], vector<16xf32>,
        %get3A_155 = arith.constant 112 : index
        %get3A_156 = tpu.vector_load %arg11[%get3A_155] {strides = array<i32>} : memref<128xi32, #tpu.memory_space<vmem>>, vector<16xi32>,
        %broadcast_in_dim3A_157 = arith.constant true
        %broadcast_in_dim3A_158 = vector.broadcast %broadcast_in_dim3A_157 : i1 to vector<16xi1>
        %unique3A_159, %unique3A_160 = tpu.scan_count mask(%broadcast_in_dim3A_158 : vector<16xi1>) value(%get3A_156 : vector<16xi32>) : vector<16xi1>, vector<16xi32>
        %add3A_161 = arith.constant 10112 : i32
        %add3A_162 = vector.broadcast %add3A_161 : i32 to vector<16xi32>
        %add3A_163 = arith.addi %add3A_162, %iota3A : vector<16xi32>
        %select_n3A_164 = arith.select %unique3A_159, %get3A_156, %add3A_163 : vector<16xi1>, vector<16xi32>
        %gather3A_165 = tpu.vector_load_idx %arg14[%select_n3A_164] : memref<10128xf32, #tpu.memory_space<vmem>>[vector<16xi32>], vector<16xf32>,
        %convert_element_type3A_166 = arith.sitofp %unique3A_160 : vector<16xi32> to vector<16xf32>
        %add3A_167 = arith.addf %gather3A_165, %convert_element_type3A_166 : vector<16xf32>
        tpu.vector_store_idx %arg14[%select_n3A_164], %add3A_167 : memref<10128xf32, #tpu.memory_space<vmem>>[vector<16xi32>], vector<16xf32>,
        %lt3A_168 = arith.constant 80 : i32
        %lt3A_169 = arith.cmpi slt, %add3A_52, %lt3A_168 : i32
        %convert_element_type3A_170 = arith.extui %lt3A_169 : i1 to i32
        %cond3A_171 = arith.constant 0 : i32
        %cond3A_172 = arith.cmpi ne, %convert_element_type3A_170, %cond3A_171 : i32
        scf.if %cond3A_172 {
          %dma_wait3A_173 = arith.constant 0 : i32
          %dma_wait3A_174 = arith.constant 0 : i32
          %dma_wait3A_175 = tpu.memref_slice %arg23[%dma_wait3A_173, %dma_wait3A_174] : memref<10112x128xf32, #tpu.memory_space<vmem_shared>> -> memref<10112x128xf32, #tpu.memory_space<vmem_shared>>
          tpu.wait_indirect_dma semaphore(%arg18 : memref<!tpu.dma_semaphore, #tpu.memory_space<semaphore_mem>>) src(%arg13 : memref<128x128xf32, #tpu.memory_space<vmem>>) dst(%dma_wait3A_175 : memref<10112x128xf32, #tpu.memory_space<vmem_shared>>)
          %dma_start3A_176 = arith.constant 0 : i32
          %dma_start3A_177 = tpu.memref_slice %arg4[%add3A, %add3A_52, %dma_start3A_176] : memref<32x80x128xi32, #tpu.memory_space<hbm>> -> memref<1x1x128xi32, #tpu.memory_space<hbm>>
          %dma_start3A_178 = tpu.memref_squeeze %dma_start3A_177 : memref<1x1x128xi32, #tpu.memory_space<hbm>> -> memref<128xi32, #tpu.memory_space<hbm>>
          %dma_start3A_179 = arith.constant 0 : i32
          %dma_start3A_180 = tpu.memref_slice %arg4[%add3A, %add3A_52, %dma_start3A_179] : memref<32x80x128xi32, #tpu.memory_space<hbm>> -> memref<1x1x128xi32, #tpu.memory_space<hbm>>
          %dma_start3A_181 = tpu.memref_squeeze %dma_start3A_180 : memref<1x1x128xi32, #tpu.memory_space<hbm>> -> memref<128xi32, #tpu.memory_space<hbm>>
          tpu.enqueue_dma source(%dma_start3A_181 : memref<128xi32, #tpu.memory_space<hbm>>) target(%arg11 : memref<128xi32, #tpu.memory_space<vmem>>) target_semaphore(%arg22 : memref<!tpu.dma_semaphore, #tpu.memory_space<semaphore_mem>>)
          %dma_wait3A_182 = arith.constant 0 : i32
          %dma_wait3A_183 = arith.constant 0 : i32
          %dma_wait3A_184 = arith.constant 0 : i32
          %dma_wait3A_185 = tpu.memref_slice %arg3[%dma_wait3A_182, %add3A, %dma_wait3A_183, %dma_wait3A_184] : memref<1x32x80x128xi32, #tpu.memory_space<hbm>> -> memref<1x1x1x128xi32, #tpu.memory_space<hbm>>
          %dma_wait3A_186 = tpu.memref_squeeze %dma_wait3A_185 : memref<1x1x1x128xi32, #tpu.memory_space<hbm>> -> memref<128xi32, #tpu.memory_space<hbm>>
          %dma_wait3A_187 = arith.constant 0 : i32
          %dma_wait3A_188 = tpu.memref_slice %arg3[%dma_wait3A_182, %add3A, %dma_wait3A_183, %dma_wait3A_187] : memref<1x32x80x128xi32, #tpu.memory_space<hbm>> -> memref<1x1x1x128xi32, #tpu.memory_space<hbm>>
          %dma_wait3A_189 = tpu.memref_squeeze %dma_wait3A_188 : memref<1x1x1x128xi32, #tpu.memory_space<hbm>> -> memref<128xi32, #tpu.memory_space<hbm>>
          tpu.wait_dma2 semaphore(%arg20 : memref<!tpu.dma_semaphore, #tpu.memory_space<semaphore_mem>>) src(%dma_wait3A_189 : memref<128xi32, #tpu.memory_space<hbm>>) dst(%arg9 : memref<128xi32, #tpu.memory_space<vmem>>)
          %dma_start3A_190 = arith.constant 0 : i32
          %dma_start3A_191 = arith.constant 0 : i32
          %dma_start3A_192 = tpu.memref_slice %arg2[%dma_start3A_190, %dma_start3A_191] : memref<10000x128xf32, #tpu.memory_space<hbm>> -> memref<10000x128xf32, #tpu.memory_space<hbm>>
          tpu.enqueue_indirect_dma source(%dma_start3A_192 : memref<10000x128xf32, #tpu.memory_space<hbm>>) target(%arg13 : memref<128x128xf32, #tpu.memory_space<vmem>>) offsets(%arg9 : memref<128xi32, #tpu.memory_space<vmem>>) semaphore(%arg16 : memref<!tpu.dma_semaphore, #tpu.memory_space<semaphore_mem>>)
        } else {
        }
      } else {
      }
    }
    %scan3A_24 = arith.constant 40 : i32
    %dma_wait3A = arith.constant 0 : i32
    %dma_wait3A_25 = arith.constant 0 : i32
    %dma_wait3A_26 = tpu.memref_slice %arg23[%dma_wait3A, %dma_wait3A_25] : memref<10112x128xf32, #tpu.memory_space<vmem_shared>> -> memref<10112x128xf32, #tpu.memory_space<vmem_shared>>
    tpu.wait_indirect_dma semaphore(%arg17 : memref<!tpu.dma_semaphore, #tpu.memory_space<semaphore_mem>>) src(%arg12 : memref<128x128xf32, #tpu.memory_space<vmem>>) dst(%dma_wait3A_26 : memref<10112x128xf32, #tpu.memory_space<vmem_shared>>)
    %dma_wait3A_27 = arith.constant 0 : i32
    %dma_wait3A_28 = arith.constant 0 : i32
    %dma_wait3A_29 = tpu.memref_slice %arg23[%dma_wait3A_27, %dma_wait3A_28] : memref<10112x128xf32, #tpu.memory_space<vmem_shared>> -> memref<10112x128xf32, #tpu.memory_space<vmem_shared>>
    tpu.wait_indirect_dma semaphore(%arg18 : memref<!tpu.dma_semaphore, #tpu.memory_space<semaphore_mem>>) src(%arg13 : memref<128x128xf32, #tpu.memory_space<vmem>>) dst(%dma_wait3A_29 : memref<10112x128xf32, #tpu.memory_space<vmem_shared>>)
    %mul3A_30 = arith.constant 10112 : i32
    %mul3A_31 = arith.muli %add3A, %mul3A_30 : i32
    "tpu.region"() ({
      %run_scoped3A_35 = tpu.sem_alloc : memref<!tpu.dma_semaphore, #tpu.memory_space<semaphore_mem>>
      %dma_start3A_36 = arith.constant 0 : i32
      %dma_start3A_37 = tpu.memref_slice %arg14[%dma_start3A_36] : memref<10128xf32, #tpu.memory_space<vmem>> -> memref<10112xf32, #tpu.memory_space<vmem>>
      %dma_start3A_38 = tpu.memref_slice %arg7[%mul3A_31] : memref<323584xf32, #tpu.memory_space<hbm>> -> memref<10112xf32, #tpu.memory_space<hbm>>
      %dma_start3A_39 = tpu.memref_slice %arg7[%mul3A_31] : memref<323584xf32, #tpu.memory_space<hbm>> -> memref<10112xf32, #tpu.memory_space<hbm>>
      %dma_start3A_40 = arith.constant 0 : i32
      %dma_start3A_41 = tpu.memref_slice %arg14[%dma_start3A_40] : memref<10128xf32, #tpu.memory_space<vmem>> -> memref<10112xf32, #tpu.memory_space<vmem>>
      tpu.enqueue_dma source(%dma_start3A_41 : memref<10112xf32, #tpu.memory_space<vmem>>) target(%dma_start3A_39 : memref<10112xf32, #tpu.memory_space<hbm>>) target_semaphore(%run_scoped3A_35 : memref<!tpu.dma_semaphore, #tpu.memory_space<semaphore_mem>>)
      %dma_wait3A_42 = arith.constant 0 : i32
      %dma_wait3A_43 = tpu.memref_slice %arg14[%dma_wait3A_42] : memref<10128xf32, #tpu.memory_space<vmem>> -> memref<10112xf32, #tpu.memory_space<vmem>>
      %dma_wait3A_44 = tpu.memref_slice %arg7[%mul3A_31] : memref<323584xf32, #tpu.memory_space<hbm>> -> memref<10112xf32, #tpu.memory_space<hbm>>
      %dma_wait3A_45 = tpu.memref_slice %arg7[%mul3A_31] : memref<323584xf32, #tpu.memory_space<hbm>> -> memref<10112xf32, #tpu.memory_space<hbm>>
      %dma_wait3A_46 = arith.constant 0 : i32
      %dma_wait3A_47 = tpu.memref_slice %arg14[%dma_wait3A_46] : memref<10128xf32, #tpu.memory_space<vmem>> -> memref<10112xf32, #tpu.memory_space<vmem>>
      tpu.wait_dma2 semaphore(%run_scoped3A_35 : memref<!tpu.dma_semaphore, #tpu.memory_space<semaphore_mem>>) src(%dma_wait3A_47 : memref<10112xf32, #tpu.memory_space<vmem>>) dst(%dma_wait3A_45 : memref<10112xf32, #tpu.memory_space<hbm>>)
      tpu.yield
    }) : () -> ()
    %barrier3A_32 = arith.constant 0 : index
    tpu.barrier barrier_id(%barrier3A_32)
    %run_scoped3A_33 = arith.constant 0 : i32
    "tpu.region"() ({
      %run_scoped3A_35 = tpu.sem_alloc : memref<!tpu.dma_semaphore, #tpu.memory_space<semaphore_mem>>
      %dma_start3A_36 = arith.constant 0 : i32
      %dma_start3A_37 = tpu.memref_slice %arg6[%arg0, %run_scoped3A_33, %mul3A_2, %dma_start3A_36] : memref<2x1x10112x128xf32, #tpu.memory_space<hbm>> -> memref<1x1x632x128xf32, #tpu.memory_space<hbm>>
      %dma_start3A_38 = tpu.memref_squeeze %dma_start3A_37 : memref<1x1x632x128xf32, #tpu.memory_space<hbm>> -> memref<632x128xf32, #tpu.memory_space<hbm>>
      %dma_start3A_39 = arith.constant 0 : i32
      %dma_start3A_40 = tpu.memref_slice %arg23[%mul3A_2, %dma_start3A_39] : memref<10112x128xf32, #tpu.memory_space<vmem_shared>> -> memref<632x128xf32, #tpu.memory_space<vmem_shared>>
      tpu.enqueue_dma source(%dma_start3A_40 : memref<632x128xf32, #tpu.memory_space<vmem_shared>>) target(%dma_start3A_38 : memref<632x128xf32, #tpu.memory_space<hbm>>) target_semaphore(%run_scoped3A_35 : memref<!tpu.dma_semaphore, #tpu.memory_space<semaphore_mem>>)
      %dma_wait3A_41 = arith.constant 0 : i32
      %dma_wait3A_42 = tpu.memref_slice %arg6[%arg0, %run_scoped3A_33, %mul3A_2, %dma_wait3A_41] : memref<2x1x10112x128xf32, #tpu.memory_space<hbm>> -> memref<1x1x632x128xf32, #tpu.memory_space<hbm>>
      %dma_wait3A_43 = tpu.memref_squeeze %dma_wait3A_42 : memref<1x1x632x128xf32, #tpu.memory_space<hbm>> -> memref<632x128xf32, #tpu.memory_space<hbm>>
      %dma_wait3A_44 = arith.constant 0 : i32
      %dma_wait3A_45 = tpu.memref_slice %arg23[%mul3A_2, %dma_wait3A_44] : memref<10112x128xf32, #tpu.memory_space<vmem_shared>> -> memref<632x128xf32, #tpu.memory_space<vmem_shared>>
      tpu.wait_dma2 semaphore(%run_scoped3A_35 : memref<!tpu.dma_semaphore, #tpu.memory_space<semaphore_mem>>) src(%dma_wait3A_45 : memref<632x128xf32, #tpu.memory_space<vmem_shared>>) dst(%dma_wait3A_43 : memref<632x128xf32, #tpu.memory_space<hbm>>)
      tpu.yield
    }) : () -> ()
    %barrier3A_34 = arith.constant 0 : index
    tpu.barrier barrier_id(%barrier3A_34)
    return
  }
}

#map = affine_map<(d0, d1) -> (0, 0)>
#map1 = affine_map<(d0, d1) -> (0, 0, 0, 0)>
#map2 = affine_map<(d0, d1) -> (0, 0, 0)>
#map3 = affine_map<(d0, d1) -> (0)>
module attributes {stable_mosaic.version = 14 : i64} {
  func.func @edge_kernel(%arg0: i32, %arg1: i32, %arg2: memref<20000x128xf32, #tpu.memory_space<hbm>>, %arg3: memref<2x32x80x128xi32, #tpu.memory_space<hbm>>, %arg4: memref<32x80x128xi32, #tpu.memory_space<hbm>>, %arg5: memref<10112x128xf32, #tpu.memory_space<hbm>>, %arg6: memref<2x2x10112x128xf32, #tpu.memory_space<hbm>>, %arg7: memref<323584xf32, #tpu.memory_space<hbm>>, %arg8: memref<128xi32, #tpu.memory_space<vmem>>, %arg9: memref<128xi32, #tpu.memory_space<vmem>>, %arg10: memref<128xi32, #tpu.memory_space<vmem>>, %arg11: memref<128xi32, #tpu.memory_space<vmem>>, %arg12: memref<128x128xf32, #tpu.memory_space<vmem>>, %arg13: memref<128x128xf32, #tpu.memory_space<vmem>>, %arg14: memref<10128xf32, #tpu.memory_space<vmem>>, %arg15: memref<!tpu.dma_semaphore, #tpu.memory_space<semaphore_mem>>, %arg16: memref<!tpu.dma_semaphore, #tpu.memory_space<semaphore_mem>>, %arg17: memref<!tpu.dma_semaphore, #tpu.memory_space<semaphore_mem>>, %arg18: memref<!tpu.dma_semaphore, #tpu.memory_space<semaphore_mem>>, %arg19: memref<!tpu.dma_semaphore, #tpu.memory_space<semaphore_mem>>, %arg20: memref<!tpu.dma_semaphore, #tpu.memory_space<semaphore_mem>>, %arg21: memref<!tpu.dma_semaphore, #tpu.memory_space<semaphore_mem>>, %arg22: memref<!tpu.dma_semaphore, #tpu.memory_space<semaphore_mem>>, %arg23: memref<10112x128xf32, #tpu.memory_space<vmem_shared>>) attributes {dimension_semantics = [#tpu.dimension_semantics<core_parallel>, #tpu.dimension_semantics<subcore_parallel>], iteration_bounds = array<i64: 2, 16>, scalar_prefetch = 0 : i64, scratch_operands = 16 : i64, tpu.core_type = #tpu.core_type<sc_vector_subcore>, window_params = [{transform_indices = #map}, {transform_indices = #map1}, {transform_indices = #map2}, {transform_indices = #map}, {transform_indices = #map1}, {transform_indices = #map3}]} {
    %mul3A = arith.constant 16 : i32
    %mul3A_0 = arith.muli %arg0, %mul3A : i32
    %add3A = arith.addi %mul3A_0, %arg1 : i32
    %mul3A_1 = arith.constant 632 : i32
    %mul3A_2 = arith.muli %arg1, %mul3A_1 : i32
    %iota3A = tpu.iota {dimensions = array<i32: 0>} : vector<16xi32>
    %broadcast_in_dim3A = arith.constant 0.000000e+00 : f32
    %broadcast_in_dim3A_3 = vector.broadcast %broadcast_in_dim3A : f32 to vector<16xf32>
    %scan3A = arith.constant 0 : i32
    %scan3A_4 = arith.constant 0 : i32
    %scan3A_5 = arith.constant 633 : i32
    %scan3A_6 = arith.addi %scan3A_4, %scan3A_5 : i32
    %scan3A_7 = arith.constant 1 : i32
    scf.for %scan3A_63 = %scan3A_4 to %scan3A_6 step %scan3A_7  : i32 {
      %mul3A_64 = arith.constant 16 : i32
      %mul3A_65 = arith.muli %scan3A_63, %mul3A_64 : i32
      %swap3A = arith.index_cast %mul3A_65 : i32 to index
      %swap3A_66 = tpu.vector_load %arg14[%swap3A] {strides = array<i32>} : memref<10128xf32, #tpu.memory_space<vmem>>, vector<16xf32>,
      tpu.vector_store %arg14[%swap3A], %broadcast_in_dim3A_3 {strides = array<i32>} : memref<10128xf32, #tpu.memory_space<vmem>>, vector<16xf32>,
    }
    %scan3A_8 = arith.constant 633 : i32
    "tpu.region"() ({
      %run_scoped3A_63 = tpu.sem_alloc : memref<!tpu.dma_semaphore, #tpu.memory_space<semaphore_mem>>
      %dma_start3A_64 = arith.constant 0 : i32
      %dma_start3A_65 = tpu.memref_slice %arg23[%mul3A_2, %dma_start3A_64] : memref<10112x128xf32, #tpu.memory_space<vmem_shared>> -> memref<632x128xf32, #tpu.memory_space<vmem_shared>>
      %dma_start3A_66 = arith.constant 0 : i32
      %dma_start3A_67 = tpu.memref_slice %arg5[%mul3A_2, %dma_start3A_66] : memref<10112x128xf32, #tpu.memory_space<hbm>> -> memref<632x128xf32, #tpu.memory_space<hbm>>
      tpu.enqueue_dma source(%dma_start3A_67 : memref<632x128xf32, #tpu.memory_space<hbm>>) target(%dma_start3A_65 : memref<632x128xf32, #tpu.memory_space<vmem_shared>>) target_semaphore(%run_scoped3A_63 : memref<!tpu.dma_semaphore, #tpu.memory_space<semaphore_mem>>)
      %dma_wait3A_68 = arith.constant 0 : i32
      %dma_wait3A_69 = tpu.memref_slice %arg23[%mul3A_2, %dma_wait3A_68] : memref<10112x128xf32, #tpu.memory_space<vmem_shared>> -> memref<632x128xf32, #tpu.memory_space<vmem_shared>>
      %dma_wait3A_70 = arith.constant 0 : i32
      %dma_wait3A_71 = tpu.memref_slice %arg5[%mul3A_2, %dma_wait3A_70] : memref<10112x128xf32, #tpu.memory_space<hbm>> -> memref<632x128xf32, #tpu.memory_space<hbm>>
      tpu.wait_dma2 semaphore(%run_scoped3A_63 : memref<!tpu.dma_semaphore, #tpu.memory_space<semaphore_mem>>) src(%dma_wait3A_71 : memref<632x128xf32, #tpu.memory_space<hbm>>) dst(%dma_wait3A_69 : memref<632x128xf32, #tpu.memory_space<vmem_shared>>)
      tpu.yield
    }) : () -> ()
    %barrier3A = arith.constant 0 : index
    tpu.barrier barrier_id(%barrier3A)
    %run_scoped3A = arith.constant 0 : i32
    %run_scoped3A_9 = arith.constant 0 : i32
    "tpu.region"() ({
      %run_scoped3A_63 = tpu.sem_alloc : memref<!tpu.dma_semaphore, #tpu.memory_space<semaphore_mem>>
      %dma_start3A_64 = arith.constant 0 : i32
      %dma_start3A_65 = tpu.memref_slice %arg3[%run_scoped3A, %add3A, %run_scoped3A_9, %dma_start3A_64] : memref<2x32x80x128xi32, #tpu.memory_space<hbm>> -> memref<1x1x1x128xi32, #tpu.memory_space<hbm>>
      %dma_start3A_66 = tpu.memref_squeeze %dma_start3A_65 : memref<1x1x1x128xi32, #tpu.memory_space<hbm>> -> memref<128xi32, #tpu.memory_space<hbm>>
      %dma_start3A_67 = arith.constant 0 : i32
      %dma_start3A_68 = tpu.memref_slice %arg3[%run_scoped3A, %add3A, %run_scoped3A_9, %dma_start3A_67] : memref<2x32x80x128xi32, #tpu.memory_space<hbm>> -> memref<1x1x1x128xi32, #tpu.memory_space<hbm>>
      %dma_start3A_69 = tpu.memref_squeeze %dma_start3A_68 : memref<1x1x1x128xi32, #tpu.memory_space<hbm>> -> memref<128xi32, #tpu.memory_space<hbm>>
      tpu.enqueue_dma source(%dma_start3A_69 : memref<128xi32, #tpu.memory_space<hbm>>) target(%arg8 : memref<128xi32, #tpu.memory_space<vmem>>) target_semaphore(%run_scoped3A_63 : memref<!tpu.dma_semaphore, #tpu.memory_space<semaphore_mem>>)
      %dma_wait3A_70 = arith.constant 0 : i32
      %dma_wait3A_71 = tpu.memref_slice %arg3[%run_scoped3A, %add3A, %run_scoped3A_9, %dma_wait3A_70] : memref<2x32x80x128xi32, #tpu.memory_space<hbm>> -> memref<1x1x1x128xi32, #tpu.memory_space<hbm>>
      %dma_wait3A_72 = tpu.memref_squeeze %dma_wait3A_71 : memref<1x1x1x128xi32, #tpu.memory_space<hbm>> -> memref<128xi32, #tpu.memory_space<hbm>>
      %dma_wait3A_73 = arith.constant 0 : i32
      %dma_wait3A_74 = tpu.memref_slice %arg3[%run_scoped3A, %add3A, %run_scoped3A_9, %dma_wait3A_73] : memref<2x32x80x128xi32, #tpu.memory_space<hbm>> -> memref<1x1x1x128xi32, #tpu.memory_space<hbm>>
      %dma_wait3A_75 = tpu.memref_squeeze %dma_wait3A_74 : memref<1x1x1x128xi32, #tpu.memory_space<hbm>> -> memref<128xi32, #tpu.memory_space<hbm>>
      tpu.wait_dma2 semaphore(%run_scoped3A_63 : memref<!tpu.dma_semaphore, #tpu.memory_space<semaphore_mem>>) src(%dma_wait3A_75 : memref<128xi32, #tpu.memory_space<hbm>>) dst(%arg8 : memref<128xi32, #tpu.memory_space<vmem>>)
      tpu.yield
    }) : () -> ()
    %run_scoped3A_10 = arith.constant 0 : i32
    "tpu.region"() ({
      %run_scoped3A_63 = tpu.sem_alloc : memref<!tpu.dma_semaphore, #tpu.memory_space<semaphore_mem>>
      %dma_start3A_64 = arith.constant 0 : i32
      %dma_start3A_65 = tpu.memref_slice %arg4[%add3A, %run_scoped3A_10, %dma_start3A_64] : memref<32x80x128xi32, #tpu.memory_space<hbm>> -> memref<1x1x128xi32, #tpu.memory_space<hbm>>
      %dma_start3A_66 = tpu.memref_squeeze %dma_start3A_65 : memref<1x1x128xi32, #tpu.memory_space<hbm>> -> memref<128xi32, #tpu.memory_space<hbm>>
      %dma_start3A_67 = arith.constant 0 : i32
      %dma_start3A_68 = tpu.memref_slice %arg4[%add3A, %run_scoped3A_10, %dma_start3A_67] : memref<32x80x128xi32, #tpu.memory_space<hbm>> -> memref<1x1x128xi32, #tpu.memory_space<hbm>>
      %dma_start3A_69 = tpu.memref_squeeze %dma_start3A_68 : memref<1x1x128xi32, #tpu.memory_space<hbm>> -> memref<128xi32, #tpu.memory_space<hbm>>
      tpu.enqueue_dma source(%dma_start3A_69 : memref<128xi32, #tpu.memory_space<hbm>>) target(%arg10 : memref<128xi32, #tpu.memory_space<vmem>>) target_semaphore(%run_scoped3A_63 : memref<!tpu.dma_semaphore, #tpu.memory_space<semaphore_mem>>)
      %dma_wait3A_70 = arith.constant 0 : i32
      %dma_wait3A_71 = tpu.memref_slice %arg4[%add3A, %run_scoped3A_10, %dma_wait3A_70] : memref<32x80x128xi32, #tpu.memory_space<hbm>> -> memref<1x1x128xi32, #tpu.memory_space<hbm>>
      %dma_wait3A_72 = tpu.memref_squeeze %dma_wait3A_71 : memref<1x1x128xi32, #tpu.memory_space<hbm>> -> memref<128xi32, #tpu.memory_space<hbm>>
      %dma_wait3A_73 = arith.constant 0 : i32
      %dma_wait3A_74 = tpu.memref_slice %arg4[%add3A, %run_scoped3A_10, %dma_wait3A_73] : memref<32x80x128xi32, #tpu.memory_space<hbm>> -> memref<1x1x128xi32, #tpu.memory_space<hbm>>
      %dma_wait3A_75 = tpu.memref_squeeze %dma_wait3A_74 : memref<1x1x128xi32, #tpu.memory_space<hbm>> -> memref<128xi32, #tpu.memory_space<hbm>>
      tpu.wait_dma2 semaphore(%run_scoped3A_63 : memref<!tpu.dma_semaphore, #tpu.memory_space<semaphore_mem>>) src(%dma_wait3A_75 : memref<128xi32, #tpu.memory_space<hbm>>) dst(%arg10 : memref<128xi32, #tpu.memory_space<vmem>>)
      tpu.yield
    }) : () -> ()
    %dma_start3A = arith.constant 0 : i32
    %dma_start3A_11 = arith.constant 0 : i32
    %dma_start3A_12 = tpu.memref_slice %arg2[%dma_start3A, %dma_start3A_11] : memref<20000x128xf32, #tpu.memory_space<hbm>> -> memref<20000x128xf32, #tpu.memory_space<hbm>>
    tpu.enqueue_indirect_dma source(%dma_start3A_12 : memref<20000x128xf32, #tpu.memory_space<hbm>>) target(%arg12 : memref<128x128xf32, #tpu.memory_space<vmem>>) offsets(%arg8 : memref<128xi32, #tpu.memory_space<vmem>>) semaphore(%arg15 : memref<!tpu.dma_semaphore, #tpu.memory_space<semaphore_mem>>)
    %run_scoped3A_13 = arith.constant 0 : i32
    %run_scoped3A_14 = arith.constant 1 : i32
    "tpu.region"() ({
      %run_scoped3A_63 = tpu.sem_alloc : memref<!tpu.dma_semaphore, #tpu.memory_space<semaphore_mem>>
      %dma_start3A_64 = arith.constant 0 : i32
      %dma_start3A_65 = tpu.memref_slice %arg3[%run_scoped3A_13, %add3A, %run_scoped3A_14, %dma_start3A_64] : memref<2x32x80x128xi32, #tpu.memory_space<hbm>> -> memref<1x1x1x128xi32, #tpu.memory_space<hbm>>
      %dma_start3A_66 = tpu.memref_squeeze %dma_start3A_65 : memref<1x1x1x128xi32, #tpu.memory_space<hbm>> -> memref<128xi32, #tpu.memory_space<hbm>>
      %dma_start3A_67 = arith.constant 0 : i32
      %dma_start3A_68 = tpu.memref_slice %arg3[%run_scoped3A_13, %add3A, %run_scoped3A_14, %dma_start3A_67] : memref<2x32x80x128xi32, #tpu.memory_space<hbm>> -> memref<1x1x1x128xi32, #tpu.memory_space<hbm>>
      %dma_start3A_69 = tpu.memref_squeeze %dma_start3A_68 : memref<1x1x1x128xi32, #tpu.memory_space<hbm>> -> memref<128xi32, #tpu.memory_space<hbm>>
      tpu.enqueue_dma source(%dma_start3A_69 : memref<128xi32, #tpu.memory_space<hbm>>) target(%arg9 : memref<128xi32, #tpu.memory_space<vmem>>) target_semaphore(%run_scoped3A_63 : memref<!tpu.dma_semaphore, #tpu.memory_space<semaphore_mem>>)
      %dma_wait3A_70 = arith.constant 0 : i32
      %dma_wait3A_71 = tpu.memref_slice %arg3[%run_scoped3A_13, %add3A, %run_scoped3A_14, %dma_wait3A_70] : memref<2x32x80x128xi32, #tpu.memory_space<hbm>> -> memref<1x1x1x128xi32, #tpu.memory_space<hbm>>
      %dma_wait3A_72 = tpu.memref_squeeze %dma_wait3A_71 : memref<1x1x1x128xi32, #tpu.memory_space<hbm>> -> memref<128xi32, #tpu.memory_space<hbm>>
      %dma_wait3A_73 = arith.constant 0 : i32
      %dma_wait3A_74 = tpu.memref_slice %arg3[%run_scoped3A_13, %add3A, %run_scoped3A_14, %dma_wait3A_73] : memref<2x32x80x128xi32, #tpu.memory_space<hbm>> -> memref<1x1x1x128xi32, #tpu.memory_space<hbm>>
      %dma_wait3A_75 = tpu.memref_squeeze %dma_wait3A_74 : memref<1x1x1x128xi32, #tpu.memory_space<hbm>> -> memref<128xi32, #tpu.memory_space<hbm>>
      tpu.wait_dma2 semaphore(%run_scoped3A_63 : memref<!tpu.dma_semaphore, #tpu.memory_space<semaphore_mem>>) src(%dma_wait3A_75 : memref<128xi32, #tpu.memory_space<hbm>>) dst(%arg9 : memref<128xi32, #tpu.memory_space<vmem>>)
      tpu.yield
    }) : () -> ()
    %run_scoped3A_15 = arith.constant 1 : i32
    "tpu.region"() ({
      %run_scoped3A_63 = tpu.sem_alloc : memref<!tpu.dma_semaphore, #tpu.memory_space<semaphore_mem>>
      %dma_start3A_64 = arith.constant 0 : i32
      %dma_start3A_65 = tpu.memref_slice %arg4[%add3A, %run_scoped3A_15, %dma_start3A_64] : memref<32x80x128xi32, #tpu.memory_space<hbm>> -> memref<1x1x128xi32, #tpu.memory_space<hbm>>
      %dma_start3A_66 = tpu.memref_squeeze %dma_start3A_65 : memref<1x1x128xi32, #tpu.memory_space<hbm>> -> memref<128xi32, #tpu.memory_space<hbm>>
      %dma_start3A_67 = arith.constant 0 : i32
      %dma_start3A_68 = tpu.memref_slice %arg4[%add3A, %run_scoped3A_15, %dma_start3A_67] : memref<32x80x128xi32, #tpu.memory_space<hbm>> -> memref<1x1x128xi32, #tpu.memory_space<hbm>>
      %dma_start3A_69 = tpu.memref_squeeze %dma_start3A_68 : memref<1x1x128xi32, #tpu.memory_space<hbm>> -> memref<128xi32, #tpu.memory_space<hbm>>
      tpu.enqueue_dma source(%dma_start3A_69 : memref<128xi32, #tpu.memory_space<hbm>>) target(%arg11 : memref<128xi32, #tpu.memory_space<vmem>>) target_semaphore(%run_scoped3A_63 : memref<!tpu.dma_semaphore, #tpu.memory_space<semaphore_mem>>)
      %dma_wait3A_70 = arith.constant 0 : i32
      %dma_wait3A_71 = tpu.memref_slice %arg4[%add3A, %run_scoped3A_15, %dma_wait3A_70] : memref<32x80x128xi32, #tpu.memory_space<hbm>> -> memref<1x1x128xi32, #tpu.memory_space<hbm>>
      %dma_wait3A_72 = tpu.memref_squeeze %dma_wait3A_71 : memref<1x1x128xi32, #tpu.memory_space<hbm>> -> memref<128xi32, #tpu.memory_space<hbm>>
      %dma_wait3A_73 = arith.constant 0 : i32
      %dma_wait3A_74 = tpu.memref_slice %arg4[%add3A, %run_scoped3A_15, %dma_wait3A_73] : memref<32x80x128xi32, #tpu.memory_space<hbm>> -> memref<1x1x128xi32, #tpu.memory_space<hbm>>
      %dma_wait3A_75 = tpu.memref_squeeze %dma_wait3A_74 : memref<1x1x128xi32, #tpu.memory_space<hbm>> -> memref<128xi32, #tpu.memory_space<hbm>>
      tpu.wait_dma2 semaphore(%run_scoped3A_63 : memref<!tpu.dma_semaphore, #tpu.memory_space<semaphore_mem>>) src(%dma_wait3A_75 : memref<128xi32, #tpu.memory_space<hbm>>) dst(%arg11 : memref<128xi32, #tpu.memory_space<vmem>>)
      tpu.yield
    }) : () -> ()
    %dma_start3A_16 = arith.constant 0 : i32
    %dma_start3A_17 = arith.constant 0 : i32
    %dma_start3A_18 = tpu.memref_slice %arg2[%dma_start3A_16, %dma_start3A_17] : memref<20000x128xf32, #tpu.memory_space<hbm>> -> memref<20000x128xf32, #tpu.memory_space<hbm>>
    tpu.enqueue_indirect_dma source(%dma_start3A_18 : memref<20000x128xf32, #tpu.memory_space<hbm>>) target(%arg13 : memref<128x128xf32, #tpu.memory_space<vmem>>) offsets(%arg9 : memref<128xi32, #tpu.memory_space<vmem>>) semaphore(%arg16 : memref<!tpu.dma_semaphore, #tpu.memory_space<semaphore_mem>>)
    %scan3A_19 = arith.constant 0 : i32
    %scan3A_20 = arith.constant 0 : i32
    %scan3A_21 = arith.constant 40 : i32
    %scan3A_22 = arith.addi %scan3A_20, %scan3A_21 : i32
    %scan3A_23 = arith.constant 1 : i32
    scf.for %scan3A_63 = %scan3A_20 to %scan3A_22 step %scan3A_23  : i32 {
      %mul3A_64 = arith.constant 2 : i32
      %mul3A_65 = arith.muli %scan3A_63, %mul3A_64 : i32
      %add3A_66 = arith.constant 0 : i32
      %add3A_67 = arith.addi %mul3A_65, %add3A_66 : i32
      %lt3A = arith.constant 80 : i32
      %lt3A_68 = arith.cmpi slt, %add3A_67, %lt3A : i32
      %convert_element_type3A = arith.extui %lt3A_68 : i1 to i32
      %cond3A = arith.constant 0 : i32
      %cond3A_69 = arith.cmpi ne, %convert_element_type3A, %cond3A : i32
      scf.if %cond3A_69 {
        %add3A_79 = arith.constant 2 : i32
        %add3A_80 = arith.addi %add3A_67, %add3A_79 : i32
        %dma_wait3A_81 = arith.constant 0 : i32
        %dma_wait3A_82 = arith.constant 0 : i32
        %dma_wait3A_83 = tpu.memref_slice %arg2[%dma_wait3A_81, %dma_wait3A_82] : memref<20000x128xf32, #tpu.memory_space<hbm>> -> memref<20000x128xf32, #tpu.memory_space<hbm>>
        tpu.wait_indirect_dma semaphore(%arg15 : memref<!tpu.dma_semaphore, #tpu.memory_space<semaphore_mem>>) src(%dma_wait3A_83 : memref<20000x128xf32, #tpu.memory_space<hbm>>) dst(%arg12 : memref<128x128xf32, #tpu.memory_space<vmem>>)
        %lt3A_84 = arith.constant 80 : i32
        %lt3A_85 = arith.cmpi slt, %add3A_80, %lt3A_84 : i32
        %convert_element_type3A_86 = arith.extui %lt3A_85 : i1 to i32
        %cond3A_87 = arith.constant 0 : i32
        %cond3A_88 = arith.cmpi ne, %convert_element_type3A_86, %cond3A_87 : i32
        scf.if %cond3A_88 {
          %dma_start3A_201 = arith.constant 0 : i32
          %dma_start3A_202 = arith.constant 0 : i32
          %dma_start3A_203 = tpu.memref_slice %arg3[%dma_start3A_201, %add3A, %add3A_80, %dma_start3A_202] : memref<2x32x80x128xi32, #tpu.memory_space<hbm>> -> memref<1x1x1x128xi32, #tpu.memory_space<hbm>>
          %dma_start3A_204 = tpu.memref_squeeze %dma_start3A_203 : memref<1x1x1x128xi32, #tpu.memory_space<hbm>> -> memref<128xi32, #tpu.memory_space<hbm>>
          %dma_start3A_205 = arith.constant 0 : i32
          %dma_start3A_206 = tpu.memref_slice %arg3[%dma_start3A_201, %add3A, %add3A_80, %dma_start3A_205] : memref<2x32x80x128xi32, #tpu.memory_space<hbm>> -> memref<1x1x1x128xi32, #tpu.memory_space<hbm>>
          %dma_start3A_207 = tpu.memref_squeeze %dma_start3A_206 : memref<1x1x1x128xi32, #tpu.memory_space<hbm>> -> memref<128xi32, #tpu.memory_space<hbm>>
          tpu.enqueue_dma source(%dma_start3A_207 : memref<128xi32, #tpu.memory_space<hbm>>) target(%arg8 : memref<128xi32, #tpu.memory_space<vmem>>) target_semaphore(%arg19 : memref<!tpu.dma_semaphore, #tpu.memory_space<semaphore_mem>>)
        } else {
        }
        %ge3A = arith.constant 2 : i32
        %ge3A_89 = arith.cmpi sge, %add3A_67, %ge3A : i32
        %convert_element_type3A_90 = arith.extui %ge3A_89 : i1 to i32
        %cond3A_91 = arith.constant 0 : i32
        %cond3A_92 = arith.cmpi ne, %convert_element_type3A_90, %cond3A_91 : i32
        scf.if %cond3A_92 {
          %dma_wait3A_201 = arith.constant 0 : i32
          %dma_wait3A_202 = arith.constant 0 : i32
          %dma_wait3A_203 = tpu.memref_slice %arg4[%add3A, %dma_wait3A_201, %dma_wait3A_202] : memref<32x80x128xi32, #tpu.memory_space<hbm>> -> memref<1x1x128xi32, #tpu.memory_space<hbm>>
          %dma_wait3A_204 = tpu.memref_squeeze %dma_wait3A_203 : memref<1x1x128xi32, #tpu.memory_space<hbm>> -> memref<128xi32, #tpu.memory_space<hbm>>
          %dma_wait3A_205 = arith.constant 0 : i32
          %dma_wait3A_206 = tpu.memref_slice %arg4[%add3A, %dma_wait3A_201, %dma_wait3A_205] : memref<32x80x128xi32, #tpu.memory_space<hbm>> -> memref<1x1x128xi32, #tpu.memory_space<hbm>>
          %dma_wait3A_207 = tpu.memref_squeeze %dma_wait3A_206 : memref<1x1x128xi32, #tpu.memory_space<hbm>> -> memref<128xi32, #tpu.memory_space<hbm>>
          tpu.wait_dma2 semaphore(%arg21 : memref<!tpu.dma_semaphore, #tpu.memory_space<semaphore_mem>>) src(%dma_wait3A_207 : memref<128xi32, #tpu.memory_space<hbm>>) dst(%arg10 : memref<128xi32, #tpu.memory_space<vmem>>)
        } else {
        }
        %dma_start3A_93 = arith.constant 0 : i32
        %dma_start3A_94 = arith.constant 0 : i32
        %dma_start3A_95 = tpu.memref_slice %arg23[%dma_start3A_93, %dma_start3A_94] : memref<10112x128xf32, #tpu.memory_space<vmem_shared>> -> memref<10112x128xf32, #tpu.memory_space<vmem_shared>>
        tpu.enqueue_indirect_dma source(%arg12 : memref<128x128xf32, #tpu.memory_space<vmem>>) target(%dma_start3A_95 : memref<10112x128xf32, #tpu.memory_space<vmem_shared>>) offsets(%arg10 : memref<128xi32, #tpu.memory_space<vmem>>) semaphore(%arg17 : memref<!tpu.dma_semaphore, #tpu.memory_space<semaphore_mem>>) {add = true}
        %get3A = arith.constant 0 : index
        %get3A_96 = tpu.vector_load %arg10[%get3A] {strides = array<i32>} : memref<128xi32, #tpu.memory_space<vmem>>, vector<16xi32>,
        %broadcast_in_dim3A_97 = arith.constant true
        %broadcast_in_dim3A_98 = vector.broadcast %broadcast_in_dim3A_97 : i1 to vector<16xi1>
        %unique3A, %unique3A_99 = tpu.scan_count mask(%broadcast_in_dim3A_98 : vector<16xi1>) value(%get3A_96 : vector<16xi32>) : vector<16xi1>, vector<16xi32>
        %add3A_100 = arith.constant 10112 : i32
        %add3A_101 = vector.broadcast %add3A_100 : i32 to vector<16xi32>
        %add3A_102 = arith.addi %add3A_101, %iota3A : vector<16xi32>
        %select_n3A = arith.select %unique3A, %get3A_96, %add3A_102 : vector<16xi1>, vector<16xi32>
        %gather3A = tpu.vector_load_idx %arg14[%select_n3A] : memref<10128xf32, #tpu.memory_space<vmem>>[vector<16xi32>], vector<16xf32>,
        %convert_element_type3A_103 = arith.sitofp %unique3A_99 : vector<16xi32> to vector<16xf32>
        %add3A_104 = arith.addf %gather3A, %convert_element_type3A_103 : vector<16xf32>
        tpu.vector_store_idx %arg14[%select_n3A], %add3A_104 : memref<10128xf32, #tpu.memory_space<vmem>>[vector<16xi32>], vector<16xf32>,
        %get3A_105 = arith.constant 16 : index
        %get3A_106 = tpu.vector_load %arg10[%get3A_105] {strides = array<i32>} : memref<128xi32, #tpu.memory_space<vmem>>, vector<16xi32>,
        %broadcast_in_dim3A_107 = arith.constant true
        %broadcast_in_dim3A_108 = vector.broadcast %broadcast_in_dim3A_107 : i1 to vector<16xi1>
        %unique3A_109, %unique3A_110 = tpu.scan_count mask(%broadcast_in_dim3A_108 : vector<16xi1>) value(%get3A_106 : vector<16xi32>) : vector<16xi1>, vector<16xi32>
        %add3A_111 = arith.constant 10112 : i32
        %add3A_112 = vector.broadcast %add3A_111 : i32 to vector<16xi32>
        %add3A_113 = arith.addi %add3A_112, %iota3A : vector<16xi32>
        %select_n3A_114 = arith.select %unique3A_109, %get3A_106, %add3A_113 : vector<16xi1>, vector<16xi32>
        %gather3A_115 = tpu.vector_load_idx %arg14[%select_n3A_114] : memref<10128xf32, #tpu.memory_space<vmem>>[vector<16xi32>], vector<16xf32>,
        %convert_element_type3A_116 = arith.sitofp %unique3A_110 : vector<16xi32> to vector<16xf32>
        %add3A_117 = arith.addf %gather3A_115, %convert_element_type3A_116 : vector<16xf32>
        tpu.vector_store_idx %arg14[%select_n3A_114], %add3A_117 : memref<10128xf32, #tpu.memory_space<vmem>>[vector<16xi32>], vector<16xf32>,
        %get3A_118 = arith.constant 32 : index
        %get3A_119 = tpu.vector_load %arg10[%get3A_118] {strides = array<i32>} : memref<128xi32, #tpu.memory_space<vmem>>, vector<16xi32>,
        %broadcast_in_dim3A_120 = arith.constant true
        %broadcast_in_dim3A_121 = vector.broadcast %broadcast_in_dim3A_120 : i1 to vector<16xi1>
        %unique3A_122, %unique3A_123 = tpu.scan_count mask(%broadcast_in_dim3A_121 : vector<16xi1>) value(%get3A_119 : vector<16xi32>) : vector<16xi1>, vector<16xi32>
        %add3A_124 = arith.constant 10112 : i32
        %add3A_125 = vector.broadcast %add3A_124 : i32 to vector<16xi32>
        %add3A_126 = arith.addi %add3A_125, %iota3A : vector<16xi32>
        %select_n3A_127 = arith.select %unique3A_122, %get3A_119, %add3A_126 : vector<16xi1>, vector<16xi32>
        %gather3A_128 = tpu.vector_load_idx %arg14[%select_n3A_127] : memref<10128xf32, #tpu.memory_space<vmem>>[vector<16xi32>], vector<16xf32>,
        %convert_element_type3A_129 = arith.sitofp %unique3A_123 : vector<16xi32> to vector<16xf32>
        %add3A_130 = arith.addf %gather3A_128, %convert_element_type3A_129 : vector<16xf32>
        tpu.vector_store_idx %arg14[%select_n3A_127], %add3A_130 : memref<10128xf32, #tpu.memory_space<vmem>>[vector<16xi32>], vector<16xf32>,
        %get3A_131 = arith.constant 48 : index
        %get3A_132 = tpu.vector_load %arg10[%get3A_131] {strides = array<i32>} : memref<128xi32, #tpu.memory_space<vmem>>, vector<16xi32>,
        %broadcast_in_dim3A_133 = arith.constant true
        %broadcast_in_dim3A_134 = vector.broadcast %broadcast_in_dim3A_133 : i1 to vector<16xi1>
        %unique3A_135, %unique3A_136 = tpu.scan_count mask(%broadcast_in_dim3A_134 : vector<16xi1>) value(%get3A_132 : vector<16xi32>) : vector<16xi1>, vector<16xi32>
        %add3A_137 = arith.constant 10112 : i32
        %add3A_138 = vector.broadcast %add3A_137 : i32 to vector<16xi32>
        %add3A_139 = arith.addi %add3A_138, %iota3A : vector<16xi32>
        %select_n3A_140 = arith.select %unique3A_135, %get3A_132, %add3A_139 : vector<16xi1>, vector<16xi32>
        %gather3A_141 = tpu.vector_load_idx %arg14[%select_n3A_140] : memref<10128xf32, #tpu.memory_space<vmem>>[vector<16xi32>], vector<16xf32>,
        %convert_element_type3A_142 = arith.sitofp %unique3A_136 : vector<16xi32> to vector<16xf32>
        %add3A_143 = arith.addf %gather3A_141, %convert_element_type3A_142 : vector<16xf32>
        tpu.vector_store_idx %arg14[%select_n3A_140], %add3A_143 : memref<10128xf32, #tpu.memory_space<vmem>>[vector<16xi32>], vector<16xf32>,
        %get3A_144 = arith.constant 64 : index
        %get3A_145 = tpu.vector_load %arg10[%get3A_144] {strides = array<i32>} : memref<128xi32, #tpu.memory_space<vmem>>, vector<16xi32>,
        %broadcast_in_dim3A_146 = arith.constant true
        %broadcast_in_dim3A_147 = vector.broadcast %broadcast_in_dim3A_146 : i1 to vector<16xi1>
        %unique3A_148, %unique3A_149 = tpu.scan_count mask(%broadcast_in_dim3A_147 : vector<16xi1>) value(%get3A_145 : vector<16xi32>) : vector<16xi1>, vector<16xi32>
        %add3A_150 = arith.constant 10112 : i32
        %add3A_151 = vector.broadcast %add3A_150 : i32 to vector<16xi32>
        %add3A_152 = arith.addi %add3A_151, %iota3A : vector<16xi32>
        %select_n3A_153 = arith.select %unique3A_148, %get3A_145, %add3A_152 : vector<16xi1>, vector<16xi32>
        %gather3A_154 = tpu.vector_load_idx %arg14[%select_n3A_153] : memref<10128xf32, #tpu.memory_space<vmem>>[vector<16xi32>], vector<16xf32>,
        %convert_element_type3A_155 = arith.sitofp %unique3A_149 : vector<16xi32> to vector<16xf32>
        %add3A_156 = arith.addf %gather3A_154, %convert_element_type3A_155 : vector<16xf32>
        tpu.vector_store_idx %arg14[%select_n3A_153], %add3A_156 : memref<10128xf32, #tpu.memory_space<vmem>>[vector<16xi32>], vector<16xf32>,
        %get3A_157 = arith.constant 80 : index
        %get3A_158 = tpu.vector_load %arg10[%get3A_157] {strides = array<i32>} : memref<128xi32, #tpu.memory_space<vmem>>, vector<16xi32>,
        %broadcast_in_dim3A_159 = arith.constant true
        %broadcast_in_dim3A_160 = vector.broadcast %broadcast_in_dim3A_159 : i1 to vector<16xi1>
        %unique3A_161, %unique3A_162 = tpu.scan_count mask(%broadcast_in_dim3A_160 : vector<16xi1>) value(%get3A_158 : vector<16xi32>) : vector<16xi1>, vector<16xi32>
        %add3A_163 = arith.constant 10112 : i32
        %add3A_164 = vector.broadcast %add3A_163 : i32 to vector<16xi32>
        %add3A_165 = arith.addi %add3A_164, %iota3A : vector<16xi32>
        %select_n3A_166 = arith.select %unique3A_161, %get3A_158, %add3A_165 : vector<16xi1>, vector<16xi32>
        %gather3A_167 = tpu.vector_load_idx %arg14[%select_n3A_166] : memref<10128xf32, #tpu.memory_space<vmem>>[vector<16xi32>], vector<16xf32>,
        %convert_element_type3A_168 = arith.sitofp %unique3A_162 : vector<16xi32> to vector<16xf32>
        %add3A_169 = arith.addf %gather3A_167, %convert_element_type3A_168 : vector<16xf32>
        tpu.vector_store_idx %arg14[%select_n3A_166], %add3A_169 : memref<10128xf32, #tpu.memory_space<vmem>>[vector<16xi32>], vector<16xf32>,
        %get3A_170 = arith.constant 96 : index
        %get3A_171 = tpu.vector_load %arg10[%get3A_170] {strides = array<i32>} : memref<128xi32, #tpu.memory_space<vmem>>, vector<16xi32>,
        %broadcast_in_dim3A_172 = arith.constant true
        %broadcast_in_dim3A_173 = vector.broadcast %broadcast_in_dim3A_172 : i1 to vector<16xi1>
        %unique3A_174, %unique3A_175 = tpu.scan_count mask(%broadcast_in_dim3A_173 : vector<16xi1>) value(%get3A_171 : vector<16xi32>) : vector<16xi1>, vector<16xi32>
        %add3A_176 = arith.constant 10112 : i32
        %add3A_177 = vector.broadcast %add3A_176 : i32 to vector<16xi32>
        %add3A_178 = arith.addi %add3A_177, %iota3A : vector<16xi32>
        %select_n3A_179 = arith.select %unique3A_174, %get3A_171, %add3A_178 : vector<16xi1>, vector<16xi32>
        %gather3A_180 = tpu.vector_load_idx %arg14[%select_n3A_179] : memref<10128xf32, #tpu.memory_space<vmem>>[vector<16xi32>], vector<16xf32>,
        %convert_element_type3A_181 = arith.sitofp %unique3A_175 : vector<16xi32> to vector<16xf32>
        %add3A_182 = arith.addf %gather3A_180, %convert_element_type3A_181 : vector<16xf32>
        tpu.vector_store_idx %arg14[%select_n3A_179], %add3A_182 : memref<10128xf32, #tpu.memory_space<vmem>>[vector<16xi32>], vector<16xf32>,
        %get3A_183 = arith.constant 112 : index
        %get3A_184 = tpu.vector_load %arg10[%get3A_183] {strides = array<i32>} : memref<128xi32, #tpu.memory_space<vmem>>, vector<16xi32>,
        %broadcast_in_dim3A_185 = arith.constant true
        %broadcast_in_dim3A_186 = vector.broadcast %broadcast_in_dim3A_185 : i1 to vector<16xi1>
        %unique3A_187, %unique3A_188 = tpu.scan_count mask(%broadcast_in_dim3A_186 : vector<16xi1>) value(%get3A_184 : vector<16xi32>) : vector<16xi1>, vector<16xi32>
        %add3A_189 = arith.constant 10112 : i32
        %add3A_190 = vector.broadcast %add3A_189 : i32 to vector<16xi32>
        %add3A_191 = arith.addi %add3A_190, %iota3A : vector<16xi32>
        %select_n3A_192 = arith.select %unique3A_187, %get3A_184, %add3A_191 : vector<16xi1>, vector<16xi32>
        %gather3A_193 = tpu.vector_load_idx %arg14[%select_n3A_192] : memref<10128xf32, #tpu.memory_space<vmem>>[vector<16xi32>], vector<16xf32>,
        %convert_element_type3A_194 = arith.sitofp %unique3A_188 : vector<16xi32> to vector<16xf32>
        %add3A_195 = arith.addf %gather3A_193, %convert_element_type3A_194 : vector<16xf32>
        tpu.vector_store_idx %arg14[%select_n3A_192], %add3A_195 : memref<10128xf32, #tpu.memory_space<vmem>>[vector<16xi32>], vector<16xf32>,
        %lt3A_196 = arith.constant 80 : i32
        %lt3A_197 = arith.cmpi slt, %add3A_80, %lt3A_196 : i32
        %convert_element_type3A_198 = arith.extui %lt3A_197 : i1 to i32
        %cond3A_199 = arith.constant 0 : i32
        %cond3A_200 = arith.cmpi ne, %convert_element_type3A_198, %cond3A_199 : i32
        scf.if %cond3A_200 {
          %dma_wait3A_201 = arith.constant 0 : i32
          %dma_wait3A_202 = arith.constant 0 : i32
          %dma_wait3A_203 = tpu.memref_slice %arg23[%dma_wait3A_201, %dma_wait3A_202] : memref<10112x128xf32, #tpu.memory_space<vmem_shared>> -> memref<10112x128xf32, #tpu.memory_space<vmem_shared>>
          tpu.wait_indirect_dma semaphore(%arg17 : memref<!tpu.dma_semaphore, #tpu.memory_space<semaphore_mem>>) src(%arg12 : memref<128x128xf32, #tpu.memory_space<vmem>>) dst(%dma_wait3A_203 : memref<10112x128xf32, #tpu.memory_space<vmem_shared>>)
          %dma_start3A_204 = arith.constant 0 : i32
          %dma_start3A_205 = tpu.memref_slice %arg4[%add3A, %add3A_80, %dma_start3A_204] : memref<32x80x128xi32, #tpu.memory_space<hbm>> -> memref<1x1x128xi32, #tpu.memory_space<hbm>>
          %dma_start3A_206 = tpu.memref_squeeze %dma_start3A_205 : memref<1x1x128xi32, #tpu.memory_space<hbm>> -> memref<128xi32, #tpu.memory_space<hbm>>
          %dma_start3A_207 = arith.constant 0 : i32
          %dma_start3A_208 = tpu.memref_slice %arg4[%add3A, %add3A_80, %dma_start3A_207] : memref<32x80x128xi32, #tpu.memory_space<hbm>> -> memref<1x1x128xi32, #tpu.memory_space<hbm>>
          %dma_start3A_209 = tpu.memref_squeeze %dma_start3A_208 : memref<1x1x128xi32, #tpu.memory_space<hbm>> -> memref<128xi32, #tpu.memory_space<hbm>>
          tpu.enqueue_dma source(%dma_start3A_209 : memref<128xi32, #tpu.memory_space<hbm>>) target(%arg10 : memref<128xi32, #tpu.memory_space<vmem>>) target_semaphore(%arg21 : memref<!tpu.dma_semaphore, #tpu.memory_space<semaphore_mem>>)
          %dma_wait3A_210 = arith.constant 0 : i32
          %dma_wait3A_211 = arith.constant 0 : i32
          %dma_wait3A_212 = arith.constant 0 : i32
          %dma_wait3A_213 = tpu.memref_slice %arg3[%dma_wait3A_210, %add3A, %dma_wait3A_211, %dma_wait3A_212] : memref<2x32x80x128xi32, #tpu.memory_space<hbm>> -> memref<1x1x1x128xi32, #tpu.memory_space<hbm>>
          %dma_wait3A_214 = tpu.memref_squeeze %dma_wait3A_213 : memref<1x1x1x128xi32, #tpu.memory_space<hbm>> -> memref<128xi32, #tpu.memory_space<hbm>>
          %dma_wait3A_215 = arith.constant 0 : i32
          %dma_wait3A_216 = tpu.memref_slice %arg3[%dma_wait3A_210, %add3A, %dma_wait3A_211, %dma_wait3A_215] : memref<2x32x80x128xi32, #tpu.memory_space<hbm>> -> memref<1x1x1x128xi32, #tpu.memory_space<hbm>>
          %dma_wait3A_217 = tpu.memref_squeeze %dma_wait3A_216 : memref<1x1x1x128xi32, #tpu.memory_space<hbm>> -> memref<128xi32, #tpu.memory_space<hbm>>
          tpu.wait_dma2 semaphore(%arg19 : memref<!tpu.dma_semaphore, #tpu.memory_space<semaphore_mem>>) src(%dma_wait3A_217 : memref<128xi32, #tpu.memory_space<hbm>>) dst(%arg8 : memref<128xi32, #tpu.memory_space<vmem>>)
          %dma_start3A_218 = arith.constant 0 : i32
          %dma_start3A_219 = arith.constant 0 : i32
          %dma_start3A_220 = tpu.memref_slice %arg2[%dma_start3A_218, %dma_start3A_219] : memref<20000x128xf32, #tpu.memory_space<hbm>> -> memref<20000x128xf32, #tpu.memory_space<hbm>>
          tpu.enqueue_indirect_dma source(%dma_start3A_220 : memref<20000x128xf32, #tpu.memory_space<hbm>>) target(%arg12 : memref<128x128xf32, #tpu.memory_space<vmem>>) offsets(%arg8 : memref<128xi32, #tpu.memory_space<vmem>>) semaphore(%arg15 : memref<!tpu.dma_semaphore, #tpu.memory_space<semaphore_mem>>)
        } else {
        }
      } else {
      }
      %mul3A_70 = arith.constant 2 : i32
      %mul3A_71 = arith.muli %scan3A_63, %mul3A_70 : i32
      %add3A_72 = arith.constant 1 : i32
      %add3A_73 = arith.addi %mul3A_71, %add3A_72 : i32
      %lt3A_74 = arith.constant 80 : i32
      %lt3A_75 = arith.cmpi slt, %add3A_73, %lt3A_74 : i32
      %convert_element_type3A_76 = arith.extui %lt3A_75 : i1 to i32
      %cond3A_77 = arith.constant 0 : i32
      %cond3A_78 = arith.cmpi ne, %convert_element_type3A_76, %cond3A_77 : i32
      scf.if %cond3A_78 {
        %add3A_79 = arith.constant 2 : i32
        %add3A_80 = arith.addi %add3A_73, %add3A_79 : i32
        %dma_wait3A_81 = arith.constant 0 : i32
        %dma_wait3A_82 = arith.constant 0 : i32
        %dma_wait3A_83 = tpu.memref_slice %arg2[%dma_wait3A_81, %dma_wait3A_82] : memref<20000x128xf32, #tpu.memory_space<hbm>> -> memref<20000x128xf32, #tpu.memory_space<hbm>>
        tpu.wait_indirect_dma semaphore(%arg16 : memref<!tpu.dma_semaphore, #tpu.memory_space<semaphore_mem>>) src(%dma_wait3A_83 : memref<20000x128xf32, #tpu.memory_space<hbm>>) dst(%arg13 : memref<128x128xf32, #tpu.memory_space<vmem>>)
        %lt3A_84 = arith.constant 80 : i32
        %lt3A_85 = arith.cmpi slt, %add3A_80, %lt3A_84 : i32
        %convert_element_type3A_86 = arith.extui %lt3A_85 : i1 to i32
        %cond3A_87 = arith.constant 0 : i32
        %cond3A_88 = arith.cmpi ne, %convert_element_type3A_86, %cond3A_87 : i32
        scf.if %cond3A_88 {
          %dma_start3A_201 = arith.constant 0 : i32
          %dma_start3A_202 = arith.constant 0 : i32
          %dma_start3A_203 = tpu.memref_slice %arg3[%dma_start3A_201, %add3A, %add3A_80, %dma_start3A_202] : memref<2x32x80x128xi32, #tpu.memory_space<hbm>> -> memref<1x1x1x128xi32, #tpu.memory_space<hbm>>
          %dma_start3A_204 = tpu.memref_squeeze %dma_start3A_203 : memref<1x1x1x128xi32, #tpu.memory_space<hbm>> -> memref<128xi32, #tpu.memory_space<hbm>>
          %dma_start3A_205 = arith.constant 0 : i32
          %dma_start3A_206 = tpu.memref_slice %arg3[%dma_start3A_201, %add3A, %add3A_80, %dma_start3A_205] : memref<2x32x80x128xi32, #tpu.memory_space<hbm>> -> memref<1x1x1x128xi32, #tpu.memory_space<hbm>>
          %dma_start3A_207 = tpu.memref_squeeze %dma_start3A_206 : memref<1x1x1x128xi32, #tpu.memory_space<hbm>> -> memref<128xi32, #tpu.memory_space<hbm>>
          tpu.enqueue_dma source(%dma_start3A_207 : memref<128xi32, #tpu.memory_space<hbm>>) target(%arg9 : memref<128xi32, #tpu.memory_space<vmem>>) target_semaphore(%arg20 : memref<!tpu.dma_semaphore, #tpu.memory_space<semaphore_mem>>)
        } else {
        }
        %ge3A = arith.constant 2 : i32
        %ge3A_89 = arith.cmpi sge, %add3A_73, %ge3A : i32
        %convert_element_type3A_90 = arith.extui %ge3A_89 : i1 to i32
        %cond3A_91 = arith.constant 0 : i32
        %cond3A_92 = arith.cmpi ne, %convert_element_type3A_90, %cond3A_91 : i32
        scf.if %cond3A_92 {
          %dma_wait3A_201 = arith.constant 0 : i32
          %dma_wait3A_202 = arith.constant 0 : i32
          %dma_wait3A_203 = tpu.memref_slice %arg4[%add3A, %dma_wait3A_201, %dma_wait3A_202] : memref<32x80x128xi32, #tpu.memory_space<hbm>> -> memref<1x1x128xi32, #tpu.memory_space<hbm>>
          %dma_wait3A_204 = tpu.memref_squeeze %dma_wait3A_203 : memref<1x1x128xi32, #tpu.memory_space<hbm>> -> memref<128xi32, #tpu.memory_space<hbm>>
          %dma_wait3A_205 = arith.constant 0 : i32
          %dma_wait3A_206 = tpu.memref_slice %arg4[%add3A, %dma_wait3A_201, %dma_wait3A_205] : memref<32x80x128xi32, #tpu.memory_space<hbm>> -> memref<1x1x128xi32, #tpu.memory_space<hbm>>
          %dma_wait3A_207 = tpu.memref_squeeze %dma_wait3A_206 : memref<1x1x128xi32, #tpu.memory_space<hbm>> -> memref<128xi32, #tpu.memory_space<hbm>>
          tpu.wait_dma2 semaphore(%arg22 : memref<!tpu.dma_semaphore, #tpu.memory_space<semaphore_mem>>) src(%dma_wait3A_207 : memref<128xi32, #tpu.memory_space<hbm>>) dst(%arg11 : memref<128xi32, #tpu.memory_space<vmem>>)
        } else {
        }
        %dma_start3A_93 = arith.constant 0 : i32
        %dma_start3A_94 = arith.constant 0 : i32
        %dma_start3A_95 = tpu.memref_slice %arg23[%dma_start3A_93, %dma_start3A_94] : memref<10112x128xf32, #tpu.memory_space<vmem_shared>> -> memref<10112x128xf32, #tpu.memory_space<vmem_shared>>
        tpu.enqueue_indirect_dma source(%arg13 : memref<128x128xf32, #tpu.memory_space<vmem>>) target(%dma_start3A_95 : memref<10112x128xf32, #tpu.memory_space<vmem_shared>>) offsets(%arg11 : memref<128xi32, #tpu.memory_space<vmem>>) semaphore(%arg18 : memref<!tpu.dma_semaphore, #tpu.memory_space<semaphore_mem>>) {add = true}
        %get3A = arith.constant 0 : index
        %get3A_96 = tpu.vector_load %arg11[%get3A] {strides = array<i32>} : memref<128xi32, #tpu.memory_space<vmem>>, vector<16xi32>,
        %broadcast_in_dim3A_97 = arith.constant true
        %broadcast_in_dim3A_98 = vector.broadcast %broadcast_in_dim3A_97 : i1 to vector<16xi1>
        %unique3A, %unique3A_99 = tpu.scan_count mask(%broadcast_in_dim3A_98 : vector<16xi1>) value(%get3A_96 : vector<16xi32>) : vector<16xi1>, vector<16xi32>
        %add3A_100 = arith.constant 10112 : i32
        %add3A_101 = vector.broadcast %add3A_100 : i32 to vector<16xi32>
        %add3A_102 = arith.addi %add3A_101, %iota3A : vector<16xi32>
        %select_n3A = arith.select %unique3A, %get3A_96, %add3A_102 : vector<16xi1>, vector<16xi32>
        %gather3A = tpu.vector_load_idx %arg14[%select_n3A] : memref<10128xf32, #tpu.memory_space<vmem>>[vector<16xi32>], vector<16xf32>,
        %convert_element_type3A_103 = arith.sitofp %unique3A_99 : vector<16xi32> to vector<16xf32>
        %add3A_104 = arith.addf %gather3A, %convert_element_type3A_103 : vector<16xf32>
        tpu.vector_store_idx %arg14[%select_n3A], %add3A_104 : memref<10128xf32, #tpu.memory_space<vmem>>[vector<16xi32>], vector<16xf32>,
        %get3A_105 = arith.constant 16 : index
        %get3A_106 = tpu.vector_load %arg11[%get3A_105] {strides = array<i32>} : memref<128xi32, #tpu.memory_space<vmem>>, vector<16xi32>,
        %broadcast_in_dim3A_107 = arith.constant true
        %broadcast_in_dim3A_108 = vector.broadcast %broadcast_in_dim3A_107 : i1 to vector<16xi1>
        %unique3A_109, %unique3A_110 = tpu.scan_count mask(%broadcast_in_dim3A_108 : vector<16xi1>) value(%get3A_106 : vector<16xi32>) : vector<16xi1>, vector<16xi32>
        %add3A_111 = arith.constant 10112 : i32
        %add3A_112 = vector.broadcast %add3A_111 : i32 to vector<16xi32>
        %add3A_113 = arith.addi %add3A_112, %iota3A : vector<16xi32>
        %select_n3A_114 = arith.select %unique3A_109, %get3A_106, %add3A_113 : vector<16xi1>, vector<16xi32>
        %gather3A_115 = tpu.vector_load_idx %arg14[%select_n3A_114] : memref<10128xf32, #tpu.memory_space<vmem>>[vector<16xi32>], vector<16xf32>,
        %convert_element_type3A_116 = arith.sitofp %unique3A_110 : vector<16xi32> to vector<16xf32>
        %add3A_117 = arith.addf %gather3A_115, %convert_element_type3A_116 : vector<16xf32>
        tpu.vector_store_idx %arg14[%select_n3A_114], %add3A_117 : memref<10128xf32, #tpu.memory_space<vmem>>[vector<16xi32>], vector<16xf32>,
        %get3A_118 = arith.constant 32 : index
        %get3A_119 = tpu.vector_load %arg11[%get3A_118] {strides = array<i32>} : memref<128xi32, #tpu.memory_space<vmem>>, vector<16xi32>,
        %broadcast_in_dim3A_120 = arith.constant true
        %broadcast_in_dim3A_121 = vector.broadcast %broadcast_in_dim3A_120 : i1 to vector<16xi1>
        %unique3A_122, %unique3A_123 = tpu.scan_count mask(%broadcast_in_dim3A_121 : vector<16xi1>) value(%get3A_119 : vector<16xi32>) : vector<16xi1>, vector<16xi32>
        %add3A_124 = arith.constant 10112 : i32
        %add3A_125 = vector.broadcast %add3A_124 : i32 to vector<16xi32>
        %add3A_126 = arith.addi %add3A_125, %iota3A : vector<16xi32>
        %select_n3A_127 = arith.select %unique3A_122, %get3A_119, %add3A_126 : vector<16xi1>, vector<16xi32>
        %gather3A_128 = tpu.vector_load_idx %arg14[%select_n3A_127] : memref<10128xf32, #tpu.memory_space<vmem>>[vector<16xi32>], vector<16xf32>,
        %convert_element_type3A_129 = arith.sitofp %unique3A_123 : vector<16xi32> to vector<16xf32>
        %add3A_130 = arith.addf %gather3A_128, %convert_element_type3A_129 : vector<16xf32>
        tpu.vector_store_idx %arg14[%select_n3A_127], %add3A_130 : memref<10128xf32, #tpu.memory_space<vmem>>[vector<16xi32>], vector<16xf32>,
        %get3A_131 = arith.constant 48 : index
        %get3A_132 = tpu.vector_load %arg11[%get3A_131] {strides = array<i32>} : memref<128xi32, #tpu.memory_space<vmem>>, vector<16xi32>,
        %broadcast_in_dim3A_133 = arith.constant true
        %broadcast_in_dim3A_134 = vector.broadcast %broadcast_in_dim3A_133 : i1 to vector<16xi1>
        %unique3A_135, %unique3A_136 = tpu.scan_count mask(%broadcast_in_dim3A_134 : vector<16xi1>) value(%get3A_132 : vector<16xi32>) : vector<16xi1>, vector<16xi32>
        %add3A_137 = arith.constant 10112 : i32
        %add3A_138 = vector.broadcast %add3A_137 : i32 to vector<16xi32>
        %add3A_139 = arith.addi %add3A_138, %iota3A : vector<16xi32>
        %select_n3A_140 = arith.select %unique3A_135, %get3A_132, %add3A_139 : vector<16xi1>, vector<16xi32>
        %gather3A_141 = tpu.vector_load_idx %arg14[%select_n3A_140] : memref<10128xf32, #tpu.memory_space<vmem>>[vector<16xi32>], vector<16xf32>,
        %convert_element_type3A_142 = arith.sitofp %unique3A_136 : vector<16xi32> to vector<16xf32>
        %add3A_143 = arith.addf %gather3A_141, %convert_element_type3A_142 : vector<16xf32>
        tpu.vector_store_idx %arg14[%select_n3A_140], %add3A_143 : memref<10128xf32, #tpu.memory_space<vmem>>[vector<16xi32>], vector<16xf32>,
        %get3A_144 = arith.constant 64 : index
        %get3A_145 = tpu.vector_load %arg11[%get3A_144] {strides = array<i32>} : memref<128xi32, #tpu.memory_space<vmem>>, vector<16xi32>,
        %broadcast_in_dim3A_146 = arith.constant true
        %broadcast_in_dim3A_147 = vector.broadcast %broadcast_in_dim3A_146 : i1 to vector<16xi1>
        %unique3A_148, %unique3A_149 = tpu.scan_count mask(%broadcast_in_dim3A_147 : vector<16xi1>) value(%get3A_145 : vector<16xi32>) : vector<16xi1>, vector<16xi32>
        %add3A_150 = arith.constant 10112 : i32
        %add3A_151 = vector.broadcast %add3A_150 : i32 to vector<16xi32>
        %add3A_152 = arith.addi %add3A_151, %iota3A : vector<16xi32>
        %select_n3A_153 = arith.select %unique3A_148, %get3A_145, %add3A_152 : vector<16xi1>, vector<16xi32>
        %gather3A_154 = tpu.vector_load_idx %arg14[%select_n3A_153] : memref<10128xf32, #tpu.memory_space<vmem>>[vector<16xi32>], vector<16xf32>,
        %convert_element_type3A_155 = arith.sitofp %unique3A_149 : vector<16xi32> to vector<16xf32>
        %add3A_156 = arith.addf %gather3A_154, %convert_element_type3A_155 : vector<16xf32>
        tpu.vector_store_idx %arg14[%select_n3A_153], %add3A_156 : memref<10128xf32, #tpu.memory_space<vmem>>[vector<16xi32>], vector<16xf32>,
        %get3A_157 = arith.constant 80 : index
        %get3A_158 = tpu.vector_load %arg11[%get3A_157] {strides = array<i32>} : memref<128xi32, #tpu.memory_space<vmem>>, vector<16xi32>,
        %broadcast_in_dim3A_159 = arith.constant true
        %broadcast_in_dim3A_160 = vector.broadcast %broadcast_in_dim3A_159 : i1 to vector<16xi1>
        %unique3A_161, %unique3A_162 = tpu.scan_count mask(%broadcast_in_dim3A_160 : vector<16xi1>) value(%get3A_158 : vector<16xi32>) : vector<16xi1>, vector<16xi32>
        %add3A_163 = arith.constant 10112 : i32
        %add3A_164 = vector.broadcast %add3A_163 : i32 to vector<16xi32>
        %add3A_165 = arith.addi %add3A_164, %iota3A : vector<16xi32>
        %select_n3A_166 = arith.select %unique3A_161, %get3A_158, %add3A_165 : vector<16xi1>, vector<16xi32>
        %gather3A_167 = tpu.vector_load_idx %arg14[%select_n3A_166] : memref<10128xf32, #tpu.memory_space<vmem>>[vector<16xi32>], vector<16xf32>,
        %convert_element_type3A_168 = arith.sitofp %unique3A_162 : vector<16xi32> to vector<16xf32>
        %add3A_169 = arith.addf %gather3A_167, %convert_element_type3A_168 : vector<16xf32>
        tpu.vector_store_idx %arg14[%select_n3A_166], %add3A_169 : memref<10128xf32, #tpu.memory_space<vmem>>[vector<16xi32>], vector<16xf32>,
        %get3A_170 = arith.constant 96 : index
        %get3A_171 = tpu.vector_load %arg11[%get3A_170] {strides = array<i32>} : memref<128xi32, #tpu.memory_space<vmem>>, vector<16xi32>,
        %broadcast_in_dim3A_172 = arith.constant true
        %broadcast_in_dim3A_173 = vector.broadcast %broadcast_in_dim3A_172 : i1 to vector<16xi1>
        %unique3A_174, %unique3A_175 = tpu.scan_count mask(%broadcast_in_dim3A_173 : vector<16xi1>) value(%get3A_171 : vector<16xi32>) : vector<16xi1>, vector<16xi32>
        %add3A_176 = arith.constant 10112 : i32
        %add3A_177 = vector.broadcast %add3A_176 : i32 to vector<16xi32>
        %add3A_178 = arith.addi %add3A_177, %iota3A : vector<16xi32>
        %select_n3A_179 = arith.select %unique3A_174, %get3A_171, %add3A_178 : vector<16xi1>, vector<16xi32>
        %gather3A_180 = tpu.vector_load_idx %arg14[%select_n3A_179] : memref<10128xf32, #tpu.memory_space<vmem>>[vector<16xi32>], vector<16xf32>,
        %convert_element_type3A_181 = arith.sitofp %unique3A_175 : vector<16xi32> to vector<16xf32>
        %add3A_182 = arith.addf %gather3A_180, %convert_element_type3A_181 : vector<16xf32>
        tpu.vector_store_idx %arg14[%select_n3A_179], %add3A_182 : memref<10128xf32, #tpu.memory_space<vmem>>[vector<16xi32>], vector<16xf32>,
        %get3A_183 = arith.constant 112 : index
        %get3A_184 = tpu.vector_load %arg11[%get3A_183] {strides = array<i32>} : memref<128xi32, #tpu.memory_space<vmem>>, vector<16xi32>,
        %broadcast_in_dim3A_185 = arith.constant true
        %broadcast_in_dim3A_186 = vector.broadcast %broadcast_in_dim3A_185 : i1 to vector<16xi1>
        %unique3A_187, %unique3A_188 = tpu.scan_count mask(%broadcast_in_dim3A_186 : vector<16xi1>) value(%get3A_184 : vector<16xi32>) : vector<16xi1>, vector<16xi32>
        %add3A_189 = arith.constant 10112 : i32
        %add3A_190 = vector.broadcast %add3A_189 : i32 to vector<16xi32>
        %add3A_191 = arith.addi %add3A_190, %iota3A : vector<16xi32>
        %select_n3A_192 = arith.select %unique3A_187, %get3A_184, %add3A_191 : vector<16xi1>, vector<16xi32>
        %gather3A_193 = tpu.vector_load_idx %arg14[%select_n3A_192] : memref<10128xf32, #tpu.memory_space<vmem>>[vector<16xi32>], vector<16xf32>,
        %convert_element_type3A_194 = arith.sitofp %unique3A_188 : vector<16xi32> to vector<16xf32>
        %add3A_195 = arith.addf %gather3A_193, %convert_element_type3A_194 : vector<16xf32>
        tpu.vector_store_idx %arg14[%select_n3A_192], %add3A_195 : memref<10128xf32, #tpu.memory_space<vmem>>[vector<16xi32>], vector<16xf32>,
        %lt3A_196 = arith.constant 80 : i32
        %lt3A_197 = arith.cmpi slt, %add3A_80, %lt3A_196 : i32
        %convert_element_type3A_198 = arith.extui %lt3A_197 : i1 to i32
        %cond3A_199 = arith.constant 0 : i32
        %cond3A_200 = arith.cmpi ne, %convert_element_type3A_198, %cond3A_199 : i32
        scf.if %cond3A_200 {
          %dma_wait3A_201 = arith.constant 0 : i32
          %dma_wait3A_202 = arith.constant 0 : i32
          %dma_wait3A_203 = tpu.memref_slice %arg23[%dma_wait3A_201, %dma_wait3A_202] : memref<10112x128xf32, #tpu.memory_space<vmem_shared>> -> memref<10112x128xf32, #tpu.memory_space<vmem_shared>>
          tpu.wait_indirect_dma semaphore(%arg18 : memref<!tpu.dma_semaphore, #tpu.memory_space<semaphore_mem>>) src(%arg13 : memref<128x128xf32, #tpu.memory_space<vmem>>) dst(%dma_wait3A_203 : memref<10112x128xf32, #tpu.memory_space<vmem_shared>>)
          %dma_start3A_204 = arith.constant 0 : i32
          %dma_start3A_205 = tpu.memref_slice %arg4[%add3A, %add3A_80, %dma_start3A_204] : memref<32x80x128xi32, #tpu.memory_space<hbm>> -> memref<1x1x128xi32, #tpu.memory_space<hbm>>
          %dma_start3A_206 = tpu.memref_squeeze %dma_start3A_205 : memref<1x1x128xi32, #tpu.memory_space<hbm>> -> memref<128xi32, #tpu.memory_space<hbm>>
          %dma_start3A_207 = arith.constant 0 : i32
          %dma_start3A_208 = tpu.memref_slice %arg4[%add3A, %add3A_80, %dma_start3A_207] : memref<32x80x128xi32, #tpu.memory_space<hbm>> -> memref<1x1x128xi32, #tpu.memory_space<hbm>>
          %dma_start3A_209 = tpu.memref_squeeze %dma_start3A_208 : memref<1x1x128xi32, #tpu.memory_space<hbm>> -> memref<128xi32, #tpu.memory_space<hbm>>
          tpu.enqueue_dma source(%dma_start3A_209 : memref<128xi32, #tpu.memory_space<hbm>>) target(%arg11 : memref<128xi32, #tpu.memory_space<vmem>>) target_semaphore(%arg22 : memref<!tpu.dma_semaphore, #tpu.memory_space<semaphore_mem>>)
          %dma_wait3A_210 = arith.constant 0 : i32
          %dma_wait3A_211 = arith.constant 0 : i32
          %dma_wait3A_212 = arith.constant 0 : i32
          %dma_wait3A_213 = tpu.memref_slice %arg3[%dma_wait3A_210, %add3A, %dma_wait3A_211, %dma_wait3A_212] : memref<2x32x80x128xi32, #tpu.memory_space<hbm>> -> memref<1x1x1x128xi32, #tpu.memory_space<hbm>>
          %dma_wait3A_214 = tpu.memref_squeeze %dma_wait3A_213 : memref<1x1x1x128xi32, #tpu.memory_space<hbm>> -> memref<128xi32, #tpu.memory_space<hbm>>
          %dma_wait3A_215 = arith.constant 0 : i32
          %dma_wait3A_216 = tpu.memref_slice %arg3[%dma_wait3A_210, %add3A, %dma_wait3A_211, %dma_wait3A_215] : memref<2x32x80x128xi32, #tpu.memory_space<hbm>> -> memref<1x1x1x128xi32, #tpu.memory_space<hbm>>
          %dma_wait3A_217 = tpu.memref_squeeze %dma_wait3A_216 : memref<1x1x1x128xi32, #tpu.memory_space<hbm>> -> memref<128xi32, #tpu.memory_space<hbm>>
          tpu.wait_dma2 semaphore(%arg20 : memref<!tpu.dma_semaphore, #tpu.memory_space<semaphore_mem>>) src(%dma_wait3A_217 : memref<128xi32, #tpu.memory_space<hbm>>) dst(%arg9 : memref<128xi32, #tpu.memory_space<vmem>>)
          %dma_start3A_218 = arith.constant 0 : i32
          %dma_start3A_219 = arith.constant 0 : i32
          %dma_start3A_220 = tpu.memref_slice %arg2[%dma_start3A_218, %dma_start3A_219] : memref<20000x128xf32, #tpu.memory_space<hbm>> -> memref<20000x128xf32, #tpu.memory_space<hbm>>
          tpu.enqueue_indirect_dma source(%dma_start3A_220 : memref<20000x128xf32, #tpu.memory_space<hbm>>) target(%arg13 : memref<128x128xf32, #tpu.memory_space<vmem>>) offsets(%arg9 : memref<128xi32, #tpu.memory_space<vmem>>) semaphore(%arg16 : memref<!tpu.dma_semaphore, #tpu.memory_space<semaphore_mem>>)
        } else {
        }
      } else {
      }
    }
    %scan3A_24 = arith.constant 40 : i32
    %dma_wait3A = arith.constant 0 : i32
    %dma_wait3A_25 = arith.constant 0 : i32
    %dma_wait3A_26 = tpu.memref_slice %arg23[%dma_wait3A, %dma_wait3A_25] : memref<10112x128xf32, #tpu.memory_space<vmem_shared>> -> memref<10112x128xf32, #tpu.memory_space<vmem_shared>>
    tpu.wait_indirect_dma semaphore(%arg17 : memref<!tpu.dma_semaphore, #tpu.memory_space<semaphore_mem>>) src(%arg12 : memref<128x128xf32, #tpu.memory_space<vmem>>) dst(%dma_wait3A_26 : memref<10112x128xf32, #tpu.memory_space<vmem_shared>>)
    %dma_wait3A_27 = arith.constant 0 : i32
    %dma_wait3A_28 = arith.constant 0 : i32
    %dma_wait3A_29 = tpu.memref_slice %arg23[%dma_wait3A_27, %dma_wait3A_28] : memref<10112x128xf32, #tpu.memory_space<vmem_shared>> -> memref<10112x128xf32, #tpu.memory_space<vmem_shared>>
    tpu.wait_indirect_dma semaphore(%arg18 : memref<!tpu.dma_semaphore, #tpu.memory_space<semaphore_mem>>) src(%arg13 : memref<128x128xf32, #tpu.memory_space<vmem>>) dst(%dma_wait3A_29 : memref<10112x128xf32, #tpu.memory_space<vmem_shared>>)
    %mul3A_30 = arith.constant 10112 : i32
    %mul3A_31 = arith.muli %add3A, %mul3A_30 : i32
    "tpu.region"() ({
      %run_scoped3A_63 = tpu.sem_alloc : memref<!tpu.dma_semaphore, #tpu.memory_space<semaphore_mem>>
      %dma_start3A_64 = arith.constant 0 : i32
      %dma_start3A_65 = tpu.memref_slice %arg14[%dma_start3A_64] : memref<10128xf32, #tpu.memory_space<vmem>> -> memref<10112xf32, #tpu.memory_space<vmem>>
      %dma_start3A_66 = tpu.memref_slice %arg7[%mul3A_31] : memref<323584xf32, #tpu.memory_space<hbm>> -> memref<10112xf32, #tpu.memory_space<hbm>>
      %dma_start3A_67 = tpu.memref_slice %arg7[%mul3A_31] : memref<323584xf32, #tpu.memory_space<hbm>> -> memref<10112xf32, #tpu.memory_space<hbm>>
      %dma_start3A_68 = arith.constant 0 : i32
      %dma_start3A_69 = tpu.memref_slice %arg14[%dma_start3A_68] : memref<10128xf32, #tpu.memory_space<vmem>> -> memref<10112xf32, #tpu.memory_space<vmem>>
      tpu.enqueue_dma source(%dma_start3A_69 : memref<10112xf32, #tpu.memory_space<vmem>>) target(%dma_start3A_67 : memref<10112xf32, #tpu.memory_space<hbm>>) target_semaphore(%run_scoped3A_63 : memref<!tpu.dma_semaphore, #tpu.memory_space<semaphore_mem>>)
      %dma_wait3A_70 = arith.constant 0 : i32
      %dma_wait3A_71 = tpu.memref_slice %arg14[%dma_wait3A_70] : memref<10128xf32, #tpu.memory_space<vmem>> -> memref<10112xf32, #tpu.memory_space<vmem>>
      %dma_wait3A_72 = tpu.memref_slice %arg7[%mul3A_31] : memref<323584xf32, #tpu.memory_space<hbm>> -> memref<10112xf32, #tpu.memory_space<hbm>>
      %dma_wait3A_73 = tpu.memref_slice %arg7[%mul3A_31] : memref<323584xf32, #tpu.memory_space<hbm>> -> memref<10112xf32, #tpu.memory_space<hbm>>
      %dma_wait3A_74 = arith.constant 0 : i32
      %dma_wait3A_75 = tpu.memref_slice %arg14[%dma_wait3A_74] : memref<10128xf32, #tpu.memory_space<vmem>> -> memref<10112xf32, #tpu.memory_space<vmem>>
      tpu.wait_dma2 semaphore(%run_scoped3A_63 : memref<!tpu.dma_semaphore, #tpu.memory_space<semaphore_mem>>) src(%dma_wait3A_75 : memref<10112xf32, #tpu.memory_space<vmem>>) dst(%dma_wait3A_73 : memref<10112xf32, #tpu.memory_space<hbm>>)
      tpu.yield
    }) : () -> ()
    %barrier3A_32 = arith.constant 0 : index
    tpu.barrier barrier_id(%barrier3A_32)
    %run_scoped3A_33 = arith.constant 0 : i32
    "tpu.region"() ({
      %run_scoped3A_63 = tpu.sem_alloc : memref<!tpu.dma_semaphore, #tpu.memory_space<semaphore_mem>>
      %dma_start3A_64 = arith.constant 0 : i32
      %dma_start3A_65 = tpu.memref_slice %arg6[%arg0, %run_scoped3A_33, %mul3A_2, %dma_start3A_64] : memref<2x2x10112x128xf32, #tpu.memory_space<hbm>> -> memref<1x1x632x128xf32, #tpu.memory_space<hbm>>
      %dma_start3A_66 = tpu.memref_squeeze %dma_start3A_65 : memref<1x1x632x128xf32, #tpu.memory_space<hbm>> -> memref<632x128xf32, #tpu.memory_space<hbm>>
      %dma_start3A_67 = arith.constant 0 : i32
      %dma_start3A_68 = tpu.memref_slice %arg23[%mul3A_2, %dma_start3A_67] : memref<10112x128xf32, #tpu.memory_space<vmem_shared>> -> memref<632x128xf32, #tpu.memory_space<vmem_shared>>
      tpu.enqueue_dma source(%dma_start3A_68 : memref<632x128xf32, #tpu.memory_space<vmem_shared>>) target(%dma_start3A_66 : memref<632x128xf32, #tpu.memory_space<hbm>>) target_semaphore(%run_scoped3A_63 : memref<!tpu.dma_semaphore, #tpu.memory_space<semaphore_mem>>)
      %dma_wait3A_69 = arith.constant 0 : i32
      %dma_wait3A_70 = tpu.memref_slice %arg6[%arg0, %run_scoped3A_33, %mul3A_2, %dma_wait3A_69] : memref<2x2x10112x128xf32, #tpu.memory_space<hbm>> -> memref<1x1x632x128xf32, #tpu.memory_space<hbm>>
      %dma_wait3A_71 = tpu.memref_squeeze %dma_wait3A_70 : memref<1x1x632x128xf32, #tpu.memory_space<hbm>> -> memref<632x128xf32, #tpu.memory_space<hbm>>
      %dma_wait3A_72 = arith.constant 0 : i32
      %dma_wait3A_73 = tpu.memref_slice %arg23[%mul3A_2, %dma_wait3A_72] : memref<10112x128xf32, #tpu.memory_space<vmem_shared>> -> memref<632x128xf32, #tpu.memory_space<vmem_shared>>
      tpu.wait_dma2 semaphore(%run_scoped3A_63 : memref<!tpu.dma_semaphore, #tpu.memory_space<semaphore_mem>>) src(%dma_wait3A_73 : memref<632x128xf32, #tpu.memory_space<vmem_shared>>) dst(%dma_wait3A_71 : memref<632x128xf32, #tpu.memory_space<hbm>>)
      tpu.yield
    }) : () -> ()
    %barrier3A_34 = arith.constant 0 : index
    tpu.barrier barrier_id(%barrier3A_34)
    "tpu.region"() ({
      %run_scoped3A_63 = tpu.sem_alloc : memref<!tpu.dma_semaphore, #tpu.memory_space<semaphore_mem>>
      %dma_start3A_64 = arith.constant 0 : i32
      %dma_start3A_65 = tpu.memref_slice %arg23[%mul3A_2, %dma_start3A_64] : memref<10112x128xf32, #tpu.memory_space<vmem_shared>> -> memref<632x128xf32, #tpu.memory_space<vmem_shared>>
      %dma_start3A_66 = arith.constant 0 : i32
      %dma_start3A_67 = tpu.memref_slice %arg5[%mul3A_2, %dma_start3A_66] : memref<10112x128xf32, #tpu.memory_space<hbm>> -> memref<632x128xf32, #tpu.memory_space<hbm>>
      tpu.enqueue_dma source(%dma_start3A_67 : memref<632x128xf32, #tpu.memory_space<hbm>>) target(%dma_start3A_65 : memref<632x128xf32, #tpu.memory_space<vmem_shared>>) target_semaphore(%run_scoped3A_63 : memref<!tpu.dma_semaphore, #tpu.memory_space<semaphore_mem>>)
      %dma_wait3A_68 = arith.constant 0 : i32
      %dma_wait3A_69 = tpu.memref_slice %arg23[%mul3A_2, %dma_wait3A_68] : memref<10112x128xf32, #tpu.memory_space<vmem_shared>> -> memref<632x128xf32, #tpu.memory_space<vmem_shared>>
      %dma_wait3A_70 = arith.constant 0 : i32
      %dma_wait3A_71 = tpu.memref_slice %arg5[%mul3A_2, %dma_wait3A_70] : memref<10112x128xf32, #tpu.memory_space<hbm>> -> memref<632x128xf32, #tpu.memory_space<hbm>>
      tpu.wait_dma2 semaphore(%run_scoped3A_63 : memref<!tpu.dma_semaphore, #tpu.memory_space<semaphore_mem>>) src(%dma_wait3A_71 : memref<632x128xf32, #tpu.memory_space<hbm>>) dst(%dma_wait3A_69 : memref<632x128xf32, #tpu.memory_space<vmem_shared>>)
      tpu.yield
    }) : () -> ()
    %barrier3A_35 = arith.constant 0 : index
    tpu.barrier barrier_id(%barrier3A_35)
    %run_scoped3A_36 = arith.constant 1 : i32
    %run_scoped3A_37 = arith.constant 0 : i32
    "tpu.region"() ({
      %run_scoped3A_63 = tpu.sem_alloc : memref<!tpu.dma_semaphore, #tpu.memory_space<semaphore_mem>>
      %dma_start3A_64 = arith.constant 0 : i32
      %dma_start3A_65 = tpu.memref_slice %arg3[%run_scoped3A_36, %add3A, %run_scoped3A_37, %dma_start3A_64] : memref<2x32x80x128xi32, #tpu.memory_space<hbm>> -> memref<1x1x1x128xi32, #tpu.memory_space<hbm>>
      %dma_start3A_66 = tpu.memref_squeeze %dma_start3A_65 : memref<1x1x1x128xi32, #tpu.memory_space<hbm>> -> memref<128xi32, #tpu.memory_space<hbm>>
      %dma_start3A_67 = arith.constant 0 : i32
      %dma_start3A_68 = tpu.memref_slice %arg3[%run_scoped3A_36, %add3A, %run_scoped3A_37, %dma_start3A_67] : memref<2x32x80x128xi32, #tpu.memory_space<hbm>> -> memref<1x1x1x128xi32, #tpu.memory_space<hbm>>
      %dma_start3A_69 = tpu.memref_squeeze %dma_start3A_68 : memref<1x1x1x128xi32, #tpu.memory_space<hbm>> -> memref<128xi32, #tpu.memory_space<hbm>>
      tpu.enqueue_dma source(%dma_start3A_69 : memref<128xi32, #tpu.memory_space<hbm>>) target(%arg8 : memref<128xi32, #tpu.memory_space<vmem>>) target_semaphore(%run_scoped3A_63 : memref<!tpu.dma_semaphore, #tpu.memory_space<semaphore_mem>>)
      %dma_wait3A_70 = arith.constant 0 : i32
      %dma_wait3A_71 = tpu.memref_slice %arg3[%run_scoped3A_36, %add3A, %run_scoped3A_37, %dma_wait3A_70] : memref<2x32x80x128xi32, #tpu.memory_space<hbm>> -> memref<1x1x1x128xi32, #tpu.memory_space<hbm>>
      %dma_wait3A_72 = tpu.memref_squeeze %dma_wait3A_71 : memref<1x1x1x128xi32, #tpu.memory_space<hbm>> -> memref<128xi32, #tpu.memory_space<hbm>>
      %dma_wait3A_73 = arith.constant 0 : i32
      %dma_wait3A_74 = tpu.memref_slice %arg3[%run_scoped3A_36, %add3A, %run_scoped3A_37, %dma_wait3A_73] : memref<2x32x80x128xi32, #tpu.memory_space<hbm>> -> memref<1x1x1x128xi32, #tpu.memory_space<hbm>>
      %dma_wait3A_75 = tpu.memref_squeeze %dma_wait3A_74 : memref<1x1x1x128xi32, #tpu.memory_space<hbm>> -> memref<128xi32, #tpu.memory_space<hbm>>
      tpu.wait_dma2 semaphore(%run_scoped3A_63 : memref<!tpu.dma_semaphore, #tpu.memory_space<semaphore_mem>>) src(%dma_wait3A_75 : memref<128xi32, #tpu.memory_space<hbm>>) dst(%arg8 : memref<128xi32, #tpu.memory_space<vmem>>)
      tpu.yield
    }) : () -> ()
    %run_scoped3A_38 = arith.constant 0 : i32
    "tpu.region"() ({
      %run_scoped3A_63 = tpu.sem_alloc : memref<!tpu.dma_semaphore, #tpu.memory_space<semaphore_mem>>
      %dma_start3A_64 = arith.constant 0 : i32
      %dma_start3A_65 = tpu.memref_slice %arg4[%add3A, %run_scoped3A_38, %dma_start3A_64] : memref<32x80x128xi32, #tpu.memory_space<hbm>> -> memref<1x1x128xi32, #tpu.memory_space<hbm>>
      %dma_start3A_66 = tpu.memref_squeeze %dma_start3A_65 : memref<1x1x128xi32, #tpu.memory_space<hbm>> -> memref<128xi32, #tpu.memory_space<hbm>>
      %dma_start3A_67 = arith.constant 0 : i32
      %dma_start3A_68 = tpu.memref_slice %arg4[%add3A, %run_scoped3A_38, %dma_start3A_67] : memref<32x80x128xi32, #tpu.memory_space<hbm>> -> memref<1x1x128xi32, #tpu.memory_space<hbm>>
      %dma_start3A_69 = tpu.memref_squeeze %dma_start3A_68 : memref<1x1x128xi32, #tpu.memory_space<hbm>> -> memref<128xi32, #tpu.memory_space<hbm>>
      tpu.enqueue_dma source(%dma_start3A_69 : memref<128xi32, #tpu.memory_space<hbm>>) target(%arg10 : memref<128xi32, #tpu.memory_space<vmem>>) target_semaphore(%run_scoped3A_63 : memref<!tpu.dma_semaphore, #tpu.memory_space<semaphore_mem>>)
      %dma_wait3A_70 = arith.constant 0 : i32
      %dma_wait3A_71 = tpu.memref_slice %arg4[%add3A, %run_scoped3A_38, %dma_wait3A_70] : memref<32x80x128xi32, #tpu.memory_space<hbm>> -> memref<1x1x128xi32, #tpu.memory_space<hbm>>
      %dma_wait3A_72 = tpu.memref_squeeze %dma_wait3A_71 : memref<1x1x128xi32, #tpu.memory_space<hbm>> -> memref<128xi32, #tpu.memory_space<hbm>>
      %dma_wait3A_73 = arith.constant 0 : i32
      %dma_wait3A_74 = tpu.memref_slice %arg4[%add3A, %run_scoped3A_38, %dma_wait3A_73] : memref<32x80x128xi32, #tpu.memory_space<hbm>> -> memref<1x1x128xi32, #tpu.memory_space<hbm>>
      %dma_wait3A_75 = tpu.memref_squeeze %dma_wait3A_74 : memref<1x1x128xi32, #tpu.memory_space<hbm>> -> memref<128xi32, #tpu.memory_space<hbm>>
      tpu.wait_dma2 semaphore(%run_scoped3A_63 : memref<!tpu.dma_semaphore, #tpu.memory_space<semaphore_mem>>) src(%dma_wait3A_75 : memref<128xi32, #tpu.memory_space<hbm>>) dst(%arg10 : memref<128xi32, #tpu.memory_space<vmem>>)
      tpu.yield
    }) : () -> ()
    %dma_start3A_39 = arith.constant 0 : i32
    %dma_start3A_40 = arith.constant 0 : i32
    %dma_start3A_41 = tpu.memref_slice %arg2[%dma_start3A_39, %dma_start3A_40] : memref<20000x128xf32, #tpu.memory_space<hbm>> -> memref<20000x128xf32, #tpu.memory_space<hbm>>
    tpu.enqueue_indirect_dma source(%dma_start3A_41 : memref<20000x128xf32, #tpu.memory_space<hbm>>) target(%arg12 : memref<128x128xf32, #tpu.memory_space<vmem>>) offsets(%arg8 : memref<128xi32, #tpu.memory_space<vmem>>) semaphore(%arg15 : memref<!tpu.dma_semaphore, #tpu.memory_space<semaphore_mem>>)
    %run_scoped3A_42 = arith.constant 1 : i32
    %run_scoped3A_43 = arith.constant 1 : i32
    "tpu.region"() ({
      %run_scoped3A_63 = tpu.sem_alloc : memref<!tpu.dma_semaphore, #tpu.memory_space<semaphore_mem>>
      %dma_start3A_64 = arith.constant 0 : i32
      %dma_start3A_65 = tpu.memref_slice %arg3[%run_scoped3A_42, %add3A, %run_scoped3A_43, %dma_start3A_64] : memref<2x32x80x128xi32, #tpu.memory_space<hbm>> -> memref<1x1x1x128xi32, #tpu.memory_space<hbm>>
      %dma_start3A_66 = tpu.memref_squeeze %dma_start3A_65 : memref<1x1x1x128xi32, #tpu.memory_space<hbm>> -> memref<128xi32, #tpu.memory_space<hbm>>
      %dma_start3A_67 = arith.constant 0 : i32
      %dma_start3A_68 = tpu.memref_slice %arg3[%run_scoped3A_42, %add3A, %run_scoped3A_43, %dma_start3A_67] : memref<2x32x80x128xi32, #tpu.memory_space<hbm>> -> memref<1x1x1x128xi32, #tpu.memory_space<hbm>>
      %dma_start3A_69 = tpu.memref_squeeze %dma_start3A_68 : memref<1x1x1x128xi32, #tpu.memory_space<hbm>> -> memref<128xi32, #tpu.memory_space<hbm>>
      tpu.enqueue_dma source(%dma_start3A_69 : memref<128xi32, #tpu.memory_space<hbm>>) target(%arg9 : memref<128xi32, #tpu.memory_space<vmem>>) target_semaphore(%run_scoped3A_63 : memref<!tpu.dma_semaphore, #tpu.memory_space<semaphore_mem>>)
      %dma_wait3A_70 = arith.constant 0 : i32
      %dma_wait3A_71 = tpu.memref_slice %arg3[%run_scoped3A_42, %add3A, %run_scoped3A_43, %dma_wait3A_70] : memref<2x32x80x128xi32, #tpu.memory_space<hbm>> -> memref<1x1x1x128xi32, #tpu.memory_space<hbm>>
      %dma_wait3A_72 = tpu.memref_squeeze %dma_wait3A_71 : memref<1x1x1x128xi32, #tpu.memory_space<hbm>> -> memref<128xi32, #tpu.memory_space<hbm>>
      %dma_wait3A_73 = arith.constant 0 : i32
      %dma_wait3A_74 = tpu.memref_slice %arg3[%run_scoped3A_42, %add3A, %run_scoped3A_43, %dma_wait3A_73] : memref<2x32x80x128xi32, #tpu.memory_space<hbm>> -> memref<1x1x1x128xi32, #tpu.memory_space<hbm>>
      %dma_wait3A_75 = tpu.memref_squeeze %dma_wait3A_74 : memref<1x1x1x128xi32, #tpu.memory_space<hbm>> -> memref<128xi32, #tpu.memory_space<hbm>>
      tpu.wait_dma2 semaphore(%run_scoped3A_63 : memref<!tpu.dma_semaphore, #tpu.memory_space<semaphore_mem>>) src(%dma_wait3A_75 : memref<128xi32, #tpu.memory_space<hbm>>) dst(%arg9 : memref<128xi32, #tpu.memory_space<vmem>>)
      tpu.yield
    }) : () -> ()
    %run_scoped3A_44 = arith.constant 1 : i32
    "tpu.region"() ({
      %run_scoped3A_63 = tpu.sem_alloc : memref<!tpu.dma_semaphore, #tpu.memory_space<semaphore_mem>>
      %dma_start3A_64 = arith.constant 0 : i32
      %dma_start3A_65 = tpu.memref_slice %arg4[%add3A, %run_scoped3A_44, %dma_start3A_64] : memref<32x80x128xi32, #tpu.memory_space<hbm>> -> memref<1x1x128xi32, #tpu.memory_space<hbm>>
      %dma_start3A_66 = tpu.memref_squeeze %dma_start3A_65 : memref<1x1x128xi32, #tpu.memory_space<hbm>> -> memref<128xi32, #tpu.memory_space<hbm>>
      %dma_start3A_67 = arith.constant 0 : i32
      %dma_start3A_68 = tpu.memref_slice %arg4[%add3A, %run_scoped3A_44, %dma_start3A_67] : memref<32x80x128xi32, #tpu.memory_space<hbm>> -> memref<1x1x128xi32, #tpu.memory_space<hbm>>
      %dma_start3A_69 = tpu.memref_squeeze %dma_start3A_68 : memref<1x1x128xi32, #tpu.memory_space<hbm>> -> memref<128xi32, #tpu.memory_space<hbm>>
      tpu.enqueue_dma source(%dma_start3A_69 : memref<128xi32, #tpu.memory_space<hbm>>) target(%arg11 : memref<128xi32, #tpu.memory_space<vmem>>) target_semaphore(%run_scoped3A_63 : memref<!tpu.dma_semaphore, #tpu.memory_space<semaphore_mem>>)
      %dma_wait3A_70 = arith.constant 0 : i32
      %dma_wait3A_71 = tpu.memref_slice %arg4[%add3A, %run_scoped3A_44, %dma_wait3A_70] : memref<32x80x128xi32, #tpu.memory_space<hbm>> -> memref<1x1x128xi32, #tpu.memory_space<hbm>>
      %dma_wait3A_72 = tpu.memref_squeeze %dma_wait3A_71 : memref<1x1x128xi32, #tpu.memory_space<hbm>> -> memref<128xi32, #tpu.memory_space<hbm>>
      %dma_wait3A_73 = arith.constant 0 : i32
      %dma_wait3A_74 = tpu.memref_slice %arg4[%add3A, %run_scoped3A_44, %dma_wait3A_73] : memref<32x80x128xi32, #tpu.memory_space<hbm>> -> memref<1x1x128xi32, #tpu.memory_space<hbm>>
      %dma_wait3A_75 = tpu.memref_squeeze %dma_wait3A_74 : memref<1x1x128xi32, #tpu.memory_space<hbm>> -> memref<128xi32, #tpu.memory_space<hbm>>
      tpu.wait_dma2 semaphore(%run_scoped3A_63 : memref<!tpu.dma_semaphore, #tpu.memory_space<semaphore_mem>>) src(%dma_wait3A_75 : memref<128xi32, #tpu.memory_space<hbm>>) dst(%arg11 : memref<128xi32, #tpu.memory_space<vmem>>)
      tpu.yield
    }) : () -> ()
    %dma_start3A_45 = arith.constant 0 : i32
    %dma_start3A_46 = arith.constant 0 : i32
    %dma_start3A_47 = tpu.memref_slice %arg2[%dma_start3A_45, %dma_start3A_46] : memref<20000x128xf32, #tpu.memory_space<hbm>> -> memref<20000x128xf32, #tpu.memory_space<hbm>>
    tpu.enqueue_indirect_dma source(%dma_start3A_47 : memref<20000x128xf32, #tpu.memory_space<hbm>>) target(%arg13 : memref<128x128xf32, #tpu.memory_space<vmem>>) offsets(%arg9 : memref<128xi32, #tpu.memory_space<vmem>>) semaphore(%arg16 : memref<!tpu.dma_semaphore, #tpu.memory_space<semaphore_mem>>)
    %scan3A_48 = arith.constant 0 : i32
    %scan3A_49 = arith.constant 0 : i32
    %scan3A_50 = arith.constant 40 : i32
    %scan3A_51 = arith.addi %scan3A_49, %scan3A_50 : i32
    %scan3A_52 = arith.constant 1 : i32
    scf.for %scan3A_63 = %scan3A_49 to %scan3A_51 step %scan3A_52  : i32 {
      %mul3A_64 = arith.constant 2 : i32
      %mul3A_65 = arith.muli %scan3A_63, %mul3A_64 : i32
      %add3A_66 = arith.constant 0 : i32
      %add3A_67 = arith.addi %mul3A_65, %add3A_66 : i32
      %lt3A = arith.constant 80 : i32
      %lt3A_68 = arith.cmpi slt, %add3A_67, %lt3A : i32
      %convert_element_type3A = arith.extui %lt3A_68 : i1 to i32
      %cond3A = arith.constant 0 : i32
      %cond3A_69 = arith.cmpi ne, %convert_element_type3A, %cond3A : i32
      scf.if %cond3A_69 {
        %add3A_79 = arith.constant 2 : i32
        %add3A_80 = arith.addi %add3A_67, %add3A_79 : i32
        %dma_wait3A_81 = arith.constant 0 : i32
        %dma_wait3A_82 = arith.constant 0 : i32
        %dma_wait3A_83 = tpu.memref_slice %arg2[%dma_wait3A_81, %dma_wait3A_82] : memref<20000x128xf32, #tpu.memory_space<hbm>> -> memref<20000x128xf32, #tpu.memory_space<hbm>>
        tpu.wait_indirect_dma semaphore(%arg15 : memref<!tpu.dma_semaphore, #tpu.memory_space<semaphore_mem>>) src(%dma_wait3A_83 : memref<20000x128xf32, #tpu.memory_space<hbm>>) dst(%arg12 : memref<128x128xf32, #tpu.memory_space<vmem>>)
        %lt3A_84 = arith.constant 80 : i32
        %lt3A_85 = arith.cmpi slt, %add3A_80, %lt3A_84 : i32
        %convert_element_type3A_86 = arith.extui %lt3A_85 : i1 to i32
        %cond3A_87 = arith.constant 0 : i32
        %cond3A_88 = arith.cmpi ne, %convert_element_type3A_86, %cond3A_87 : i32
        scf.if %cond3A_88 {
          %dma_start3A_101 = arith.constant 1 : i32
          %dma_start3A_102 = arith.constant 0 : i32
          %dma_start3A_103 = tpu.memref_slice %arg3[%dma_start3A_101, %add3A, %add3A_80, %dma_start3A_102] : memref<2x32x80x128xi32, #tpu.memory_space<hbm>> -> memref<1x1x1x128xi32, #tpu.memory_space<hbm>>
          %dma_start3A_104 = tpu.memref_squeeze %dma_start3A_103 : memref<1x1x1x128xi32, #tpu.memory_space<hbm>> -> memref<128xi32, #tpu.memory_space<hbm>>
          %dma_start3A_105 = arith.constant 0 : i32
          %dma_start3A_106 = tpu.memref_slice %arg3[%dma_start3A_101, %add3A, %add3A_80, %dma_start3A_105] : memref<2x32x80x128xi32, #tpu.memory_space<hbm>> -> memref<1x1x1x128xi32, #tpu.memory_space<hbm>>
          %dma_start3A_107 = tpu.memref_squeeze %dma_start3A_106 : memref<1x1x1x128xi32, #tpu.memory_space<hbm>> -> memref<128xi32, #tpu.memory_space<hbm>>
          tpu.enqueue_dma source(%dma_start3A_107 : memref<128xi32, #tpu.memory_space<hbm>>) target(%arg8 : memref<128xi32, #tpu.memory_space<vmem>>) target_semaphore(%arg19 : memref<!tpu.dma_semaphore, #tpu.memory_space<semaphore_mem>>)
        } else {
        }
        %ge3A = arith.constant 2 : i32
        %ge3A_89 = arith.cmpi sge, %add3A_67, %ge3A : i32
        %convert_element_type3A_90 = arith.extui %ge3A_89 : i1 to i32
        %cond3A_91 = arith.constant 0 : i32
        %cond3A_92 = arith.cmpi ne, %convert_element_type3A_90, %cond3A_91 : i32
        scf.if %cond3A_92 {
          %dma_wait3A_101 = arith.constant 0 : i32
          %dma_wait3A_102 = arith.constant 0 : i32
          %dma_wait3A_103 = tpu.memref_slice %arg4[%add3A, %dma_wait3A_101, %dma_wait3A_102] : memref<32x80x128xi32, #tpu.memory_space<hbm>> -> memref<1x1x128xi32, #tpu.memory_space<hbm>>
          %dma_wait3A_104 = tpu.memref_squeeze %dma_wait3A_103 : memref<1x1x128xi32, #tpu.memory_space<hbm>> -> memref<128xi32, #tpu.memory_space<hbm>>
          %dma_wait3A_105 = arith.constant 0 : i32
          %dma_wait3A_106 = tpu.memref_slice %arg4[%add3A, %dma_wait3A_101, %dma_wait3A_105] : memref<32x80x128xi32, #tpu.memory_space<hbm>> -> memref<1x1x128xi32, #tpu.memory_space<hbm>>
          %dma_wait3A_107 = tpu.memref_squeeze %dma_wait3A_106 : memref<1x1x128xi32, #tpu.memory_space<hbm>> -> memref<128xi32, #tpu.memory_space<hbm>>
          tpu.wait_dma2 semaphore(%arg21 : memref<!tpu.dma_semaphore, #tpu.memory_space<semaphore_mem>>) src(%dma_wait3A_107 : memref<128xi32, #tpu.memory_space<hbm>>) dst(%arg10 : memref<128xi32, #tpu.memory_space<vmem>>)
        } else {
        }
        %dma_start3A_93 = arith.constant 0 : i32
        %dma_start3A_94 = arith.constant 0 : i32
        %dma_start3A_95 = tpu.memref_slice %arg23[%dma_start3A_93, %dma_start3A_94] : memref<10112x128xf32, #tpu.memory_space<vmem_shared>> -> memref<10112x128xf32, #tpu.memory_space<vmem_shared>>
        tpu.enqueue_indirect_dma source(%arg12 : memref<128x128xf32, #tpu.memory_space<vmem>>) target(%dma_start3A_95 : memref<10112x128xf32, #tpu.memory_space<vmem_shared>>) offsets(%arg10 : memref<128xi32, #tpu.memory_space<vmem>>) semaphore(%arg17 : memref<!tpu.dma_semaphore, #tpu.memory_space<semaphore_mem>>) {add = true}
        %lt3A_96 = arith.constant 80 : i32
        %lt3A_97 = arith.cmpi slt, %add3A_80, %lt3A_96 : i32
        %convert_element_type3A_98 = arith.extui %lt3A_97 : i1 to i32
        %cond3A_99 = arith.constant 0 : i32
        %cond3A_100 = arith.cmpi ne, %convert_element_type3A_98, %cond3A_99 : i32
        scf.if %cond3A_100 {
          %dma_wait3A_101 = arith.constant 0 : i32
          %dma_wait3A_102 = arith.constant 0 : i32
          %dma_wait3A_103 = tpu.memref_slice %arg23[%dma_wait3A_101, %dma_wait3A_102] : memref<10112x128xf32, #tpu.memory_space<vmem_shared>> -> memref<10112x128xf32, #tpu.memory_space<vmem_shared>>
          tpu.wait_indirect_dma semaphore(%arg17 : memref<!tpu.dma_semaphore, #tpu.memory_space<semaphore_mem>>) src(%arg12 : memref<128x128xf32, #tpu.memory_space<vmem>>) dst(%dma_wait3A_103 : memref<10112x128xf32, #tpu.memory_space<vmem_shared>>)
          %dma_start3A_104 = arith.constant 0 : i32
          %dma_start3A_105 = tpu.memref_slice %arg4[%add3A, %add3A_80, %dma_start3A_104] : memref<32x80x128xi32, #tpu.memory_space<hbm>> -> memref<1x1x128xi32, #tpu.memory_space<hbm>>
          %dma_start3A_106 = tpu.memref_squeeze %dma_start3A_105 : memref<1x1x128xi32, #tpu.memory_space<hbm>> -> memref<128xi32, #tpu.memory_space<hbm>>
          %dma_start3A_107 = arith.constant 0 : i32
          %dma_start3A_108 = tpu.memref_slice %arg4[%add3A, %add3A_80, %dma_start3A_107] : memref<32x80x128xi32, #tpu.memory_space<hbm>> -> memref<1x1x128xi32, #tpu.memory_space<hbm>>
          %dma_start3A_109 = tpu.memref_squeeze %dma_start3A_108 : memref<1x1x128xi32, #tpu.memory_space<hbm>> -> memref<128xi32, #tpu.memory_space<hbm>>
          tpu.enqueue_dma source(%dma_start3A_109 : memref<128xi32, #tpu.memory_space<hbm>>) target(%arg10 : memref<128xi32, #tpu.memory_space<vmem>>) target_semaphore(%arg21 : memref<!tpu.dma_semaphore, #tpu.memory_space<semaphore_mem>>)
          %dma_wait3A_110 = arith.constant 1 : i32
          %dma_wait3A_111 = arith.constant 0 : i32
          %dma_wait3A_112 = arith.constant 0 : i32
          %dma_wait3A_113 = tpu.memref_slice %arg3[%dma_wait3A_110, %add3A, %dma_wait3A_111, %dma_wait3A_112] : memref<2x32x80x128xi32, #tpu.memory_space<hbm>> -> memref<1x1x1x128xi32, #tpu.memory_space<hbm>>
          %dma_wait3A_114 = tpu.memref_squeeze %dma_wait3A_113 : memref<1x1x1x128xi32, #tpu.memory_space<hbm>> -> memref<128xi32, #tpu.memory_space<hbm>>
          %dma_wait3A_115 = arith.constant 0 : i32
          %dma_wait3A_116 = tpu.memref_slice %arg3[%dma_wait3A_110, %add3A, %dma_wait3A_111, %dma_wait3A_115] : memref<2x32x80x128xi32, #tpu.memory_space<hbm>> -> memref<1x1x1x128xi32, #tpu.memory_space<hbm>>
          %dma_wait3A_117 = tpu.memref_squeeze %dma_wait3A_116 : memref<1x1x1x128xi32, #tpu.memory_space<hbm>> -> memref<128xi32, #tpu.memory_space<hbm>>
          tpu.wait_dma2 semaphore(%arg19 : memref<!tpu.dma_semaphore, #tpu.memory_space<semaphore_mem>>) src(%dma_wait3A_117 : memref<128xi32, #tpu.memory_space<hbm>>) dst(%arg8 : memref<128xi32, #tpu.memory_space<vmem>>)
          %dma_start3A_118 = arith.constant 0 : i32
          %dma_start3A_119 = arith.constant 0 : i32
          %dma_start3A_120 = tpu.memref_slice %arg2[%dma_start3A_118, %dma_start3A_119] : memref<20000x128xf32, #tpu.memory_space<hbm>> -> memref<20000x128xf32, #tpu.memory_space<hbm>>
          tpu.enqueue_indirect_dma source(%dma_start3A_120 : memref<20000x128xf32, #tpu.memory_space<hbm>>) target(%arg12 : memref<128x128xf32, #tpu.memory_space<vmem>>) offsets(%arg8 : memref<128xi32, #tpu.memory_space<vmem>>) semaphore(%arg15 : memref<!tpu.dma_semaphore, #tpu.memory_space<semaphore_mem>>)
        } else {
        }
      } else {
      }
      %mul3A_70 = arith.constant 2 : i32
      %mul3A_71 = arith.muli %scan3A_63, %mul3A_70 : i32
      %add3A_72 = arith.constant 1 : i32
      %add3A_73 = arith.addi %mul3A_71, %add3A_72 : i32
      %lt3A_74 = arith.constant 80 : i32
      %lt3A_75 = arith.cmpi slt, %add3A_73, %lt3A_74 : i32
      %convert_element_type3A_76 = arith.extui %lt3A_75 : i1 to i32
      %cond3A_77 = arith.constant 0 : i32
      %cond3A_78 = arith.cmpi ne, %convert_element_type3A_76, %cond3A_77 : i32
      scf.if %cond3A_78 {
        %add3A_79 = arith.constant 2 : i32
        %add3A_80 = arith.addi %add3A_73, %add3A_79 : i32
        %dma_wait3A_81 = arith.constant 0 : i32
        %dma_wait3A_82 = arith.constant 0 : i32
        %dma_wait3A_83 = tpu.memref_slice %arg2[%dma_wait3A_81, %dma_wait3A_82] : memref<20000x128xf32, #tpu.memory_space<hbm>> -> memref<20000x128xf32, #tpu.memory_space<hbm>>
        tpu.wait_indirect_dma semaphore(%arg16 : memref<!tpu.dma_semaphore, #tpu.memory_space<semaphore_mem>>) src(%dma_wait3A_83 : memref<20000x128xf32, #tpu.memory_space<hbm>>) dst(%arg13 : memref<128x128xf32, #tpu.memory_space<vmem>>)
        %lt3A_84 = arith.constant 80 : i32
        %lt3A_85 = arith.cmpi slt, %add3A_80, %lt3A_84 : i32
        %convert_element_type3A_86 = arith.extui %lt3A_85 : i1 to i32
        %cond3A_87 = arith.constant 0 : i32
        %cond3A_88 = arith.cmpi ne, %convert_element_type3A_86, %cond3A_87 : i32
        scf.if %cond3A_88 {
          %dma_start3A_101 = arith.constant 1 : i32
          %dma_start3A_102 = arith.constant 0 : i32
          %dma_start3A_103 = tpu.memref_slice %arg3[%dma_start3A_101, %add3A, %add3A_80, %dma_start3A_102] : memref<2x32x80x128xi32, #tpu.memory_space<hbm>> -> memref<1x1x1x128xi32, #tpu.memory_space<hbm>>
          %dma_start3A_104 = tpu.memref_squeeze %dma_start3A_103 : memref<1x1x1x128xi32, #tpu.memory_space<hbm>> -> memref<128xi32, #tpu.memory_space<hbm>>
          %dma_start3A_105 = arith.constant 0 : i32
          %dma_start3A_106 = tpu.memref_slice %arg3[%dma_start3A_101, %add3A, %add3A_80, %dma_start3A_105] : memref<2x32x80x128xi32, #tpu.memory_space<hbm>> -> memref<1x1x1x128xi32, #tpu.memory_space<hbm>>
          %dma_start3A_107 = tpu.memref_squeeze %dma_start3A_106 : memref<1x1x1x128xi32, #tpu.memory_space<hbm>> -> memref<128xi32, #tpu.memory_space<hbm>>
          tpu.enqueue_dma source(%dma_start3A_107 : memref<128xi32, #tpu.memory_space<hbm>>) target(%arg9 : memref<128xi32, #tpu.memory_space<vmem>>) target_semaphore(%arg20 : memref<!tpu.dma_semaphore, #tpu.memory_space<semaphore_mem>>)
        } else {
        }
        %ge3A = arith.constant 2 : i32
        %ge3A_89 = arith.cmpi sge, %add3A_73, %ge3A : i32
        %convert_element_type3A_90 = arith.extui %ge3A_89 : i1 to i32
        %cond3A_91 = arith.constant 0 : i32
        %cond3A_92 = arith.cmpi ne, %convert_element_type3A_90, %cond3A_91 : i32
        scf.if %cond3A_92 {
          %dma_wait3A_101 = arith.constant 0 : i32
          %dma_wait3A_102 = arith.constant 0 : i32
          %dma_wait3A_103 = tpu.memref_slice %arg4[%add3A, %dma_wait3A_101, %dma_wait3A_102] : memref<32x80x128xi32, #tpu.memory_space<hbm>> -> memref<1x1x128xi32, #tpu.memory_space<hbm>>
          %dma_wait3A_104 = tpu.memref_squeeze %dma_wait3A_103 : memref<1x1x128xi32, #tpu.memory_space<hbm>> -> memref<128xi32, #tpu.memory_space<hbm>>
          %dma_wait3A_105 = arith.constant 0 : i32
          %dma_wait3A_106 = tpu.memref_slice %arg4[%add3A, %dma_wait3A_101, %dma_wait3A_105] : memref<32x80x128xi32, #tpu.memory_space<hbm>> -> memref<1x1x128xi32, #tpu.memory_space<hbm>>
          %dma_wait3A_107 = tpu.memref_squeeze %dma_wait3A_106 : memref<1x1x128xi32, #tpu.memory_space<hbm>> -> memref<128xi32, #tpu.memory_space<hbm>>
          tpu.wait_dma2 semaphore(%arg22 : memref<!tpu.dma_semaphore, #tpu.memory_space<semaphore_mem>>) src(%dma_wait3A_107 : memref<128xi32, #tpu.memory_space<hbm>>) dst(%arg11 : memref<128xi32, #tpu.memory_space<vmem>>)
        } else {
        }
        %dma_start3A_93 = arith.constant 0 : i32
        %dma_start3A_94 = arith.constant 0 : i32
        %dma_start3A_95 = tpu.memref_slice %arg23[%dma_start3A_93, %dma_start3A_94] : memref<10112x128xf32, #tpu.memory_space<vmem_shared>> -> memref<10112x128xf32, #tpu.memory_space<vmem_shared>>
        tpu.enqueue_indirect_dma source(%arg13 : memref<128x128xf32, #tpu.memory_space<vmem>>) target(%dma_start3A_95 : memref<10112x128xf32, #tpu.memory_space<vmem_shared>>) offsets(%arg11 : memref<128xi32, #tpu.memory_space<vmem>>) semaphore(%arg18 : memref<!tpu.dma_semaphore, #tpu.memory_space<semaphore_mem>>) {add = true}
        %lt3A_96 = arith.constant 80 : i32
        %lt3A_97 = arith.cmpi slt, %add3A_80, %lt3A_96 : i32
        %convert_element_type3A_98 = arith.extui %lt3A_97 : i1 to i32
        %cond3A_99 = arith.constant 0 : i32
        %cond3A_100 = arith.cmpi ne, %convert_element_type3A_98, %cond3A_99 : i32
        scf.if %cond3A_100 {
          %dma_wait3A_101 = arith.constant 0 : i32
          %dma_wait3A_102 = arith.constant 0 : i32
          %dma_wait3A_103 = tpu.memref_slice %arg23[%dma_wait3A_101, %dma_wait3A_102] : memref<10112x128xf32, #tpu.memory_space<vmem_shared>> -> memref<10112x128xf32, #tpu.memory_space<vmem_shared>>
          tpu.wait_indirect_dma semaphore(%arg18 : memref<!tpu.dma_semaphore, #tpu.memory_space<semaphore_mem>>) src(%arg13 : memref<128x128xf32, #tpu.memory_space<vmem>>) dst(%dma_wait3A_103 : memref<10112x128xf32, #tpu.memory_space<vmem_shared>>)
          %dma_start3A_104 = arith.constant 0 : i32
          %dma_start3A_105 = tpu.memref_slice %arg4[%add3A, %add3A_80, %dma_start3A_104] : memref<32x80x128xi32, #tpu.memory_space<hbm>> -> memref<1x1x128xi32, #tpu.memory_space<hbm>>
          %dma_start3A_106 = tpu.memref_squeeze %dma_start3A_105 : memref<1x1x128xi32, #tpu.memory_space<hbm>> -> memref<128xi32, #tpu.memory_space<hbm>>
          %dma_start3A_107 = arith.constant 0 : i32
          %dma_start3A_108 = tpu.memref_slice %arg4[%add3A, %add3A_80, %dma_start3A_107] : memref<32x80x128xi32, #tpu.memory_space<hbm>> -> memref<1x1x128xi32, #tpu.memory_space<hbm>>
          %dma_start3A_109 = tpu.memref_squeeze %dma_start3A_108 : memref<1x1x128xi32, #tpu.memory_space<hbm>> -> memref<128xi32, #tpu.memory_space<hbm>>
          tpu.enqueue_dma source(%dma_start3A_109 : memref<128xi32, #tpu.memory_space<hbm>>) target(%arg11 : memref<128xi32, #tpu.memory_space<vmem>>) target_semaphore(%arg22 : memref<!tpu.dma_semaphore, #tpu.memory_space<semaphore_mem>>)
          %dma_wait3A_110 = arith.constant 1 : i32
          %dma_wait3A_111 = arith.constant 0 : i32
          %dma_wait3A_112 = arith.constant 0 : i32
          %dma_wait3A_113 = tpu.memref_slice %arg3[%dma_wait3A_110, %add3A, %dma_wait3A_111, %dma_wait3A_112] : memref<2x32x80x128xi32, #tpu.memory_space<hbm>> -> memref<1x1x1x128xi32, #tpu.memory_space<hbm>>
          %dma_wait3A_114 = tpu.memref_squeeze %dma_wait3A_113 : memref<1x1x1x128xi32, #tpu.memory_space<hbm>> -> memref<128xi32, #tpu.memory_space<hbm>>
          %dma_wait3A_115 = arith.constant 0 : i32
          %dma_wait3A_116 = tpu.memref_slice %arg3[%dma_wait3A_110, %add3A, %dma_wait3A_111, %dma_wait3A_115] : memref<2x32x80x128xi32, #tpu.memory_space<hbm>> -> memref<1x1x1x128xi32, #tpu.memory_space<hbm>>
          %dma_wait3A_117 = tpu.memref_squeeze %dma_wait3A_116 : memref<1x1x1x128xi32, #tpu.memory_space<hbm>> -> memref<128xi32, #tpu.memory_space<hbm>>
          tpu.wait_dma2 semaphore(%arg20 : memref<!tpu.dma_semaphore, #tpu.memory_space<semaphore_mem>>) src(%dma_wait3A_117 : memref<128xi32, #tpu.memory_space<hbm>>) dst(%arg9 : memref<128xi32, #tpu.memory_space<vmem>>)
          %dma_start3A_118 = arith.constant 0 : i32
          %dma_start3A_119 = arith.constant 0 : i32
          %dma_start3A_120 = tpu.memref_slice %arg2[%dma_start3A_118, %dma_start3A_119] : memref<20000x128xf32, #tpu.memory_space<hbm>> -> memref<20000x128xf32, #tpu.memory_space<hbm>>
          tpu.enqueue_indirect_dma source(%dma_start3A_120 : memref<20000x128xf32, #tpu.memory_space<hbm>>) target(%arg13 : memref<128x128xf32, #tpu.memory_space<vmem>>) offsets(%arg9 : memref<128xi32, #tpu.memory_space<vmem>>) semaphore(%arg16 : memref<!tpu.dma_semaphore, #tpu.memory_space<semaphore_mem>>)
        } else {
        }
      } else {
      }
    }
    %scan3A_53 = arith.constant 40 : i32
    %dma_wait3A_54 = arith.constant 0 : i32
    %dma_wait3A_55 = arith.constant 0 : i32
    %dma_wait3A_56 = tpu.memref_slice %arg23[%dma_wait3A_54, %dma_wait3A_55] : memref<10112x128xf32, #tpu.memory_space<vmem_shared>> -> memref<10112x128xf32, #tpu.memory_space<vmem_shared>>
    tpu.wait_indirect_dma semaphore(%arg17 : memref<!tpu.dma_semaphore, #tpu.memory_space<semaphore_mem>>) src(%arg12 : memref<128x128xf32, #tpu.memory_space<vmem>>) dst(%dma_wait3A_56 : memref<10112x128xf32, #tpu.memory_space<vmem_shared>>)
    %dma_wait3A_57 = arith.constant 0 : i32
    %dma_wait3A_58 = arith.constant 0 : i32
    %dma_wait3A_59 = tpu.memref_slice %arg23[%dma_wait3A_57, %dma_wait3A_58] : memref<10112x128xf32, #tpu.memory_space<vmem_shared>> -> memref<10112x128xf32, #tpu.memory_space<vmem_shared>>
    tpu.wait_indirect_dma semaphore(%arg18 : memref<!tpu.dma_semaphore, #tpu.memory_space<semaphore_mem>>) src(%arg13 : memref<128x128xf32, #tpu.memory_space<vmem>>) dst(%dma_wait3A_59 : memref<10112x128xf32, #tpu.memory_space<vmem_shared>>)
    %barrier3A_60 = arith.constant 0 : index
    tpu.barrier barrier_id(%barrier3A_60)
    %run_scoped3A_61 = arith.constant 1 : i32
    "tpu.region"() ({
      %run_scoped3A_63 = tpu.sem_alloc : memref<!tpu.dma_semaphore, #tpu.memory_space<semaphore_mem>>
      %dma_start3A_64 = arith.constant 0 : i32
      %dma_start3A_65 = tpu.memref_slice %arg6[%arg0, %run_scoped3A_61, %mul3A_2, %dma_start3A_64] : memref<2x2x10112x128xf32, #tpu.memory_space<hbm>> -> memref<1x1x632x128xf32, #tpu.memory_space<hbm>>
      %dma_start3A_66 = tpu.memref_squeeze %dma_start3A_65 : memref<1x1x632x128xf32, #tpu.memory_space<hbm>> -> memref<632x128xf32, #tpu.memory_space<hbm>>
      %dma_start3A_67 = arith.constant 0 : i32
      %dma_start3A_68 = tpu.memref_slice %arg23[%mul3A_2, %dma_start3A_67] : memref<10112x128xf32, #tpu.memory_space<vmem_shared>> -> memref<632x128xf32, #tpu.memory_space<vmem_shared>>
      tpu.enqueue_dma source(%dma_start3A_68 : memref<632x128xf32, #tpu.memory_space<vmem_shared>>) target(%dma_start3A_66 : memref<632x128xf32, #tpu.memory_space<hbm>>) target_semaphore(%run_scoped3A_63 : memref<!tpu.dma_semaphore, #tpu.memory_space<semaphore_mem>>)
      %dma_wait3A_69 = arith.constant 0 : i32
      %dma_wait3A_70 = tpu.memref_slice %arg6[%arg0, %run_scoped3A_61, %mul3A_2, %dma_wait3A_69] : memref<2x2x10112x128xf32, #tpu.memory_space<hbm>> -> memref<1x1x632x128xf32, #tpu.memory_space<hbm>>
      %dma_wait3A_71 = tpu.memref_squeeze %dma_wait3A_70 : memref<1x1x632x128xf32, #tpu.memory_space<hbm>> -> memref<632x128xf32, #tpu.memory_space<hbm>>
      %dma_wait3A_72 = arith.constant 0 : i32
      %dma_wait3A_73 = tpu.memref_slice %arg23[%mul3A_2, %dma_wait3A_72] : memref<10112x128xf32, #tpu.memory_space<vmem_shared>> -> memref<632x128xf32, #tpu.memory_space<vmem_shared>>
      tpu.wait_dma2 semaphore(%run_scoped3A_63 : memref<!tpu.dma_semaphore, #tpu.memory_space<semaphore_mem>>) src(%dma_wait3A_73 : memref<632x128xf32, #tpu.memory_space<vmem_shared>>) dst(%dma_wait3A_71 : memref<632x128xf32, #tpu.memory_space<hbm>>)
      tpu.yield
    }) : () -> ()
    %barrier3A_62 = arith.constant 0 : index
    tpu.barrier barrier_id(%barrier3A_62)
    return
  }
}

#map = affine_map<(d0, d1) -> (0, 0)>
#map1 = affine_map<(d0, d1) -> (0)>
#map2 = affine_map<(d0, d1) -> (0, 0, 0)>
module attributes {stable_mosaic.version = 14 : i64} {
  func.func @_action_gather(%arg0: i32, %arg1: i32, %arg2: memref<10000x128xf32, #tpu.memory_space<hbm>>, %arg3: memref<32768xi32, #tpu.memory_space<hbm>>, %arg4: memref<2x16384x128xf32, #tpu.memory_space<hbm>>, %arg5: memref<128xi32, #tpu.memory_space<vmem>>, %arg6: memref<128x128xf32, #tpu.memory_space<vmem>>, %arg7: memref<!tpu.dma_semaphore, #tpu.memory_space<semaphore_mem>>) attributes {dimension_semantics = [#tpu.dimension_semantics<core_parallel>, #tpu.dimension_semantics<subcore_parallel>], iteration_bounds = array<i64: 2, 16>, scalar_prefetch = 0 : i64, scratch_operands = 3 : i64, tpu.core_type = #tpu.core_type<sc_vector_subcore>, window_params = [{transform_indices = #map}, {transform_indices = #map1}, {transform_indices = #map2}]} {
    %mul3A = arith.constant 16 : i32
    %mul3A_0 = arith.muli %arg0, %mul3A : i32
    %add3A = arith.addi %mul3A_0, %arg1 : i32
    %mul3A_1 = arith.constant 512 : i32
    %mul3A_2 = arith.muli %add3A, %mul3A_1 : i32
    %scan3A = arith.constant 0 : i32
    %scan3A_3 = arith.constant 0 : i32
    %scan3A_4 = arith.constant 4 : i32
    %scan3A_5 = arith.addi %scan3A_3, %scan3A_4 : i32
    %scan3A_6 = arith.constant 1 : i32
    scf.for %scan3A_14 = %scan3A_3 to %scan3A_5 step %scan3A_6  : i32 {
      %mul3A_15 = arith.constant 128 : i32
      %mul3A_16 = arith.muli %scan3A_14, %mul3A_15 : i32
      %add3A_17 = arith.addi %mul3A_2, %mul3A_16 : i32
      %add3A_18 = arith.constant 0 : i32
      %add3A_19 = arith.addi %add3A_18, %add3A_17 : i32
      "tpu.region"() ({
        %run_scoped3A_24 = tpu.sem_alloc : memref<!tpu.dma_semaphore, #tpu.memory_space<semaphore_mem>>
        %dma_start3A_25 = tpu.memref_slice %arg3[%add3A_19] : memref<32768xi32, #tpu.memory_space<hbm>> -> memref<128xi32, #tpu.memory_space<hbm>>
        %dma_start3A_26 = tpu.memref_slice %arg3[%add3A_19] : memref<32768xi32, #tpu.memory_space<hbm>> -> memref<128xi32, #tpu.memory_space<hbm>>
        tpu.enqueue_dma source(%dma_start3A_26 : memref<128xi32, #tpu.memory_space<hbm>>) target(%arg5 : memref<128xi32, #tpu.memory_space<vmem>>) target_semaphore(%run_scoped3A_24 : memref<!tpu.dma_semaphore, #tpu.memory_space<semaphore_mem>>)
        %dma_wait3A_27 = tpu.memref_slice %arg3[%add3A_19] : memref<32768xi32, #tpu.memory_space<hbm>> -> memref<128xi32, #tpu.memory_space<hbm>>
        %dma_wait3A_28 = tpu.memref_slice %arg3[%add3A_19] : memref<32768xi32, #tpu.memory_space<hbm>> -> memref<128xi32, #tpu.memory_space<hbm>>
        tpu.wait_dma2 semaphore(%run_scoped3A_24 : memref<!tpu.dma_semaphore, #tpu.memory_space<semaphore_mem>>) src(%dma_wait3A_28 : memref<128xi32, #tpu.memory_space<hbm>>) dst(%arg5 : memref<128xi32, #tpu.memory_space<vmem>>)
        tpu.yield
      }) : () -> ()
      %dma_start3A = arith.constant 0 : i32
      %dma_start3A_20 = arith.constant 0 : i32
      %dma_start3A_21 = tpu.memref_slice %arg2[%dma_start3A, %dma_start3A_20] : memref<10000x128xf32, #tpu.memory_space<hbm>> -> memref<10000x128xf32, #tpu.memory_space<hbm>>
      tpu.enqueue_indirect_dma source(%dma_start3A_21 : memref<10000x128xf32, #tpu.memory_space<hbm>>) target(%arg6 : memref<128x128xf32, #tpu.memory_space<vmem>>) offsets(%arg5 : memref<128xi32, #tpu.memory_space<vmem>>) semaphore(%arg7 : memref<!tpu.dma_semaphore, #tpu.memory_space<semaphore_mem>>)
      %dma_wait3A = arith.constant 0 : i32
      %dma_wait3A_22 = arith.constant 0 : i32
      %dma_wait3A_23 = tpu.memref_slice %arg2[%dma_wait3A, %dma_wait3A_22] : memref<10000x128xf32, #tpu.memory_space<hbm>> -> memref<10000x128xf32, #tpu.memory_space<hbm>>
      tpu.wait_indirect_dma semaphore(%arg7 : memref<!tpu.dma_semaphore, #tpu.memory_space<semaphore_mem>>) src(%dma_wait3A_23 : memref<10000x128xf32, #tpu.memory_space<hbm>>) dst(%arg6 : memref<128x128xf32, #tpu.memory_space<vmem>>)
      %run_scoped3A = arith.constant 0 : i32
      "tpu.region"() ({
        %run_scoped3A_24 = tpu.sem_alloc : memref<!tpu.dma_semaphore, #tpu.memory_space<semaphore_mem>>
        %dma_start3A_25 = arith.constant 0 : i32
        %dma_start3A_26 = tpu.memref_slice %arg4[%run_scoped3A, %add3A_17, %dma_start3A_25] : memref<2x16384x128xf32, #tpu.memory_space<hbm>> -> memref<1x128x128xf32, #tpu.memory_space<hbm>>
        %dma_start3A_27 = tpu.memref_squeeze %dma_start3A_26 : memref<1x128x128xf32, #tpu.memory_space<hbm>> -> memref<128x128xf32, #tpu.memory_space<hbm>>
        %dma_start3A_28 = arith.constant 0 : i32
        %dma_start3A_29 = tpu.memref_slice %arg4[%run_scoped3A, %add3A_17, %dma_start3A_28] : memref<2x16384x128xf32, #tpu.memory_space<hbm>> -> memref<1x128x128xf32, #tpu.memory_space<hbm>>
        %dma_start3A_30 = tpu.memref_squeeze %dma_start3A_29 : memref<1x128x128xf32, #tpu.memory_space<hbm>> -> memref<128x128xf32, #tpu.memory_space<hbm>>
        tpu.enqueue_dma source(%arg6 : memref<128x128xf32, #tpu.memory_space<vmem>>) target(%dma_start3A_30 : memref<128x128xf32, #tpu.memory_space<hbm>>) target_semaphore(%run_scoped3A_24 : memref<!tpu.dma_semaphore, #tpu.memory_space<semaphore_mem>>)
        %dma_wait3A_31 = arith.constant 0 : i32
        %dma_wait3A_32 = tpu.memref_slice %arg4[%run_scoped3A, %add3A_17, %dma_wait3A_31] : memref<2x16384x128xf32, #tpu.memory_space<hbm>> -> memref<1x128x128xf32, #tpu.memory_space<hbm>>
        %dma_wait3A_33 = tpu.memref_squeeze %dma_wait3A_32 : memref<1x128x128xf32, #tpu.memory_space<hbm>> -> memref<128x128xf32, #tpu.memory_space<hbm>>
        %dma_wait3A_34 = arith.constant 0 : i32
        %dma_wait3A_35 = tpu.memref_slice %arg4[%run_scoped3A, %add3A_17, %dma_wait3A_34] : memref<2x16384x128xf32, #tpu.memory_space<hbm>> -> memref<1x128x128xf32, #tpu.memory_space<hbm>>
        %dma_wait3A_36 = tpu.memref_squeeze %dma_wait3A_35 : memref<1x128x128xf32, #tpu.memory_space<hbm>> -> memref<128x128xf32, #tpu.memory_space<hbm>>
        tpu.wait_dma2 semaphore(%run_scoped3A_24 : memref<!tpu.dma_semaphore, #tpu.memory_space<semaphore_mem>>) src(%arg6 : memref<128x128xf32, #tpu.memory_space<vmem>>) dst(%dma_wait3A_36 : memref<128x128xf32, #tpu.memory_space<hbm>>)
        tpu.yield
      }) : () -> ()
    }
    %scan3A_7 = arith.constant 4 : i32
    %scan3A_8 = arith.constant 0 : i32
    %scan3A_9 = arith.constant 0 : i32
    %scan3A_10 = arith.constant 4 : i32
    %scan3A_11 = arith.addi %scan3A_9, %scan3A_10 : i32
    %scan3A_12 = arith.constant 1 : i32
    scf.for %scan3A_14 = %scan3A_9 to %scan3A_11 step %scan3A_12  : i32 {
      %mul3A_15 = arith.constant 128 : i32
      %mul3A_16 = arith.muli %scan3A_14, %mul3A_15 : i32
      %add3A_17 = arith.addi %mul3A_2, %mul3A_16 : i32
      %add3A_18 = arith.constant 16384 : i32
      %add3A_19 = arith.addi %add3A_18, %add3A_17 : i32
      "tpu.region"() ({
        %run_scoped3A_24 = tpu.sem_alloc : memref<!tpu.dma_semaphore, #tpu.memory_space<semaphore_mem>>
        %dma_start3A_25 = tpu.memref_slice %arg3[%add3A_19] : memref<32768xi32, #tpu.memory_space<hbm>> -> memref<128xi32, #tpu.memory_space<hbm>>
        %dma_start3A_26 = tpu.memref_slice %arg3[%add3A_19] : memref<32768xi32, #tpu.memory_space<hbm>> -> memref<128xi32, #tpu.memory_space<hbm>>
        tpu.enqueue_dma source(%dma_start3A_26 : memref<128xi32, #tpu.memory_space<hbm>>) target(%arg5 : memref<128xi32, #tpu.memory_space<vmem>>) target_semaphore(%run_scoped3A_24 : memref<!tpu.dma_semaphore, #tpu.memory_space<semaphore_mem>>)
        %dma_wait3A_27 = tpu.memref_slice %arg3[%add3A_19] : memref<32768xi32, #tpu.memory_space<hbm>> -> memref<128xi32, #tpu.memory_space<hbm>>
        %dma_wait3A_28 = tpu.memref_slice %arg3[%add3A_19] : memref<32768xi32, #tpu.memory_space<hbm>> -> memref<128xi32, #tpu.memory_space<hbm>>
        tpu.wait_dma2 semaphore(%run_scoped3A_24 : memref<!tpu.dma_semaphore, #tpu.memory_space<semaphore_mem>>) src(%dma_wait3A_28 : memref<128xi32, #tpu.memory_space<hbm>>) dst(%arg5 : memref<128xi32, #tpu.memory_space<vmem>>)
        tpu.yield
      }) : () -> ()
      %dma_start3A = arith.constant 0 : i32
      %dma_start3A_20 = arith.constant 0 : i32
      %dma_start3A_21 = tpu.memref_slice %arg2[%dma_start3A, %dma_start3A_20] : memref<10000x128xf32, #tpu.memory_space<hbm>> -> memref<10000x128xf32, #tpu.memory_space<hbm>>
      tpu.enqueue_indirect_dma source(%dma_start3A_21 : memref<10000x128xf32, #tpu.memory_space<hbm>>) target(%arg6 : memref<128x128xf32, #tpu.memory_space<vmem>>) offsets(%arg5 : memref<128xi32, #tpu.memory_space<vmem>>) semaphore(%arg7 : memref<!tpu.dma_semaphore, #tpu.memory_space<semaphore_mem>>)
      %dma_wait3A = arith.constant 0 : i32
      %dma_wait3A_22 = arith.constant 0 : i32
      %dma_wait3A_23 = tpu.memref_slice %arg2[%dma_wait3A, %dma_wait3A_22] : memref<10000x128xf32, #tpu.memory_space<hbm>> -> memref<10000x128xf32, #tpu.memory_space<hbm>>
      tpu.wait_indirect_dma semaphore(%arg7 : memref<!tpu.dma_semaphore, #tpu.memory_space<semaphore_mem>>) src(%dma_wait3A_23 : memref<10000x128xf32, #tpu.memory_space<hbm>>) dst(%arg6 : memref<128x128xf32, #tpu.memory_space<vmem>>)
      %run_scoped3A = arith.constant 1 : i32
      "tpu.region"() ({
        %run_scoped3A_24 = tpu.sem_alloc : memref<!tpu.dma_semaphore, #tpu.memory_space<semaphore_mem>>
        %dma_start3A_25 = arith.constant 0 : i32
        %dma_start3A_26 = tpu.memref_slice %arg4[%run_scoped3A, %add3A_17, %dma_start3A_25] : memref<2x16384x128xf32, #tpu.memory_space<hbm>> -> memref<1x128x128xf32, #tpu.memory_space<hbm>>
        %dma_start3A_27 = tpu.memref_squeeze %dma_start3A_26 : memref<1x128x128xf32, #tpu.memory_space<hbm>> -> memref<128x128xf32, #tpu.memory_space<hbm>>
        %dma_start3A_28 = arith.constant 0 : i32
        %dma_start3A_29 = tpu.memref_slice %arg4[%run_scoped3A, %add3A_17, %dma_start3A_28] : memref<2x16384x128xf32, #tpu.memory_space<hbm>> -> memref<1x128x128xf32, #tpu.memory_space<hbm>>
        %dma_start3A_30 = tpu.memref_squeeze %dma_start3A_29 : memref<1x128x128xf32, #tpu.memory_space<hbm>> -> memref<128x128xf32, #tpu.memory_space<hbm>>
        tpu.enqueue_dma source(%arg6 : memref<128x128xf32, #tpu.memory_space<vmem>>) target(%dma_start3A_30 : memref<128x128xf32, #tpu.memory_space<hbm>>) target_semaphore(%run_scoped3A_24 : memref<!tpu.dma_semaphore, #tpu.memory_space<semaphore_mem>>)
        %dma_wait3A_31 = arith.constant 0 : i32
        %dma_wait3A_32 = tpu.memref_slice %arg4[%run_scoped3A, %add3A_17, %dma_wait3A_31] : memref<2x16384x128xf32, #tpu.memory_space<hbm>> -> memref<1x128x128xf32, #tpu.memory_space<hbm>>
        %dma_wait3A_33 = tpu.memref_squeeze %dma_wait3A_32 : memref<1x128x128xf32, #tpu.memory_space<hbm>> -> memref<128x128xf32, #tpu.memory_space<hbm>>
        %dma_wait3A_34 = arith.constant 0 : i32
        %dma_wait3A_35 = tpu.memref_slice %arg4[%run_scoped3A, %add3A_17, %dma_wait3A_34] : memref<2x16384x128xf32, #tpu.memory_space<hbm>> -> memref<1x128x128xf32, #tpu.memory_space<hbm>>
        %dma_wait3A_36 = tpu.memref_squeeze %dma_wait3A_35 : memref<1x128x128xf32, #tpu.memory_space<hbm>> -> memref<128x128xf32, #tpu.memory_space<hbm>>
        tpu.wait_dma2 semaphore(%run_scoped3A_24 : memref<!tpu.dma_semaphore, #tpu.memory_space<semaphore_mem>>) src(%arg6 : memref<128x128xf32, #tpu.memory_space<vmem>>) dst(%dma_wait3A_36 : memref<128x128xf32, #tpu.memory_space<hbm>>)
        tpu.yield
      }) : () -> ()
    }
    %scan3A_13 = arith.constant 4 : i32
    return
  }
}

module attributes {stable_mosaic.version = 14 : i64} {
  func.func @_combine1_body(%arg0: i32, %arg1: memref<2x1x1000x128xf32, #tpu.memory_space<vmem>>, %arg2: memref<1000x32xf32, #tpu.memory_space<vmem>>, %arg3: memref<1000x128xf32, #tpu.memory_space<vmem>>, %arg4: memref<128x256xf32, #tpu.memory_space<vmem>>, %arg5: memref<128x256xf32, #tpu.memory_space<vmem>>, %arg6: memref<1x256xf32, #tpu.memory_space<vmem>>, %arg7: memref<2x1000x128xf32, #tpu.memory_space<vmem>>) attributes {dimension_semantics = [#tpu.dimension_semantics<arbitrary>], iteration_bounds = array<i64: 10>, scalar_prefetch = 0 : i64, scratch_operands = 0 : i64, tpu.core_type = #tpu.core_type<tc>, window_params = [{transform_indices = @transform_0, window_bounds = array<i64: 2, 1, 1000, 128>}, {transform_indices = @transform_1, window_bounds = array<i64: 1000, 32>}, {transform_indices = @transform_2, window_bounds = array<i64: 1000, 128>}, {pipeline_mode = #tpu.pipeline_mode<synchronous>, transform_indices = @transform_3, window_bounds = array<i64: 128, 256>}, {pipeline_mode = #tpu.pipeline_mode<synchronous>, transform_indices = @transform_4, window_bounds = array<i64: 128, 256>}, {pipeline_mode = #tpu.pipeline_mode<synchronous>, transform_indices = @transform_5, window_bounds = array<i64: 1, 256>}, {transform_indices = @transform_6, window_bounds = array<i64: 2, 1000, 128>}]} {
    %get3A = arith.constant 0 : index
    %get3A_0 = arith.constant 0 : index
    %get3A_1 = arith.constant 0 : index
    %get3A_2 = arith.constant 0 : index
    %get3A_3 = vector.load %arg1[%get3A, %get3A_0, %get3A_1, %get3A_2] : memref<2x1x1000x128xf32, #tpu.memory_space<vmem>>, vector<1x1x1000x128xf32>
    %get3A_4 = vector.shape_cast %get3A_3 : vector<1x1x1000x128xf32> to vector<1000x128xf32>
    %get3A_5 = arith.constant 1 : index
    %get3A_6 = arith.constant 0 : index
    %get3A_7 = arith.constant 0 : index
    %get3A_8 = arith.constant 0 : index
    %get3A_9 = vector.load %arg1[%get3A_5, %get3A_6, %get3A_7, %get3A_8] : memref<2x1x1000x128xf32, #tpu.memory_space<vmem>>, vector<1x1x1000x128xf32>
    %get3A_10 = vector.shape_cast %get3A_9 : vector<1x1x1000x128xf32> to vector<1000x128xf32>
    %add3A = arith.addf %get3A_4, %get3A_10 : vector<1000x128xf32>
    %get3A_11 = arith.constant 0 : index
    %get3A_12 = arith.constant 0 : index
    %get3A_13 = vector.load %arg2[%get3A_11, %get3A_12] : memref<1000x32xf32, #tpu.memory_space<vmem>>, vector<1000x32xf32>
    %reduce_sum3A = arith.constant dense<0.000000e+00> : vector<1000xf32>
    %reduce_sum3A_14 = vector.multi_reduction <add>, %get3A_13, %reduce_sum3A [1] : vector<1000x32xf32> to vector<1000xf32>
    %max3A = arith.constant 1.000000e+00 : f32
    %max3A_15 = vector.broadcast %max3A : f32 to vector<1000xf32>
    %max3A_16 = arith.maximumf %reduce_sum3A_14, %max3A_15 : vector<1000xf32>
    %broadcast_in_dim3A = vector.shape_cast %max3A_16 : vector<1000xf32> to vector<1000x1xf32>
    %div3A = vector.broadcast %broadcast_in_dim3A : vector<1000x1xf32> to vector<1000x128xf32>
    %div3A_17 = arith.divf %add3A, %div3A : vector<1000x128xf32>
    %get3A_18 = arith.constant 0 : index
    %get3A_19 = arith.constant 0 : index
    %get3A_20 = vector.load %arg4[%get3A_18, %get3A_19] : memref<128x256xf32, #tpu.memory_space<vmem>>, vector<128x256xf32>
    %dot_general3A = arith.constant dense<0.000000e+00> : vector<1000x256xf32>
    %dot_general3A_21 = tpu.matmul %div3A_17, %get3A_20, %dot_general3A {dimension_numbers = #tpu.dot_dimension_numbers<[1], [0], [0], [1], [0, 0, 1, 1], [], []>, transpose_lhs_hint = false} : vector<1000x128xf32>, vector<128x256xf32>, vector<1000x256xf32> -> vector<1000x256xf32>
    %get3A_22 = arith.constant 0 : index
    %get3A_23 = arith.constant 0 : index
    %get3A_24 = vector.load %arg3[%get3A_22, %get3A_23] : memref<1000x128xf32, #tpu.memory_space<vmem>>, vector<1000x128xf32>
    %get3A_25 = arith.constant 0 : index
    %get3A_26 = arith.constant 0 : index
    %get3A_27 = vector.load %arg5[%get3A_25, %get3A_26] : memref<128x256xf32, #tpu.memory_space<vmem>>, vector<128x256xf32>
    %dot_general3A_28 = arith.constant dense<0.000000e+00> : vector<1000x256xf32>
    %dot_general3A_29 = tpu.matmul %get3A_24, %get3A_27, %dot_general3A_28 {dimension_numbers = #tpu.dot_dimension_numbers<[1], [0], [0], [1], [0, 0, 1, 1], [], []>, transpose_lhs_hint = false} : vector<1000x128xf32>, vector<128x256xf32>, vector<1000x256xf32> -> vector<1000x256xf32>
    %add3A_30 = arith.addf %dot_general3A_21, %dot_general3A_29 : vector<1000x256xf32>
    %get3A_31 = arith.constant 0 : index
    %get3A_32 = arith.constant 0 : index
    %get3A_33 = vector.load %arg6[%get3A_31, %get3A_32] : memref<1x256xf32, #tpu.memory_space<vmem>>, vector<1x256xf32>
    %add3A_34 = vector.broadcast %get3A_33 : vector<1x256xf32> to vector<1000x256xf32>
    %add3A_35 = arith.addf %add3A_30, %add3A_34 : vector<1000x256xf32>
    %slice3A = vector.extract_strided_slice %add3A_35 {offsets = [0, 0], sizes = [1000, 128], strides = [1, 1]} : vector<1000x256xf32> to vector<1000x128xf32>
    %swap3A = arith.constant 0 : index
    %swap3A_36 = arith.constant 0 : index
    %swap3A_37 = arith.constant 0 : index
    %swap3A_38 = vector.load %arg7[%swap3A, %swap3A_36, %swap3A_37] : memref<2x1000x128xf32, #tpu.memory_space<vmem>>, vector<1x1000x128xf32>
    %swap3A_39 = vector.shape_cast %swap3A_38 : vector<1x1000x128xf32> to vector<1000x128xf32>
    %swap3A_40 = vector.shape_cast %slice3A : vector<1000x128xf32> to vector<1x1000x128xf32>
    tpu.vector_store %arg7[%swap3A, %swap3A_36, %swap3A_37], %swap3A_40 {strides = array<i32>} : memref<2x1000x128xf32, #tpu.memory_space<vmem>>, vector<1x1000x128xf32>,
    %slice3A_41 = vector.extract_strided_slice %add3A_35 {offsets = [0, 128], sizes = [1000, 128], strides = [1, 1]} : vector<1000x256xf32> to vector<1000x128xf32>
    %swap3A_42 = arith.constant 1 : index
    %swap3A_43 = arith.constant 0 : index
    %swap3A_44 = arith.constant 0 : index
    %swap3A_45 = vector.load %arg7[%swap3A_42, %swap3A_43, %swap3A_44] : memref<2x1000x128xf32, #tpu.memory_space<vmem>>, vector<1x1000x128xf32>
    %swap3A_46 = vector.shape_cast %swap3A_45 : vector<1x1000x128xf32> to vector<1000x128xf32>
    %swap3A_47 = vector.shape_cast %slice3A_41 : vector<1000x128xf32> to vector<1x1000x128xf32>
    tpu.vector_store %arg7[%swap3A_42, %swap3A_43, %swap3A_44], %swap3A_47 {strides = array<i32>} : memref<2x1000x128xf32, #tpu.memory_space<vmem>>, vector<1x1000x128xf32>,
    return
  }
  func.func @transform_0(%arg0: i32) -> (i32, i32, i32, i32) {
    %c0_i32 = arith.constant 0 : i32
    %c0_i32_0 = arith.constant 0 : i32
    %c0_i32_1 = arith.constant 0 : i32
    %c0_i32_2 = arith.constant 0 : i32
    return %c0_i32, %c0_i32_0, %arg0, %c0_i32_1 : i32, i32, i32, i32
  }
  func.func @transform_1(%arg0: i32) -> (i32, i32) {
    %c0_i32 = arith.constant 0 : i32
    %c0_i32_0 = arith.constant 0 : i32
    return %arg0, %c0_i32 : i32, i32
  }
  func.func @transform_2(%arg0: i32) -> (i32, i32) {
    %c0_i32 = arith.constant 0 : i32
    %c0_i32_0 = arith.constant 0 : i32
    return %arg0, %c0_i32 : i32, i32
  }
  func.func @transform_3(%arg0: i32) -> (i32, i32) {
    %c0_i32 = arith.constant 0 : i32
    %c0_i32_0 = arith.constant 0 : i32
    %c0_i32_1 = arith.constant 0 : i32
    return %c0_i32, %c0_i32_0 : i32, i32
  }
  func.func @transform_4(%arg0: i32) -> (i32, i32) {
    %c0_i32 = arith.constant 0 : i32
    %c0_i32_0 = arith.constant 0 : i32
    %c0_i32_1 = arith.constant 0 : i32
    return %c0_i32, %c0_i32_0 : i32, i32
  }
  func.func @transform_5(%arg0: i32) -> (i32, i32) {
    %c0_i32 = arith.constant 0 : i32
    %c0_i32_0 = arith.constant 0 : i32
    %c0_i32_1 = arith.constant 0 : i32
    return %c0_i32, %c0_i32_0 : i32, i32
  }
  func.func @transform_6(%arg0: i32) -> (i32, i32, i32) {
    %c0_i32 = arith.constant 0 : i32
    %c0_i32_0 = arith.constant 0 : i32
    %c0_i32_1 = arith.constant 0 : i32
    return %c0_i32, %arg0, %c0_i32_0 : i32, i32, i32
  }
}

module attributes {stable_mosaic.version = 14 : i64} {
  func.func @_prep_body(%arg0: i32, %arg1: memref<256x256xf32, #tpu.memory_space<vmem>>, %arg2: memref<256x256xf32, #tpu.memory_space<vmem>>, %arg3: memref<1x256xf32, #tpu.memory_space<vmem>>, %arg4: memref<256x256xf32, #tpu.memory_space<vmem>>, %arg5: memref<256x256xf32, #tpu.memory_space<vmem>>, %arg6: memref<1x256xf32, #tpu.memory_space<vmem>>, %arg7: memref<256x256xf32, #tpu.memory_space<vmem>>, %arg8: memref<1x256xf32, #tpu.memory_space<vmem>>, %arg9: memref<256x256xf32, #tpu.memory_space<vmem>>, %arg10: memref<1x256xf32, #tpu.memory_space<vmem>>, %arg11: memref<256x128xf32, #tpu.memory_space<vmem>>, %arg12: memref<1x128xf32, #tpu.memory_space<vmem>>, %arg13: memref<256x256xf32, #tpu.memory_space<vmem>>, %arg14: memref<256x256xf32, #tpu.memory_space<vmem>>, %arg15: memref<1x256xf32, #tpu.memory_space<vmem>>, %arg16: memref<1x128xf32, #tpu.memory_space<vmem>>) attributes {dimension_semantics = [#tpu.dimension_semantics<arbitrary>], iteration_bounds = array<i64: 1>, scalar_prefetch = 0 : i64, scratch_operands = 0 : i64, tpu.core_type = #tpu.core_type<tc>, window_params = [{pipeline_mode = #tpu.pipeline_mode<synchronous>, transform_indices = @transform_0, window_bounds = array<i64: 256, 256>}, {pipeline_mode = #tpu.pipeline_mode<synchronous>, transform_indices = @transform_1, window_bounds = array<i64: 256, 256>}, {pipeline_mode = #tpu.pipeline_mode<synchronous>, transform_indices = @transform_2, window_bounds = array<i64: 1, 256>}, {pipeline_mode = #tpu.pipeline_mode<synchronous>, transform_indices = @transform_3, window_bounds = array<i64: 256, 256>}, {pipeline_mode = #tpu.pipeline_mode<synchronous>, transform_indices = @transform_4, window_bounds = array<i64: 256, 256>}, {pipeline_mode = #tpu.pipeline_mode<synchronous>, transform_indices = @transform_5, window_bounds = array<i64: 1, 256>}, {pipeline_mode = #tpu.pipeline_mode<synchronous>, transform_indices = @transform_6, window_bounds = array<i64: 256, 256>}, {pipeline_mode = #tpu.pipeline_mode<synchronous>, transform_indices = @transform_7, window_bounds = array<i64: 1, 256>}, {pipeline_mode = #tpu.pipeline_mode<synchronous>, transform_indices = @transform_8, window_bounds = array<i64: 256, 256>}, {pipeline_mode = #tpu.pipeline_mode<synchronous>, transform_indices = @transform_9, window_bounds = array<i64: 1, 256>}, {pipeline_mode = #tpu.pipeline_mode<synchronous>, transform_indices = @transform_10, window_bounds = array<i64: 256, 128>}, {pipeline_mode = #tpu.pipeline_mode<synchronous>, transform_indices = @transform_11, window_bounds = array<i64: 1, 128>}, {pipeline_mode = #tpu.pipeline_mode<synchronous>, transform_indices = @transform_12, window_bounds = array<i64: 256, 256>}, {pipeline_mode = #tpu.pipeline_mode<synchronous>, transform_indices = @transform_13, window_bounds = array<i64: 256, 256>}, {pipeline_mode = #tpu.pipeline_mode<synchronous>, transform_indices = @transform_14, window_bounds = array<i64: 1, 256>}, {pipeline_mode = #tpu.pipeline_mode<synchronous>, transform_indices = @transform_15, window_bounds = array<i64: 1, 128>}]} {
    %get3A = arith.constant 0 : index
    %get3A_0 = arith.constant 0 : index
    %get3A_1 = vector.load %arg9[%get3A, %get3A_0] : memref<256x256xf32, #tpu.memory_space<vmem>>, vector<256x256xf32>
    %get3A_2 = arith.constant 0 : index
    %get3A_3 = arith.constant 0 : index
    %get3A_4 = vector.load %arg11[%get3A_2, %get3A_3] : memref<256x128xf32, #tpu.memory_space<vmem>>, vector<256x128xf32>
    %dot_general3A = arith.constant dense<0.000000e+00> : vector<256x128xf32>
    %dot_general3A_5 = tpu.matmul %get3A_1, %get3A_4, %dot_general3A {dimension_numbers = #tpu.dot_dimension_numbers<[1], [0], [0], [1], [0, 0, 1, 1], [], []>, transpose_lhs_hint = false} : vector<256x256xf32>, vector<256x128xf32>, vector<256x128xf32> -> vector<256x128xf32>
    %get3A_6 = arith.constant 0 : index
    %get3A_7 = arith.constant 0 : index
    %get3A_8 = vector.load %arg7[%get3A_6, %get3A_7] : memref<256x256xf32, #tpu.memory_space<vmem>>, vector<256x256xf32>
    %dot_general3A_9 = arith.constant dense<0.000000e+00> : vector<256x128xf32>
    %dot_general3A_10 = tpu.matmul %get3A_8, %dot_general3A_5, %dot_general3A_9 {dimension_numbers = #tpu.dot_dimension_numbers<[1], [0], [0], [1], [0, 0, 1, 1], [], []>, transpose_lhs_hint = false} : vector<256x256xf32>, vector<256x128xf32>, vector<256x128xf32> -> vector<256x128xf32>
    %get3A_11 = arith.constant 0 : index
    %get3A_12 = arith.constant 0 : index
    %get3A_13 = vector.load %arg8[%get3A_11, %get3A_12] : memref<1x256xf32, #tpu.memory_space<vmem>>, vector<1x256xf32>
    %dot_general3A_14 = arith.constant dense<0.000000e+00> : vector<1x128xf32>
    %dot_general3A_15 = tpu.matmul %get3A_13, %dot_general3A_5, %dot_general3A_14 {dimension_numbers = #tpu.dot_dimension_numbers<[1], [0], [0], [1], [0, 0, 1, 1], [], []>, transpose_lhs_hint = false} : vector<1x256xf32>, vector<256x128xf32>, vector<1x128xf32> -> vector<1x128xf32>
    %get3A_16 = arith.constant 0 : index
    %get3A_17 = arith.constant 0 : index
    %get3A_18 = vector.load %arg10[%get3A_16, %get3A_17] : memref<1x256xf32, #tpu.memory_space<vmem>>, vector<1x256xf32>
    %get3A_19 = arith.constant 0 : index
    %get3A_20 = arith.constant 0 : index
    %get3A_21 = vector.load %arg11[%get3A_19, %get3A_20] : memref<256x128xf32, #tpu.memory_space<vmem>>, vector<256x128xf32>
    %dot_general3A_22 = arith.constant dense<0.000000e+00> : vector<1x128xf32>
    %dot_general3A_23 = tpu.matmul %get3A_18, %get3A_21, %dot_general3A_22 {dimension_numbers = #tpu.dot_dimension_numbers<[1], [0], [0], [1], [0, 0, 1, 1], [], []>, transpose_lhs_hint = false} : vector<1x256xf32>, vector<256x128xf32>, vector<1x128xf32> -> vector<1x128xf32>
    %add3A = arith.addf %dot_general3A_15, %dot_general3A_23 : vector<1x128xf32>
    %get3A_24 = arith.constant 0 : index
    %get3A_25 = arith.constant 0 : index
    %get3A_26 = vector.load %arg12[%get3A_24, %get3A_25] : memref<1x128xf32, #tpu.memory_space<vmem>>, vector<1x128xf32>
    %add3A_27 = arith.addf %add3A, %get3A_26 : vector<1x128xf32>
    %get3A_28 = arith.constant 0 : index
    %get3A_29 = arith.constant 0 : index
    %get3A_30 = vector.load %arg4[%get3A_28, %get3A_29] : memref<256x256xf32, #tpu.memory_space<vmem>>, vector<256x256xf32>
    %dot_general3A_31 = arith.constant dense<0.000000e+00> : vector<256x128xf32>
    %dot_general3A_32 = tpu.matmul %get3A_30, %dot_general3A_10, %dot_general3A_31 {dimension_numbers = #tpu.dot_dimension_numbers<[1], [0], [0], [1], [0, 0, 1, 1], [], []>, transpose_lhs_hint = false} : vector<256x256xf32>, vector<256x128xf32>, vector<256x128xf32> -> vector<256x128xf32>
    %get3A_33 = arith.constant 0 : index
    %get3A_34 = arith.constant 0 : index
    %get3A_35 = vector.load %arg5[%get3A_33, %get3A_34] : memref<256x256xf32, #tpu.memory_space<vmem>>, vector<256x256xf32>
    %dot_general3A_36 = arith.constant dense<0.000000e+00> : vector<256x128xf32>
    %dot_general3A_37 = tpu.matmul %get3A_35, %dot_general3A_10, %dot_general3A_36 {dimension_numbers = #tpu.dot_dimension_numbers<[1], [0], [0], [1], [0, 0, 1, 1], [], []>, transpose_lhs_hint = false} : vector<256x256xf32>, vector<256x128xf32>, vector<256x128xf32> -> vector<256x128xf32>
    %concatenate3A = tpu.concatenate %dot_general3A_32, %dot_general3A_37 in 1 : vector<256x128xf32>, vector<256x128xf32> -> vector<256x256xf32>
    %get3A_38 = arith.constant 0 : index
    %get3A_39 = arith.constant 0 : index
    %get3A_40 = vector.load %arg1[%get3A_38, %get3A_39] : memref<256x256xf32, #tpu.memory_space<vmem>>, vector<256x256xf32>
    %dot_general3A_41 = arith.constant dense<0.000000e+00> : vector<256x256xf32>
    %dot_general3A_42 = tpu.matmul %get3A_40, %concatenate3A, %dot_general3A_41 {dimension_numbers = #tpu.dot_dimension_numbers<[1], [0], [0], [1], [0, 0, 1, 1], [], []>, transpose_lhs_hint = false} : vector<256x256xf32>, vector<256x256xf32>, vector<256x256xf32> -> vector<256x256xf32>
    %swap3A = arith.constant 0 : index
    %swap3A_43 = arith.constant 0 : index
    %swap3A_44 = vector.load %arg13[%swap3A, %swap3A_43] : memref<256x256xf32, #tpu.memory_space<vmem>>, vector<256x256xf32>
    tpu.vector_store %arg13[%swap3A, %swap3A_43], %dot_general3A_42 {strides = array<i32>} : memref<256x256xf32, #tpu.memory_space<vmem>>, vector<256x256xf32>,
    %get3A_45 = arith.constant 0 : index
    %get3A_46 = arith.constant 0 : index
    %get3A_47 = vector.load %arg2[%get3A_45, %get3A_46] : memref<256x256xf32, #tpu.memory_space<vmem>>, vector<256x256xf32>
    %dot_general3A_48 = arith.constant dense<0.000000e+00> : vector<256x256xf32>
    %dot_general3A_49 = tpu.matmul %get3A_47, %concatenate3A, %dot_general3A_48 {dimension_numbers = #tpu.dot_dimension_numbers<[1], [0], [0], [1], [0, 0, 1, 1], [], []>, transpose_lhs_hint = false} : vector<256x256xf32>, vector<256x256xf32>, vector<256x256xf32> -> vector<256x256xf32>
    %swap3A_50 = arith.constant 0 : index
    %swap3A_51 = arith.constant 0 : index
    %swap3A_52 = vector.load %arg14[%swap3A_50, %swap3A_51] : memref<256x256xf32, #tpu.memory_space<vmem>>, vector<256x256xf32>
    tpu.vector_store %arg14[%swap3A_50, %swap3A_51], %dot_general3A_49 {strides = array<i32>} : memref<256x256xf32, #tpu.memory_space<vmem>>, vector<256x256xf32>,
    %get3A_53 = arith.constant 0 : index
    %get3A_54 = arith.constant 0 : index
    %get3A_55 = vector.load %arg3[%get3A_53, %get3A_54] : memref<1x256xf32, #tpu.memory_space<vmem>>, vector<1x256xf32>
    %dot_general3A_56 = arith.constant dense<0.000000e+00> : vector<1x256xf32>
    %dot_general3A_57 = tpu.matmul %get3A_55, %concatenate3A, %dot_general3A_56 {dimension_numbers = #tpu.dot_dimension_numbers<[1], [0], [0], [1], [0, 0, 1, 1], [], []>, transpose_lhs_hint = false} : vector<1x256xf32>, vector<256x256xf32>, vector<1x256xf32> -> vector<1x256xf32>
    %swap3A_58 = arith.constant 0 : index
    %swap3A_59 = arith.constant 0 : index
    %swap3A_60 = vector.load %arg15[%swap3A_58, %swap3A_59] : memref<1x256xf32, #tpu.memory_space<vmem>>, vector<1x256xf32>
    tpu.vector_store %arg15[%swap3A_58, %swap3A_59], %dot_general3A_57 {strides = array<i32>} : memref<1x256xf32, #tpu.memory_space<vmem>>, vector<1x256xf32>,
    %get3A_61 = arith.constant 0 : index
    %get3A_62 = arith.constant 0 : index
    %get3A_63 = vector.load %arg6[%get3A_61, %get3A_62] : memref<1x256xf32, #tpu.memory_space<vmem>>, vector<1x256xf32>
    %dot_general3A_64 = arith.constant dense<0.000000e+00> : vector<1x128xf32>
    %dot_general3A_65 = tpu.matmul %get3A_63, %dot_general3A_10, %dot_general3A_64 {dimension_numbers = #tpu.dot_dimension_numbers<[1], [0], [0], [1], [0, 0, 1, 1], [], []>, transpose_lhs_hint = false} : vector<1x256xf32>, vector<256x128xf32>, vector<1x128xf32> -> vector<1x128xf32>
    %add3A_66 = arith.addf %dot_general3A_65, %add3A_27 : vector<1x128xf32>
    %swap3A_67 = arith.constant 0 : index
    %swap3A_68 = arith.constant 0 : index
    %swap3A_69 = vector.load %arg16[%swap3A_67, %swap3A_68] : memref<1x128xf32, #tpu.memory_space<vmem>>, vector<1x128xf32>
    tpu.vector_store %arg16[%swap3A_67, %swap3A_68], %add3A_66 {strides = array<i32>} : memref<1x128xf32, #tpu.memory_space<vmem>>, vector<1x128xf32>,
    return
  }
  func.func @transform_0(%arg0: i32) -> (i32, i32) {
    %c0_i32 = arith.constant 0 : i32
    %c0_i32_0 = arith.constant 0 : i32
    %c0_i32_1 = arith.constant 0 : i32
    return %c0_i32, %c0_i32_0 : i32, i32
  }
  func.func @transform_1(%arg0: i32) -> (i32, i32) {
    %c0_i32 = arith.constant 0 : i32
    %c0_i32_0 = arith.constant 0 : i32
    %c0_i32_1 = arith.constant 0 : i32
    return %c0_i32, %c0_i32_0 : i32, i32
  }
  func.func @transform_2(%arg0: i32) -> (i32, i32) {
    %c0_i32 = arith.constant 0 : i32
    %c0_i32_0 = arith.constant 0 : i32
    %c0_i32_1 = arith.constant 0 : i32
    return %c0_i32, %c0_i32_0 : i32, i32
  }
  func.func @transform_3(%arg0: i32) -> (i32, i32) {
    %c0_i32 = arith.constant 0 : i32
    %c0_i32_0 = arith.constant 0 : i32
    %c0_i32_1 = arith.constant 0 : i32
    return %c0_i32, %c0_i32_0 : i32, i32
  }
  func.func @transform_4(%arg0: i32) -> (i32, i32) {
    %c0_i32 = arith.constant 0 : i32
    %c0_i32_0 = arith.constant 0 : i32
    %c0_i32_1 = arith.constant 0 : i32
    return %c0_i32, %c0_i32_0 : i32, i32
  }
  func.func @transform_5(%arg0: i32) -> (i32, i32) {
    %c0_i32 = arith.constant 0 : i32
    %c0_i32_0 = arith.constant 0 : i32
    %c0_i32_1 = arith.constant 0 : i32
    return %c0_i32, %c0_i32_0 : i32, i32
  }
  func.func @transform_6(%arg0: i32) -> (i32, i32) {
    %c0_i32 = arith.constant 0 : i32
    %c0_i32_0 = arith.constant 0 : i32
    %c0_i32_1 = arith.constant 0 : i32
    return %c0_i32, %c0_i32_0 : i32, i32
  }
  func.func @transform_7(%arg0: i32) -> (i32, i32) {
    %c0_i32 = arith.constant 0 : i32
    %c0_i32_0 = arith.constant 0 : i32
    %c0_i32_1 = arith.constant 0 : i32
    return %c0_i32, %c0_i32_0 : i32, i32
  }
  func.func @transform_8(%arg0: i32) -> (i32, i32) {
    %c0_i32 = arith.constant 0 : i32
    %c0_i32_0 = arith.constant 0 : i32
    %c0_i32_1 = arith.constant 0 : i32
    return %c0_i32, %c0_i32_0 : i32, i32
  }
  func.func @transform_9(%arg0: i32) -> (i32, i32) {
    %c0_i32 = arith.constant 0 : i32
    %c0_i32_0 = arith.constant 0 : i32
    %c0_i32_1 = arith.constant 0 : i32
    return %c0_i32, %c0_i32_0 : i32, i32
  }
  func.func @transform_10(%arg0: i32) -> (i32, i32) {
    %c0_i32 = arith.constant 0 : i32
    %c0_i32_0 = arith.constant 0 : i32
    %c0_i32_1 = arith.constant 0 : i32
    return %c0_i32, %c0_i32_0 : i32, i32
  }
  func.func @transform_11(%arg0: i32) -> (i32, i32) {
    %c0_i32 = arith.constant 0 : i32
    %c0_i32_0 = arith.constant 0 : i32
    %c0_i32_1 = arith.constant 0 : i32
    return %c0_i32, %c0_i32_0 : i32, i32
  }
  func.func @transform_12(%arg0: i32) -> (i32, i32) {
    %c0_i32 = arith.constant 0 : i32
    %c0_i32_0 = arith.constant 0 : i32
    %c0_i32_1 = arith.constant 0 : i32
    return %c0_i32, %c0_i32_0 : i32, i32
  }
  func.func @transform_13(%arg0: i32) -> (i32, i32) {
    %c0_i32 = arith.constant 0 : i32
    %c0_i32_0 = arith.constant 0 : i32
    %c0_i32_1 = arith.constant 0 : i32
    return %c0_i32, %c0_i32_0 : i32, i32
  }
  func.func @transform_14(%arg0: i32) -> (i32, i32) {
    %c0_i32 = arith.constant 0 : i32
    %c0_i32_0 = arith.constant 0 : i32
    %c0_i32_1 = arith.constant 0 : i32
    return %c0_i32, %c0_i32_0 : i32, i32
  }
  func.func @transform_15(%arg0: i32) -> (i32, i32) {
    %c0_i32 = arith.constant 0 : i32
    %c0_i32_0 = arith.constant 0 : i32
    %c0_i32_1 = arith.constant 0 : i32
    return %c0_i32, %c0_i32_0 : i32, i32
  }
}

module attributes {stable_mosaic.version = 14 : i64} {
  func.func @_combine2_body(%arg0: i32, %arg1: memref<2x2x1000x128xf32, #tpu.memory_space<vmem>>, %arg2: memref<1000x32xf32, #tpu.memory_space<vmem>>, %arg3: memref<2x1000x128xf32, #tpu.memory_space<vmem>>, %arg4: memref<256x256xf32, #tpu.memory_space<vmem>>, %arg5: memref<256x256xf32, #tpu.memory_space<vmem>>, %arg6: memref<1x256xf32, #tpu.memory_space<vmem>>, %arg7: memref<1000x128xf32, #tpu.memory_space<vmem>>, %arg8: memref<1000x128xf32, #tpu.memory_space<vmem>>) attributes {dimension_semantics = [#tpu.dimension_semantics<arbitrary>], iteration_bounds = array<i64: 10>, scalar_prefetch = 0 : i64, scratch_operands = 0 : i64, tpu.core_type = #tpu.core_type<tc>, window_params = [{transform_indices = @transform_0, window_bounds = array<i64: 2, 2, 1000, 128>}, {transform_indices = @transform_1, window_bounds = array<i64: 1000, 32>}, {transform_indices = @transform_2, window_bounds = array<i64: 2, 1000, 128>}, {pipeline_mode = #tpu.pipeline_mode<synchronous>, transform_indices = @transform_3, window_bounds = array<i64: 256, 256>}, {pipeline_mode = #tpu.pipeline_mode<synchronous>, transform_indices = @transform_4, window_bounds = array<i64: 256, 256>}, {pipeline_mode = #tpu.pipeline_mode<synchronous>, transform_indices = @transform_5, window_bounds = array<i64: 1, 256>}, {transform_indices = @transform_6, window_bounds = array<i64: 1000, 128>}, {transform_indices = @transform_7, window_bounds = array<i64: 1000, 128>}]} {
    %get3A = arith.constant 0 : index
    %get3A_0 = arith.constant 0 : index
    %get3A_1 = arith.constant 0 : index
    %get3A_2 = arith.constant 0 : index
    %get3A_3 = vector.load %arg1[%get3A, %get3A_0, %get3A_1, %get3A_2] : memref<2x2x1000x128xf32, #tpu.memory_space<vmem>>, vector<1x1x1000x128xf32>
    %get3A_4 = vector.shape_cast %get3A_3 : vector<1x1x1000x128xf32> to vector<1000x128xf32>
    %get3A_5 = arith.constant 1 : index
    %get3A_6 = arith.constant 0 : index
    %get3A_7 = arith.constant 0 : index
    %get3A_8 = arith.constant 0 : index
    %get3A_9 = vector.load %arg1[%get3A_5, %get3A_6, %get3A_7, %get3A_8] : memref<2x2x1000x128xf32, #tpu.memory_space<vmem>>, vector<1x1x1000x128xf32>
    %get3A_10 = vector.shape_cast %get3A_9 : vector<1x1x1000x128xf32> to vector<1000x128xf32>
    %add3A = arith.addf %get3A_4, %get3A_10 : vector<1000x128xf32>
    %get3A_11 = arith.constant 0 : index
    %get3A_12 = arith.constant 1 : index
    %get3A_13 = arith.constant 0 : index
    %get3A_14 = arith.constant 0 : index
    %get3A_15 = vector.load %arg1[%get3A_11, %get3A_12, %get3A_13, %get3A_14] : memref<2x2x1000x128xf32, #tpu.memory_space<vmem>>, vector<1x1x1000x128xf32>
    %get3A_16 = vector.shape_cast %get3A_15 : vector<1x1x1000x128xf32> to vector<1000x128xf32>
    %get3A_17 = arith.constant 1 : index
    %get3A_18 = arith.constant 1 : index
    %get3A_19 = arith.constant 0 : index
    %get3A_20 = arith.constant 0 : index
    %get3A_21 = vector.load %arg1[%get3A_17, %get3A_18, %get3A_19, %get3A_20] : memref<2x2x1000x128xf32, #tpu.memory_space<vmem>>, vector<1x1x1000x128xf32>
    %get3A_22 = vector.shape_cast %get3A_21 : vector<1x1x1000x128xf32> to vector<1000x128xf32>
    %add3A_23 = arith.addf %get3A_16, %get3A_22 : vector<1000x128xf32>
    %concatenate3A = tpu.concatenate %add3A, %add3A_23 in 1 : vector<1000x128xf32>, vector<1000x128xf32> -> vector<1000x256xf32>
    %get3A_24 = arith.constant 0 : index
    %get3A_25 = arith.constant 0 : index
    %get3A_26 = vector.load %arg2[%get3A_24, %get3A_25] : memref<1000x32xf32, #tpu.memory_space<vmem>>, vector<1000x32xf32>
    %reduce_sum3A = arith.constant dense<0.000000e+00> : vector<1000xf32>
    %reduce_sum3A_27 = vector.multi_reduction <add>, %get3A_26, %reduce_sum3A [1] : vector<1000x32xf32> to vector<1000xf32>
    %max3A = arith.constant 1.000000e+00 : f32
    %max3A_28 = vector.broadcast %max3A : f32 to vector<1000xf32>
    %max3A_29 = arith.maximumf %reduce_sum3A_27, %max3A_28 : vector<1000xf32>
    %broadcast_in_dim3A = vector.shape_cast %max3A_29 : vector<1000xf32> to vector<1000x1xf32>
    %div3A = vector.broadcast %broadcast_in_dim3A : vector<1000x1xf32> to vector<1000x256xf32>
    %div3A_30 = arith.divf %concatenate3A, %div3A : vector<1000x256xf32>
    %get3A_31 = arith.constant 0 : index
    %get3A_32 = arith.constant 0 : index
    %get3A_33 = arith.constant 0 : index
    %get3A_34 = vector.load %arg3[%get3A_31, %get3A_32, %get3A_33] : memref<2x1000x128xf32, #tpu.memory_space<vmem>>, vector<1x1000x128xf32>
    %get3A_35 = vector.shape_cast %get3A_34 : vector<1x1000x128xf32> to vector<1000x128xf32>
    %get3A_36 = arith.constant 1 : index
    %get3A_37 = arith.constant 0 : index
    %get3A_38 = arith.constant 0 : index
    %get3A_39 = vector.load %arg3[%get3A_36, %get3A_37, %get3A_38] : memref<2x1000x128xf32, #tpu.memory_space<vmem>>, vector<1x1000x128xf32>
    %get3A_40 = vector.shape_cast %get3A_39 : vector<1x1000x128xf32> to vector<1000x128xf32>
    %concatenate3A_41 = tpu.concatenate %get3A_35, %get3A_40 in 1 : vector<1000x128xf32>, vector<1000x128xf32> -> vector<1000x256xf32>
    %get3A_42 = arith.constant 0 : index
    %get3A_43 = arith.constant 0 : index
    %get3A_44 = vector.load %arg4[%get3A_42, %get3A_43] : memref<256x256xf32, #tpu.memory_space<vmem>>, vector<256x256xf32>
    %dot_general3A = arith.constant dense<0.000000e+00> : vector<1000x256xf32>
    %dot_general3A_45 = tpu.matmul %div3A_30, %get3A_44, %dot_general3A {dimension_numbers = #tpu.dot_dimension_numbers<[1], [0], [0], [1], [0, 0, 1, 1], [], []>, transpose_lhs_hint = false} : vector<1000x256xf32>, vector<256x256xf32>, vector<1000x256xf32> -> vector<1000x256xf32>
    %get3A_46 = arith.constant 0 : index
    %get3A_47 = arith.constant 0 : index
    %get3A_48 = vector.load %arg5[%get3A_46, %get3A_47] : memref<256x256xf32, #tpu.memory_space<vmem>>, vector<256x256xf32>
    %dot_general3A_49 = arith.constant dense<0.000000e+00> : vector<1000x256xf32>
    %dot_general3A_50 = tpu.matmul %concatenate3A_41, %get3A_48, %dot_general3A_49 {dimension_numbers = #tpu.dot_dimension_numbers<[1], [0], [0], [1], [0, 0, 1, 1], [], []>, transpose_lhs_hint = false} : vector<1000x256xf32>, vector<256x256xf32>, vector<1000x256xf32> -> vector<1000x256xf32>
    %add3A_51 = arith.addf %dot_general3A_45, %dot_general3A_50 : vector<1000x256xf32>
    %get3A_52 = arith.constant 0 : index
    %get3A_53 = arith.constant 0 : index
    %get3A_54 = vector.load %arg6[%get3A_52, %get3A_53] : memref<1x256xf32, #tpu.memory_space<vmem>>, vector<1x256xf32>
    %add3A_55 = vector.broadcast %get3A_54 : vector<1x256xf32> to vector<1000x256xf32>
    %add3A_56 = arith.addf %add3A_51, %add3A_55 : vector<1000x256xf32>
    %slice3A = vector.extract_strided_slice %add3A_56 {offsets = [0, 0], sizes = [1000, 128], strides = [1, 1]} : vector<1000x256xf32> to vector<1000x128xf32>
    %swap3A = arith.constant 0 : index
    %swap3A_57 = arith.constant 0 : index
    %swap3A_58 = vector.load %arg7[%swap3A, %swap3A_57] : memref<1000x128xf32, #tpu.memory_space<vmem>>, vector<1000x128xf32>
    tpu.vector_store %arg7[%swap3A, %swap3A_57], %slice3A {strides = array<i32>} : memref<1000x128xf32, #tpu.memory_space<vmem>>, vector<1000x128xf32>,
    %slice3A_59 = vector.extract_strided_slice %add3A_56 {offsets = [0, 128], sizes = [1000, 128], strides = [1, 1]} : vector<1000x256xf32> to vector<1000x128xf32>
    %swap3A_60 = arith.constant 0 : index
    %swap3A_61 = arith.constant 0 : index
    %swap3A_62 = vector.load %arg8[%swap3A_60, %swap3A_61] : memref<1000x128xf32, #tpu.memory_space<vmem>>, vector<1000x128xf32>
    tpu.vector_store %arg8[%swap3A_60, %swap3A_61], %slice3A_59 {strides = array<i32>} : memref<1000x128xf32, #tpu.memory_space<vmem>>, vector<1000x128xf32>,
    return
  }
  func.func @transform_0(%arg0: i32) -> (i32, i32, i32, i32) {
    %c0_i32 = arith.constant 0 : i32
    %c0_i32_0 = arith.constant 0 : i32
    %c0_i32_1 = arith.constant 0 : i32
    %c0_i32_2 = arith.constant 0 : i32
    return %c0_i32, %c0_i32_0, %arg0, %c0_i32_1 : i32, i32, i32, i32
  }
  func.func @transform_1(%arg0: i32) -> (i32, i32) {
    %c0_i32 = arith.constant 0 : i32
    %c0_i32_0 = arith.constant 0 : i32
    return %arg0, %c0_i32 : i32, i32
  }
  func.func @transform_2(%arg0: i32) -> (i32, i32, i32) {
    %c0_i32 = arith.constant 0 : i32
    %c0_i32_0 = arith.constant 0 : i32
    %c0_i32_1 = arith.constant 0 : i32
    return %c0_i32, %arg0, %c0_i32_0 : i32, i32, i32
  }
  func.func @transform_3(%arg0: i32) -> (i32, i32) {
    %c0_i32 = arith.constant 0 : i32
    %c0_i32_0 = arith.constant 0 : i32
    %c0_i32_1 = arith.constant 0 : i32
    return %c0_i32, %c0_i32_0 : i32, i32
  }
  func.func @transform_4(%arg0: i32) -> (i32, i32) {
    %c0_i32 = arith.constant 0 : i32
    %c0_i32_0 = arith.constant 0 : i32
    %c0_i32_1 = arith.constant 0 : i32
    return %c0_i32, %c0_i32_0 : i32, i32
  }
  func.func @transform_5(%arg0: i32) -> (i32, i32) {
    %c0_i32 = arith.constant 0 : i32
    %c0_i32_0 = arith.constant 0 : i32
    %c0_i32_1 = arith.constant 0 : i32
    return %c0_i32, %c0_i32_0 : i32, i32
  }
  func.func @transform_6(%arg0: i32) -> (i32, i32) {
    %c0_i32 = arith.constant 0 : i32
    %c0_i32_0 = arith.constant 0 : i32
    return %arg0, %c0_i32 : i32, i32
  }
  func.func @transform_7(%arg0: i32) -> (i32, i32) {
    %c0_i32 = arith.constant 0 : i32
    %c0_i32_0 = arith.constant 0 : i32
    return %arg0, %c0_i32 : i32, i32
  }
}

module attributes {stable_mosaic.version = 14 : i64} {
  func.func @_combine3_body(%arg0: i32, %arg1: memref<2x1x1000x128xf32, #tpu.memory_space<vmem>>, %arg2: memref<1000x32xf32, #tpu.memory_space<vmem>>, %arg3: memref<1000x128xf32, #tpu.memory_space<vmem>>, %arg4: memref<1x128xf32, #tpu.memory_space<vmem>>, %arg5: memref<1000x128xf32, #tpu.memory_space<vmem>>) attributes {dimension_semantics = [#tpu.dimension_semantics<arbitrary>], iteration_bounds = array<i64: 10>, scalar_prefetch = 0 : i64, scratch_operands = 0 : i64, tpu.core_type = #tpu.core_type<tc>, window_params = [{transform_indices = @transform_0, window_bounds = array<i64: 2, 1, 1000, 128>}, {transform_indices = @transform_1, window_bounds = array<i64: 1000, 32>}, {transform_indices = @transform_2, window_bounds = array<i64: 1000, 128>}, {pipeline_mode = #tpu.pipeline_mode<synchronous>, transform_indices = @transform_3, window_bounds = array<i64: 1, 128>}, {transform_indices = @transform_4, window_bounds = array<i64: 1000, 128>}]} {
    %get3A = arith.constant 0 : index
    %get3A_0 = arith.constant 0 : index
    %get3A_1 = arith.constant 0 : index
    %get3A_2 = arith.constant 0 : index
    %get3A_3 = vector.load %arg1[%get3A, %get3A_0, %get3A_1, %get3A_2] : memref<2x1x1000x128xf32, #tpu.memory_space<vmem>>, vector<1x1x1000x128xf32>
    %get3A_4 = vector.shape_cast %get3A_3 : vector<1x1x1000x128xf32> to vector<1000x128xf32>
    %get3A_5 = arith.constant 1 : index
    %get3A_6 = arith.constant 0 : index
    %get3A_7 = arith.constant 0 : index
    %get3A_8 = arith.constant 0 : index
    %get3A_9 = vector.load %arg1[%get3A_5, %get3A_6, %get3A_7, %get3A_8] : memref<2x1x1000x128xf32, #tpu.memory_space<vmem>>, vector<1x1x1000x128xf32>
    %get3A_10 = vector.shape_cast %get3A_9 : vector<1x1x1000x128xf32> to vector<1000x128xf32>
    %add3A = arith.addf %get3A_4, %get3A_10 : vector<1000x128xf32>
    %get3A_11 = arith.constant 0 : index
    %get3A_12 = arith.constant 0 : index
    %get3A_13 = vector.load %arg2[%get3A_11, %get3A_12] : memref<1000x32xf32, #tpu.memory_space<vmem>>, vector<1000x32xf32>
    %reduce_sum3A = arith.constant dense<0.000000e+00> : vector<1000xf32>
    %reduce_sum3A_14 = vector.multi_reduction <add>, %get3A_13, %reduce_sum3A [1] : vector<1000x32xf32> to vector<1000xf32>
    %max3A = arith.constant 1.000000e+00 : f32
    %max3A_15 = vector.broadcast %max3A : f32 to vector<1000xf32>
    %max3A_16 = arith.maximumf %reduce_sum3A_14, %max3A_15 : vector<1000xf32>
    %broadcast_in_dim3A = vector.shape_cast %max3A_16 : vector<1000xf32> to vector<1000x1xf32>
    %div3A = vector.broadcast %broadcast_in_dim3A : vector<1000x1xf32> to vector<1000x128xf32>
    %div3A_17 = arith.divf %add3A, %div3A : vector<1000x128xf32>
    %get3A_18 = arith.constant 0 : index
    %get3A_19 = arith.constant 0 : index
    %get3A_20 = vector.load %arg3[%get3A_18, %get3A_19] : memref<1000x128xf32, #tpu.memory_space<vmem>>, vector<1000x128xf32>
    %add3A_21 = arith.addf %div3A_17, %get3A_20 : vector<1000x128xf32>
    %get3A_22 = arith.constant 0 : index
    %get3A_23 = arith.constant 0 : index
    %get3A_24 = vector.load %arg4[%get3A_22, %get3A_23] : memref<1x128xf32, #tpu.memory_space<vmem>>, vector<1x128xf32>
    %add3A_25 = vector.broadcast %get3A_24 : vector<1x128xf32> to vector<1000x128xf32>
    %add3A_26 = arith.addf %add3A_21, %add3A_25 : vector<1000x128xf32>
    %swap3A = arith.constant 0 : index
    %swap3A_27 = arith.constant 0 : index
    %swap3A_28 = vector.load %arg5[%swap3A, %swap3A_27] : memref<1000x128xf32, #tpu.memory_space<vmem>>, vector<1000x128xf32>
    tpu.vector_store %arg5[%swap3A, %swap3A_27], %add3A_26 {strides = array<i32>} : memref<1000x128xf32, #tpu.memory_space<vmem>>, vector<1000x128xf32>,
    return
  }
  func.func @transform_0(%arg0: i32) -> (i32, i32, i32, i32) {
    %c0_i32 = arith.constant 0 : i32
    %c0_i32_0 = arith.constant 0 : i32
    %c0_i32_1 = arith.constant 0 : i32
    %c0_i32_2 = arith.constant 0 : i32
    return %c0_i32, %c0_i32_0, %arg0, %c0_i32_1 : i32, i32, i32, i32
  }
  func.func @transform_1(%arg0: i32) -> (i32, i32) {
    %c0_i32 = arith.constant 0 : i32
    %c0_i32_0 = arith.constant 0 : i32
    return %arg0, %c0_i32 : i32, i32
  }
  func.func @transform_2(%arg0: i32) -> (i32, i32) {
    %c0_i32 = arith.constant 0 : i32
    %c0_i32_0 = arith.constant 0 : i32
    return %arg0, %c0_i32 : i32, i32
  }
  func.func @transform_3(%arg0: i32) -> (i32, i32) {
    %c0_i32 = arith.constant 0 : i32
    %c0_i32_0 = arith.constant 0 : i32
    %c0_i32_1 = arith.constant 0 : i32
    return %c0_i32, %c0_i32_0 : i32, i32
  }
  func.func @transform_4(%arg0: i32) -> (i32, i32) {
    %c0_i32 = arith.constant 0 : i32
    %c0_i32_0 = arith.constant 0 : i32
    return %arg0, %c0_i32 : i32, i32
  }
}

module attributes {stable_mosaic.version = 14 : i64} {
  func.func @_dotsoft_body(%arg0: i32, %arg1: memref<2x16384x128xf32, #tpu.memory_space<vmem>>, %arg2: memref<1x16384xf32, #tpu.memory_space<vmem>>) attributes {dimension_semantics = [#tpu.dimension_semantics<arbitrary>], iteration_bounds = array<i64: 1>, scalar_prefetch = 0 : i64, scratch_operands = 0 : i64, tpu.core_type = #tpu.core_type<tc>, window_params = [{pipeline_mode = #tpu.pipeline_mode<synchronous>, transform_indices = @transform_0, window_bounds = array<i64: 2, 16384, 128>}, {pipeline_mode = #tpu.pipeline_mode<synchronous>, transform_indices = @transform_1, window_bounds = array<i64: 1, 16384>}]} {
    %get3A = arith.constant 0 : index
    %get3A_0 = arith.constant 0 : index
    %get3A_1 = arith.constant 0 : index
    %get3A_2 = vector.load %arg1[%get3A, %get3A_0, %get3A_1] : memref<2x16384x128xf32, #tpu.memory_space<vmem>>, vector<1x16384x64xf32>
    %get3A_3 = vector.shape_cast %get3A_2 : vector<1x16384x64xf32> to vector<16384x64xf32>
    %get3A_4 = arith.constant 1 : index
    %get3A_5 = arith.constant 0 : index
    %get3A_6 = arith.constant 64 : index
    %get3A_7 = vector.load %arg1[%get3A_4, %get3A_5, %get3A_6] : memref<2x16384x128xf32, #tpu.memory_space<vmem>>, vector<1x16384x64xf32>
    %get3A_8 = vector.shape_cast %get3A_7 : vector<1x16384x64xf32> to vector<16384x64xf32>
    %mul3A = arith.mulf %get3A_3, %get3A_8 : vector<16384x64xf32>
    %reduce_sum3A = arith.constant dense<0.000000e+00> : vector<16384xf32>
    %reduce_sum3A_9 = vector.multi_reduction <add>, %mul3A, %reduce_sum3A [1] : vector<16384x64xf32> to vector<16384xf32>
    %reduce_max3A = vector.shape_cast %reduce_sum3A_9 : vector<16384xf32> to vector<1x16384xf32>
    %reduce_max3A_10 = arith.constant dense<0xFF800000> : vector<1xf32>
    %reduce_max3A_11 = vector.multi_reduction <maximumf>, %reduce_max3A, %reduce_max3A_10 [1] : vector<1x16384xf32> to vector<1xf32>
    %reduce_max3A_12 = vector.shape_cast %reduce_max3A_11 : vector<1xf32> to vector<1x1xf32>
    %reduce_max3A_13 = vector.extract %reduce_max3A_12[0, 0] : f32 from vector<1x1xf32>
    %sub3A = vector.broadcast %reduce_max3A_13 : f32 to vector<16384xf32>
    %sub3A_14 = arith.subf %reduce_sum3A_9, %sub3A : vector<16384xf32>
    %exp3A = math.exp %sub3A_14 : vector<16384xf32>
    %reduce_sum3A_15 = vector.shape_cast %exp3A : vector<16384xf32> to vector<1x16384xf32>
    %reduce_sum3A_16 = arith.constant dense<0.000000e+00> : vector<1xf32>
    %reduce_sum3A_17 = vector.multi_reduction <add>, %reduce_sum3A_15, %reduce_sum3A_16 [1] : vector<1x16384xf32> to vector<1xf32>
    %reduce_sum3A_18 = vector.shape_cast %reduce_sum3A_17 : vector<1xf32> to vector<1x1xf32>
    %reduce_sum3A_19 = vector.extract %reduce_sum3A_18[0, 0] : f32 from vector<1x1xf32>
    %div3A = vector.broadcast %reduce_sum3A_19 : f32 to vector<16384xf32>
    %div3A_20 = arith.divf %exp3A, %div3A : vector<16384xf32>
    %swap3A = arith.constant 0 : index
    %swap3A_21 = arith.constant 0 : index
    %swap3A_22 = vector.load %arg2[%swap3A, %swap3A_21] : memref<1x16384xf32, #tpu.memory_space<vmem>>, vector<1x16384xf32>
    %swap3A_23 = vector.shape_cast %swap3A_22 : vector<1x16384xf32> to vector<16384xf32>
    %swap3A_24 = vector.shape_cast %div3A_20 : vector<16384xf32> to vector<1x16384xf32>
    tpu.vector_store %arg2[%swap3A, %swap3A_21], %swap3A_24 {strides = array<i32>} : memref<1x16384xf32, #tpu.memory_space<vmem>>, vector<1x16384xf32>,
    return
  }
  func.func @transform_0(%arg0: i32) -> (i32, i32, i32) {
    %c0_i32 = arith.constant 0 : i32
    %c0_i32_0 = arith.constant 0 : i32
    %c0_i32_1 = arith.constant 0 : i32
    %c0_i32_2 = arith.constant 0 : i32
    return %c0_i32, %c0_i32_0, %c0_i32_1 : i32, i32, i32
  }
  func.func @transform_1(%arg0: i32) -> (i32, i32) {
    %c0_i32 = arith.constant 0 : i32
    %c0_i32_0 = arith.constant 0 : i32
    %c0_i32_1 = arith.constant 0 : i32
    return %c0_i32, %c0_i32_0 : i32, i32
  }
}

</mosaic_0001>

<sc_bundles>
// kernel: kernel.11.cloned.1.call-start
scs
__scs_entry_jumppad:
0x0: {  	(pc) =	sbr.rel $0x88, $3  }
0x1: {  	(tag) =	ssettag $0x0;
	lr =	simm.s32 $0x1  }
0x2: {  	[smem:$0x3F8D] =	sst lr;
	_ =	strace $0xD0000000  }
0x3: {  	_ = 	snop  }
0x4: {  	_ = 	snop  }
0x5: {  	_ = 	snop  }
0x6: {  	_ = 	snop  }
0x7: {  	_ = 	snop  }
__scs_overlays_trampoline_lowered:
0x8: {  	[smem:$0x3F9C] =	sst s0  }
0x9: {  	[smem:$0x3F9D] =	sst s1  }
0xa: {  	[smem:$0x3F9E] =	sst s2  }
0xb: {  	[smem:$0x3F9F] =	sst s3  }
0xc: {  	[smem:$0x3FA0] =	sst s4  }
0xd: {  	[smem:$0x3FA1] =	sst s5  }
0xe: {  	[smem:$0x3FA2] =	sst s6  }
0xf: {  	[smem:$0x3FA3] =	sst s7  }
0x10: {  	[smem:$0x3FA4] =	sst s8  }
0x11: {  	[smem:$0x3FA5] =	sst s9;
	s0 =	simm.s32 @!p0 $0x0  }
0x12: {  	s1 =	sld [smem:$0x3F8B];
	s0 =	simm.s32 @p0 $0x1  }
0x13: {  	[smem:$0x3FA6] =	sst s0;
	s0 =	simm.s32 @!p1 $0x0  }
0x14: {  	s2 =	sld [smem:$0x3F8A];
	s0 =	simm.s32 @p1 $0x1  }
0x15: {  	[smem:$0x3FA7] =	sst s0;
	s0 =	simm.s32 @!p2 $0x0  }
0x16: {  	s3 =	sld [smem:$0x3FDB];
	s0 =	simm.s32 @p2 $0x1  }
0x17: {  	s4 =	simm.s32 $0x1BF5;
	[smem:$0x3FA9] =	sst s0  }
0x18: {  	s0 =	sld [smem:$0x3F8C];
	_ =	swait.ge [sflag:s4], $0x0  }
0x19: {  	s7 =	sld [smem:$0x3F8D]  }
0x1a: {  	s8 =	sadd.s32 $0xFFFFE003, lr  }
0x1b: {  	s9 =	sadd.s32 $0xFFFFFEF7, lr;
	s5 =	simm.s32 $0xFFFFFFFF;
	p2 =	slt.u32 s8, $0xFFFFF086  }
0x1c: {  	p1 =	slt.u32 s9, $0xF7A;
	s5 =	simm.s32 @!p2 $0x0  }
0x1d: {  	s5 =	simm.s32 @p1 $0x1;
	p0 =	seq.s32 s7, s2  }
0x1e: {  	s7 =	smul.u32 @!p0 $0xF7A, s2;
	p2 =	seq.s32 @!p0 s5, $0x0  }
0x1f: {  	s9 =	smul.u32 $0xF7A, s1;
	s8 =	simm.s32 @!p0 $0x1BF5;
	p2 =	por !p2, p0  }
0x20: {  	[sflag:s8] =	ssyncset.s32 @!p0 $0xFFFFF086;
	s6 =	sadd.s32 @!p0 s3, s7;
	s7 =	simm.s32 @!p0 $0x108  }
0x21: {  	s3 =	sadd.s32 s3, s9;
	s6 =	sadd.s32 @!p0 $0x88, s6;
	s7 =	simm.s32 @p2 $0x1082  }
0x22: {  	[simem:s7], [sflag:s8] =	dma.local @!p0 [hbm:s6], $0xF7A  }
0x23: {  	s9 =	sor.u32 $0xD0000000, s2;
	s6 =	simm.s32 $0x108;
	_ =	swait.ge @!p0 [sflag:s8], $0x0  }
0x24: {  	s3 =	sadd.s32 $0x88, s3;
	s6 =	simm.s32 @!p1 $0x1082;
	[sflag:s4] =	ssyncset.s32 $0xFFFFF086  }
0x25: {  	[simem:s6], [sflag:s4] =	dma.local [hbm:s3], $0xF7A  }
0x26: {  	[smem:$0x3F8D] =	sst s1;
	(tag) =	ssettag s2;
	_ =	strace s9  }
0x27: {  	s1 =	sld [smem:$0x3F9D]  }
0x28: {  	s2 =	sld [smem:$0x3F9E]  }
0x29: {  	s4 =	sld [smem:$0x3FA0]  }
0x2a: {  	p0 =	seq.s32 s5, $0x0;
	s5 =	sld [smem:$0x3FA1]  }
0x2b: {  	s6 =	sld [smem:$0x3FA2]  }
0x2c: {  	s7 =	sld [smem:$0x3FA3]  }
0x2d: {  	s3 =	simm.s32 $0x108;
	s8 =	sld [smem:$0x3FA4]  }
0x2e: {  	s3 =	simm.s32 @!p0 $0x1082;
	s9 =	sld [smem:$0x3FA5]  }
0x2f: {  	lr =	sadd.s32 s0, s3;
	s0 =	sld [smem:$0x3F9C]  }
0x30: {  	s3 =	sld [smem:$0x3F9F]  }
0x31: {  	[smem:$0x3FA8] =	sst s10  }
0x32: {  	s10 =	sld [smem:$0x3FA6];
	_ =	sdelay $0x3  }
0x33: {  	p0 =	seq.s32 s10, $0x1;
	s10 =	sld [smem:$0x3FA8];
	_ =	sdelay $0x3  }
0x34: {  	[smem:$0x3FA8] =	sst s10  }
0x35: {  	s10 =	sld [smem:$0x3FA7];
	_ =	sdelay $0x3  }
0x36: {  	p1 =	seq.s32 s10, $0x1;
	s10 =	sld [smem:$0x3FA8];
	_ =	sdelay $0x3  }
0x37: {  	[smem:$0x3FA8] =	sst s10  }
0x38: {  	s10 =	sld [smem:$0x3FA9]  }
0x39: {  	_ = 	snop;
	(pc) =	sbr.ind lr, $3  }
0x3a: {  	_ = 	snop  }
0x3b: {  	_ = 	snop  }
0x3c: {  	p2 =	seq.s32 s10, $0x1;
	s10 =	sld [smem:$0x3FA8]  }
0x3d: {  	_ =	shalt  }
0x3e: {  	_ =	shalt  }
0x3f: {  	_ =	shalt  }
0x40: {  	_ =	shalt  }
0x41: {  	_ =	shalt  }
0x42: {  	_ =	shalt  }
0x43: {  	_ =	shalt  }
0x44: {  	_ =	shalt  }
0x45: {  	_ =	shalt  }
0x46: {  	_ =	shalt  }
0x47: {  	_ =	shalt  }
0x48: {  	_ =	shalt  }
0x49: {  	_ =	shalt  }
0x4a: {  	_ =	shalt  }
0x4b: {  	_ =	shalt  }
0x4c: {  	_ =	shalt  }
0x4d: {  	_ =	shalt  }
0x4e: {  	_ =	shalt  }
0x4f: {  	_ =	shalt  }
0x50: {  	_ =	shalt  }
0x51: {  	_ =	shalt  }
0x52: {  	_ =	shalt  }
0x53: {  	_ =	shalt  }
0x54: {  	_ =	shalt  }
0x55: {  	_ =	shalt  }
0x56: {  	_ =	shalt  }
0x57: {  	_ =	shalt  }
0x58: {  	_ =	shalt  }
0x59: {  	_ =	shalt  }
0x5a: {  	_ =	shalt  }
0x5b: {  	_ =	shalt  }
0x5c: {  	_ =	shalt  }
0x5d: {  	_ =	shalt  }
0x5e: {  	_ =	shalt  }
0x5f: {  	_ =	shalt  }
0x60: {  	_ =	shalt  }
0x61: {  	_ =	shalt  }
0x62: {  	_ =	shalt  }
0x63: {  	_ =	shalt  }
0x64: {  	_ =	shalt  }
0x65: {  	_ =	shalt  }
0x66: {  	_ =	shalt  }
0x67: {  	_ =	shalt  }
0x68: {  	_ =	shalt  }
0x69: {  	_ =	shalt  }
0x6a: {  	_ =	shalt  }
0x6b: {  	_ =	shalt  }
0x6c: {  	_ =	shalt  }
0x6d: {  	_ =	shalt  }
0x6e: {  	_ =	shalt  }
0x6f: {  	_ =	shalt  }
0x70: {  	_ =	shalt  }
0x71: {  	_ =	shalt  }
0x72: {  	_ =	shalt  }
0x73: {  	_ =	shalt  }
0x74: {  	_ =	shalt  }
0x75: {  	_ =	shalt  }
0x76: {  	_ =	shalt  }
0x77: {  	_ =	shalt  }
0x78: {  	_ =	shalt  }
0x79: {  	_ =	shalt  }
0x7a: {  	_ =	shalt  }
0x7b: {  	_ =	shalt  }
0x7c: {  	_ =	shalt  }
0x7d: {  	_ =	shalt  }
0x7e: {  	_ =	shalt  }
0x7f: {  	_ =	shalt  }
0x80: {  	_ =	shalt  }
0x81: {  	_ =	shalt  }
0x82: {  	_ =	shalt  }
0x83: {  	_ =	shalt  }
0x84: {  	_ =	shalt  }
0x85: {  	_ =	shalt  }
0x86: {  	_ =	shalt  }
0x87: {  	_ =	shalt  }
.Lfunc_end0:
.L_simem_size_0:
called_computation_lowered:
.L_overlay_start_0:
0x88: {  	s2 =	sld [smem:$0x3FD9]  }
0x89: {  	s3 =	sld [smem:$0x3FFE];
	_ =	sdelay $0x1  }
0x8a: {  	s1 =	srdreg.scid  }
0x8b: {  	s0 =	sand.u32 $0x1, s1  }
0x8c: {  	s17 =	sshll.u32 s0, $0xA;
	s2 =	sadd.s32 s3, s2  }
0x8d: {  	s2 =	sadd.s32 s2, s17  }
0x8e: {  	[smem:$0x3FB4] =	sst s2  }
0x8f: {  	_ = 	snop  }
0x90: {  	s2 =	sld [smem:$0x3FC8];
	(tm) =	ssettm $0x1  }
0x91: {  	s18 =	sld [smem:$0x3FFB];
	_ =	sdelay $0x3  }
0x92: {  	_ =	strace s18  }
0x93: {  	s3 =	sld [smem:$0x3FFC];
	_ =	sdelay $0x3  }
0x94: {  	_ =	strace s3  }
0x95: {  	s3 =	sld [smem:$0x3FFD];
	_ =	sdelay $0x3  }
0x96: {  	_ =	strace s3  }
0x97: {  	_ =	strace $0x8FFFFFFF  }
0x98: {  	s19 =	sld [smem:$0x3FDB];
	_ =	sdelay $0x1  }
0x99: {  	s4 =	simm.s32 $_scs_section_size  }
0x9a: {  	s5 =	simm.s32 $_size__tile_overlayer_lowered;
	s6 =	simm.s32 $_tile_overlayer_lowered  }
0x9b: {  	s22 =	simm.s32 $0x1BFF;
	s21 =	sshll.u32 s6, $0x1;
	s3 =	sadd.s32 s4, s19  }
0x9c: {  	s7 =	simm.s32 $0x0;
	s20 =	sshll.u32 s5, $0x1;
	s5 =	sadd.s32 s21, s3  }
0x9d: {  	[timem:s7], [sflag:s22] =	dma.local [hbm:s5], s20  }
0x9e: {  	_ =	swait.ge [sflag:s22], s20  }
0x9f: {  	s4 =	ssub.s32 $0x0, s20;
	[sflag:s22] =	ssyncset.done $0x0  }
0xa0: {  	[sflag:s22] =	ssyncadd.s32 s4;
	_ =	sdelay $0x1  }
0xa1: {  	s23 =	simm.s32 $0x1B8B  }
0xa2: {  	_ =	swait.ge [sflag:s23], $0x1  }
0xa3: {  	[sflag:s23] =	ssyncset.done $0x0  }
0xa4: {  	s25 =	simm.s32 $0x1B8E;
	s24 =	sld [smem:$0x3FFE];
	[sflag:s23] =	ssyncadd.s32 $0xFFFFFFFF  }
0xa5: {  	s26 =	simm.s32 $execute0_lowered;
	[smem:$0x3FD2] =	sst s25  }
0xa6: {  	s5 =	sshll.u32 s26, $0x1;
	_ =	strace $0x80000046;
	[dreg:$0x1] =	wrdreg $0xFFFFFFFF  }
0xa7: {  	s28 =	simm.s32 $_size_execute0_lowered;
	s3 =	sadd.s32 s3, s5;
	[dreg:$0x0] =	wrdreg $0x0  }
0xa8: {  	s5 =	sshll.u32 s28, $0x1;
	[dreg:$0x2] =	wrdreg s3  }
0xa9: {  	[dreg:$0x3] =	wrdreg s5  }
0xaa: {  	[dreg:$0x4] =	wrdreg $0xC0  }
0xab: {  	_ =	task [dreg:s7], $0x5FFFF  }
0xac: {  	[dreg:$0x1] =	wrdreg $0xFFFFFFFF  }
0xad: {  	[dreg:$0x0] =	wrdreg $0x60  }
0xae: {  	[dreg:$0x2] =	wrdreg s2  }
0xaf: {  	[dreg:$0x3] =	wrdreg s24  }
0xb0: {  	[dreg:$0x4] =	wrdreg $0xAA000  }
0xb1: {  	[dreg:$0x5] =	wrdreg $0x9  }
0xb2: {  	_ =	task.clear_ibuf [dreg:s7], $0x6FFFF;
	_ =	strace $0x90000046  }
0xb3: {  	s29 =	simm.s32 $0x9;
	_ =	strace $0x80000048  }
0xb4: {  	_ =	swait.ge [sflag:s29], $0x1  }
0xb5: {  	[sflag:s29] =	ssyncadd.s32 $0xFFFFFFFF  }
0xb6: {  	_ =	strace $0x90000048  }
0xb7: {  	_ =	sfence  }
0xb8: {  	s30 =	sld [smem:$0x0];
	_ =	sdelay $0x2  }
0xb9: {  	s31 =	sshll.u32 s1, $0xD;
	s1 =	sshrl.u32 s1, $0x2  }
0xba: {  	s3 =	sand.u32 $0x4000, s31;
	s1 =	sadd.s32 s1, s30  }
0xbb: {  	s0 =	sor.u32 s3, s0;
	s1 =	sshll.u32 s1, $0x11  }
0xbc: {  	s0 =	sor.u32 s1, s0  }
0xbd: {  	s0 =	sadd.s32 $0x8F2B, s0  }
0xbe: {  	[sflag:s0] =	ssyncadd.remote.s32 $0x1  }
0xbf: {  	_ =	sfence.sel $0xFFFF  }
0xc0: {  	[dreg:$0x0] =	wrdreg $0xFFFFFFFF;
	(pc) =	sbr.abs _section_cstart, $3  }
0xc1: {  	[dreg:$0x1] =	wrdreg $0xFFFFFFFF  }
0xc2: {  	_ =	task.clear_ibuf [dreg:s7], $0x2FFFF;
	_ =	strace $0x9FFFFFFF  }
0xc3: {  	(tm) =	ssettm $0x7FFFFFFF  }
tec
execute0_lowered:
.L_overlay_start_1:
0x0: {  	(tag) =	ssettag $0x1  }
0x1: {  	s1 =	rddreg [dreg:$0x0]  }
0x2: {  	s0 =	rddreg [dreg:$0x1]  }
0x3: {  	s3 =	rddreg [dreg:$0x2];
	s4 =	simm.s32 $0x0  }
0x4: {  	s13 =	stileid.u32;
	s2 =	srdreg.scid;
	s18 =	simm.s32 $0x9  }
0x5: {  	s19 =	simm.s32 $0x100;
	s28 =	simm.s32 $0x3;
	s29 =	simm.s32 $0x4  }
0x6: {  	s30 =	simm.s32 $0x6;
	s31 =	simm.s32 $0x7;
	[smem:$0x7FF] =	sst s4  }
0x7: {  	s7 =	smul.u32 $0x13C00, s13;
	s2 =	sand.u32 $0x1, s2;
	s5 =	sadd.s32 $0xE000, s0  }
0x8: {  	s6 =	sadd.s32 $0x4000, s0;
	s10 =	smul.u32 $0x4F000, s13;
	s22 =	sshll.u32 s13, $0x6  }
0x9: {  	s8 =	smul.u32 $0x13C000, s2;
	s20 =	sshll.u32 s2, $0x4;
	s2 =	ssub.s32 $0x2, s2  }
0xa: {  	_ =	strace $0x80000047;
	s9 =	sshrl.u32 s7, $0x3;
	s12 =	sshrl.u32 s2, $0x1  }
0xb: {  	s10 =	sshrl.u32 s10, $0x2;
	s9 =	sadd.s32 s9, s0;
	s7 =	sadd.s32 s7, s8  }
0xc: {  	s8 =	sor.u32 s13, s20;
	s2 =	ssub.s32 s2, s12;
	s21 =	sadd.s32 s10, s3  }
0xd: {  	s20 =	simm.s32 $0x80;
	s7 =	sshrl.u32 s7, $0x3;
	s11 =	smul.u32 $0x4F0, s8  }
0xe: {  	s9 =	sadd.s32 $0x18000, s9;
	s16 =	smax.u32 s2, $0x1;
	s17 =	sshrl.u32 s21, $0x3  }
0xf: {  	s21 =	simm.s32 $0x200;
	s15 =	sadd.s32 s7, s0;
	s7 =	smul.u32 $0x2800, s8  }
0x10: {  	[dreg:$0x4] =	wrdreg s9;
	s9 =	sor.u32 $0x1C09, s22;
	s22 =	simm.s32 $0x4200  }
0x11: {  	s0 =	sadd.s32 s11, s0;
	s15 =	sadd.s32 $0x49600, s15;
	s23 =	sshrl.u32 s7, $0x3  }
.Ltmp0:
0x12: {  	s14 =	sadd.s32 $0x3F800, s0;
	s24 =	sadd.s32 s5, s23;
	(pc) =	sbr.rel .LBB2_1-.Ltmp0, $4  }
0x13: {  	s0 =	simm.s32 $0x0;
	s10 =	sadd.s32 s6, s23;
	[dreg:$0x5] =	wrdreg s24  }
0x14: {  	s25 =	sor.u32 $0x10, s23;
	s23 =	simm.s32 $0x1;
	[dreg:$0x6] =	wrdreg s10  }
0x15: {  	v1 =	vlaneseq.u32;
	s26 =	sadd.s32 s5, s25;
	s13 =	sadd.s32 s6, s25;
	s24 =	simm.s32 $0x8200  }
0x16: {  	v0 =	vimm.f32 $0.0e+00;
	v1 =	vor.u32 $0x2780, v1;
	s25 =	simm.s32 $0x2;
	[dreg:$0x7] =	wrdreg s26;
	s26 =	simm.s32 $0x180  }
.LBB2_6:
0x17: {  	_ =	swait.ge [sflag:s28], $0x4000  }
0x18: {  	[sflag:s28] =	ssyncset.done $0x0  }
0x19: {  	[sflag:s28] =	ssyncadd.s32 $0xFFFFC000  }
0x1a: {  	_ =	swait.ge [sflag:s29], $0x4000  }
0x1b: {  	[sflag:s29] =	ssyncset.done $0x0  }
0x1c: {  	[sflag:s29] =	ssyncadd.s32 $0xFFFFC000  }
0x1d: {  	[hbm4b:s14+s4] =	stream.linear.scatter [tilespmem:s24], [sflag:$0x9], $0x2780, $0x38;
	[tilespmem:$0x1E600] =	vst v63  }
0x1e: {  	_ =	swait.ge [sflag:s18], $0x2780  }
0x1f: {  	[sflag:s18] =	ssyncset.done $0x0  }
0x20: {  	s0 =	sadd.s32 $0x1, s0;
	[sflag:s18] =	ssyncadd.s32 $0xFFFFD880  }
0x21: {  	p0 =	sne.s32 s0, s16;
	[bflag:$0x0] =	sbarrier.arrive $0xFFFF  }
0x22: {  	[hbm:s15], [sflag:s9] =	dma.local [spmem:s17], $0x2780  }
.Ltmp1:
0x23: {  	_ =	swait.ge [sflag:s18], $0x2780;
	(pc) =	sbr.rel @!p0 .LBB2_7-.Ltmp1, $3  }
0x24: {  	[sflag:s18] =	ssyncset.done $0x0  }
0x25: {  	[sflag:s18] =	ssyncadd.s32 $0xFFFFD880  }
0x26: {  	[bflag:$0x0] =	sbarrier.arrive $0xFFFF;
	_ =	sdelay $0x1  }
.LBB2_1:
0x27: {  	s2 =	simm.s32 $0x40;
	s8 =	simm.s32 $0x0  }
.LBB2_2:
0x28: {  	p0 =	sne.s32 s2, $0x9E00;
	[tilespmem:s8+$0x8200] =	vst v0;
	s8 =	smov.u32 s2;
	s2 =	sadd.s32 $0x40, s2  }
.Ltmp2:
0x29: {  	(pc) =	sbr.rel @p0 .LBB2_2-.Ltmp2, $2  }
0x2a: {  	_ =	sdelay $0x2  }
0x2b: {  	s8 =	sshra.s32 s8, $0x2  }
0x2c: {  	[tilespmem:s8+$0x8200] =	vst v0;
	s2 =	rddreg [dreg:$0x4]  }
0x2d: {  	[spmem:s17], [sflag:s9] =	dma.local [hbm:s2], $0x2780  }
0x2e: {  	_ =	swait.ge [sflag:s18], $0x2780  }
0x2f: {  	[sflag:s18] =	ssyncset.done $0x0  }
0x30: {  	[sflag:s18] =	ssyncadd.s32 $0xFFFFD880  }
0x31: {  	[bflag:$0x0] =	sbarrier.arrive $0xFFFF  }
0x32: {  	s10 =	rddreg [dreg:$0x5]  }
0x33: {  	[tilespmem:s4], [sflag:$0x9] =	stream.linear.gather [hbm4b:s10+s4], $0x80, $0x38;
	[tilespmem:$0x1E600] =	vst v63  }
0x34: {  	_ =	swait.ge [sflag:s18], $0x80  }
0x35: {  	[sflag:s18] =	ssyncset.done $0x0  }
0x36: {  	s11 =	rddreg [dreg:$0x6];
	[sflag:s18] =	ssyncadd.s32 $0xFFFFFF80  }
0x37: {  	[tilespmem:s19], [sflag:$0x9] =	stream.linear.gather [hbm4b:s11+s4], $0x80, $0x38;
	[tilespmem:$0x1E600] =	vst v63  }
0x38: {  	_ =	swait.ge [sflag:s18], $0x80  }
0x39: {  	[sflag:s18] =	ssyncset.done $0x0  }
0x3a: {  	[sflag:s18] =	ssyncadd.s32 $0xFFFFFF80  }
0x3b: {  	[tilespmem:s21], [sflag:$0x1] =	stream.indirect.gather [hbm4b:s1+s20], $0x80, s4, s20, $0xb8;
	[tilespmem:$0x1E600] =	vst v63  }
0x3c: {  	s12 =	rddreg [dreg:$0x7]  }
0x3d: {  	[tilespmem:s20], [sflag:$0x9] =	stream.linear.gather [hbm4b:s12+s4], $0x80, $0x38;
	[tilespmem:$0x1E600] =	vst v63  }
0x3e: {  	_ =	swait.ge [sflag:s18], $0x80  }
0x3f: {  	[sflag:s18] =	ssyncset.done $0x0  }
0x40: {  	s2 =	simm.s32 $0x180;
	[sflag:s18] =	ssyncadd.s32 $0xFFFFFF80  }
0x41: {  	[tilespmem:s2], [sflag:$0x9] =	stream.linear.gather [hbm4b:s13+s4], $0x80, $0x38;
	[tilespmem:$0x1E600] =	vst v63  }
0x42: {  	_ =	swait.ge [sflag:s18], $0x80  }
0x43: {  	[sflag:s18] =	ssyncset.done $0x0  }
0x44: {  	[sflag:s18] =	ssyncadd.s32 $0xFFFFFF80  }
0x45: {  	[tilespmem:s22], [sflag:$0x2] =	stream.indirect.gather [hbm4b:s1+s20], $0x80, s20, s20, $0xb8;
	[tilespmem:$0x1E600] =	vst v63  }
.LBB2_4:
0x46: {  	p0 =	seq.s32 s2, $0x2880  }
0x47: {  	s8 =	sadd.s32 @!p0 $0xFFFFFF80, s2  }
0x48: {  	s10 =	sand.u32 @!p0 $0x7C00, s8  }
0x49: {  	_ =	swait.ge [sflag:s23], $0x4000;
	s8 =	sand.u32 @!p0 $0x300, s8;
	s10 =	sadd.s32 @!p0 s7, s10  }
0x4a: {  	[sflag:s23] =	ssyncset.done $0x0;
	s8 =	sor.u32 @!p0 s8, s10  }
0x4b: {  	p1 =	seq.s32 @!p0 s2, $0x180;
	[sflag:s23] =	ssyncadd.s32 $0xFFFFC000;
	s10 =	sshrl.u32 @!p0 s8, $0x3  }
0x4c: {  	p2 =	por p0, !p1;
	s8 =	simm.s32 @!p0 $0x0;
	s11 =	sadd.s32 @!p0 s5, s10  }
0x4d: {  	[tilespmem:s8], [sflag:$0x5] =	stream.linear.gather @!p0 [hbm4b:s11+s8], $0x80, $0x38;
	[tilespmem:$0x1E600] =	vst v63  }
0x4e: {  	_ =	swait.ge @p2 [sflag:s31], $0x80  }
0x4f: {  	[sflag:s31] =	ssyncset.done @p2 $0x0  }
0x50: {  	[sflag:s31] =	ssyncadd.s32 @p2 $0xFFFFFF80  }
0x51: {  	[spmem:s3] =	stream.indirect.scatter.add.f32 [tilespmem:s21], [sflag:$0x3], $0x80, s19, s20, $0xb8;
	[tilespmem:$0x1E600] =	vst v63  }
0x52: {  	v2 =	vld [tilespmem:$0x100];
	_ =	sdelay $0x4  }
0x53: {  	(xrf1) =	vunique.msk.u32 $0xffff, v2;
	_ =	sdelay $0xd  }
0x54: {  	_, v3, vm0 =	vpop (xrf1)  }
0x55: {  	v2 =	vsel vm0, v2, v1;
	_ =	sdelay $0x4  }
0x56: {  	v4 =	vld.idx.msk [tilespmem:v2+s24+$0x0], $0xffff;
	_ =	sdelay $0x2  }
0x57: {  	v3 =	vcvt.s32.f32 v3;
	_ =	sdelay $0x1  }
0x58: {  	v3 =	vadd.f32 v3, v4;
	_ =	sdelay $0x1  }
0x59: {  	[tilespmem:v2+s24+$0x0] =	vst.idx.msk $0xffff, v3  }
0x5a: {  	v2 =	vld [tilespmem:$0x110];
	_ =	sdelay $0x4  }
0x5b: {  	(xrf1) =	vunique.msk.u32 $0xffff, v2;
	_ =	sdelay $0xd  }
0x5c: {  	_, v3, vm13 =	vpop (xrf1)  }
0x5d: {  	v2 =	vsel vm13, v2, v1;
	_ =	sdelay $0x4  }
0x5e: {  	v49 =	vld.idx.msk [tilespmem:v2+s24+$0x0], $0xffff;
	_ =	sdelay $0x2  }
0x5f: {  	v3 =	vcvt.s32.f32 v3;
	_ =	sdelay $0x1  }
0x60: {  	v3 =	vadd.f32 v3, v49;
	_ =	sdelay $0x1  }
0x61: {  	[tilespmem:v2+s24+$0x0] =	vst.idx.msk $0xffff, v3  }
0x62: {  	v2 =	vld [tilespmem:$0x120];
	_ =	sdelay $0x4  }
0x63: {  	(xrf1) =	vunique.msk.u32 $0xffff, v2;
	_ =	sdelay $0xd  }
0x64: {  	_, v3, vm14 =	vpop (xrf1)  }
0x65: {  	v2 =	vsel vm14, v2, v1;
	_ =	sdelay $0x4  }
0x66: {  	v50 =	vld.idx.msk [tilespmem:v2+s24+$0x0], $0xffff;
	_ =	sdelay $0x2  }
0x67: {  	v3 =	vcvt.s32.f32 v3;
	_ =	sdelay $0x1  }
0x68: {  	v3 =	vadd.f32 v3, v50;
	_ =	sdelay $0x1  }
0x69: {  	[tilespmem:v2+s24+$0x0] =	vst.idx.msk $0xffff, v3  }
0x6a: {  	v2 =	vld [tilespmem:$0x130];
	_ =	sdelay $0x4  }
0x6b: {  	(xrf1) =	vunique.msk.u32 $0xffff, v2;
	_ =	sdelay $0xd  }
0x6c: {  	_, v3, vm15 =	vpop (xrf1)  }
0x6d: {  	v2 =	vsel vm15, v2, v1;
	_ =	sdelay $0x4  }
0x6e: {  	v51 =	vld.idx.msk [tilespmem:v2+s24+$0x0], $0xffff;
	_ =	sdelay $0x2  }
0x6f: {  	v3 =	vcvt.s32.f32 v3;
	_ =	sdelay $0x1  }
0x70: {  	v3 =	vadd.f32 v3, v51;
	_ =	sdelay $0x1  }
0x71: {  	[tilespmem:v2+s24+$0x0] =	vst.idx.msk $0xffff, v3  }
0x72: {  	v2 =	vld [tilespmem:$0x140];
	_ =	sdelay $0x4  }
0x73: {  	(xrf1) =	vunique.msk.u32 $0xffff, v2;
	_ =	sdelay $0xd  }
0x74: {  	_, v3, vm4 =	vpop (xrf1)  }
0x75: {  	v2 =	vsel vm4, v2, v1;
	_ =	sdelay $0x4  }
0x76: {  	v52 =	vld.idx.msk [tilespmem:v2+s24+$0x0], $0xffff;
	_ =	sdelay $0x2  }
0x77: {  	v3 =	vcvt.s32.f32 v3;
	_ =	sdelay $0x1  }
0x78: {  	v3 =	vadd.f32 v3, v52;
	_ =	sdelay $0x1  }
0x79: {  	[tilespmem:v2+s24+$0x0] =	vst.idx.msk $0xffff, v3  }
0x7a: {  	v2 =	vld [tilespmem:$0x150];
	_ =	sdelay $0x4  }
0x7b: {  	(xrf1) =	vunique.msk.u32 $0xffff, v2;
	_ =	sdelay $0xd  }
0x7c: {  	_, v3, vm5 =	vpop (xrf1)  }
0x7d: {  	v2 =	vsel vm5, v2, v1;
	_ =	sdelay $0x4  }
0x7e: {  	v53 =	vld.idx.msk [tilespmem:v2+s24+$0x0], $0xffff;
	_ =	sdelay $0x2  }
0x7f: {  	v3 =	vcvt.s32.f32 v3;
	_ =	sdelay $0x1  }
0x80: {  	v3 =	vadd.f32 v3, v53;
	_ =	sdelay $0x1  }
0x81: {  	[tilespmem:v2+s24+$0x0] =	vst.idx.msk $0xffff, v3  }
0x82: {  	v2 =	vld [tilespmem:$0x160];
	_ =	sdelay $0x4  }
0x83: {  	(xrf1) =	vunique.msk.u32 $0xffff, v2;
	_ =	sdelay $0xd  }
0x84: {  	_, v3, vm6 =	vpop (xrf1)  }
0x85: {  	v2 =	vsel vm6, v2, v1;
	_ =	sdelay $0x4  }
0x86: {  	v54 =	vld.idx.msk [tilespmem:v2+s24+$0x0], $0xffff;
	_ =	sdelay $0x2  }
0x87: {  	v3 =	vcvt.s32.f32 v3;
	_ =	sdelay $0x1  }
0x88: {  	v3 =	vadd.f32 v3, v54;
	_ =	sdelay $0x1  }
0x89: {  	[tilespmem:v2+s24+$0x0] =	vst.idx.msk $0xffff, v3  }
0x8a: {  	v2 =	vld [tilespmem:$0x170];
	_ =	sdelay $0x4  }
0x8b: {  	(xrf1) =	vunique.msk.u32 $0xffff, v2;
	_ =	sdelay $0xd  }
0x8c: {  	_, v3, vm7 =	vpop (xrf1)  }
0x8d: {  	v2 =	vsel vm7, v2, v1;
	_ =	sdelay $0x4  }
0x8e: {  	v55 =	vld.idx.msk [tilespmem:v2+s24+$0x0], $0xffff;
	_ =	sdelay $0x2  }
0x8f: {  	v3 =	vcvt.s32.f32 v3;
	_ =	sdelay $0x1  }
0x90: {  	v3 =	vadd.f32 v3, v55;
	_ =	sdelay $0x1  }
0x91: {  	s11 =	simm.s32 @!p0 $0x3;
	[tilespmem:v2+s24+$0x0] =	vst.idx.msk $0xffff, v3  }
0x92: {  	_ =	swait.ge @!p0 [sflag:s11], $0x4000  }
0x93: {  	[sflag:s11] =	ssyncset.done @!p0 $0x0  }
0x94: {  	s10 =	sadd.s32 @!p0 s6, s10;
	[sflag:s11] =	ssyncadd.s32 @!p0 $0xFFFFC000;
	s11 =	simm.s32 @!p0 $0x100  }
0x95: {  	[tilespmem:s11], [sflag:$0x7] =	stream.linear.gather @!p0 [hbm4b:s10+s8], $0x80, $0x38;
	[tilespmem:$0x1E600] =	vst v63  }
0x96: {  	s10 =	simm.s32 @!p0 $0x5  }
0x97: {  	_ =	swait.ge @!p0 [sflag:s10], $0x80  }
0x98: {  	[sflag:s10] =	ssyncset.done @!p0 $0x0  }
0x99: {  	s11 =	simm.s32 @!p0 $0x200;
	[sflag:s10] =	ssyncadd.s32 @!p0 $0xFFFFFF80;
	s10 =	simm.s32 @!p0 $0x80  }
0x9a: {  	[tilespmem:s11], [sflag:$0x1] =	stream.indirect.gather @!p0 [hbm4b:s1+s10], $0x80, s8, s10, $0xb8;
	[tilespmem:$0x1E600] =	vst v63  }
0x9b: {  	s11 =	sand.u32 @!p0 $0x7C00, s2  }
0x9c: {  	s12 =	sand.u32 @!p0 $0x380, s2;
	s11 =	sadd.s32 @!p0 s7, s11  }
0x9d: {  	_ =	swait.ge [sflag:s25], $0x4000;
	s11 =	sor.u32 @!p0 s12, s11  }
0x9e: {  	p1 =	por @!p0 $0x1, $0x1;
	[sflag:s25] =	ssyncset.done $0x0;
	s11 =	sshrl.u32 @!p0 s11, $0x3  }
0x9f: {  	p1 =	por @p2 $0x0, $0x0;
	[sflag:s25] =	ssyncadd.s32 $0xFFFFC000;
	s11 =	sadd.s32 @!p0 s5, s11  }
0xa0: {  	[tilespmem:s10], [sflag:$0x6] =	stream.linear.gather @!p0 [hbm4b:s11+s8], $0x80, $0x38;
	[tilespmem:$0x1E600] =	vst v63  }
0xa1: {  	s8 =	simm.s32 @!p1 $0x8  }
0xa2: {  	_ =	swait.ge @!p1 [sflag:s8], $0x80  }
0xa3: {  	[sflag:s8] =	ssyncset.done @!p1 $0x0  }
0xa4: {  	[sflag:s8] =	ssyncadd.s32 @!p1 $0xFFFFFF80  }
0xa5: {  	[spmem:s3] =	stream.indirect.scatter.add.f32 [tilespmem:s22], [sflag:$0x4], $0x80, s26, s20, $0xb8;
	[tilespmem:$0x1E600] =	vst v63  }
0xa6: {  	v2 =	vld [tilespmem:$0x180];
	_ =	sdelay $0x4  }
0xa7: {  	(xrf1) =	vunique.msk.u32 $0xffff, v2;
	_ =	sdelay $0xd  }
0xa8: {  	_, v3, vm8 =	vpop (xrf1)  }
0xa9: {  	v2 =	vsel vm8, v2, v1;
	_ =	sdelay $0x4  }
0xaa: {  	v56 =	vld.idx.msk [tilespmem:v2+s24+$0x0], $0xffff;
	_ =	sdelay $0x2  }
0xab: {  	v3 =	vcvt.s32.f32 v3;
	_ =	sdelay $0x1  }
0xac: {  	v3 =	vadd.f32 v3, v56;
	_ =	sdelay $0x1  }
0xad: {  	[tilespmem:v2+s24+$0x0] =	vst.idx.msk $0xffff, v3  }
0xae: {  	v2 =	vld [tilespmem:$0x190];
	_ =	sdelay $0x4  }
0xaf: {  	(xrf1) =	vunique.msk.u32 $0xffff, v2;
	_ =	sdelay $0xd  }
0xb0: {  	_, v3, vm9 =	vpop (xrf1)  }
0xb1: {  	v2 =	vsel vm9, v2, v1;
	_ =	sdelay $0x4  }
0xb2: {  	v57 =	vld.idx.msk [tilespmem:v2+s24+$0x0], $0xffff;
	_ =	sdelay $0x2  }
0xb3: {  	v3 =	vcvt.s32.f32 v3;
	_ =	sdelay $0x1  }
0xb4: {  	v3 =	vadd.f32 v3, v57;
	_ =	sdelay $0x1  }
0xb5: {  	[tilespmem:v2+s24+$0x0] =	vst.idx.msk $0xffff, v3  }
0xb6: {  	v2 =	vld [tilespmem:$0x1A0];
	_ =	sdelay $0x4  }
0xb7: {  	(xrf1) =	vunique.msk.u32 $0xffff, v2;
	_ =	sdelay $0xd  }
0xb8: {  	_, v3, vm10 =	vpop (xrf1)  }
0xb9: {  	v2 =	vsel vm10, v2, v1;
	_ =	sdelay $0x4  }
0xba: {  	v58 =	vld.idx.msk [tilespmem:v2+s24+$0x0], $0xffff;
	_ =	sdelay $0x2  }
0xbb: {  	v3 =	vcvt.s32.f32 v3;
	_ =	sdelay $0x1  }
0xbc: {  	v3 =	vadd.f32 v3, v58;
	_ =	sdelay $0x1  }
0xbd: {  	[tilespmem:v2+s24+$0x0] =	vst.idx.msk $0xffff, v3  }
0xbe: {  	v2 =	vld [tilespmem:$0x1B0];
	_ =	sdelay $0x4  }
0xbf: {  	(xrf1) =	vunique.msk.u32 $0xffff, v2;
	_ =	sdelay $0xd  }
0xc0: {  	_, v3, vm11 =	vpop (xrf1)  }
0xc1: {  	v2 =	vsel vm11, v2, v1;
	_ =	sdelay $0x4  }
0xc2: {  	v59 =	vld.idx.msk [tilespmem:v2+s24+$0x0], $0xffff;
	_ =	sdelay $0x2  }
0xc3: {  	v3 =	vcvt.s32.f32 v3;
	_ =	sdelay $0x1  }
0xc4: {  	v3 =	vadd.f32 v3, v59;
	_ =	sdelay $0x1  }
0xc5: {  	[tilespmem:v2+s24+$0x0] =	vst.idx.msk $0xffff, v3  }
0xc6: {  	v2 =	vld [tilespmem:$0x1C0];
	_ =	sdelay $0x4  }
0xc7: {  	(xrf1) =	vunique.msk.u32 $0xffff, v2;
	_ =	sdelay $0xd  }
0xc8: {  	_, v3, vm12 =	vpop (xrf1)  }
0xc9: {  	v2 =	vsel vm12, v2, v1;
	_ =	sdelay $0x4  }
0xca: {  	v60 =	vld.idx.msk [tilespmem:v2+s24+$0x0], $0xffff;
	_ =	sdelay $0x2  }
0xcb: {  	v3 =	vcvt.s32.f32 v3;
	_ =	sdelay $0x1  }
0xcc: {  	v3 =	vadd.f32 v3, v60;
	_ =	sdelay $0x1  }
0xcd: {  	[tilespmem:v2+s24+$0x0] =	vst.idx.msk $0xffff, v3  }
0xce: {  	v2 =	vld [tilespmem:$0x1D0];
	_ =	sdelay $0x4  }
0xcf: {  	(xrf1) =	vunique.msk.u32 $0xffff, v2;
	_ =	sdelay $0xd  }
0xd0: {  	_, v3, vm13 =	vpop (xrf1)  }
0xd1: {  	v2 =	vsel vm13, v2, v1;
	_ =	sdelay $0x4  }
0xd2: {  	v61 =	vld.idx.msk [tilespmem:v2+s24+$0x0], $0xffff;
	_ =	sdelay $0x2  }
0xd3: {  	v3 =	vcvt.s32.f32 v3;
	_ =	sdelay $0x1  }
0xd4: {  	v3 =	vadd.f32 v3, v61;
	_ =	sdelay $0x1  }
0xd5: {  	[tilespmem:v2+s24+$0x0] =	vst.idx.msk $0xffff, v3  }
0xd6: {  	v2 =	vld [tilespmem:$0x1E0];
	_ =	sdelay $0x4  }
0xd7: {  	(xrf1) =	vunique.msk.u32 $0xffff, v2;
	_ =	sdelay $0xd  }
0xd8: {  	_, v3, vm14 =	vpop (xrf1)  }
0xd9: {  	v2 =	vsel vm14, v2, v1;
	_ =	sdelay $0x4  }
0xda: {  	v62 =	vld.idx.msk [tilespmem:v2+s24+$0x0], $0xffff;
	_ =	sdelay $0x2  }
0xdb: {  	v3 =	vcvt.s32.f32 v3;
	_ =	sdelay $0x1  }
0xdc: {  	v3 =	vadd.f32 v3, v62;
	_ =	sdelay $0x1  }
0xdd: {  	[tilespmem:v2+s24+$0x0] =	vst.idx.msk $0xffff, v3  }
0xde: {  	v2 =	vld [tilespmem:$0x1F0];
	_ =	sdelay $0x4  }
0xdf: {  	(xrf1) =	vunique.msk.u32 $0xffff, v2;
	_ =	sdelay $0xd  }
0xe0: {  	_, v3, vm15 =	vpop (xrf1)  }
0xe1: {  	v2 =	vsel vm15, v2, v1;
	_ =	sdelay $0x4  }
0xe2: {  	v63 =	vld.idx.msk [tilespmem:v2+s24+$0x0], $0xffff;
	_ =	sdelay $0x2  }
.Ltmp3:
0xe3: {  	v3 =	vcvt.s32.f32 v3;
	(pc) =	sbr.rel @p0 .LBB2_6-.Ltmp3, $3  }
0xe4: {  	_ = 	snop  }
0xe5: {  	v3 =	vadd.f32 v3, v63;
	_ =	sdelay $0x1  }
0xe6: {  	[tilespmem:v2+s24+$0x0] =	vst.idx.msk $0xffff, v3  }
0xe7: {  	s8 =	sand.u32 $0x7C00, s2  }
0xe8: {  	s10 =	sand.u32 $0x380, s2;
	s8 =	sadd.s32 s7, s8  }
0xe9: {  	_ =	swait.ge [sflag:s29], $0x4000;
	s8 =	sor.u32 s10, s8  }
0xea: {  	[sflag:s29] =	ssyncset.done $0x0;
	s8 =	sshrl.u32 s8, $0x3  }
0xeb: {  	[sflag:s29] =	ssyncadd.s32 $0xFFFFC000;
	s8 =	sadd.s32 s6, s8  }
0xec: {  	[tilespmem:s26], [sflag:$0x8] =	stream.linear.gather [hbm4b:s8+s4], $0x80, $0x38;
	[tilespmem:$0x1E600] =	vst v63  }
.Ltmp4:
0xed: {  	_ = 	snop;
	(pc) =	sbr.rel .LBB2_4-.Ltmp4, $4  }
0xee: {  	_ =	swait.ge [sflag:s30], $0x80  }
0xef: {  	[sflag:s30] =	ssyncset.done $0x0  }
0xf0: {  	s2 =	sadd.s32 $0x100, s2;
	[sflag:s30] =	ssyncadd.s32 $0xFFFFFF80  }
0xf1: {  	[tilespmem:s22], [sflag:$0x2] =	stream.indirect.gather [hbm4b:s1+s20], $0x80, s20, s20, $0xb8;
	[tilespmem:$0x1E600] =	vst v63  }
.LBB2_7:
0xf2: {  	_ =	sfence.sel $0x180000  }
0xf3: {  	[bflag:$0x0] =	sbarrier.arrive $0xFFFF  }
0xf4: {  	_ =	strace $0x90000047  }
0xf5: {  	s0 =	stileid.u32;
	[bflag:$0x2] =	sbarrier.arrive $0xFFFF  }
0xf6: {  	p0 =	sne.s32 s0, $0x0;
	s0 =	rddreg [dreg:$0x3]  }
0xf7: {  	s0 =	sadd.s32 @!p0 $0x100000, s0  }
0xf8: {  	[sflag:s0] =	ssyncadd.tile.s32 @!p0 $0x1;
	_ =	shalt  }
.Lfunc_end2:
_tile_overlayer_lowered:
.L_overlay_start_2:
0xf9: {  	(tag) =	ssettag $0x2  }
0xfa: {  	s0 =	rddreg [dreg:$0x0];
	s2 =	stileid.u32  }
0xfb: {  	s1 =	rddreg [dreg:$0x1];
	p0 =	sne.s32 s2, $0x0  }
0xfc: {  	s3 =	rddreg [dreg:$0x2];
	[bflag:$0x3] =	sbarrier.arrive $0xFFFF;
	s2 =	simm.s32 @!p0 $0x1C09  }
0xfd: {  	[timem:s3], [sflag:s2] =	dma.local @!p0 [hbm:s0], s1  }
0xfe: {  	s0 =	simm.s32 @!p0 $0x9  }
0xff: {  	_ =	swait.ge @!p0 [sflag:s0], s1  }
0x100: {  	s1 =	ssub.s32 @!p0 $0x0, s1;
	[sflag:s0] =	ssyncset.done @!p0 $0x0  }
0x101: {  	[sflag:s0] =	ssyncadd.s32 @!p0 s1  }
0x102: {  	[bflag:$0x3] =	sbarrier.arrive $0xFFFF  }
0x103: {  	_ =	shalt  }

// kernel: kernel.14.cloned.1.call-start
scs
__scs_entry_jumppad:
0x0: {  	(pc) =	sbr.rel $0x88, $3  }
0x1: {  	(tag) =	ssettag $0x0;
	lr =	simm.s32 $0x1  }
0x2: {  	[smem:$0x3F8D] =	sst lr;
	_ =	strace $0xD0000000  }
0x3: {  	_ = 	snop  }
0x4: {  	_ = 	snop  }
0x5: {  	_ = 	snop  }
0x6: {  	_ = 	snop  }
0x7: {  	_ = 	snop  }
__scs_overlays_trampoline_lowered:
0x8: {  	[smem:$0x3F9C] =	sst s0  }
0x9: {  	[smem:$0x3F9D] =	sst s1  }
0xa: {  	[smem:$0x3F9E] =	sst s2  }
0xb: {  	[smem:$0x3F9F] =	sst s3  }
0xc: {  	[smem:$0x3FA0] =	sst s4  }
0xd: {  	[smem:$0x3FA1] =	sst s5  }
0xe: {  	[smem:$0x3FA2] =	sst s6  }
0xf: {  	[smem:$0x3FA3] =	sst s7  }
0x10: {  	[smem:$0x3FA4] =	sst s8  }
0x11: {  	[smem:$0x3FA5] =	sst s9;
	s0 =	simm.s32 @!p0 $0x0  }
0x12: {  	s1 =	sld [smem:$0x3F8B];
	s0 =	simm.s32 @p0 $0x1  }
0x13: {  	[smem:$0x3FA6] =	sst s0;
	s0 =	simm.s32 @!p1 $0x0  }
0x14: {  	s2 =	sld [smem:$0x3F8A];
	s0 =	simm.s32 @p1 $0x1  }
0x15: {  	[smem:$0x3FA7] =	sst s0;
	s0 =	simm.s32 @!p2 $0x0  }
0x16: {  	s3 =	sld [smem:$0x3FDB];
	s0 =	simm.s32 @p2 $0x1  }
0x17: {  	s4 =	simm.s32 $0x1BF5;
	[smem:$0x3FA9] =	sst s0  }
0x18: {  	s0 =	sld [smem:$0x3F8C];
	_ =	swait.ge [sflag:s4], $0x0  }
0x19: {  	s7 =	sld [smem:$0x3F8D]  }
0x1a: {  	s8 =	sadd.s32 $0xFFFFE003, lr  }
0x1b: {  	s9 =	sadd.s32 $0xFFFFFEF7, lr;
	s5 =	simm.s32 $0xFFFFFFFF;
	p2 =	slt.u32 s8, $0xFFFFF086  }
0x1c: {  	p1 =	slt.u32 s9, $0xF7A;
	s5 =	simm.s32 @!p2 $0x0  }
0x1d: {  	s5 =	simm.s32 @p1 $0x1;
	p0 =	seq.s32 s7, s2  }
0x1e: {  	s7 =	smul.u32 @!p0 $0xF7A, s2;
	p2 =	seq.s32 @!p0 s5, $0x0  }
0x1f: {  	s9 =	smul.u32 $0xF7A, s1;
	s8 =	simm.s32 @!p0 $0x1BF5;
	p2 =	por !p2, p0  }
0x20: {  	[sflag:s8] =	ssyncset.s32 @!p0 $0xFFFFF086;
	s6 =	sadd.s32 @!p0 s3, s7;
	s7 =	simm.s32 @!p0 $0x108  }
0x21: {  	s3 =	sadd.s32 s3, s9;
	s6 =	sadd.s32 @!p0 $0x88, s6;
	s7 =	simm.s32 @p2 $0x1082  }
0x22: {  	[simem:s7], [sflag:s8] =	dma.local @!p0 [hbm:s6], $0xF7A  }
0x23: {  	s9 =	sor.u32 $0xD0000000, s2;
	s6 =	simm.s32 $0x108;
	_ =	swait.ge @!p0 [sflag:s8], $0x0  }
0x24: {  	s3 =	sadd.s32 $0x88, s3;
	s6 =	simm.s32 @!p1 $0x1082;
	[sflag:s4] =	ssyncset.s32 $0xFFFFF086  }
0x25: {  	[simem:s6], [sflag:s4] =	dma.local [hbm:s3], $0xF7A  }
0x26: {  	[smem:$0x3F8D] =	sst s1;
	(tag) =	ssettag s2;
	_ =	strace s9  }
0x27: {  	s1 =	sld [smem:$0x3F9D]  }
0x28: {  	s2 =	sld [smem:$0x3F9E]  }
0x29: {  	s4 =	sld [smem:$0x3FA0]  }
0x2a: {  	p0 =	seq.s32 s5, $0x0;
	s5 =	sld [smem:$0x3FA1]  }
0x2b: {  	s6 =	sld [smem:$0x3FA2]  }
0x2c: {  	s7 =	sld [smem:$0x3FA3]  }
0x2d: {  	s3 =	simm.s32 $0x108;
	s8 =	sld [smem:$0x3FA4]  }
0x2e: {  	s3 =	simm.s32 @!p0 $0x1082;
	s9 =	sld [smem:$0x3FA5]  }
0x2f: {  	lr =	sadd.s32 s0, s3;
	s0 =	sld [smem:$0x3F9C]  }
0x30: {  	s3 =	sld [smem:$0x3F9F]  }
0x31: {  	[smem:$0x3FA8] =	sst s10  }
0x32: {  	s10 =	sld [smem:$0x3FA6];
	_ =	sdelay $0x3  }
0x33: {  	p0 =	seq.s32 s10, $0x1;
	s10 =	sld [smem:$0x3FA8];
	_ =	sdelay $0x3  }
0x34: {  	[smem:$0x3FA8] =	sst s10  }
0x35: {  	s10 =	sld [smem:$0x3FA7];
	_ =	sdelay $0x3  }
0x36: {  	p1 =	seq.s32 s10, $0x1;
	s10 =	sld [smem:$0x3FA8];
	_ =	sdelay $0x3  }
0x37: {  	[smem:$0x3FA8] =	sst s10  }
0x38: {  	s10 =	sld [smem:$0x3FA9]  }
0x39: {  	_ = 	snop;
	(pc) =	sbr.ind lr, $3  }
0x3a: {  	_ = 	snop  }
0x3b: {  	_ = 	snop  }
0x3c: {  	p2 =	seq.s32 s10, $0x1;
	s10 =	sld [smem:$0x3FA8]  }
0x3d: {  	_ =	shalt  }
0x3e: {  	_ =	shalt  }
0x3f: {  	_ =	shalt  }
0x40: {  	_ =	shalt  }
0x41: {  	_ =	shalt  }
0x42: {  	_ =	shalt  }
0x43: {  	_ =	shalt  }
0x44: {  	_ =	shalt  }
0x45: {  	_ =	shalt  }
0x46: {  	_ =	shalt  }
0x47: {  	_ =	shalt  }
0x48: {  	_ =	shalt  }
0x49: {  	_ =	shalt  }
0x4a: {  	_ =	shalt  }
0x4b: {  	_ =	shalt  }
0x4c: {  	_ =	shalt  }
0x4d: {  	_ =	shalt  }
0x4e: {  	_ =	shalt  }
0x4f: {  	_ =	shalt  }
0x50: {  	_ =	shalt  }
0x51: {  	_ =	shalt  }
0x52: {  	_ =	shalt  }
0x53: {  	_ =	shalt  }
0x54: {  	_ =	shalt  }
0x55: {  	_ =	shalt  }
0x56: {  	_ =	shalt  }
0x57: {  	_ =	shalt  }
0x58: {  	_ =	shalt  }
0x59: {  	_ =	shalt  }
0x5a: {  	_ =	shalt  }
0x5b: {  	_ =	shalt  }
0x5c: {  	_ =	shalt  }
0x5d: {  	_ =	shalt  }
0x5e: {  	_ =	shalt  }
0x5f: {  	_ =	shalt  }
0x60: {  	_ =	shalt  }
0x61: {  	_ =	shalt  }
0x62: {  	_ =	shalt  }
0x63: {  	_ =	shalt  }
0x64: {  	_ =	shalt  }
0x65: {  	_ =	shalt  }
0x66: {  	_ =	shalt  }
0x67: {  	_ =	shalt  }
0x68: {  	_ =	shalt  }
0x69: {  	_ =	shalt  }
0x6a: {  	_ =	shalt  }
0x6b: {  	_ =	shalt  }
0x6c: {  	_ =	shalt  }
0x6d: {  	_ =	shalt  }
0x6e: {  	_ =	shalt  }
0x6f: {  	_ =	shalt  }
0x70: {  	_ =	shalt  }
0x71: {  	_ =	shalt  }
0x72: {  	_ =	shalt  }
0x73: {  	_ =	shalt  }
0x74: {  	_ =	shalt  }
0x75: {  	_ =	shalt  }
0x76: {  	_ =	shalt  }
0x77: {  	_ =	shalt  }
0x78: {  	_ =	shalt  }
0x79: {  	_ =	shalt  }
0x7a: {  	_ =	shalt  }
0x7b: {  	_ =	shalt  }
0x7c: {  	_ =	shalt  }
0x7d: {  	_ =	shalt  }
0x7e: {  	_ =	shalt  }
0x7f: {  	_ =	shalt  }
0x80: {  	_ =	shalt  }
0x81: {  	_ =	shalt  }
0x82: {  	_ =	shalt  }
0x83: {  	_ =	shalt  }
0x84: {  	_ =	shalt  }
0x85: {  	_ =	shalt  }
0x86: {  	_ =	shalt  }
0x87: {  	_ =	shalt  }
.Lfunc_end0:
.L_simem_size_0:
called_computation.1_lowered:
.L_overlay_start_0:
0x88: {  	s2 =	sld [smem:$0x3FD9]  }
0x89: {  	s3 =	sld [smem:$0x3FFE];
	_ =	sdelay $0x1  }
0x8a: {  	s1 =	srdreg.scid  }
0x8b: {  	s0 =	sand.u32 $0x1, s1  }
0x8c: {  	s16 =	sshll.u32 s0, $0xA;
	s2 =	sadd.s32 s3, s2  }
0x8d: {  	s2 =	sadd.s32 s2, s16  }
0x8e: {  	[smem:$0x3FB4] =	sst s2  }
0x8f: {  	_ = 	snop  }
0x90: {  	(tm) =	ssettm $0x1  }
0x91: {  	s17 =	sld [smem:$0x3FFB];
	_ =	sdelay $0x3  }
0x92: {  	_ =	strace s17  }
0x93: {  	s2 =	sld [smem:$0x3FFC];
	_ =	sdelay $0x3  }
0x94: {  	_ =	strace s2  }
0x95: {  	s2 =	sld [smem:$0x3FFD];
	_ =	sdelay $0x3  }
0x96: {  	_ =	strace s2  }
0x97: {  	_ =	strace $0x8FFFFFFF  }
0x98: {  	s18 =	sld [smem:$0x3FDB];
	_ =	sdelay $0x1  }
0x99: {  	s19 =	simm.s32 $_scs_section_size  }
0x9a: {  	s4 =	simm.s32 $_size__tile_overlayer_lowered;
	s5 =	simm.s32 $_tile_overlayer_lowered  }
0x9b: {  	s22 =	simm.s32 $0x1BFF;
	s21 =	sshll.u32 s5, $0x1;
	s2 =	sadd.s32 s19, s18  }
0x9c: {  	s6 =	simm.s32 $0x0;
	s20 =	sshll.u32 s4, $0x1;
	s4 =	sadd.s32 s21, s2  }
0x9d: {  	[timem:s6], [sflag:s22] =	dma.local [hbm:s4], s20  }
0x9e: {  	_ =	swait.ge [sflag:s22], s20  }
0x9f: {  	s3 =	ssub.s32 $0x0, s20;
	[sflag:s22] =	ssyncset.done $0x0  }
0xa0: {  	[sflag:s22] =	ssyncadd.s32 s3;
	_ =	sdelay $0x1  }
0xa1: {  	s23 =	simm.s32 $0x1B8B  }
0xa2: {  	_ =	swait.ge [sflag:s23], $0x1  }
0xa3: {  	[sflag:s23] =	ssyncset.done $0x0  }
0xa4: {  	s25 =	simm.s32 $0x1B8E;
	s24 =	sld [smem:$0x3FFE];
	[sflag:s23] =	ssyncadd.s32 $0xFFFFFFFF  }
0xa5: {  	s26 =	simm.s32 $execute0_lowered;
	[smem:$0x3FD2] =	sst s25  }
0xa6: {  	s4 =	sshll.u32 s26, $0x1;
	_ =	strace $0x80000049;
	[dreg:$0x1] =	wrdreg $0xFFFFFFFF  }
0xa7: {  	s28 =	simm.s32 $_size_execute0_lowered;
	s2 =	sadd.s32 s2, s4;
	[dreg:$0x0] =	wrdreg $0x0  }
0xa8: {  	s4 =	sshll.u32 s28, $0x1;
	[dreg:$0x2] =	wrdreg s2  }
0xa9: {  	[dreg:$0x3] =	wrdreg s4  }
0xaa: {  	[dreg:$0x4] =	wrdreg $0xC0  }
0xab: {  	_ =	task [dreg:s6], $0x5FFFF  }
0xac: {  	[dreg:$0x1] =	wrdreg $0xFFFFFFFF  }
0xad: {  	[dreg:$0x0] =	wrdreg $0x60  }
0xae: {  	[dreg:$0x2] =	wrdreg s24  }
0xaf: {  	[dreg:$0x3] =	wrdreg $0xAA000  }
0xb0: {  	[dreg:$0x4] =	wrdreg $0x9  }
0xb1: {  	_ =	task.clear_ibuf [dreg:s6], $0x5FFFF;
	_ =	strace $0x90000049  }
0xb2: {  	s29 =	simm.s32 $0x9;
	_ =	strace $0x8000004B  }
0xb3: {  	_ =	swait.ge [sflag:s29], $0x1  }
0xb4: {  	[sflag:s29] =	ssyncadd.s32 $0xFFFFFFFF  }
0xb5: {  	_ =	strace $0x9000004B  }
0xb6: {  	_ =	sfence  }
0xb7: {  	s30 =	sld [smem:$0x0];
	_ =	sdelay $0x2  }
0xb8: {  	s31 =	sshll.u32 s1, $0xD;
	s1 =	sshrl.u32 s1, $0x2  }
0xb9: {  	s3 =	sand.u32 $0x4000, s31;
	s1 =	sadd.s32 s1, s30  }
0xba: {  	s0 =	sor.u32 s3, s0;
	s1 =	sshll.u32 s1, $0x11  }
0xbb: {  	s0 =	sor.u32 s1, s0  }
0xbc: {  	s0 =	sadd.s32 $0x8F2B, s0  }
0xbd: {  	[sflag:s0] =	ssyncadd.remote.s32 $0x1  }
0xbe: {  	_ =	sfence.sel $0xFFFF  }
0xbf: {  	[dreg:$0x0] =	wrdreg $0xFFFFFFFF;
	(pc) =	sbr.abs _section_cstart, $3  }
0xc0: {  	[dreg:$0x1] =	wrdreg $0xFFFFFFFF  }
0xc1: {  	_ =	task.clear_ibuf [dreg:s6], $0x2FFFF;
	_ =	strace $0x9FFFFFFF  }
0xc2: {  	(tm) =	ssettm $0x7FFFFFFF  }
0xc3: {  	_ =	shalt  }
tec
execute0_lowered:
.L_overlay_start_1:
0x0: {  	(tag) =	ssettag $0x1  }
0x1: {  	s0 =	rddreg [dreg:$0x0]  }
0x2: {  	s2 =	rddreg [dreg:$0x1]  }
0x3: {  	s3 =	simm.s32 $0x0;
	s12 =	stileid.u32;
	s1 =	srdreg.scid  }
0x4: {  	s28 =	simm.s32 $0x1;
	s29 =	simm.s32 $0x8200;
	s30 =	simm.s32 $0x2  }
0x5: {  	s31 =	simm.s32 $0x180;
	[smem:$0x7FF] =	sst s3;
	s7 =	smul.u32 $0x13C00, s12  }
0x6: {  	s1 =	sand.u32 $0x1, s1;
	s4 =	sadd.s32 $0x3F800, s0;
	s5 =	sadd.s32 $0xA2600, s0  }
0x7: {  	s6 =	sadd.s32 $0x98600, s0;
	s11 =	smul.u32 $0x4F000, s12;
	s18 =	sshll.u32 s12, $0x6  }
0x8: {  	_ =	strace $0x8000004A;
	s8 =	smul.u32 $0x278000, s1;
	s9 =	sshll.u32 s1, $0x4  }
0x9: {  	s1 =	ssub.s32 $0x2, s1;
	s9 =	sor.u32 s12, s9;
	s10 =	sshrl.u32 s7, $0x3  }
0xa: {  	s16 =	sshrl.u32 s1, $0x1;
	s11 =	sshrl.u32 s11, $0x2;
	s7 =	sadd.s32 s7, s8  }
0xb: {  	s15 =	smul.u32 $0x4F0, s9;
	s10 =	sadd.s32 s10, s0;
	s1 =	ssub.s32 s1, s16  }
0xc: {  	s17 =	sadd.s32 s11, s2;
	s8 =	sor.u32 $0x1C09, s18;
	s16 =	simm.s32 $0x0  }
0xd: {  	s7 =	sshrl.u32 s7, $0x3;
	[dreg:$0x3] =	wrdreg s17;
	s12 =	sadd.s32 $0x18000, s10  }
0xe: {  	[dreg:$0x5] =	wrdreg s8;
	s26 =	smax.u32 s1, $0x1;
	s1 =	simm.s32 $0x4  }
0xf: {  	s13 =	sadd.s32 s7, s0;
	s0 =	sadd.s32 s15, s0;
	s7 =	smul.u32 $0x2800, s9  }
0x10: {  	[dreg:$0xd] =	wrdreg s26;
	s26 =	simm.s32 $0x4200;
	s0 =	sadd.s32 $0x8DA00, s0  }
0x11: {  	s22 =	sadd.s32 $0xB6600, s13;
	s25 =	sadd.s32 $0xDDE00, s13;
	[dreg:$0x8] =	wrdreg s0  }
0x12: {  	s13 =	simm.s32 $0x7;
	s19 =	sshrl.u32 s7, $0x3;
	[dreg:$0x9] =	wrdreg s22  }
0x13: {  	s15 =	sadd.s32 $0x50000, s7;
	[dreg:$0xc] =	wrdreg s25;
	s22 =	simm.s32 $0x9  }
0x14: {  	s25 =	simm.s32 $0x200;
	s20 =	sadd.s32 s5, s19;
	s8 =	sor.u32 $0x10, s19  }
.Ltmp0:
0x15: {  	s21 =	sadd.s32 s5, s8;
	[dreg:$0x4] =	wrdreg s20;
	(pc) =	sbr.rel .LBB2_1-.Ltmp0, $4  }
0x16: {  	s23 =	sshrl.u32 s15, $0x3;
	s8 =	sadd.s32 s6, s8;
	[dreg:$0x6] =	wrdreg s21  }
0x17: {  	s14 =	sadd.s32 s6, s19;
	s0 =	sadd.s32 s5, s23;
	[dreg:$0x7] =	wrdreg s8  }
0x18: {  	v1 =	vlaneseq.u32;
	s24 =	sadd.s32 $0xA010, s20;
	s23 =	simm.s32 $0x100;
	[dreg:$0xa] =	wrdreg s0  }
0x19: {  	v0 =	vimm.f32 $0.0e+00;
	v1 =	vor.u32 $0x2780, v1;
	[dreg:$0xb] =	wrdreg s24;
	s24 =	simm.s32 $0x80;
	s8 =	simm.s32 $0x6  }
.LBB2_9:
0x1a: {  	s9 =	simm.s32 $0x3  }
0x1b: {  	_ =	swait.ge [sflag:s9], $0x4000  }
0x1c: {  	[sflag:s9] =	ssyncset.done $0x0  }
0x1d: {  	[sflag:s9] =	ssyncadd.s32 $0xFFFFC000  }
0x1e: {  	_ =	swait.ge [sflag:s1], $0x4000  }
0x1f: {  	[sflag:s1] =	ssyncset.done $0x0  }
0x20: {  	[sflag:s1] =	ssyncadd.s32 $0xFFFFC000  }
0x21: {  	[bflag:$0x0] =	sbarrier.arrive $0xFFFF  }
0x22: {  	s20 =	rddreg [dreg:$0x5]  }
0x23: {  	s11 =	rddreg [dreg:$0xc]  }
0x24: {  	[hbm:s11], [sflag:s20] =	dma.local [spmem:s17], $0x2780  }
0x25: {  	_ =	swait.ge [sflag:s22], $0x2780  }
0x26: {  	s16 =	sadd.s32 $0x1, s16;
	s21 =	rddreg [dreg:$0xd]  }
0x27: {  	p0 =	sne.s32 s16, s21  }
.Ltmp1:
0x28: {  	_ = 	snop;
	(pc) =	sbr.rel @!p0 .LBB2_10-.Ltmp1, $4  }
0x29: {  	[sflag:s22] =	ssyncset.done $0x0  }
0x2a: {  	[sflag:s22] =	ssyncadd.s32 $0xFFFFD880  }
0x2b: {  	[bflag:$0x0] =	sbarrier.arrive $0xFFFF  }
0x2c: {  	s12 =	smov.u32 s0;
	s14 =	smov.u32 s10  }
.LBB2_1:
0x2d: {  	s17 =	simm.s32 $0x40;
	s18 =	simm.s32 $0x0  }
.LBB2_2:
0x2e: {  	p0 =	sne.s32 s17, $0x9E00;
	[tilespmem:s18+$0x8200] =	vst v0;
	s18 =	smov.u32 s17;
	s17 =	sadd.s32 $0x40, s17  }
.Ltmp2:
0x2f: {  	(pc) =	sbr.rel @p0 .LBB2_2-.Ltmp2, $2  }
0x30: {  	_ =	sdelay $0x2  }
0x31: {  	s18 =	sshra.s32 s18, $0x2  }
0x32: {  	s9 =	rddreg [dreg:$0x3]  }
0x33: {  	[tilespmem:s18+$0x8200] =	vst v0;
	s0 =	rddreg [dreg:$0x5];
	s17 =	sshrl.u32 s9, $0x3  }
0x34: {  	[spmem:s17], [sflag:s0] =	dma.local [hbm:s12], $0x2780  }
0x35: {  	_ =	swait.ge [sflag:s22], $0x2780  }
0x36: {  	[sflag:s22] =	ssyncset.done $0x0  }
0x37: {  	[sflag:s22] =	ssyncadd.s32 $0xFFFFD880  }
0x38: {  	[bflag:$0x0] =	sbarrier.arrive $0xFFFF  }
0x39: {  	s19 =	rddreg [dreg:$0x4]  }
0x3a: {  	[tilespmem:s3], [sflag:$0x9] =	stream.linear.gather [hbm4b:s19+s3], $0x80, $0x38;
	[tilespmem:$0x1E600] =	vst v63  }
0x3b: {  	_ =	swait.ge [sflag:s22], $0x80  }
0x3c: {  	[sflag:s22] =	ssyncset.done $0x0  }
0x3d: {  	[sflag:s22] =	ssyncadd.s32 $0xFFFFFF80  }
0x3e: {  	[tilespmem:s23], [sflag:$0x9] =	stream.linear.gather [hbm4b:s14+s3], $0x80, $0x38;
	[tilespmem:$0x1E600] =	vst v63  }
0x3f: {  	_ =	swait.ge [sflag:s22], $0x80  }
0x40: {  	[sflag:s22] =	ssyncset.done $0x0  }
0x41: {  	[sflag:s22] =	ssyncadd.s32 $0xFFFFFF80  }
0x42: {  	[tilespmem:s25], [sflag:$0x1] =	stream.indirect.gather [hbm4b:s4+s24], $0x80, s3, s24, $0xb8;
	[tilespmem:$0x1E600] =	vst v63  }
0x43: {  	s20 =	rddreg [dreg:$0x6]  }
0x44: {  	[tilespmem:s24], [sflag:$0x9] =	stream.linear.gather [hbm4b:s20+s3], $0x80, $0x38;
	[tilespmem:$0x1E600] =	vst v63  }
0x45: {  	_ =	swait.ge [sflag:s22], $0x80  }
0x46: {  	[sflag:s22] =	ssyncset.done $0x0  }
0x47: {  	s18 =	simm.s32 $0x180;
	s21 =	rddreg [dreg:$0x7];
	[sflag:s22] =	ssyncadd.s32 $0xFFFFFF80  }
0x48: {  	[tilespmem:s18], [sflag:$0x9] =	stream.linear.gather [hbm4b:s21+s3], $0x80, $0x38;
	[tilespmem:$0x1E600] =	vst v63  }
0x49: {  	_ =	swait.ge [sflag:s22], $0x80  }
0x4a: {  	[sflag:s22] =	ssyncset.done $0x0  }
0x4b: {  	[sflag:s22] =	ssyncadd.s32 $0xFFFFFF80  }
0x4c: {  	[tilespmem:s26], [sflag:$0x2] =	stream.indirect.gather [hbm4b:s4+s24], $0x80, s24, s24, $0xb8;
	[tilespmem:$0x1E600] =	vst v63  }
.LBB2_4:
0x4d: {  	p0 =	seq.s32 s18, $0x2880  }
0x4e: {  	s19 =	sadd.s32 @!p0 $0xFFFFFF80, s18  }
0x4f: {  	s20 =	sand.u32 @!p0 $0x7C00, s19  }
0x50: {  	_ =	swait.ge [sflag:s28], $0x4000;
	s19 =	sand.u32 @!p0 $0x300, s19;
	s20 =	sadd.s32 @!p0 s7, s20  }
0x51: {  	[sflag:s28] =	ssyncset.done $0x0;
	s19 =	sor.u32 @!p0 s19, s20  }
0x52: {  	p1 =	seq.s32 @!p0 s18, $0x180;
	[sflag:s28] =	ssyncadd.s32 $0xFFFFC000;
	s20 =	sshrl.u32 @!p0 s19, $0x3  }
0x53: {  	p2 =	por p0, !p1;
	s19 =	simm.s32 @!p0 $0x0;
	s21 =	sadd.s32 @!p0 s5, s20  }
0x54: {  	[tilespmem:s19], [sflag:$0x5] =	stream.linear.gather @!p0 [hbm4b:s21+s19], $0x80, $0x38;
	[tilespmem:$0x1E600] =	vst v63  }
0x55: {  	_ =	swait.ge @p2 [sflag:s13], $0x80  }
0x56: {  	[sflag:s13] =	ssyncset.done @p2 $0x0  }
0x57: {  	[sflag:s13] =	ssyncadd.s32 @p2 $0xFFFFFF80  }
0x58: {  	[spmem:s2] =	stream.indirect.scatter.add.f32 [tilespmem:s25], [sflag:$0x3], $0x80, s23, s24, $0xb8;
	[tilespmem:$0x1E600] =	vst v63  }
0x59: {  	v2 =	vld [tilespmem:$0x100];
	_ =	sdelay $0x4  }
0x5a: {  	(xrf1) =	vunique.msk.u32 $0xffff, v2;
	_ =	sdelay $0xd  }
0x5b: {  	_, v3, vm0 =	vpop (xrf1)  }
0x5c: {  	v2 =	vsel vm0, v2, v1;
	_ =	sdelay $0x4  }
0x5d: {  	v4 =	vld.idx.msk [tilespmem:v2+s29+$0x0], $0xffff;
	_ =	sdelay $0x2  }
0x5e: {  	v3 =	vcvt.s32.f32 v3;
	_ =	sdelay $0x1  }
0x5f: {  	v3 =	vadd.f32 v3, v4;
	_ =	sdelay $0x1  }
0x60: {  	[tilespmem:v2+s29+$0x0] =	vst.idx.msk $0xffff, v3  }
0x61: {  	v2 =	vld [tilespmem:$0x110];
	_ =	sdelay $0x4  }
0x62: {  	(xrf1) =	vunique.msk.u32 $0xffff, v2;
	_ =	sdelay $0xd  }
0x63: {  	_, v3, vm13 =	vpop (xrf1)  }
0x64: {  	v2 =	vsel vm13, v2, v1;
	_ =	sdelay $0x4  }
0x65: {  	v49 =	vld.idx.msk [tilespmem:v2+s29+$0x0], $0xffff;
	_ =	sdelay $0x2  }
0x66: {  	v3 =	vcvt.s32.f32 v3;
	_ =	sdelay $0x1  }
0x67: {  	v3 =	vadd.f32 v3, v49;
	_ =	sdelay $0x1  }
0x68: {  	[tilespmem:v2+s29+$0x0] =	vst.idx.msk $0xffff, v3  }
0x69: {  	v2 =	vld [tilespmem:$0x120];
	_ =	sdelay $0x4  }
0x6a: {  	(xrf1) =	vunique.msk.u32 $0xffff, v2;
	_ =	sdelay $0xd  }
0x6b: {  	_, v3, vm14 =	vpop (xrf1)  }
0x6c: {  	v2 =	vsel vm14, v2, v1;
	_ =	sdelay $0x4  }
0x6d: {  	v50 =	vld.idx.msk [tilespmem:v2+s29+$0x0], $0xffff;
	_ =	sdelay $0x2  }
0x6e: {  	v3 =	vcvt.s32.f32 v3;
	_ =	sdelay $0x1  }
0x6f: {  	v3 =	vadd.f32 v3, v50;
	_ =	sdelay $0x1  }
0x70: {  	[tilespmem:v2+s29+$0x0] =	vst.idx.msk $0xffff, v3  }
0x71: {  	v2 =	vld [tilespmem:$0x130];
	_ =	sdelay $0x4  }
0x72: {  	(xrf1) =	vunique.msk.u32 $0xffff, v2;
	_ =	sdelay $0xd  }
0x73: {  	_, v3, vm15 =	vpop (xrf1)  }
0x74: {  	v2 =	vsel vm15, v2, v1;
	_ =	sdelay $0x4  }
0x75: {  	v51 =	vld.idx.msk [tilespmem:v2+s29+$0x0], $0xffff;
	_ =	sdelay $0x2  }
0x76: {  	v3 =	vcvt.s32.f32 v3;
	_ =	sdelay $0x1  }
0x77: {  	v3 =	vadd.f32 v3, v51;
	_ =	sdelay $0x1  }
0x78: {  	[tilespmem:v2+s29+$0x0] =	vst.idx.msk $0xffff, v3  }
0x79: {  	v2 =	vld [tilespmem:$0x140];
	_ =	sdelay $0x4  }
0x7a: {  	(xrf1) =	vunique.msk.u32 $0xffff, v2;
	_ =	sdelay $0xd  }
0x7b: {  	_, v3, vm4 =	vpop (xrf1)  }
0x7c: {  	v2 =	vsel vm4, v2, v1;
	_ =	sdelay $0x4  }
0x7d: {  	v52 =	vld.idx.msk [tilespmem:v2+s29+$0x0], $0xffff;
	_ =	sdelay $0x2  }
0x7e: {  	v3 =	vcvt.s32.f32 v3;
	_ =	sdelay $0x1  }
0x7f: {  	v3 =	vadd.f32 v3, v52;
	_ =	sdelay $0x1  }
0x80: {  	[tilespmem:v2+s29+$0x0] =	vst.idx.msk $0xffff, v3  }
0x81: {  	v2 =	vld [tilespmem:$0x150];
	_ =	sdelay $0x4  }
0x82: {  	(xrf1) =	vunique.msk.u32 $0xffff, v2;
	_ =	sdelay $0xd  }
0x83: {  	_, v3, vm5 =	vpop (xrf1)  }
0x84: {  	v2 =	vsel vm5, v2, v1;
	_ =	sdelay $0x4  }
0x85: {  	v53 =	vld.idx.msk [tilespmem:v2+s29+$0x0], $0xffff;
	_ =	sdelay $0x2  }
0x86: {  	v3 =	vcvt.s32.f32 v3;
	_ =	sdelay $0x1  }
0x87: {  	v3 =	vadd.f32 v3, v53;
	_ =	sdelay $0x1  }
0x88: {  	[tilespmem:v2+s29+$0x0] =	vst.idx.msk $0xffff, v3  }
0x89: {  	v2 =	vld [tilespmem:$0x160];
	_ =	sdelay $0x4  }
0x8a: {  	(xrf1) =	vunique.msk.u32 $0xffff, v2;
	_ =	sdelay $0xd  }
0x8b: {  	_, v3, vm6 =	vpop (xrf1)  }
0x8c: {  	v2 =	vsel vm6, v2, v1;
	_ =	sdelay $0x4  }
0x8d: {  	v54 =	vld.idx.msk [tilespmem:v2+s29+$0x0], $0xffff;
	_ =	sdelay $0x2  }
0x8e: {  	v3 =	vcvt.s32.f32 v3;
	_ =	sdelay $0x1  }
0x8f: {  	v3 =	vadd.f32 v3, v54;
	_ =	sdelay $0x1  }
0x90: {  	[tilespmem:v2+s29+$0x0] =	vst.idx.msk $0xffff, v3  }
0x91: {  	v2 =	vld [tilespmem:$0x170];
	_ =	sdelay $0x4  }
0x92: {  	(xrf1) =	vunique.msk.u32 $0xffff, v2;
	_ =	sdelay $0xd  }
0x93: {  	_, v3, vm7 =	vpop (xrf1)  }
0x94: {  	v2 =	vsel vm7, v2, v1;
	_ =	sdelay $0x4  }
0x95: {  	v55 =	vld.idx.msk [tilespmem:v2+s29+$0x0], $0xffff;
	_ =	sdelay $0x2  }
0x96: {  	v3 =	vcvt.s32.f32 v3;
	_ =	sdelay $0x1  }
0x97: {  	v3 =	vadd.f32 v3, v55;
	_ =	sdelay $0x1  }
0x98: {  	s21 =	simm.s32 @!p0 $0x3;
	[tilespmem:v2+s29+$0x0] =	vst.idx.msk $0xffff, v3  }
0x99: {  	_ =	swait.ge @!p0 [sflag:s21], $0x4000  }
0x9a: {  	[sflag:s21] =	ssyncset.done @!p0 $0x0  }
0x9b: {  	s20 =	sadd.s32 @!p0 s6, s20;
	[sflag:s21] =	ssyncadd.s32 @!p0 $0xFFFFC000;
	s21 =	simm.s32 @!p0 $0x100  }
0x9c: {  	[tilespmem:s21], [sflag:$0x7] =	stream.linear.gather @!p0 [hbm4b:s20+s19], $0x80, $0x38;
	[tilespmem:$0x1E600] =	vst v63  }
0x9d: {  	s20 =	simm.s32 @!p0 $0x5  }
0x9e: {  	_ =	swait.ge @!p0 [sflag:s20], $0x80  }
0x9f: {  	[sflag:s20] =	ssyncset.done @!p0 $0x0  }
0xa0: {  	s21 =	simm.s32 @!p0 $0x200;
	[sflag:s20] =	ssyncadd.s32 @!p0 $0xFFFFFF80;
	s20 =	simm.s32 @!p0 $0x80  }
0xa1: {  	[tilespmem:s21], [sflag:$0x1] =	stream.indirect.gather @!p0 [hbm4b:s4+s20], $0x80, s19, s20, $0xb8;
	[tilespmem:$0x1E600] =	vst v63  }
0xa2: {  	s21 =	sand.u32 @!p0 $0x7C00, s18  }
0xa3: {  	s11 =	sand.u32 @!p0 $0x380, s18;
	s21 =	sadd.s32 @!p0 s7, s21  }
0xa4: {  	_ =	swait.ge [sflag:s30], $0x4000;
	s11 =	sor.u32 @!p0 s11, s21  }
0xa5: {  	p1 =	por @!p0 $0x1, $0x1;
	[sflag:s30] =	ssyncset.done $0x0;
	s11 =	sshrl.u32 @!p0 s11, $0x3  }
0xa6: {  	p1 =	por @p2 $0x0, $0x0;
	[sflag:s30] =	ssyncadd.s32 $0xFFFFC000;
	s11 =	sadd.s32 @!p0 s5, s11  }
0xa7: {  	[tilespmem:s20], [sflag:$0x6] =	stream.linear.gather @!p0 [hbm4b:s11+s19], $0x80, $0x38;
	[tilespmem:$0x1E600] =	vst v63  }
0xa8: {  	s11 =	simm.s32 @!p1 $0x8  }
0xa9: {  	_ =	swait.ge @!p1 [sflag:s11], $0x80  }
0xaa: {  	[sflag:s11] =	ssyncset.done @!p1 $0x0  }
0xab: {  	[sflag:s11] =	ssyncadd.s32 @!p1 $0xFFFFFF80  }
0xac: {  	[spmem:s2] =	stream.indirect.scatter.add.f32 [tilespmem:s26], [sflag:$0x4], $0x80, s31, s24, $0xb8;
	[tilespmem:$0x1E600] =	vst v63  }
0xad: {  	v2 =	vld [tilespmem:$0x180];
	_ =	sdelay $0x4  }
0xae: {  	(xrf1) =	vunique.msk.u32 $0xffff, v2;
	_ =	sdelay $0xd  }
0xaf: {  	_, v3, vm8 =	vpop (xrf1)  }
0xb0: {  	v2 =	vsel vm8, v2, v1;
	_ =	sdelay $0x4  }
0xb1: {  	v56 =	vld.idx.msk [tilespmem:v2+s29+$0x0], $0xffff;
	_ =	sdelay $0x2  }
0xb2: {  	v3 =	vcvt.s32.f32 v3;
	_ =	sdelay $0x1  }
0xb3: {  	v3 =	vadd.f32 v3, v56;
	_ =	sdelay $0x1  }
0xb4: {  	[tilespmem:v2+s29+$0x0] =	vst.idx.msk $0xffff, v3  }
0xb5: {  	v2 =	vld [tilespmem:$0x190];
	_ =	sdelay $0x4  }
0xb6: {  	(xrf1) =	vunique.msk.u32 $0xffff, v2;
	_ =	sdelay $0xd  }
0xb7: {  	_, v3, vm9 =	vpop (xrf1)  }
0xb8: {  	v2 =	vsel vm9, v2, v1;
	_ =	sdelay $0x4  }
0xb9: {  	v57 =	vld.idx.msk [tilespmem:v2+s29+$0x0], $0xffff;
	_ =	sdelay $0x2  }
0xba: {  	v3 =	vcvt.s32.f32 v3;
	_ =	sdelay $0x1  }
0xbb: {  	v3 =	vadd.f32 v3, v57;
	_ =	sdelay $0x1  }
0xbc: {  	[tilespmem:v2+s29+$0x0] =	vst.idx.msk $0xffff, v3  }
0xbd: {  	v2 =	vld [tilespmem:$0x1A0];
	_ =	sdelay $0x4  }
0xbe: {  	(xrf1) =	vunique.msk.u32 $0xffff, v2;
	_ =	sdelay $0xd  }
0xbf: {  	_, v3, vm10 =	vpop (xrf1)  }
0xc0: {  	v2 =	vsel vm10, v2, v1;
	_ =	sdelay $0x4  }
0xc1: {  	v58 =	vld.idx.msk [tilespmem:v2+s29+$0x0], $0xffff;
	_ =	sdelay $0x2  }
0xc2: {  	v3 =	vcvt.s32.f32 v3;
	_ =	sdelay $0x1  }
0xc3: {  	v3 =	vadd.f32 v3, v58;
	_ =	sdelay $0x1  }
0xc4: {  	[tilespmem:v2+s29+$0x0] =	vst.idx.msk $0xffff, v3  }
0xc5: {  	v2 =	vld [tilespmem:$0x1B0];
	_ =	sdelay $0x4  }
0xc6: {  	(xrf1) =	vunique.msk.u32 $0xffff, v2;
	_ =	sdelay $0xd  }
0xc7: {  	_, v3, vm11 =	vpop (xrf1)  }
0xc8: {  	v2 =	vsel vm11, v2, v1;
	_ =	sdelay $0x4  }
0xc9: {  	v59 =	vld.idx.msk [tilespmem:v2+s29+$0x0], $0xffff;
	_ =	sdelay $0x2  }
0xca: {  	v3 =	vcvt.s32.f32 v3;
	_ =	sdelay $0x1  }
0xcb: {  	v3 =	vadd.f32 v3, v59;
	_ =	sdelay $0x1  }
0xcc: {  	[tilespmem:v2+s29+$0x0] =	vst.idx.msk $0xffff, v3  }
0xcd: {  	v2 =	vld [tilespmem:$0x1C0];
	_ =	sdelay $0x4  }
0xce: {  	(xrf1) =	vunique.msk.u32 $0xffff, v2;
	_ =	sdelay $0xd  }
0xcf: {  	_, v3, vm12 =	vpop (xrf1)  }
0xd0: {  	v2 =	vsel vm12, v2, v1;
	_ =	sdelay $0x4  }
0xd1: {  	v60 =	vld.idx.msk [tilespmem:v2+s29+$0x0], $0xffff;
	_ =	sdelay $0x2  }
0xd2: {  	v3 =	vcvt.s32.f32 v3;
	_ =	sdelay $0x1  }
0xd3: {  	v3 =	vadd.f32 v3, v60;
	_ =	sdelay $0x1  }
0xd4: {  	[tilespmem:v2+s29+$0x0] =	vst.idx.msk $0xffff, v3  }
0xd5: {  	v2 =	vld [tilespmem:$0x1D0];
	_ =	sdelay $0x4  }
0xd6: {  	(xrf1) =	vunique.msk.u32 $0xffff, v2;
	_ =	sdelay $0xd  }
0xd7: {  	_, v3, vm13 =	vpop (xrf1)  }
0xd8: {  	v2 =	vsel vm13, v2, v1;
	_ =	sdelay $0x4  }
0xd9: {  	v61 =	vld.idx.msk [tilespmem:v2+s29+$0x0], $0xffff;
	_ =	sdelay $0x2  }
0xda: {  	v3 =	vcvt.s32.f32 v3;
	_ =	sdelay $0x1  }
0xdb: {  	v3 =	vadd.f32 v3, v61;
	_ =	sdelay $0x1  }
0xdc: {  	[tilespmem:v2+s29+$0x0] =	vst.idx.msk $0xffff, v3  }
0xdd: {  	v2 =	vld [tilespmem:$0x1E0];
	_ =	sdelay $0x4  }
0xde: {  	(xrf1) =	vunique.msk.u32 $0xffff, v2;
	_ =	sdelay $0xd  }
0xdf: {  	_, v3, vm14 =	vpop (xrf1)  }
0xe0: {  	v2 =	vsel vm14, v2, v1;
	_ =	sdelay $0x4  }
0xe1: {  	v62 =	vld.idx.msk [tilespmem:v2+s29+$0x0], $0xffff;
	_ =	sdelay $0x2  }
0xe2: {  	v3 =	vcvt.s32.f32 v3;
	_ =	sdelay $0x1  }
0xe3: {  	v3 =	vadd.f32 v3, v62;
	_ =	sdelay $0x1  }
0xe4: {  	[tilespmem:v2+s29+$0x0] =	vst.idx.msk $0xffff, v3  }
0xe5: {  	v2 =	vld [tilespmem:$0x1F0];
	_ =	sdelay $0x4  }
0xe6: {  	(xrf1) =	vunique.msk.u32 $0xffff, v2;
	_ =	sdelay $0xd  }
0xe7: {  	_, v3, vm15 =	vpop (xrf1)  }
0xe8: {  	v2 =	vsel vm15, v2, v1;
	_ =	sdelay $0x4  }
0xe9: {  	v63 =	vld.idx.msk [tilespmem:v2+s29+$0x0], $0xffff;
	_ =	sdelay $0x2  }
.Ltmp3:
0xea: {  	v3 =	vcvt.s32.f32 v3;
	(pc) =	sbr.rel @p0 .LBB2_6-.Ltmp3, $3  }
0xeb: {  	_ = 	snop  }
0xec: {  	v3 =	vadd.f32 v3, v63;
	_ =	sdelay $0x1  }
0xed: {  	[tilespmem:v2+s29+$0x0] =	vst.idx.msk $0xffff, v3  }
0xee: {  	s11 =	sand.u32 $0x7C00, s18  }
0xef: {  	s19 =	sand.u32 $0x380, s18;
	s11 =	sadd.s32 s7, s11  }
0xf0: {  	_ =	swait.ge [sflag:s1], $0x4000;
	s11 =	sor.u32 s19, s11  }
0xf1: {  	[sflag:s1] =	ssyncset.done $0x0;
	s11 =	sshrl.u32 s11, $0x3  }
0xf2: {  	[sflag:s1] =	ssyncadd.s32 $0xFFFFC000;
	s11 =	sadd.s32 s6, s11  }
0xf3: {  	[tilespmem:s31], [sflag:$0x8] =	stream.linear.gather [hbm4b:s11+s3], $0x80, $0x38;
	[tilespmem:$0x1E600] =	vst v63  }
.Ltmp4:
0xf4: {  	_ = 	snop;
	(pc) =	sbr.rel .LBB2_4-.Ltmp4, $4  }
0xf5: {  	_ =	swait.ge [sflag:s8], $0x80  }
0xf6: {  	[sflag:s8] =	ssyncset.done $0x0  }
0xf7: {  	s18 =	sadd.s32 $0x100, s18;
	[sflag:s8] =	ssyncadd.s32 $0xFFFFFF80  }
0xf8: {  	[tilespmem:s26], [sflag:$0x2] =	stream.indirect.gather [hbm4b:s4+s24], $0x80, s24, s24, $0xb8;
	[tilespmem:$0x1E600] =	vst v63  }
.LBB2_6:
0xf9: {  	s0 =	simm.s32 $0x3  }
0xfa: {  	_ =	swait.ge [sflag:s0], $0x4000  }
0xfb: {  	[sflag:s0] =	ssyncset.done $0x0  }
0xfc: {  	[sflag:s0] =	ssyncadd.s32 $0xFFFFC000  }
0xfd: {  	_ =	swait.ge [sflag:s1], $0x4000  }
0xfe: {  	[sflag:s1] =	ssyncset.done $0x0  }
0xff: {  	s11 =	rddreg [dreg:$0x8];
	[sflag:s1] =	ssyncadd.s32 $0xFFFFC000  }
0x100: {  	[hbm4b:s11+s3] =	stream.linear.scatter [tilespmem:s29], [sflag:$0x9], $0x2780, $0x38;
	[tilespmem:$0x1E600] =	vst v63  }
0x101: {  	_ =	swait.ge [sflag:s22], $0x2780  }
0x102: {  	[sflag:s22] =	ssyncset.done $0x0  }
0x103: {  	[sflag:s22] =	ssyncadd.s32 $0xFFFFD880  }
0x104: {  	[bflag:$0x0] =	sbarrier.arrive $0xFFFF  }
0x105: {  	s9 =	rddreg [dreg:$0x5]  }
0x106: {  	s18 =	rddreg [dreg:$0x9]  }
0x107: {  	[hbm:s18], [sflag:s9] =	dma.local [spmem:s17], $0x2780  }
0x108: {  	_ =	swait.ge [sflag:s22], $0x2780  }
0x109: {  	[sflag:s22] =	ssyncset.done $0x0  }
0x10a: {  	[sflag:s22] =	ssyncadd.s32 $0xFFFFD880  }
0x10b: {  	[bflag:$0x0] =	sbarrier.arrive $0xFFFF  }
0x10c: {  	[spmem:s17], [sflag:s9] =	dma.local [hbm:s12], $0x2780  }
0x10d: {  	_ =	swait.ge [sflag:s22], $0x2780  }
0x10e: {  	[sflag:s22] =	ssyncset.done $0x0  }
0x10f: {  	[sflag:s22] =	ssyncadd.s32 $0xFFFFD880  }
0x110: {  	[bflag:$0x0] =	sbarrier.arrive $0xFFFF  }
0x111: {  	s19 =	rddreg [dreg:$0xa]  }
0x112: {  	[tilespmem:s3], [sflag:$0x9] =	stream.linear.gather [hbm4b:s19+s3], $0x80, $0x38;
	[tilespmem:$0x1E600] =	vst v63  }
0x113: {  	_ =	swait.ge [sflag:s22], $0x80  }
0x114: {  	[sflag:s22] =	ssyncset.done $0x0  }
0x115: {  	[sflag:s22] =	ssyncadd.s32 $0xFFFFFF80  }
0x116: {  	[tilespmem:s23], [sflag:$0x9] =	stream.linear.gather [hbm4b:s14+s3], $0x80, $0x38;
	[tilespmem:$0x1E600] =	vst v63  }
0x117: {  	_ =	swait.ge [sflag:s22], $0x80  }
0x118: {  	[sflag:s22] =	ssyncset.done $0x0  }
0x119: {  	[sflag:s22] =	ssyncadd.s32 $0xFFFFFF80  }
0x11a: {  	[tilespmem:s25], [sflag:$0x1] =	stream.indirect.gather [hbm4b:s4+s24], $0x80, s3, s24, $0xb8;
	[tilespmem:$0x1E600] =	vst v63  }
0x11b: {  	s20 =	rddreg [dreg:$0xb]  }
0x11c: {  	[tilespmem:s24], [sflag:$0x9] =	stream.linear.gather [hbm4b:s20+s3], $0x80, $0x38;
	[tilespmem:$0x1E600] =	vst v63  }
0x11d: {  	_ =	swait.ge [sflag:s22], $0x80  }
0x11e: {  	[sflag:s22] =	ssyncset.done $0x0  }
0x11f: {  	s18 =	simm.s32 $0x180;
	s21 =	rddreg [dreg:$0x7];
	[sflag:s22] =	ssyncadd.s32 $0xFFFFFF80  }
0x120: {  	[tilespmem:s18], [sflag:$0x9] =	stream.linear.gather [hbm4b:s21+s3], $0x80, $0x38;
	[tilespmem:$0x1E600] =	vst v63  }
0x121: {  	_ =	swait.ge [sflag:s22], $0x80  }
0x122: {  	[sflag:s22] =	ssyncset.done $0x0  }
0x123: {  	s10 =	smov.u32 s14;
	s0 =	smov.u32 s12;
	[sflag:s22] =	ssyncadd.s32 $0xFFFFFF80  }
0x124: {  	[tilespmem:s26], [sflag:$0x2] =	stream.indirect.gather [hbm4b:s4+s24], $0x80, s24, s24, $0xb8;
	[tilespmem:$0x1E600] =	vst v63  }
.LBB2_7:
0x125: {  	_ =	swait.ge [sflag:s28], $0x4000  }
0x126: {  	p0 =	seq.s32 s18, $0x2880;
	[sflag:s28] =	ssyncset.done $0x0  }
0x127: {  	s11 =	simm.s32 @p0 $0x7;
	[sflag:s28] =	ssyncadd.s32 $0xFFFFC000  }
0x128: {  	_ =	swait.ge @p0 [sflag:s11], $0x80  }
0x129: {  	s19 =	simm.s32 @p0 $0x100;
	[sflag:s11] =	ssyncset.done @p0 $0x0  }
0x12a: {  	s20 =	simm.s32 @p0 $0x200;
	[sflag:s11] =	ssyncadd.s32 @p0 $0xFFFFFF80;
	s11 =	simm.s32 @p0 $0x80  }
0x12b: {  	[spmem:s2] =	stream.indirect.scatter.add.f32 @p0 [tilespmem:s20], [sflag:$0x3], $0x80, s19, s11, $0xb8;
	[tilespmem:$0x1E600] =	vst v63  }
0x12c: {  	s11 =	sadd.s32 @!p0 $0xFFFFFF80, s18  }
0x12d: {  	s19 =	sand.u32 @!p0 $0x7C00, s11  }
0x12e: {  	s11 =	sand.u32 @!p0 $0x300, s11;
	s20 =	sadd.s32 @!p0 s15, s19  }
0x12f: {  	s20 =	sor.u32 @!p0 s11, s20  }
0x130: {  	p1 =	seq.s32 @!p0 s18, $0x180;
	s20 =	sshrl.u32 @!p0 s20, $0x3  }
0x131: {  	s21 =	simm.s32 @!p0 $0x0;
	p2 =	por p1, p0;
	s20 =	sadd.s32 @!p0 s5, s20  }
0x132: {  	[tilespmem:s21], [sflag:$0x5] =	stream.linear.gather @!p0 [hbm4b:s20+s21], $0x80, $0x38;
	[tilespmem:$0x1E600] =	vst v63  }
0x133: {  	s20 =	simm.s32 @!p2 $0x7  }
0x134: {  	s9 =	simm.s32 @!p0 $0x100;
	_ =	swait.ge @!p2 [sflag:s20], $0x80  }
0x135: {  	s12 =	simm.s32 @!p0 $0x200;
	s14 =	simm.s32 @!p0 $0x3;
	[sflag:s20] =	ssyncset.done @!p2 $0x0  }
0x136: {  	s19 =	sadd.s32 @!p0 s7, s19;
	[sflag:s20] =	ssyncadd.s32 @!p2 $0xFFFFFF80;
	s20 =	simm.s32 @!p0 $0x80  }
0x137: {  	[spmem:s2] =	stream.indirect.scatter.add.f32 @!p0 [tilespmem:s12], [sflag:$0x3], $0x80, s9, s20, $0xb8;
	[tilespmem:$0x1E600] =	vst v63  }
0x138: {  	s11 =	sor.u32 @!p0 s11, s19;
	_ =	swait.ge @!p0 [sflag:s14], $0x4000  }
0x139: {  	s11 =	sshrl.u32 @!p0 s11, $0x3;
	[sflag:s14] =	ssyncset.done @!p0 $0x0  }
0x13a: {  	s11 =	sadd.s32 @!p0 s6, s11;
	[sflag:s14] =	ssyncadd.s32 @!p0 $0xFFFFC000  }
0x13b: {  	[tilespmem:s9], [sflag:$0x7] =	stream.linear.gather @!p0 [hbm4b:s11+s21], $0x80, $0x38;
	[tilespmem:$0x1E600] =	vst v63  }
0x13c: {  	s9 =	simm.s32 @!p0 $0x5  }
0x13d: {  	_ =	swait.ge @!p0 [sflag:s9], $0x80  }
0x13e: {  	[sflag:s9] =	ssyncset.done @!p0 $0x0  }
0x13f: {  	[sflag:s9] =	ssyncadd.s32 @!p0 $0xFFFFFF80;
	s9 =	sand.u32 @!p0 $0x7C00, s18  }
0x140: {  	[tilespmem:s12], [sflag:$0x1] =	stream.indirect.gather @!p0 [hbm4b:s4+s20], $0x80, s21, s20, $0xb8;
	[tilespmem:$0x1E600] =	vst v63  }
0x141: {  	s11 =	sand.u32 @!p0 $0x380, s18;
	s9 =	sadd.s32 @!p0 s15, s9  }
0x142: {  	_ =	swait.ge [sflag:s30], $0x4000;
	s9 =	sor.u32 @!p0 s11, s9  }
0x143: {  	p2 =	por @p0 $0x0, $0x0;
	[sflag:s30] =	ssyncset.done $0x0;
	s9 =	sshrl.u32 @!p0 s9, $0x3  }
0x144: {  	p2 =	por @!p0 p1, p1;
	[sflag:s30] =	ssyncadd.s32 $0xFFFFC000;
	s9 =	sadd.s32 @!p0 s5, s9  }
0x145: {  	[tilespmem:s20], [sflag:$0x6] =	stream.linear.gather @!p0 [hbm4b:s9+s21], $0x80, $0x38;
	[tilespmem:$0x1E600] =	vst v63  }
.Ltmp5:
0x146: {  	s9 =	simm.s32 @!p2 $0x8;
	(pc) =	sbr.rel @p0 .LBB2_9-.Ltmp5, $4  }
0x147: {  	_ =	swait.ge @!p2 [sflag:s9], $0x80  }
0x148: {  	[sflag:s9] =	ssyncset.done @!p2 $0x0  }
0x149: {  	[sflag:s9] =	ssyncadd.s32 @!p2 $0xFFFFFF80  }
0x14a: {  	[spmem:s2] =	stream.indirect.scatter.add.f32 [tilespmem:s26], [sflag:$0x4], $0x80, s31, s24, $0xb8;
	[tilespmem:$0x1E600] =	vst v63  }
0x14b: {  	s9 =	sand.u32 $0x7C00, s18  }
0x14c: {  	s11 =	sand.u32 $0x380, s18;
	s9 =	sadd.s32 s7, s9  }
0x14d: {  	_ =	swait.ge [sflag:s1], $0x4000;
	s9 =	sor.u32 s11, s9  }
0x14e: {  	[sflag:s1] =	ssyncset.done $0x0;
	s9 =	sshrl.u32 s9, $0x3  }
0x14f: {  	[sflag:s1] =	ssyncadd.s32 $0xFFFFC000;
	s9 =	sadd.s32 s6, s9  }
0x150: {  	[tilespmem:s31], [sflag:$0x8] =	stream.linear.gather [hbm4b:s9+s3], $0x80, $0x38;
	[tilespmem:$0x1E600] =	vst v63  }
.Ltmp6:
0x151: {  	_ = 	snop;
	(pc) =	sbr.rel .LBB2_7-.Ltmp6, $4  }
0x152: {  	_ =	swait.ge [sflag:s8], $0x80  }
0x153: {  	[sflag:s8] =	ssyncset.done $0x0  }
0x154: {  	s18 =	sadd.s32 $0x100, s18;
	[sflag:s8] =	ssyncadd.s32 $0xFFFFFF80  }
0x155: {  	[tilespmem:s26], [sflag:$0x2] =	stream.indirect.gather [hbm4b:s4+s24], $0x80, s24, s24, $0xb8;
	[tilespmem:$0x1E600] =	vst v63  }
.LBB2_10:
0x156: {  	_ =	sfence.sel $0x180000  }
0x157: {  	[bflag:$0x0] =	sbarrier.arrive $0xFFFF  }
0x158: {  	_ =	strace $0x9000004A  }
0x159: {  	s0 =	stileid.u32;
	[bflag:$0x2] =	sbarrier.arrive $0xFFFF  }
0x15a: {  	p0 =	sne.s32 s0, $0x0;
	s0 =	rddreg [dreg:$0x2]  }
0x15b: {  	s0 =	sadd.s32 @!p0 $0x100000, s0  }
0x15c: {  	[sflag:s0] =	ssyncadd.tile.s32 @!p0 $0x1;
	_ =	shalt  }
.Lfunc_end2:
_tile_overlayer_lowered:
.L_overlay_start_2:
0x15d: {  	(tag) =	ssettag $0x2  }
0x15e: {  	s0 =	rddreg [dreg:$0x0];
	s2 =	stileid.u32  }
0x15f: {  	s1 =	rddreg [dreg:$0x1];
	p0 =	sne.s32 s2, $0x0  }
0x160: {  	s3 =	rddreg [dreg:$0x2];
	[bflag:$0x3] =	sbarrier.arrive $0xFFFF;
	s2 =	simm.s32 @!p0 $0x1C09  }
0x161: {  	[timem:s3], [sflag:s2] =	dma.local @!p0 [hbm:s0], s1  }
0x162: {  	s0 =	simm.s32 @!p0 $0x9  }
0x163: {  	_ =	swait.ge @!p0 [sflag:s0], s1  }
0x164: {  	s1 =	ssub.s32 @!p0 $0x0, s1;
	[sflag:s0] =	ssyncset.done @!p0 $0x0  }
0x165: {  	[sflag:s0] =	ssyncadd.s32 @!p0 s1  }
0x166: {  	[bflag:$0x3] =	sbarrier.arrive $0xFFFF  }
0x167: {  	_ =	shalt  }

// kernel: kernel.17.cloned.1.call-start
scs
__scs_entry_jumppad:
0x0: {  	(pc) =	sbr.rel $0x88, $3  }
0x1: {  	(tag) =	ssettag $0x0;
	lr =	simm.s32 $0x1  }
0x2: {  	[smem:$0x3F8D] =	sst lr;
	_ =	strace $0xD0000000  }
0x3: {  	_ = 	snop  }
0x4: {  	_ = 	snop  }
0x5: {  	_ = 	snop  }
0x6: {  	_ = 	snop  }
0x7: {  	_ = 	snop  }
__scs_overlays_trampoline_lowered:
0x8: {  	[smem:$0x3F9C] =	sst s0  }
0x9: {  	[smem:$0x3F9D] =	sst s1  }
0xa: {  	[smem:$0x3F9E] =	sst s2  }
0xb: {  	[smem:$0x3F9F] =	sst s3  }
0xc: {  	[smem:$0x3FA0] =	sst s4  }
0xd: {  	[smem:$0x3FA1] =	sst s5  }
0xe: {  	[smem:$0x3FA2] =	sst s6  }
0xf: {  	[smem:$0x3FA3] =	sst s7  }
0x10: {  	[smem:$0x3FA4] =	sst s8  }
0x11: {  	[smem:$0x3FA5] =	sst s9;
	s0 =	simm.s32 @!p0 $0x0  }
0x12: {  	s1 =	sld [smem:$0x3F8B];
	s0 =	simm.s32 @p0 $0x1  }
0x13: {  	[smem:$0x3FA6] =	sst s0;
	s0 =	simm.s32 @!p1 $0x0  }
0x14: {  	s2 =	sld [smem:$0x3F8A];
	s0 =	simm.s32 @p1 $0x1  }
0x15: {  	[smem:$0x3FA7] =	sst s0;
	s0 =	simm.s32 @!p2 $0x0  }
0x16: {  	s3 =	sld [smem:$0x3FDB];
	s0 =	simm.s32 @p2 $0x1  }
0x17: {  	s4 =	simm.s32 $0x1BF5;
	[smem:$0x3FA9] =	sst s0  }
0x18: {  	s0 =	sld [smem:$0x3F8C];
	_ =	swait.ge [sflag:s4], $0x0  }
0x19: {  	s7 =	sld [smem:$0x3F8D]  }
0x1a: {  	s8 =	sadd.s32 $0xFFFFE003, lr  }
0x1b: {  	s9 =	sadd.s32 $0xFFFFFEF7, lr;
	s5 =	simm.s32 $0xFFFFFFFF;
	p2 =	slt.u32 s8, $0xFFFFF086  }
0x1c: {  	p1 =	slt.u32 s9, $0xF7A;
	s5 =	simm.s32 @!p2 $0x0  }
0x1d: {  	s5 =	simm.s32 @p1 $0x1;
	p0 =	seq.s32 s7, s2  }
0x1e: {  	s7 =	smul.u32 @!p0 $0xF7A, s2;
	p2 =	seq.s32 @!p0 s5, $0x0  }
0x1f: {  	s9 =	smul.u32 $0xF7A, s1;
	s8 =	simm.s32 @!p0 $0x1BF5;
	p2 =	por !p2, p0  }
0x20: {  	[sflag:s8] =	ssyncset.s32 @!p0 $0xFFFFF086;
	s6 =	sadd.s32 @!p0 s3, s7;
	s7 =	simm.s32 @!p0 $0x108  }
0x21: {  	s3 =	sadd.s32 s3, s9;
	s6 =	sadd.s32 @!p0 $0x88, s6;
	s7 =	simm.s32 @p2 $0x1082  }
0x22: {  	[simem:s7], [sflag:s8] =	dma.local @!p0 [hbm:s6], $0xF7A  }
0x23: {  	s9 =	sor.u32 $0xD0000000, s2;
	s6 =	simm.s32 $0x108;
	_ =	swait.ge @!p0 [sflag:s8], $0x0  }
0x24: {  	s3 =	sadd.s32 $0x88, s3;
	s6 =	simm.s32 @!p1 $0x1082;
	[sflag:s4] =	ssyncset.s32 $0xFFFFF086  }
0x25: {  	[simem:s6], [sflag:s4] =	dma.local [hbm:s3], $0xF7A  }
0x26: {  	[smem:$0x3F8D] =	sst s1;
	(tag) =	ssettag s2;
	_ =	strace s9  }
0x27: {  	s1 =	sld [smem:$0x3F9D]  }
0x28: {  	s2 =	sld [smem:$0x3F9E]  }
0x29: {  	s4 =	sld [smem:$0x3FA0]  }
0x2a: {  	p0 =	seq.s32 s5, $0x0;
	s5 =	sld [smem:$0x3FA1]  }
0x2b: {  	s6 =	sld [smem:$0x3FA2]  }
0x2c: {  	s7 =	sld [smem:$0x3FA3]  }
0x2d: {  	s3 =	simm.s32 $0x108;
	s8 =	sld [smem:$0x3FA4]  }
0x2e: {  	s3 =	simm.s32 @!p0 $0x1082;
	s9 =	sld [smem:$0x3FA5]  }
0x2f: {  	lr =	sadd.s32 s0, s3;
	s0 =	sld [smem:$0x3F9C]  }
0x30: {  	s3 =	sld [smem:$0x3F9F]  }
0x31: {  	[smem:$0x3FA8] =	sst s10  }
0x32: {  	s10 =	sld [smem:$0x3FA6];
	_ =	sdelay $0x3  }
0x33: {  	p0 =	seq.s32 s10, $0x1;
	s10 =	sld [smem:$0x3FA8];
	_ =	sdelay $0x3  }
0x34: {  	[smem:$0x3FA8] =	sst s10  }
0x35: {  	s10 =	sld [smem:$0x3FA7];
	_ =	sdelay $0x3  }
0x36: {  	p1 =	seq.s32 s10, $0x1;
	s10 =	sld [smem:$0x3FA8];
	_ =	sdelay $0x3  }
0x37: {  	[smem:$0x3FA8] =	sst s10  }
0x38: {  	s10 =	sld [smem:$0x3FA9]  }
0x39: {  	_ = 	snop;
	(pc) =	sbr.ind lr, $3  }
0x3a: {  	_ = 	snop  }
0x3b: {  	_ = 	snop  }
0x3c: {  	p2 =	seq.s32 s10, $0x1;
	s10 =	sld [smem:$0x3FA8]  }
0x3d: {  	_ =	shalt  }
0x3e: {  	_ =	shalt  }
0x3f: {  	_ =	shalt  }
0x40: {  	_ =	shalt  }
0x41: {  	_ =	shalt  }
0x42: {  	_ =	shalt  }
0x43: {  	_ =	shalt  }
0x44: {  	_ =	shalt  }
0x45: {  	_ =	shalt  }
0x46: {  	_ =	shalt  }
0x47: {  	_ =	shalt  }
0x48: {  	_ =	shalt  }
0x49: {  	_ =	shalt  }
0x4a: {  	_ =	shalt  }
0x4b: {  	_ =	shalt  }
0x4c: {  	_ =	shalt  }
0x4d: {  	_ =	shalt  }
0x4e: {  	_ =	shalt  }
0x4f: {  	_ =	shalt  }
0x50: {  	_ =	shalt  }
0x51: {  	_ =	shalt  }
0x52: {  	_ =	shalt  }
0x53: {  	_ =	shalt  }
0x54: {  	_ =	shalt  }
0x55: {  	_ =	shalt  }
0x56: {  	_ =	shalt  }
0x57: {  	_ =	shalt  }
0x58: {  	_ =	shalt  }
0x59: {  	_ =	shalt  }
0x5a: {  	_ =	shalt  }
0x5b: {  	_ =	shalt  }
0x5c: {  	_ =	shalt  }
0x5d: {  	_ =	shalt  }
0x5e: {  	_ =	shalt  }
0x5f: {  	_ =	shalt  }
0x60: {  	_ =	shalt  }
0x61: {  	_ =	shalt  }
0x62: {  	_ =	shalt  }
0x63: {  	_ =	shalt  }
0x64: {  	_ =	shalt  }
0x65: {  	_ =	shalt  }
0x66: {  	_ =	shalt  }
0x67: {  	_ =	shalt  }
0x68: {  	_ =	shalt  }
0x69: {  	_ =	shalt  }
0x6a: {  	_ =	shalt  }
0x6b: {  	_ =	shalt  }
0x6c: {  	_ =	shalt  }
0x6d: {  	_ =	shalt  }
0x6e: {  	_ =	shalt  }
0x6f: {  	_ =	shalt  }
0x70: {  	_ =	shalt  }
0x71: {  	_ =	shalt  }
0x72: {  	_ =	shalt  }
0x73: {  	_ =	shalt  }
0x74: {  	_ =	shalt  }
0x75: {  	_ =	shalt  }
0x76: {  	_ =	shalt  }
0x77: {  	_ =	shalt  }
0x78: {  	_ =	shalt  }
0x79: {  	_ =	shalt  }
0x7a: {  	_ =	shalt  }
0x7b: {  	_ =	shalt  }
0x7c: {  	_ =	shalt  }
0x7d: {  	_ =	shalt  }
0x7e: {  	_ =	shalt  }
0x7f: {  	_ =	shalt  }
0x80: {  	_ =	shalt  }
0x81: {  	_ =	shalt  }
0x82: {  	_ =	shalt  }
0x83: {  	_ =	shalt  }
0x84: {  	_ =	shalt  }
0x85: {  	_ =	shalt  }
0x86: {  	_ =	shalt  }
0x87: {  	_ =	shalt  }
.Lfunc_end0:
.L_simem_size_0:
called_computation.2_lowered:
.L_overlay_start_0:
0x88: {  	s2 =	sld [smem:$0x3FD9]  }
0x89: {  	s3 =	sld [smem:$0x3FFE];
	_ =	sdelay $0x1  }
0x8a: {  	s1 =	srdreg.scid  }
0x8b: {  	s0 =	sand.u32 $0x1, s1  }
0x8c: {  	s16 =	sshll.u32 s0, $0xA;
	s2 =	sadd.s32 s3, s2  }
0x8d: {  	s2 =	sadd.s32 s2, s16  }
0x8e: {  	[smem:$0x3FB4] =	sst s2  }
0x8f: {  	_ = 	snop  }
0x90: {  	(tm) =	ssettm $0x1  }
0x91: {  	s17 =	sld [smem:$0x3FFB];
	_ =	sdelay $0x3  }
0x92: {  	_ =	strace s17  }
0x93: {  	s2 =	sld [smem:$0x3FFC];
	_ =	sdelay $0x3  }
0x94: {  	_ =	strace s2  }
0x95: {  	s2 =	sld [smem:$0x3FFD];
	_ =	sdelay $0x3  }
0x96: {  	_ =	strace s2  }
0x97: {  	_ =	strace $0x8FFFFFFF  }
0x98: {  	s18 =	sld [smem:$0x3FDB];
	_ =	sdelay $0x1  }
0x99: {  	s19 =	simm.s32 $_scs_section_size  }
0x9a: {  	s4 =	simm.s32 $_size__tile_overlayer_lowered;
	s5 =	simm.s32 $_tile_overlayer_lowered  }
0x9b: {  	s22 =	simm.s32 $0x1BFF;
	s21 =	sshll.u32 s5, $0x1;
	s2 =	sadd.s32 s19, s18  }
0x9c: {  	s6 =	simm.s32 $0x0;
	s20 =	sshll.u32 s4, $0x1;
	s4 =	sadd.s32 s21, s2  }
0x9d: {  	[timem:s6], [sflag:s22] =	dma.local [hbm:s4], s20  }
0x9e: {  	_ =	swait.ge [sflag:s22], s20  }
0x9f: {  	s3 =	ssub.s32 $0x0, s20;
	[sflag:s22] =	ssyncset.done $0x0  }
0xa0: {  	[sflag:s22] =	ssyncadd.s32 s3;
	_ =	sdelay $0x1  }
0xa1: {  	s23 =	simm.s32 $0x1B8B  }
0xa2: {  	_ =	swait.ge [sflag:s23], $0x1  }
0xa3: {  	[sflag:s23] =	ssyncset.done $0x0  }
0xa4: {  	s25 =	simm.s32 $0x1B8E;
	s24 =	sld [smem:$0x3FFE];
	[sflag:s23] =	ssyncadd.s32 $0xFFFFFFFF  }
0xa5: {  	s26 =	simm.s32 $execute0_lowered;
	[smem:$0x3FD2] =	sst s25  }
0xa6: {  	s4 =	sshll.u32 s26, $0x1;
	_ =	strace $0x8000004C;
	[dreg:$0x1] =	wrdreg $0xFFFFFFFF  }
0xa7: {  	s28 =	simm.s32 $_size_execute0_lowered;
	s2 =	sadd.s32 s2, s4;
	[dreg:$0x0] =	wrdreg $0x0  }
0xa8: {  	s4 =	sshll.u32 s28, $0x1;
	[dreg:$0x2] =	wrdreg s2  }
0xa9: {  	[dreg:$0x3] =	wrdreg s4  }
0xaa: {  	[dreg:$0x4] =	wrdreg $0xC0  }
0xab: {  	_ =	task [dreg:s6], $0x5FFFF  }
0xac: {  	[dreg:$0x1] =	wrdreg $0xFFFFFFFF  }
0xad: {  	[dreg:$0x0] =	wrdreg $0x60  }
0xae: {  	[dreg:$0x2] =	wrdreg s24  }
0xaf: {  	[dreg:$0x3] =	wrdreg $0xAA000  }
0xb0: {  	[dreg:$0x4] =	wrdreg $0x9  }
0xb1: {  	_ =	task.clear_ibuf [dreg:s6], $0x5FFFF;
	_ =	strace $0x9000004C  }
0xb2: {  	s29 =	simm.s32 $0x9;
	_ =	strace $0x8000004E  }
0xb3: {  	_ =	swait.ge [sflag:s29], $0x1  }
0xb4: {  	[sflag:s29] =	ssyncadd.s32 $0xFFFFFFFF  }
0xb5: {  	_ =	strace $0x9000004E  }
0xb6: {  	_ =	sfence  }
0xb7: {  	s30 =	sld [smem:$0x0];
	_ =	sdelay $0x2  }
0xb8: {  	s31 =	sshll.u32 s1, $0xD;
	s1 =	sshrl.u32 s1, $0x2  }
0xb9: {  	s3 =	sand.u32 $0x4000, s31;
	s1 =	sadd.s32 s1, s30  }
0xba: {  	s0 =	sor.u32 s3, s0;
	s1 =	sshll.u32 s1, $0x11  }
0xbb: {  	s0 =	sor.u32 s1, s0  }
0xbc: {  	s0 =	sadd.s32 $0x8F2B, s0  }
0xbd: {  	[sflag:s0] =	ssyncadd.remote.s32 $0x1  }
0xbe: {  	_ =	sfence.sel $0xFFFF  }
0xbf: {  	[dreg:$0x0] =	wrdreg $0xFFFFFFFF;
	(pc) =	sbr.abs _section_cstart, $3  }
0xc0: {  	[dreg:$0x1] =	wrdreg $0xFFFFFFFF  }
0xc1: {  	_ =	task.clear_ibuf [dreg:s6], $0x2FFFF;
	_ =	strace $0x9FFFFFFF  }
0xc2: {  	(tm) =	ssettm $0x7FFFFFFF  }
0xc3: {  	_ =	shalt  }
tec
execute0_lowered:
.L_overlay_start_1:
0x0: {  	(tag) =	ssettag $0x1  }
0x1: {  	s0 =	rddreg [dreg:$0x0]  }
0x2: {  	s2 =	rddreg [dreg:$0x1];
	s3 =	simm.s32 $0x0;
	s13 =	stileid.u32  }
0x3: {  	s1 =	srdreg.scid;
	s18 =	simm.s32 $0x9;
	s19 =	simm.s32 $0x100  }
0x4: {  	s28 =	simm.s32 $0x3;
	s29 =	simm.s32 $0x4;
	s30 =	simm.s32 $0x6  }
0x5: {  	s31 =	simm.s32 $0x7;
	[smem:$0x7FF] =	sst s3;
	s7 =	smul.u32 $0x13C00, s13  }
0x6: {  	s1 =	sand.u32 $0x1, s1;
	s4 =	sadd.s32 $0x3F800, s0;
	s5 =	sadd.s32 $0xE000, s0  }
0x7: {  	s6 =	sadd.s32 $0x4000, s0;
	s10 =	smul.u32 $0x4F000, s13;
	s22 =	sshll.u32 s13, $0x6  }
0x8: {  	s8 =	smul.u32 $0x13C000, s1;
	s20 =	sshll.u32 s1, $0x4;
	s1 =	ssub.s32 $0x2, s1  }
0x9: {  	_ =	strace $0x8000004D;
	s9 =	sshrl.u32 s7, $0x3;
	s12 =	sshrl.u32 s1, $0x1  }
0xa: {  	s10 =	sshrl.u32 s10, $0x2;
	s9 =	sadd.s32 s9, s0;
	s7 =	sadd.s32 s7, s8  }
0xb: {  	s8 =	sor.u32 s13, s20;
	s1 =	ssub.s32 s1, s12;
	s21 =	sadd.s32 s10, s2  }
0xc: {  	s20 =	simm.s32 $0x80;
	s7 =	sshrl.u32 s7, $0x3;
	s11 =	smul.u32 $0x4F0, s8  }
0xd: {  	s9 =	sadd.s32 $0x18000, s9;
	s16 =	smax.u32 s1, $0x1;
	s17 =	sshrl.u32 s21, $0x3  }
0xe: {  	s21 =	simm.s32 $0x200;
	s15 =	sadd.s32 s7, s0;
	s7 =	smul.u32 $0x2800, s8  }
0xf: {  	[dreg:$0x3] =	wrdreg s9;
	s9 =	sor.u32 $0x1C09, s22;
	s22 =	simm.s32 $0x4200  }
0x10: {  	s0 =	sadd.s32 s11, s0;
	s15 =	sadd.s32 $0x70800, s15;
	s23 =	sshrl.u32 s7, $0x3  }
.Ltmp0:
0x11: {  	s14 =	sadd.s32 $0x66A00, s0;
	s24 =	sadd.s32 s5, s23;
	(pc) =	sbr.rel .LBB2_1-.Ltmp0, $4  }
0x12: {  	s0 =	simm.s32 $0x0;
	s10 =	sadd.s32 s6, s23;
	[dreg:$0x4] =	wrdreg s24  }
0x13: {  	s25 =	sor.u32 $0x10, s23;
	s23 =	simm.s32 $0x1;
	[dreg:$0x5] =	wrdreg s10  }
0x14: {  	v1 =	vlaneseq.u32;
	s26 =	sadd.s32 s5, s25;
	s13 =	sadd.s32 s6, s25;
	s24 =	simm.s32 $0x8200  }
0x15: {  	v0 =	vimm.f32 $0.0e+00;
	v1 =	vor.u32 $0x2780, v1;
	s25 =	simm.s32 $0x2;
	[dreg:$0x6] =	wrdreg s26;
	s26 =	simm.s32 $0x180  }
.LBB2_6:
0x16: {  	_ =	swait.ge [sflag:s28], $0x4000  }
0x17: {  	[sflag:s28] =	ssyncset.done $0x0  }
0x18: {  	[sflag:s28] =	ssyncadd.s32 $0xFFFFC000  }
0x19: {  	_ =	swait.ge [sflag:s29], $0x4000  }
0x1a: {  	[sflag:s29] =	ssyncset.done $0x0  }
0x1b: {  	[sflag:s29] =	ssyncadd.s32 $0xFFFFC000  }
0x1c: {  	[hbm4b:s14+s3] =	stream.linear.scatter [tilespmem:s24], [sflag:$0x9], $0x2780, $0x38;
	[tilespmem:$0x1E600] =	vst v63  }
0x1d: {  	_ =	swait.ge [sflag:s18], $0x2780  }
0x1e: {  	[sflag:s18] =	ssyncset.done $0x0  }
0x1f: {  	s0 =	sadd.s32 $0x1, s0;
	[sflag:s18] =	ssyncadd.s32 $0xFFFFD880  }
0x20: {  	p0 =	sne.s32 s0, s16;
	[bflag:$0x0] =	sbarrier.arrive $0xFFFF  }
0x21: {  	[hbm:s15], [sflag:s9] =	dma.local [spmem:s17], $0x2780  }
.Ltmp1:
0x22: {  	_ =	swait.ge [sflag:s18], $0x2780;
	(pc) =	sbr.rel @!p0 .LBB2_7-.Ltmp1, $3  }
0x23: {  	[sflag:s18] =	ssyncset.done $0x0  }
0x24: {  	[sflag:s18] =	ssyncadd.s32 $0xFFFFD880  }
0x25: {  	[bflag:$0x0] =	sbarrier.arrive $0xFFFF;
	_ =	sdelay $0x1  }
.LBB2_1:
0x26: {  	s1 =	simm.s32 $0x40;
	s8 =	simm.s32 $0x0  }
.LBB2_2:
0x27: {  	p0 =	sne.s32 s1, $0x9E00;
	[tilespmem:s8+$0x8200] =	vst v0;
	s8 =	smov.u32 s1;
	s1 =	sadd.s32 $0x40, s1  }
.Ltmp2:
0x28: {  	(pc) =	sbr.rel @p0 .LBB2_2-.Ltmp2, $2  }
0x29: {  	_ =	sdelay $0x2  }
0x2a: {  	s8 =	sshra.s32 s8, $0x2  }
0x2b: {  	[tilespmem:s8+$0x8200] =	vst v0;
	s1 =	rddreg [dreg:$0x3]  }
0x2c: {  	[spmem:s17], [sflag:s9] =	dma.local [hbm:s1], $0x2780  }
0x2d: {  	_ =	swait.ge [sflag:s18], $0x2780  }
0x2e: {  	[sflag:s18] =	ssyncset.done $0x0  }
0x2f: {  	[sflag:s18] =	ssyncadd.s32 $0xFFFFD880  }
0x30: {  	[bflag:$0x0] =	sbarrier.arrive $0xFFFF  }
0x31: {  	s10 =	rddreg [dreg:$0x4]  }
0x32: {  	[tilespmem:s3], [sflag:$0x9] =	stream.linear.gather [hbm4b:s10+s3], $0x80, $0x38;
	[tilespmem:$0x1E600] =	vst v63  }
0x33: {  	_ =	swait.ge [sflag:s18], $0x80  }
0x34: {  	[sflag:s18] =	ssyncset.done $0x0  }
0x35: {  	s11 =	rddreg [dreg:$0x5];
	[sflag:s18] =	ssyncadd.s32 $0xFFFFFF80  }
0x36: {  	[tilespmem:s19], [sflag:$0x9] =	stream.linear.gather [hbm4b:s11+s3], $0x80, $0x38;
	[tilespmem:$0x1E600] =	vst v63  }
0x37: {  	_ =	swait.ge [sflag:s18], $0x80  }
0x38: {  	[sflag:s18] =	ssyncset.done $0x0  }
0x39: {  	[sflag:s18] =	ssyncadd.s32 $0xFFFFFF80  }
0x3a: {  	[tilespmem:s21], [sflag:$0x1] =	stream.indirect.gather [hbm4b:s4+s20], $0x80, s3, s20, $0xb8;
	[tilespmem:$0x1E600] =	vst v63  }
0x3b: {  	s12 =	rddreg [dreg:$0x6]  }
0x3c: {  	[tilespmem:s20], [sflag:$0x9] =	stream.linear.gather [hbm4b:s12+s3], $0x80, $0x38;
	[tilespmem:$0x1E600] =	vst v63  }
0x3d: {  	_ =	swait.ge [sflag:s18], $0x80  }
0x3e: {  	[sflag:s18] =	ssyncset.done $0x0  }
0x3f: {  	s1 =	simm.s32 $0x180;
	[sflag:s18] =	ssyncadd.s32 $0xFFFFFF80  }
0x40: {  	[tilespmem:s1], [sflag:$0x9] =	stream.linear.gather [hbm4b:s13+s3], $0x80, $0x38;
	[tilespmem:$0x1E600] =	vst v63  }
0x41: {  	_ =	swait.ge [sflag:s18], $0x80  }
0x42: {  	[sflag:s18] =	ssyncset.done $0x0  }
0x43: {  	[sflag:s18] =	ssyncadd.s32 $0xFFFFFF80  }
0x44: {  	[tilespmem:s22], [sflag:$0x2] =	stream.indirect.gather [hbm4b:s4+s20], $0x80, s20, s20, $0xb8;
	[tilespmem:$0x1E600] =	vst v63  }
.LBB2_4:
0x45: {  	p0 =	seq.s32 s1, $0x2880  }
0x46: {  	s8 =	sadd.s32 @!p0 $0xFFFFFF80, s1  }
0x47: {  	s10 =	sand.u32 @!p0 $0x7C00, s8  }
0x48: {  	_ =	swait.ge [sflag:s23], $0x4000;
	s8 =	sand.u32 @!p0 $0x300, s8;
	s10 =	sadd.s32 @!p0 s7, s10  }
0x49: {  	[sflag:s23] =	ssyncset.done $0x0;
	s8 =	sor.u32 @!p0 s8, s10  }
0x4a: {  	p1 =	seq.s32 @!p0 s1, $0x180;
	[sflag:s23] =	ssyncadd.s32 $0xFFFFC000;
	s10 =	sshrl.u32 @!p0 s8, $0x3  }
0x4b: {  	p2 =	por p0, !p1;
	s8 =	simm.s32 @!p0 $0x0;
	s11 =	sadd.s32 @!p0 s5, s10  }
0x4c: {  	[tilespmem:s8], [sflag:$0x5] =	stream.linear.gather @!p0 [hbm4b:s11+s8], $0x80, $0x38;
	[tilespmem:$0x1E600] =	vst v63  }
0x4d: {  	_ =	swait.ge @p2 [sflag:s31], $0x80  }
0x4e: {  	[sflag:s31] =	ssyncset.done @p2 $0x0  }
0x4f: {  	[sflag:s31] =	ssyncadd.s32 @p2 $0xFFFFFF80  }
0x50: {  	[spmem:s2] =	stream.indirect.scatter.add.f32 [tilespmem:s21], [sflag:$0x3], $0x80, s19, s20, $0xb8;
	[tilespmem:$0x1E600] =	vst v63  }
0x51: {  	v2 =	vld [tilespmem:$0x100];
	_ =	sdelay $0x4  }
0x52: {  	(xrf1) =	vunique.msk.u32 $0xffff, v2;
	_ =	sdelay $0xd  }
0x53: {  	_, v3, vm0 =	vpop (xrf1)  }
0x54: {  	v2 =	vsel vm0, v2, v1;
	_ =	sdelay $0x4  }
0x55: {  	v4 =	vld.idx.msk [tilespmem:v2+s24+$0x0], $0xffff;
	_ =	sdelay $0x2  }
0x56: {  	v3 =	vcvt.s32.f32 v3;
	_ =	sdelay $0x1  }
0x57: {  	v3 =	vadd.f32 v3, v4;
	_ =	sdelay $0x1  }
0x58: {  	[tilespmem:v2+s24+$0x0] =	vst.idx.msk $0xffff, v3  }
0x59: {  	v2 =	vld [tilespmem:$0x110];
	_ =	sdelay $0x4  }
0x5a: {  	(xrf1) =	vunique.msk.u32 $0xffff, v2;
	_ =	sdelay $0xd  }
0x5b: {  	_, v3, vm13 =	vpop (xrf1)  }
0x5c: {  	v2 =	vsel vm13, v2, v1;
	_ =	sdelay $0x4  }
0x5d: {  	v49 =	vld.idx.msk [tilespmem:v2+s24+$0x0], $0xffff;
	_ =	sdelay $0x2  }
0x5e: {  	v3 =	vcvt.s32.f32 v3;
	_ =	sdelay $0x1  }
0x5f: {  	v3 =	vadd.f32 v3, v49;
	_ =	sdelay $0x1  }
0x60: {  	[tilespmem:v2+s24+$0x0] =	vst.idx.msk $0xffff, v3  }
0x61: {  	v2 =	vld [tilespmem:$0x120];
	_ =	sdelay $0x4  }
0x62: {  	(xrf1) =	vunique.msk.u32 $0xffff, v2;
	_ =	sdelay $0xd  }
0x63: {  	_, v3, vm14 =	vpop (xrf1)  }
0x64: {  	v2 =	vsel vm14, v2, v1;
	_ =	sdelay $0x4  }
0x65: {  	v50 =	vld.idx.msk [tilespmem:v2+s24+$0x0], $0xffff;
	_ =	sdelay $0x2  }
0x66: {  	v3 =	vcvt.s32.f32 v3;
	_ =	sdelay $0x1  }
0x67: {  	v3 =	vadd.f32 v3, v50;
	_ =	sdelay $0x1  }
0x68: {  	[tilespmem:v2+s24+$0x0] =	vst.idx.msk $0xffff, v3  }
0x69: {  	v2 =	vld [tilespmem:$0x130];
	_ =	sdelay $0x4  }
0x6a: {  	(xrf1) =	vunique.msk.u32 $0xffff, v2;
	_ =	sdelay $0xd  }
0x6b: {  	_, v3, vm15 =	vpop (xrf1)  }
0x6c: {  	v2 =	vsel vm15, v2, v1;
	_ =	sdelay $0x4  }
0x6d: {  	v51 =	vld.idx.msk [tilespmem:v2+s24+$0x0], $0xffff;
	_ =	sdelay $0x2  }
0x6e: {  	v3 =	vcvt.s32.f32 v3;
	_ =	sdelay $0x1  }
0x6f: {  	v3 =	vadd.f32 v3, v51;
	_ =	sdelay $0x1  }
0x70: {  	[tilespmem:v2+s24+$0x0] =	vst.idx.msk $0xffff, v3  }
0x71: {  	v2 =	vld [tilespmem:$0x140];
	_ =	sdelay $0x4  }
0x72: {  	(xrf1) =	vunique.msk.u32 $0xffff, v2;
	_ =	sdelay $0xd  }
0x73: {  	_, v3, vm4 =	vpop (xrf1)  }
0x74: {  	v2 =	vsel vm4, v2, v1;
	_ =	sdelay $0x4  }
0x75: {  	v52 =	vld.idx.msk [tilespmem:v2+s24+$0x0], $0xffff;
	_ =	sdelay $0x2  }
0x76: {  	v3 =	vcvt.s32.f32 v3;
	_ =	sdelay $0x1  }
0x77: {  	v3 =	vadd.f32 v3, v52;
	_ =	sdelay $0x1  }
0x78: {  	[tilespmem:v2+s24+$0x0] =	vst.idx.msk $0xffff, v3  }
0x79: {  	v2 =	vld [tilespmem:$0x150];
	_ =	sdelay $0x4  }
0x7a: {  	(xrf1) =	vunique.msk.u32 $0xffff, v2;
	_ =	sdelay $0xd  }
0x7b: {  	_, v3, vm5 =	vpop (xrf1)  }
0x7c: {  	v2 =	vsel vm5, v2, v1;
	_ =	sdelay $0x4  }
0x7d: {  	v53 =	vld.idx.msk [tilespmem:v2+s24+$0x0], $0xffff;
	_ =	sdelay $0x2  }
0x7e: {  	v3 =	vcvt.s32.f32 v3;
	_ =	sdelay $0x1  }
0x7f: {  	v3 =	vadd.f32 v3, v53;
	_ =	sdelay $0x1  }
0x80: {  	[tilespmem:v2+s24+$0x0] =	vst.idx.msk $0xffff, v3  }
0x81: {  	v2 =	vld [tilespmem:$0x160];
	_ =	sdelay $0x4  }
0x82: {  	(xrf1) =	vunique.msk.u32 $0xffff, v2;
	_ =	sdelay $0xd  }
0x83: {  	_, v3, vm6 =	vpop (xrf1)  }
0x84: {  	v2 =	vsel vm6, v2, v1;
	_ =	sdelay $0x4  }
0x85: {  	v54 =	vld.idx.msk [tilespmem:v2+s24+$0x0], $0xffff;
	_ =	sdelay $0x2  }
0x86: {  	v3 =	vcvt.s32.f32 v3;
	_ =	sdelay $0x1  }
0x87: {  	v3 =	vadd.f32 v3, v54;
	_ =	sdelay $0x1  }
0x88: {  	[tilespmem:v2+s24+$0x0] =	vst.idx.msk $0xffff, v3  }
0x89: {  	v2 =	vld [tilespmem:$0x170];
	_ =	sdelay $0x4  }
0x8a: {  	(xrf1) =	vunique.msk.u32 $0xffff, v2;
	_ =	sdelay $0xd  }
0x8b: {  	_, v3, vm7 =	vpop (xrf1)  }
0x8c: {  	v2 =	vsel vm7, v2, v1;
	_ =	sdelay $0x4  }
0x8d: {  	v55 =	vld.idx.msk [tilespmem:v2+s24+$0x0], $0xffff;
	_ =	sdelay $0x2  }
0x8e: {  	v3 =	vcvt.s32.f32 v3;
	_ =	sdelay $0x1  }
0x8f: {  	v3 =	vadd.f32 v3, v55;
	_ =	sdelay $0x1  }
0x90: {  	s11 =	simm.s32 @!p0 $0x3;
	[tilespmem:v2+s24+$0x0] =	vst.idx.msk $0xffff, v3  }
0x91: {  	_ =	swait.ge @!p0 [sflag:s11], $0x4000  }
0x92: {  	[sflag:s11] =	ssyncset.done @!p0 $0x0  }
0x93: {  	s10 =	sadd.s32 @!p0 s6, s10;
	[sflag:s11] =	ssyncadd.s32 @!p0 $0xFFFFC000;
	s11 =	simm.s32 @!p0 $0x100  }
0x94: {  	[tilespmem:s11], [sflag:$0x7] =	stream.linear.gather @!p0 [hbm4b:s10+s8], $0x80, $0x38;
	[tilespmem:$0x1E600] =	vst v63  }
0x95: {  	s10 =	simm.s32 @!p0 $0x5  }
0x96: {  	_ =	swait.ge @!p0 [sflag:s10], $0x80  }
0x97: {  	[sflag:s10] =	ssyncset.done @!p0 $0x0  }
0x98: {  	s11 =	simm.s32 @!p0 $0x200;
	[sflag:s10] =	ssyncadd.s32 @!p0 $0xFFFFFF80;
	s10 =	simm.s32 @!p0 $0x80  }
0x99: {  	[tilespmem:s11], [sflag:$0x1] =	stream.indirect.gather @!p0 [hbm4b:s4+s10], $0x80, s8, s10, $0xb8;
	[tilespmem:$0x1E600] =	vst v63  }
0x9a: {  	s11 =	sand.u32 @!p0 $0x7C00, s1  }
0x9b: {  	s12 =	sand.u32 @!p0 $0x380, s1;
	s11 =	sadd.s32 @!p0 s7, s11  }
0x9c: {  	_ =	swait.ge [sflag:s25], $0x4000;
	s11 =	sor.u32 @!p0 s12, s11  }
0x9d: {  	p1 =	por @!p0 $0x1, $0x1;
	[sflag:s25] =	ssyncset.done $0x0;
	s11 =	sshrl.u32 @!p0 s11, $0x3  }
0x9e: {  	p1 =	por @p2 $0x0, $0x0;
	[sflag:s25] =	ssyncadd.s32 $0xFFFFC000;
	s11 =	sadd.s32 @!p0 s5, s11  }
0x9f: {  	[tilespmem:s10], [sflag:$0x6] =	stream.linear.gather @!p0 [hbm4b:s11+s8], $0x80, $0x38;
	[tilespmem:$0x1E600] =	vst v63  }
0xa0: {  	s8 =	simm.s32 @!p1 $0x8  }
0xa1: {  	_ =	swait.ge @!p1 [sflag:s8], $0x80  }
0xa2: {  	[sflag:s8] =	ssyncset.done @!p1 $0x0  }
0xa3: {  	[sflag:s8] =	ssyncadd.s32 @!p1 $0xFFFFFF80  }
0xa4: {  	[spmem:s2] =	stream.indirect.scatter.add.f32 [tilespmem:s22], [sflag:$0x4], $0x80, s26, s20, $0xb8;
	[tilespmem:$0x1E600] =	vst v63  }
0xa5: {  	v2 =	vld [tilespmem:$0x180];
	_ =	sdelay $0x4  }
0xa6: {  	(xrf1) =	vunique.msk.u32 $0xffff, v2;
	_ =	sdelay $0xd  }
0xa7: {  	_, v3, vm8 =	vpop (xrf1)  }
0xa8: {  	v2 =	vsel vm8, v2, v1;
	_ =	sdelay $0x4  }
0xa9: {  	v56 =	vld.idx.msk [tilespmem:v2+s24+$0x0], $0xffff;
	_ =	sdelay $0x2  }
0xaa: {  	v3 =	vcvt.s32.f32 v3;
	_ =	sdelay $0x1  }
0xab: {  	v3 =	vadd.f32 v3, v56;
	_ =	sdelay $0x1  }
0xac: {  	[tilespmem:v2+s24+$0x0] =	vst.idx.msk $0xffff, v3  }
0xad: {  	v2 =	vld [tilespmem:$0x190];
	_ =	sdelay $0x4  }
0xae: {  	(xrf1) =	vunique.msk.u32 $0xffff, v2;
	_ =	sdelay $0xd  }
0xaf: {  	_, v3, vm9 =	vpop (xrf1)  }
0xb0: {  	v2 =	vsel vm9, v2, v1;
	_ =	sdelay $0x4  }
0xb1: {  	v57 =	vld.idx.msk [tilespmem:v2+s24+$0x0], $0xffff;
	_ =	sdelay $0x2  }
0xb2: {  	v3 =	vcvt.s32.f32 v3;
	_ =	sdelay $0x1  }
0xb3: {  	v3 =	vadd.f32 v3, v57;
	_ =	sdelay $0x1  }
0xb4: {  	[tilespmem:v2+s24+$0x0] =	vst.idx.msk $0xffff, v3  }
0xb5: {  	v2 =	vld [tilespmem:$0x1A0];
	_ =	sdelay $0x4  }
0xb6: {  	(xrf1) =	vunique.msk.u32 $0xffff, v2;
	_ =	sdelay $0xd  }
0xb7: {  	_, v3, vm10 =	vpop (xrf1)  }
0xb8: {  	v2 =	vsel vm10, v2, v1;
	_ =	sdelay $0x4  }
0xb9: {  	v58 =	vld.idx.msk [tilespmem:v2+s24+$0x0], $0xffff;
	_ =	sdelay $0x2  }
0xba: {  	v3 =	vcvt.s32.f32 v3;
	_ =	sdelay $0x1  }
0xbb: {  	v3 =	vadd.f32 v3, v58;
	_ =	sdelay $0x1  }
0xbc: {  	[tilespmem:v2+s24+$0x0] =	vst.idx.msk $0xffff, v3  }
0xbd: {  	v2 =	vld [tilespmem:$0x1B0];
	_ =	sdelay $0x4  }
0xbe: {  	(xrf1) =	vunique.msk.u32 $0xffff, v2;
	_ =	sdelay $0xd  }
0xbf: {  	_, v3, vm11 =	vpop (xrf1)  }
0xc0: {  	v2 =	vsel vm11, v2, v1;
	_ =	sdelay $0x4  }
0xc1: {  	v59 =	vld.idx.msk [tilespmem:v2+s24+$0x0], $0xffff;
	_ =	sdelay $0x2  }
0xc2: {  	v3 =	vcvt.s32.f32 v3;
	_ =	sdelay $0x1  }
0xc3: {  	v3 =	vadd.f32 v3, v59;
	_ =	sdelay $0x1  }
0xc4: {  	[tilespmem:v2+s24+$0x0] =	vst.idx.msk $0xffff, v3  }
0xc5: {  	v2 =	vld [tilespmem:$0x1C0];
	_ =	sdelay $0x4  }
0xc6: {  	(xrf1) =	vunique.msk.u32 $0xffff, v2;
	_ =	sdelay $0xd  }
0xc7: {  	_, v3, vm12 =	vpop (xrf1)  }
0xc8: {  	v2 =	vsel vm12, v2, v1;
	_ =	sdelay $0x4  }
0xc9: {  	v60 =	vld.idx.msk [tilespmem:v2+s24+$0x0], $0xffff;
	_ =	sdelay $0x2  }
0xca: {  	v3 =	vcvt.s32.f32 v3;
	_ =	sdelay $0x1  }
0xcb: {  	v3 =	vadd.f32 v3, v60;
	_ =	sdelay $0x1  }
0xcc: {  	[tilespmem:v2+s24+$0x0] =	vst.idx.msk $0xffff, v3  }
0xcd: {  	v2 =	vld [tilespmem:$0x1D0];
	_ =	sdelay $0x4  }
0xce: {  	(xrf1) =	vunique.msk.u32 $0xffff, v2;
	_ =	sdelay $0xd  }
0xcf: {  	_, v3, vm13 =	vpop (xrf1)  }
0xd0: {  	v2 =	vsel vm13, v2, v1;
	_ =	sdelay $0x4  }
0xd1: {  	v61 =	vld.idx.msk [tilespmem:v2+s24+$0x0], $0xffff;
	_ =	sdelay $0x2  }
0xd2: {  	v3 =	vcvt.s32.f32 v3;
	_ =	sdelay $0x1  }
0xd3: {  	v3 =	vadd.f32 v3, v61;
	_ =	sdelay $0x1  }
0xd4: {  	[tilespmem:v2+s24+$0x0] =	vst.idx.msk $0xffff, v3  }
0xd5: {  	v2 =	vld [tilespmem:$0x1E0];
	_ =	sdelay $0x4  }
0xd6: {  	(xrf1) =	vunique.msk.u32 $0xffff, v2;
	_ =	sdelay $0xd  }
0xd7: {  	_, v3, vm14 =	vpop (xrf1)  }
0xd8: {  	v2 =	vsel vm14, v2, v1;
	_ =	sdelay $0x4  }
0xd9: {  	v62 =	vld.idx.msk [tilespmem:v2+s24+$0x0], $0xffff;
	_ =	sdelay $0x2  }
0xda: {  	v3 =	vcvt.s32.f32 v3;
	_ =	sdelay $0x1  }
0xdb: {  	v3 =	vadd.f32 v3, v62;
	_ =	sdelay $0x1  }
0xdc: {  	[tilespmem:v2+s24+$0x0] =	vst.idx.msk $0xffff, v3  }
0xdd: {  	v2 =	vld [tilespmem:$0x1F0];
	_ =	sdelay $0x4  }
0xde: {  	(xrf1) =	vunique.msk.u32 $0xffff, v2;
	_ =	sdelay $0xd  }
0xdf: {  	_, v3, vm15 =	vpop (xrf1)  }
0xe0: {  	v2 =	vsel vm15, v2, v1;
	_ =	sdelay $0x4  }
0xe1: {  	v63 =	vld.idx.msk [tilespmem:v2+s24+$0x0], $0xffff;
	_ =	sdelay $0x2  }
.Ltmp3:
0xe2: {  	v3 =	vcvt.s32.f32 v3;
	(pc) =	sbr.rel @p0 .LBB2_6-.Ltmp3, $3  }
0xe3: {  	_ = 	snop  }
0xe4: {  	v3 =	vadd.f32 v3, v63;
	_ =	sdelay $0x1  }
0xe5: {  	[tilespmem:v2+s24+$0x0] =	vst.idx.msk $0xffff, v3  }
0xe6: {  	s8 =	sand.u32 $0x7C00, s1  }
0xe7: {  	s10 =	sand.u32 $0x380, s1;
	s8 =	sadd.s32 s7, s8  }
0xe8: {  	_ =	swait.ge [sflag:s29], $0x4000;
	s8 =	sor.u32 s10, s8  }
0xe9: {  	[sflag:s29] =	ssyncset.done $0x0;
	s8 =	sshrl.u32 s8, $0x3  }
0xea: {  	[sflag:s29] =	ssyncadd.s32 $0xFFFFC000;
	s8 =	sadd.s32 s6, s8  }
0xeb: {  	[tilespmem:s26], [sflag:$0x8] =	stream.linear.gather [hbm4b:s8+s3], $0x80, $0x38;
	[tilespmem:$0x1E600] =	vst v63  }
.Ltmp4:
0xec: {  	_ = 	snop;
	(pc) =	sbr.rel .LBB2_4-.Ltmp4, $4  }
0xed: {  	_ =	swait.ge [sflag:s30], $0x80  }
0xee: {  	[sflag:s30] =	ssyncset.done $0x0  }
0xef: {  	s1 =	sadd.s32 $0x100, s1;
	[sflag:s30] =	ssyncadd.s32 $0xFFFFFF80  }
0xf0: {  	[tilespmem:s22], [sflag:$0x2] =	stream.indirect.gather [hbm4b:s4+s20], $0x80, s20, s20, $0xb8;
	[tilespmem:$0x1E600] =	vst v63  }
.LBB2_7:
0xf1: {  	_ =	sfence.sel $0x180000  }
0xf2: {  	[bflag:$0x0] =	sbarrier.arrive $0xFFFF  }
0xf3: {  	_ =	strace $0x9000004D  }
0xf4: {  	s0 =	stileid.u32;
	[bflag:$0x2] =	sbarrier.arrive $0xFFFF  }
0xf5: {  	p0 =	sne.s32 s0, $0x0;
	s0 =	rddreg [dreg:$0x2]  }
0xf6: {  	s0 =	sadd.s32 @!p0 $0x100000, s0  }
0xf7: {  	[sflag:s0] =	ssyncadd.tile.s32 @!p0 $0x1;
	_ =	shalt  }
.Lfunc_end2:
_tile_overlayer_lowered:
.L_overlay_start_2:
0xf8: {  	(tag) =	ssettag $0x2  }
0xf9: {  	s0 =	rddreg [dreg:$0x0];
	s2 =	stileid.u32  }
0xfa: {  	s1 =	rddreg [dreg:$0x1];
	p0 =	sne.s32 s2, $0x0  }
0xfb: {  	s3 =	rddreg [dreg:$0x2];
	[bflag:$0x3] =	sbarrier.arrive $0xFFFF;
	s2 =	simm.s32 @!p0 $0x1C09  }
0xfc: {  	[timem:s3], [sflag:s2] =	dma.local @!p0 [hbm:s0], s1  }
0xfd: {  	s0 =	simm.s32 @!p0 $0x9  }
0xfe: {  	_ =	swait.ge @!p0 [sflag:s0], s1  }
0xff: {  	s1 =	ssub.s32 @!p0 $0x0, s1;
	[sflag:s0] =	ssyncset.done @!p0 $0x0  }
0x100: {  	[sflag:s0] =	ssyncadd.s32 @!p0 s1  }
0x101: {  	[bflag:$0x3] =	sbarrier.arrive $0xFFFF  }
0x102: {  	_ =	shalt  }

// kernel: kernel.20.cloned.1.call-start
scs
__scs_entry_jumppad:
0x0: {  	(pc) =	sbr.rel $0x88, $3  }
0x1: {  	(tag) =	ssettag $0x0;
	lr =	simm.s32 $0x1  }
0x2: {  	[smem:$0x3F8D] =	sst lr;
	_ =	strace $0xD0000000  }
0x3: {  	_ = 	snop  }
0x4: {  	_ = 	snop  }
0x5: {  	_ = 	snop  }
0x6: {  	_ = 	snop  }
0x7: {  	_ = 	snop  }
__scs_overlays_trampoline_lowered:
0x8: {  	[smem:$0x3F9C] =	sst s0  }
0x9: {  	[smem:$0x3F9D] =	sst s1  }
0xa: {  	[smem:$0x3F9E] =	sst s2  }
0xb: {  	[smem:$0x3F9F] =	sst s3  }
0xc: {  	[smem:$0x3FA0] =	sst s4  }
0xd: {  	[smem:$0x3FA1] =	sst s5  }
0xe: {  	[smem:$0x3FA2] =	sst s6  }
0xf: {  	[smem:$0x3FA3] =	sst s7  }
0x10: {  	[smem:$0x3FA4] =	sst s8  }
0x11: {  	[smem:$0x3FA5] =	sst s9;
	s0 =	simm.s32 @!p0 $0x0  }
0x12: {  	s1 =	sld [smem:$0x3F8B];
	s0 =	simm.s32 @p0 $0x1  }
0x13: {  	[smem:$0x3FA6] =	sst s0;
	s0 =	simm.s32 @!p1 $0x0  }
0x14: {  	s2 =	sld [smem:$0x3F8A];
	s0 =	simm.s32 @p1 $0x1  }
0x15: {  	[smem:$0x3FA7] =	sst s0;
	s0 =	simm.s32 @!p2 $0x0  }
0x16: {  	s3 =	sld [smem:$0x3FDB];
	s0 =	simm.s32 @p2 $0x1  }
0x17: {  	s4 =	simm.s32 $0x1BF5;
	[smem:$0x3FA9] =	sst s0  }
0x18: {  	s0 =	sld [smem:$0x3F8C];
	_ =	swait.ge [sflag:s4], $0x0  }
0x19: {  	s7 =	sld [smem:$0x3F8D]  }
0x1a: {  	s8 =	sadd.s32 $0xFFFFE003, lr  }
0x1b: {  	s9 =	sadd.s32 $0xFFFFFEF7, lr;
	s5 =	simm.s32 $0xFFFFFFFF;
	p2 =	slt.u32 s8, $0xFFFFF086  }
0x1c: {  	p1 =	slt.u32 s9, $0xF7A;
	s5 =	simm.s32 @!p2 $0x0  }
0x1d: {  	s5 =	simm.s32 @p1 $0x1;
	p0 =	seq.s32 s7, s2  }
0x1e: {  	s7 =	smul.u32 @!p0 $0xF7A, s2;
	p2 =	seq.s32 @!p0 s5, $0x0  }
0x1f: {  	s9 =	smul.u32 $0xF7A, s1;
	s8 =	simm.s32 @!p0 $0x1BF5;
	p2 =	por !p2, p0  }
0x20: {  	[sflag:s8] =	ssyncset.s32 @!p0 $0xFFFFF086;
	s6 =	sadd.s32 @!p0 s3, s7;
	s7 =	simm.s32 @!p0 $0x108  }
0x21: {  	s3 =	sadd.s32 s3, s9;
	s6 =	sadd.s32 @!p0 $0x88, s6;
	s7 =	simm.s32 @p2 $0x1082  }
0x22: {  	[simem:s7], [sflag:s8] =	dma.local @!p0 [hbm:s6], $0xF7A  }
0x23: {  	s9 =	sor.u32 $0xD0000000, s2;
	s6 =	simm.s32 $0x108;
	_ =	swait.ge @!p0 [sflag:s8], $0x0  }
0x24: {  	s3 =	sadd.s32 $0x88, s3;
	s6 =	simm.s32 @!p1 $0x1082;
	[sflag:s4] =	ssyncset.s32 $0xFFFFF086  }
0x25: {  	[simem:s6], [sflag:s4] =	dma.local [hbm:s3], $0xF7A  }
0x26: {  	[smem:$0x3F8D] =	sst s1;
	(tag) =	ssettag s2;
	_ =	strace s9  }
0x27: {  	s1 =	sld [smem:$0x3F9D]  }
0x28: {  	s2 =	sld [smem:$0x3F9E]  }
0x29: {  	s4 =	sld [smem:$0x3FA0]  }
0x2a: {  	p0 =	seq.s32 s5, $0x0;
	s5 =	sld [smem:$0x3FA1]  }
0x2b: {  	s6 =	sld [smem:$0x3FA2]  }
0x2c: {  	s7 =	sld [smem:$0x3FA3]  }
0x2d: {  	s3 =	simm.s32 $0x108;
	s8 =	sld [smem:$0x3FA4]  }
0x2e: {  	s3 =	simm.s32 @!p0 $0x1082;
	s9 =	sld [smem:$0x3FA5]  }
0x2f: {  	lr =	sadd.s32 s0, s3;
	s0 =	sld [smem:$0x3F9C]  }
0x30: {  	s3 =	sld [smem:$0x3F9F]  }
0x31: {  	[smem:$0x3FA8] =	sst s10  }
0x32: {  	s10 =	sld [smem:$0x3FA6];
	_ =	sdelay $0x3  }
0x33: {  	p0 =	seq.s32 s10, $0x1;
	s10 =	sld [smem:$0x3FA8];
	_ =	sdelay $0x3  }
0x34: {  	[smem:$0x3FA8] =	sst s10  }
0x35: {  	s10 =	sld [smem:$0x3FA7];
	_ =	sdelay $0x3  }
0x36: {  	p1 =	seq.s32 s10, $0x1;
	s10 =	sld [smem:$0x3FA8];
	_ =	sdelay $0x3  }
0x37: {  	[smem:$0x3FA8] =	sst s10  }
0x38: {  	s10 =	sld [smem:$0x3FA9]  }
0x39: {  	_ = 	snop;
	(pc) =	sbr.ind lr, $3  }
0x3a: {  	_ = 	snop  }
0x3b: {  	_ = 	snop  }
0x3c: {  	p2 =	seq.s32 s10, $0x1;
	s10 =	sld [smem:$0x3FA8]  }
0x3d: {  	_ =	shalt  }
0x3e: {  	_ =	shalt  }
0x3f: {  	_ =	shalt  }
0x40: {  	_ =	shalt  }
0x41: {  	_ =	shalt  }
0x42: {  	_ =	shalt  }
0x43: {  	_ =	shalt  }
0x44: {  	_ =	shalt  }
0x45: {  	_ =	shalt  }
0x46: {  	_ =	shalt  }
0x47: {  	_ =	shalt  }
0x48: {  	_ =	shalt  }
0x49: {  	_ =	shalt  }
0x4a: {  	_ =	shalt  }
0x4b: {  	_ =	shalt  }
0x4c: {  	_ =	shalt  }
0x4d: {  	_ =	shalt  }
0x4e: {  	_ =	shalt  }
0x4f: {  	_ =	shalt  }
0x50: {  	_ =	shalt  }
0x51: {  	_ =	shalt  }
0x52: {  	_ =	shalt  }
0x53: {  	_ =	shalt  }
0x54: {  	_ =	shalt  }
0x55: {  	_ =	shalt  }
0x56: {  	_ =	shalt  }
0x57: {  	_ =	shalt  }
0x58: {  	_ =	shalt  }
0x59: {  	_ =	shalt  }
0x5a: {  	_ =	shalt  }
0x5b: {  	_ =	shalt  }
0x5c: {  	_ =	shalt  }
0x5d: {  	_ =	shalt  }
0x5e: {  	_ =	shalt  }
0x5f: {  	_ =	shalt  }
0x60: {  	_ =	shalt  }
0x61: {  	_ =	shalt  }
0x62: {  	_ =	shalt  }
0x63: {  	_ =	shalt  }
0x64: {  	_ =	shalt  }
0x65: {  	_ =	shalt  }
0x66: {  	_ =	shalt  }
0x67: {  	_ =	shalt  }
0x68: {  	_ =	shalt  }
0x69: {  	_ =	shalt  }
0x6a: {  	_ =	shalt  }
0x6b: {  	_ =	shalt  }
0x6c: {  	_ =	shalt  }
0x6d: {  	_ =	shalt  }
0x6e: {  	_ =	shalt  }
0x6f: {  	_ =	shalt  }
0x70: {  	_ =	shalt  }
0x71: {  	_ =	shalt  }
0x72: {  	_ =	shalt  }
0x73: {  	_ =	shalt  }
0x74: {  	_ =	shalt  }
0x75: {  	_ =	shalt  }
0x76: {  	_ =	shalt  }
0x77: {  	_ =	shalt  }
0x78: {  	_ =	shalt  }
0x79: {  	_ =	shalt  }
0x7a: {  	_ =	shalt  }
0x7b: {  	_ =	shalt  }
0x7c: {  	_ =	shalt  }
0x7d: {  	_ =	shalt  }
0x7e: {  	_ =	shalt  }
0x7f: {  	_ =	shalt  }
0x80: {  	_ =	shalt  }
0x81: {  	_ =	shalt  }
0x82: {  	_ =	shalt  }
0x83: {  	_ =	shalt  }
0x84: {  	_ =	shalt  }
0x85: {  	_ =	shalt  }
0x86: {  	_ =	shalt  }
0x87: {  	_ =	shalt  }
.Lfunc_end0:
.L_simem_size_0:
called_computation.3_lowered:
.L_overlay_start_0:
0x88: {  	s2 =	sld [smem:$0x3FD9]  }
0x89: {  	s3 =	sld [smem:$0x3FFE];
	_ =	sdelay $0x1  }
0x8a: {  	s1 =	srdreg.scid  }
0x8b: {  	s0 =	sand.u32 $0x1, s1  }
0x8c: {  	s16 =	sshll.u32 s0, $0xA;
	s2 =	sadd.s32 s3, s2  }
0x8d: {  	s2 =	sadd.s32 s2, s16  }
0x8e: {  	[smem:$0x3FB4] =	sst s2  }
0x8f: {  	_ = 	snop  }
0x90: {  	(tm) =	ssettm $0x1  }
0x91: {  	s17 =	sld [smem:$0x3FFB];
	_ =	sdelay $0x3  }
0x92: {  	_ =	strace s17  }
0x93: {  	s2 =	sld [smem:$0x3FFC];
	_ =	sdelay $0x3  }
0x94: {  	_ =	strace s2  }
0x95: {  	s2 =	sld [smem:$0x3FFD];
	_ =	sdelay $0x3  }
0x96: {  	_ =	strace s2  }
0x97: {  	_ =	strace $0x8FFFFFFF  }
0x98: {  	s18 =	sld [smem:$0x3FDB];
	_ =	sdelay $0x1  }
0x99: {  	s19 =	simm.s32 $_scs_section_size  }
0x9a: {  	s4 =	simm.s32 $_size__tile_overlayer_lowered;
	s5 =	simm.s32 $_tile_overlayer_lowered  }
0x9b: {  	s22 =	simm.s32 $0x1BFF;
	s21 =	sshll.u32 s5, $0x1;
	s2 =	sadd.s32 s19, s18  }
0x9c: {  	s6 =	simm.s32 $0x0;
	s20 =	sshll.u32 s4, $0x1;
	s4 =	sadd.s32 s21, s2  }
0x9d: {  	[timem:s6], [sflag:s22] =	dma.local [hbm:s4], s20  }
0x9e: {  	_ =	swait.ge [sflag:s22], s20  }
0x9f: {  	s3 =	ssub.s32 $0x0, s20;
	[sflag:s22] =	ssyncset.done $0x0  }
0xa0: {  	[sflag:s22] =	ssyncadd.s32 s3;
	_ =	sdelay $0x1  }
0xa1: {  	s23 =	simm.s32 $0x1B8B  }
0xa2: {  	_ =	swait.ge [sflag:s23], $0x1  }
0xa3: {  	[sflag:s23] =	ssyncset.done $0x0  }
0xa4: {  	s25 =	simm.s32 $0x1B8E;
	s24 =	sld [smem:$0x3FFE];
	[sflag:s23] =	ssyncadd.s32 $0xFFFFFFFF  }
0xa5: {  	s26 =	simm.s32 $execute0_lowered;
	[smem:$0x3FD2] =	sst s25  }
0xa6: {  	s4 =	sshll.u32 s26, $0x1;
	_ =	strace $0x8000004F;
	[dreg:$0x1] =	wrdreg $0xFFFFFFFF  }
0xa7: {  	s28 =	simm.s32 $_size_execute0_lowered;
	s2 =	sadd.s32 s2, s4;
	[dreg:$0x0] =	wrdreg $0x0  }
0xa8: {  	s4 =	sshll.u32 s28, $0x1;
	[dreg:$0x2] =	wrdreg s2  }
0xa9: {  	[dreg:$0x3] =	wrdreg s4  }
0xaa: {  	[dreg:$0x4] =	wrdreg $0xC0  }
0xab: {  	_ =	task [dreg:s6], $0x5FFFF  }
0xac: {  	[dreg:$0x1] =	wrdreg $0xFFFFFFFF  }
0xad: {  	[dreg:$0x0] =	wrdreg $0x60  }
0xae: {  	[dreg:$0x2] =	wrdreg s24  }
0xaf: {  	[dreg:$0x3] =	wrdreg $0x9  }
0xb0: {  	_ =	task.clear_ibuf [dreg:s6], $0x4FFFF;
	_ =	strace $0x9000004F  }
0xb1: {  	s29 =	simm.s32 $0x9;
	_ =	strace $0x80000051  }
0xb2: {  	_ =	swait.ge [sflag:s29], $0x1  }
0xb3: {  	[sflag:s29] =	ssyncadd.s32 $0xFFFFFFFF  }
0xb4: {  	_ =	strace $0x90000051  }
0xb5: {  	_ =	sfence  }
0xb6: {  	s30 =	sld [smem:$0x0];
	_ =	sdelay $0x2  }
0xb7: {  	s31 =	sshll.u32 s1, $0xD;
	s1 =	sshrl.u32 s1, $0x2  }
0xb8: {  	s3 =	sand.u32 $0x4000, s31;
	s1 =	sadd.s32 s1, s30  }
0xb9: {  	s0 =	sor.u32 s3, s0;
	s1 =	sshll.u32 s1, $0x11  }
0xba: {  	s0 =	sor.u32 s1, s0  }
0xbb: {  	s0 =	sadd.s32 $0x8F2B, s0  }
0xbc: {  	[sflag:s0] =	ssyncadd.remote.s32 $0x1  }
0xbd: {  	_ =	sfence.sel $0xFFFF  }
0xbe: {  	[dreg:$0x0] =	wrdreg $0xFFFFFFFF;
	(pc) =	sbr.abs _section_cstart, $3  }
0xbf: {  	[dreg:$0x1] =	wrdreg $0xFFFFFFFF  }
0xc0: {  	_ =	task.clear_ibuf [dreg:s6], $0x2FFFF;
	_ =	strace $0x9FFFFFFF  }
0xc1: {  	(tm) =	ssettm $0x7FFFFFFF  }
tec
execute0_lowered:
.L_overlay_start_1:
0x0: {  	(tag) =	ssettag $0x1  }
0x1: {  	s1 =	srdreg.scid  }
0x2: {  	s0 =	stileid.u32;
	s22 =	sand.u32 $0x1, s1  }
0x3: {  	s16 =	rddreg [dreg:$0x0];
	s4 =	sshll.u32 s0, $0x9;
	s3 =	sshll.u32 s22, $0xD  }
0x4: {  	s2 =	simm.s32 $0x0;
	s1 =	rddreg [dreg:$0x1];
	s13 =	sor.u32 s4, s3  }
0x5: {  	[smem:$0x7FF] =	sst s2;
	s14 =	sadd.s32 $0xBF800, s16;
	s15 =	sshrl.u32 s13, $0x3  }
0x6: {  	_ =	strace $0x80000050;
	s3 =	simm.s32 $0x2;
	s4 =	sadd.s32 s14, s15  }
0x7: {  	[tilespmem:s2], [sflag:$0x2] =	stream.linear.gather [hbm4b:s4+s2], $0x80, $0x38;
	[tilespmem:$0x4080] =	vst v63  }
0x8: {  	_ =	swait.ge [sflag:s3], $0x80  }
0x9: {  	s6 =	simm.s32 $0x80;
	[sflag:s3] =	ssyncset.done $0x0  }
0xa: {  	s7 =	simm.s32 $0x1;
	s5 =	sadd.s32 $0x4000, s16;
	[sflag:s3] =	ssyncadd.s32 $0xFFFFFF80  }
0xb: {  	[tilespmem:s6], [sflag:$0x1] =	stream.indirect.gather [hbm4b:s5+s6], $0x80, s2, s6, $0xb8;
	[tilespmem:$0x4080] =	vst v63  }
0xc: {  	_ =	swait.ge [sflag:s7], $0x4000  }
0xd: {  	s24 =	sadd.s32 $0x2B200, s16;
	s17 =	sshll.u32 s13, $0x4;
	[sflag:s7] =	ssyncset.done $0x0  }
0xe: {  	s8 =	sadd.s32 s24, s17;
	[sflag:s7] =	ssyncadd.s32 $0xFFFFC000  }
0xf: {  	[hbm4b:s8+s2] =	stream.linear.scatter [tilespmem:s6], [sflag:$0x2], $0x4000, $0x38;
	[tilespmem:$0x4080] =	vst v63  }
0x10: {  	s10 =	sor.u32 $0x80, s13;
	_ =	swait.ge [sflag:s3], $0x4000  }
0x11: {  	s18 =	sshrl.u32 s10, $0x3;
	[sflag:s3] =	ssyncset.done $0x0  }
0x12: {  	s9 =	sadd.s32 s14, s18;
	[sflag:s3] =	ssyncadd.s32 $0xFFFFC000  }
0x13: {  	[tilespmem:s2], [sflag:$0x2] =	stream.linear.gather [hbm4b:s9+s2], $0x80, $0x38;
	[tilespmem:$0x4080] =	vst v63  }
0x14: {  	_ =	swait.ge [sflag:s3], $0x80  }
0x15: {  	[sflag:s3] =	ssyncset.done $0x0  }
0x16: {  	[sflag:s3] =	ssyncadd.s32 $0xFFFFFF80  }
0x17: {  	[tilespmem:s6], [sflag:$0x1] =	stream.indirect.gather [hbm4b:s5+s6], $0x80, s2, s6, $0xb8;
	[tilespmem:$0x4080] =	vst v63  }
0x18: {  	_ =	swait.ge [sflag:s7], $0x4000  }
0x19: {  	s19 =	sshll.u32 s10, $0x4;
	[sflag:s7] =	ssyncset.done $0x0  }
0x1a: {  	s10 =	sadd.s32 s24, s19;
	[sflag:s7] =	ssyncadd.s32 $0xFFFFC000  }
0x1b: {  	[hbm4b:s10+s2] =	stream.linear.scatter [tilespmem:s6], [sflag:$0x2], $0x4000, $0x38;
	[tilespmem:$0x4080] =	vst v63  }
0x1c: {  	s12 =	sor.u32 $0x100, s13;
	_ =	swait.ge [sflag:s3], $0x4000  }
0x1d: {  	s20 =	sshrl.u32 s12, $0x3;
	[sflag:s3] =	ssyncset.done $0x0  }
0x1e: {  	s11 =	sadd.s32 s14, s20;
	[sflag:s3] =	ssyncadd.s32 $0xFFFFC000  }
0x1f: {  	[tilespmem:s2], [sflag:$0x2] =	stream.linear.gather [hbm4b:s11+s2], $0x80, $0x38;
	[tilespmem:$0x4080] =	vst v63  }
0x20: {  	_ =	swait.ge [sflag:s3], $0x80  }
0x21: {  	[sflag:s3] =	ssyncset.done $0x0  }
0x22: {  	[sflag:s3] =	ssyncadd.s32 $0xFFFFFF80  }
0x23: {  	[tilespmem:s6], [sflag:$0x1] =	stream.indirect.gather [hbm4b:s5+s6], $0x80, s2, s6, $0xb8;
	[tilespmem:$0x4080] =	vst v63  }
0x24: {  	_ =	swait.ge [sflag:s7], $0x4000  }
0x25: {  	s21 =	sshll.u32 s12, $0x4;
	[sflag:s7] =	ssyncset.done $0x0  }
0x26: {  	s12 =	sadd.s32 s24, s21;
	[sflag:s7] =	ssyncadd.s32 $0xFFFFC000  }
0x27: {  	[hbm4b:s12+s2] =	stream.linear.scatter [tilespmem:s6], [sflag:$0x2], $0x4000, $0x38;
	[tilespmem:$0x4080] =	vst v63  }
0x28: {  	s23 =	sor.u32 $0x180, s13;
	_ =	swait.ge [sflag:s3], $0x4000  }
0x29: {  	s25 =	sshrl.u32 s23, $0x3;
	[sflag:s3] =	ssyncset.done $0x0  }
0x2a: {  	s13 =	sadd.s32 s14, s25;
	[sflag:s3] =	ssyncadd.s32 $0xFFFFC000  }
0x2b: {  	[tilespmem:s2], [sflag:$0x2] =	stream.linear.gather [hbm4b:s13+s2], $0x80, $0x38;
	[tilespmem:$0x4080] =	vst v63  }
0x2c: {  	_ =	swait.ge [sflag:s3], $0x80  }
0x2d: {  	[sflag:s3] =	ssyncset.done $0x0  }
0x2e: {  	[sflag:s3] =	ssyncadd.s32 $0xFFFFFF80  }
0x2f: {  	[tilespmem:s6], [sflag:$0x1] =	stream.indirect.gather [hbm4b:s5+s6], $0x80, s2, s6, $0xb8;
	[tilespmem:$0x4080] =	vst v63  }
0x30: {  	_ =	swait.ge [sflag:s7], $0x4000  }
0x31: {  	s23 =	sshll.u32 s23, $0x4;
	[sflag:s7] =	ssyncset.done $0x0  }
0x32: {  	s14 =	sadd.s32 s24, s23;
	[sflag:s7] =	ssyncadd.s32 $0xFFFFC000  }
0x33: {  	[hbm4b:s14+s2] =	stream.linear.scatter [tilespmem:s6], [sflag:$0x2], $0x4000, $0x38;
	[tilespmem:$0x4080] =	vst v63  }
0x34: {  	_ =	swait.ge [sflag:s3], $0x4000  }
0x35: {  	s29 =	sadd.s32 $0xC0000, s16;
	[sflag:s3] =	ssyncset.done $0x0  }
0x36: {  	s15 =	sadd.s32 s15, s29;
	[sflag:s3] =	ssyncadd.s32 $0xFFFFC000  }
0x37: {  	[tilespmem:s2], [sflag:$0x2] =	stream.linear.gather [hbm4b:s15+s2], $0x80, $0x38;
	[tilespmem:$0x4080] =	vst v63  }
0x38: {  	_ =	swait.ge [sflag:s3], $0x80  }
0x39: {  	[sflag:s3] =	ssyncset.done $0x0  }
0x3a: {  	[sflag:s3] =	ssyncadd.s32 $0xFFFFFF80  }
0x3b: {  	[tilespmem:s6], [sflag:$0x1] =	stream.indirect.gather [hbm4b:s5+s6], $0x80, s2, s6, $0xb8;
	[tilespmem:$0x4080] =	vst v63  }
0x3c: {  	_ =	swait.ge [sflag:s7], $0x4000  }
0x3d: {  	s26 =	sadd.s32 $0x6B200, s16;
	[sflag:s7] =	ssyncset.done $0x0  }
0x3e: {  	s16 =	sadd.s32 s17, s26;
	[sflag:s7] =	ssyncadd.s32 $0xFFFFC000  }
0x3f: {  	[hbm4b:s16+s2] =	stream.linear.scatter [tilespmem:s6], [sflag:$0x2], $0x4000, $0x38;
	[tilespmem:$0x4080] =	vst v63  }
0x40: {  	_ =	swait.ge [sflag:s3], $0x4000  }
0x41: {  	[sflag:s3] =	ssyncset.done $0x0  }
0x42: {  	s17 =	sadd.s32 s18, s29;
	[sflag:s3] =	ssyncadd.s32 $0xFFFFC000  }
0x43: {  	[tilespmem:s2], [sflag:$0x2] =	stream.linear.gather [hbm4b:s17+s2], $0x80, $0x38;
	[tilespmem:$0x4080] =	vst v63  }
0x44: {  	_ =	swait.ge [sflag:s3], $0x80  }
0x45: {  	[sflag:s3] =	ssyncset.done $0x0  }
0x46: {  	[sflag:s3] =	ssyncadd.s32 $0xFFFFFF80  }
0x47: {  	[tilespmem:s6], [sflag:$0x1] =	stream.indirect.gather [hbm4b:s5+s6], $0x80, s2, s6, $0xb8;
	[tilespmem:$0x4080] =	vst v63  }
0x48: {  	_ =	swait.ge [sflag:s7], $0x4000  }
0x49: {  	[sflag:s7] =	ssyncset.done $0x0  }
0x4a: {  	s18 =	sadd.s32 s19, s26;
	[sflag:s7] =	ssyncadd.s32 $0xFFFFC000  }
0x4b: {  	[hbm4b:s18+s2] =	stream.linear.scatter [tilespmem:s6], [sflag:$0x2], $0x4000, $0x38;
	[tilespmem:$0x4080] =	vst v63  }
0x4c: {  	_ =	swait.ge [sflag:s3], $0x4000  }
0x4d: {  	[sflag:s3] =	ssyncset.done $0x0  }
0x4e: {  	s19 =	sadd.s32 s20, s29;
	[sflag:s3] =	ssyncadd.s32 $0xFFFFC000  }
0x4f: {  	[tilespmem:s2], [sflag:$0x2] =	stream.linear.gather [hbm4b:s19+s2], $0x80, $0x38;
	[tilespmem:$0x4080] =	vst v63  }
0x50: {  	_ =	swait.ge [sflag:s3], $0x80  }
0x51: {  	[sflag:s3] =	ssyncset.done $0x0  }
0x52: {  	[sflag:s3] =	ssyncadd.s32 $0xFFFFFF80  }
0x53: {  	[tilespmem:s6], [sflag:$0x1] =	stream.indirect.gather [hbm4b:s5+s6], $0x80, s2, s6, $0xb8;
	[tilespmem:$0x4080] =	vst v63  }
0x54: {  	_ =	swait.ge [sflag:s7], $0x4000  }
0x55: {  	[sflag:s7] =	ssyncset.done $0x0  }
0x56: {  	s20 =	sadd.s32 s21, s26;
	[sflag:s7] =	ssyncadd.s32 $0xFFFFC000  }
0x57: {  	[hbm4b:s20+s2] =	stream.linear.scatter [tilespmem:s6], [sflag:$0x2], $0x4000, $0x38;
	[tilespmem:$0x4080] =	vst v63  }
0x58: {  	_ =	swait.ge [sflag:s3], $0x4000  }
0x59: {  	[sflag:s3] =	ssyncset.done $0x0  }
0x5a: {  	s22 =	ssub.s32 $0x2, s22;
	s21 =	sadd.s32 s25, s29;
	[sflag:s3] =	ssyncadd.s32 $0xFFFFC000  }
0x5b: {  	[tilespmem:s2], [sflag:$0x2] =	stream.linear.gather [hbm4b:s21+s2], $0x80, $0x38;
	[tilespmem:$0x4080] =	vst v63  }
0x5c: {  	s30 =	sshrl.u32 s22, $0x1;
	_ =	swait.ge [sflag:s3], $0x80  }
0x5d: {  	s24 =	ssub.s32 s22, s30;
	[sflag:s3] =	ssyncset.done $0x0  }
0x5e: {  	s31 =	smax.u32 s24, $0x1;
	[sflag:s3] =	ssyncadd.s32 $0xFFFFFF80  }
0x5f: {  	[tilespmem:s6], [sflag:$0x1] =	stream.indirect.gather [hbm4b:s5+s6], $0x80, s2, s6, $0xb8;
	[tilespmem:$0x4080] =	vst v63  }
0x60: {  	p0 =	sne.s32 s31, $0x1;
	_ =	swait.ge [sflag:s7], $0x4000  }
.Ltmp0:
0x61: {  	[sflag:s7] =	ssyncset.done $0x0;
	(pc) =	sbr.rel @!p0 .LBB2_2-.Ltmp0, $4  }
0x62: {  	s22 =	sadd.s32 s23, s26;
	[sflag:s7] =	ssyncadd.s32 $0xFFFFC000  }
0x63: {  	[hbm4b:s22+s2] =	stream.linear.scatter [tilespmem:s6], [sflag:$0x2], $0x4000, $0x38;
	[tilespmem:$0x4080] =	vst v63  }
0x64: {  	_ =	swait.ge [sflag:s3], $0x4000  }
0x65: {  	s23 =	sadd.s32 $0xFFFFFFFF, s31;
	[sflag:s3] =	ssyncset.done $0x0  }
.LBB2_1:
0x66: {  	p0 =	sne.s32 s23, $0x1;
	s23 =	sadd.s32 $0xFFFFFFFF, s23;
	[sflag:s3] =	ssyncadd.s32 $0xFFFFC000  }
0x67: {  	[tilespmem:s2], [sflag:$0x2] =	stream.linear.gather [hbm4b:s4+s2], $0x80, $0x38;
	[tilespmem:$0x4080] =	vst v63  }
0x68: {  	_ =	swait.ge [sflag:s3], $0x80  }
0x69: {  	[sflag:s3] =	ssyncset.done $0x0  }
0x6a: {  	[sflag:s3] =	ssyncadd.s32 $0xFFFFFF80  }
0x6b: {  	[tilespmem:s6], [sflag:$0x1] =	stream.indirect.gather [hbm4b:s5+s6], $0x80, s2, s6, $0xb8;
	[tilespmem:$0x4080] =	vst v63  }
0x6c: {  	_ =	swait.ge [sflag:s7], $0x4000  }
0x6d: {  	[sflag:s7] =	ssyncset.done $0x0  }
0x6e: {  	[sflag:s7] =	ssyncadd.s32 $0xFFFFC000  }
0x6f: {  	[hbm4b:s8+s2] =	stream.linear.scatter [tilespmem:s6], [sflag:$0x2], $0x4000, $0x38;
	[tilespmem:$0x4080] =	vst v63  }
0x70: {  	_ =	swait.ge [sflag:s3], $0x4000  }
0x71: {  	[sflag:s3] =	ssyncset.done $0x0  }
0x72: {  	[sflag:s3] =	ssyncadd.s32 $0xFFFFC000  }
0x73: {  	[tilespmem:s2], [sflag:$0x2] =	stream.linear.gather [hbm4b:s9+s2], $0x80, $0x38;
	[tilespmem:$0x4080] =	vst v63  }
0x74: {  	_ =	swait.ge [sflag:s3], $0x80  }
0x75: {  	[sflag:s3] =	ssyncset.done $0x0  }
0x76: {  	[sflag:s3] =	ssyncadd.s32 $0xFFFFFF80  }
0x77: {  	[tilespmem:s6], [sflag:$0x1] =	stream.indirect.gather [hbm4b:s5+s6], $0x80, s2, s6, $0xb8;
	[tilespmem:$0x4080] =	vst v63  }
0x78: {  	_ =	swait.ge [sflag:s7], $0x4000  }
0x79: {  	[sflag:s7] =	ssyncset.done $0x0  }
0x7a: {  	[sflag:s7] =	ssyncadd.s32 $0xFFFFC000  }
0x7b: {  	[hbm4b:s10+s2] =	stream.linear.scatter [tilespmem:s6], [sflag:$0x2], $0x4000, $0x38;
	[tilespmem:$0x4080] =	vst v63  }
0x7c: {  	_ =	swait.ge [sflag:s3], $0x4000  }
0x7d: {  	[sflag:s3] =	ssyncset.done $0x0  }
0x7e: {  	[sflag:s3] =	ssyncadd.s32 $0xFFFFC000  }
0x7f: {  	[tilespmem:s2], [sflag:$0x2] =	stream.linear.gather [hbm4b:s11+s2], $0x80, $0x38;
	[tilespmem:$0x4080] =	vst v63  }
0x80: {  	_ =	swait.ge [sflag:s3], $0x80  }
0x81: {  	[sflag:s3] =	ssyncset.done $0x0  }
0x82: {  	[sflag:s3] =	ssyncadd.s32 $0xFFFFFF80  }
0x83: {  	[tilespmem:s6], [sflag:$0x1] =	stream.indirect.gather [hbm4b:s5+s6], $0x80, s2, s6, $0xb8;
	[tilespmem:$0x4080] =	vst v63  }
0x84: {  	_ =	swait.ge [sflag:s7], $0x4000  }
0x85: {  	[sflag:s7] =	ssyncset.done $0x0  }
0x86: {  	[sflag:s7] =	ssyncadd.s32 $0xFFFFC000  }
0x87: {  	[hbm4b:s12+s2] =	stream.linear.scatter [tilespmem:s6], [sflag:$0x2], $0x4000, $0x38;
	[tilespmem:$0x4080] =	vst v63  }
0x88: {  	_ =	swait.ge [sflag:s3], $0x4000  }
0x89: {  	[sflag:s3] =	ssyncset.done $0x0  }
0x8a: {  	[sflag:s3] =	ssyncadd.s32 $0xFFFFC000  }
0x8b: {  	[tilespmem:s2], [sflag:$0x2] =	stream.linear.gather [hbm4b:s13+s2], $0x80, $0x38;
	[tilespmem:$0x4080] =	vst v63  }
0x8c: {  	_ =	swait.ge [sflag:s3], $0x80  }
0x8d: {  	[sflag:s3] =	ssyncset.done $0x0  }
0x8e: {  	[sflag:s3] =	ssyncadd.s32 $0xFFFFFF80  }
0x8f: {  	[tilespmem:s6], [sflag:$0x1] =	stream.indirect.gather [hbm4b:s5+s6], $0x80, s2, s6, $0xb8;
	[tilespmem:$0x4080] =	vst v63  }
0x90: {  	_ =	swait.ge [sflag:s7], $0x4000  }
0x91: {  	[sflag:s7] =	ssyncset.done $0x0  }
0x92: {  	[sflag:s7] =	ssyncadd.s32 $0xFFFFC000  }
0x93: {  	[hbm4b:s14+s2] =	stream.linear.scatter [tilespmem:s6], [sflag:$0x2], $0x4000, $0x38;
	[tilespmem:$0x4080] =	vst v63  }
0x94: {  	_ =	swait.ge [sflag:s3], $0x4000  }
0x95: {  	[sflag:s3] =	ssyncset.done $0x0  }
0x96: {  	[sflag:s3] =	ssyncadd.s32 $0xFFFFC000  }
0x97: {  	[tilespmem:s2], [sflag:$0x2] =	stream.linear.gather [hbm4b:s15+s2], $0x80, $0x38;
	[tilespmem:$0x4080] =	vst v63  }
0x98: {  	_ =	swait.ge [sflag:s3], $0x80  }
0x99: {  	[sflag:s3] =	ssyncset.done $0x0  }
0x9a: {  	[sflag:s3] =	ssyncadd.s32 $0xFFFFFF80  }
0x9b: {  	[tilespmem:s6], [sflag:$0x1] =	stream.indirect.gather [hbm4b:s5+s6], $0x80, s2, s6, $0xb8;
	[tilespmem:$0x4080] =	vst v63  }
0x9c: {  	_ =	swait.ge [sflag:s7], $0x4000  }
0x9d: {  	[sflag:s7] =	ssyncset.done $0x0  }
0x9e: {  	[sflag:s7] =	ssyncadd.s32 $0xFFFFC000  }
0x9f: {  	[hbm4b:s16+s2] =	stream.linear.scatter [tilespmem:s6], [sflag:$0x2], $0x4000, $0x38;
	[tilespmem:$0x4080] =	vst v63  }
0xa0: {  	_ =	swait.ge [sflag:s3], $0x4000  }
0xa1: {  	[sflag:s3] =	ssyncset.done $0x0  }
0xa2: {  	[sflag:s3] =	ssyncadd.s32 $0xFFFFC000  }
0xa3: {  	[tilespmem:s2], [sflag:$0x2] =	stream.linear.gather [hbm4b:s17+s2], $0x80, $0x38;
	[tilespmem:$0x4080] =	vst v63  }
0xa4: {  	_ =	swait.ge [sflag:s3], $0x80  }
0xa5: {  	[sflag:s3] =	ssyncset.done $0x0  }
0xa6: {  	[sflag:s3] =	ssyncadd.s32 $0xFFFFFF80  }
0xa7: {  	[tilespmem:s6], [sflag:$0x1] =	stream.indirect.gather [hbm4b:s5+s6], $0x80, s2, s6, $0xb8;
	[tilespmem:$0x4080] =	vst v63  }
0xa8: {  	_ =	swait.ge [sflag:s7], $0x4000  }
0xa9: {  	[sflag:s7] =	ssyncset.done $0x0  }
0xaa: {  	[sflag:s7] =	ssyncadd.s32 $0xFFFFC000  }
0xab: {  	[hbm4b:s18+s2] =	stream.linear.scatter [tilespmem:s6], [sflag:$0x2], $0x4000, $0x38;
	[tilespmem:$0x4080] =	vst v63  }
0xac: {  	_ =	swait.ge [sflag:s3], $0x4000  }
0xad: {  	[sflag:s3] =	ssyncset.done $0x0  }
0xae: {  	[sflag:s3] =	ssyncadd.s32 $0xFFFFC000  }
0xaf: {  	[tilespmem:s2], [sflag:$0x2] =	stream.linear.gather [hbm4b:s19+s2], $0x80, $0x38;
	[tilespmem:$0x4080] =	vst v63  }
0xb0: {  	_ =	swait.ge [sflag:s3], $0x80  }
0xb1: {  	[sflag:s3] =	ssyncset.done $0x0  }
0xb2: {  	[sflag:s3] =	ssyncadd.s32 $0xFFFFFF80  }
0xb3: {  	[tilespmem:s6], [sflag:$0x1] =	stream.indirect.gather [hbm4b:s5+s6], $0x80, s2, s6, $0xb8;
	[tilespmem:$0x4080] =	vst v63  }
0xb4: {  	_ =	swait.ge [sflag:s7], $0x4000  }
0xb5: {  	[sflag:s7] =	ssyncset.done $0x0  }
0xb6: {  	[sflag:s7] =	ssyncadd.s32 $0xFFFFC000  }
0xb7: {  	[hbm4b:s20+s2] =	stream.linear.scatter [tilespmem:s6], [sflag:$0x2], $0x4000, $0x38;
	[tilespmem:$0x4080] =	vst v63  }
0xb8: {  	_ =	swait.ge [sflag:s3], $0x4000  }
0xb9: {  	[sflag:s3] =	ssyncset.done $0x0  }
0xba: {  	[sflag:s3] =	ssyncadd.s32 $0xFFFFC000  }
0xbb: {  	[tilespmem:s2], [sflag:$0x2] =	stream.linear.gather [hbm4b:s21+s2], $0x80, $0x38;
	[tilespmem:$0x4080] =	vst v63  }
0xbc: {  	_ =	swait.ge [sflag:s3], $0x80  }
0xbd: {  	[sflag:s3] =	ssyncset.done $0x0  }
0xbe: {  	[sflag:s3] =	ssyncadd.s32 $0xFFFFFF80  }
0xbf: {  	[tilespmem:s6], [sflag:$0x1] =	stream.indirect.gather [hbm4b:s5+s6], $0x80, s2, s6, $0xb8;
	[tilespmem:$0x4080] =	vst v63  }
0xc0: {  	_ =	swait.ge [sflag:s7], $0x4000  }
.Ltmp1:
0xc1: {  	[sflag:s7] =	ssyncset.done $0x0;
	(pc) =	sbr.rel @p0 .LBB2_1-.Ltmp1, $4  }
0xc2: {  	[sflag:s7] =	ssyncadd.s32 $0xFFFFC000  }
0xc3: {  	[hbm4b:s22+s2] =	stream.linear.scatter [tilespmem:s6], [sflag:$0x2], $0x4000, $0x38;
	[tilespmem:$0x4080] =	vst v63  }
0xc4: {  	_ =	swait.ge [sflag:s3], $0x4000  }
0xc5: {  	[sflag:s3] =	ssyncset.done $0x0  }
.LBB2_2:
0xc6: {  	[sflag:s3] =	ssyncadd.s32 $0xFFFFC000  }
0xc7: {  	_ =	sfence.sel $0x180000  }
0xc8: {  	[bflag:$0x0] =	sbarrier.arrive $0xFFFF  }
0xc9: {  	p0 =	sne.s32 s0, $0x0;
	_ =	strace $0x90000050  }
0xca: {  	s0 =	sadd.s32 @!p0 $0x100000, s1;
	[bflag:$0x2] =	sbarrier.arrive $0xFFFF  }
0xcb: {  	[sflag:s0] =	ssyncadd.tile.s32 @!p0 $0x1;
	_ =	shalt  }
.Lfunc_end2:
_tile_overlayer_lowered:
.L_overlay_start_2:
0xcc: {  	(tag) =	ssettag $0x2  }
0xcd: {  	s0 =	rddreg [dreg:$0x0];
	s2 =	stileid.u32  }
0xce: {  	s1 =	rddreg [dreg:$0x1];
	p0 =	sne.s32 s2, $0x0  }
0xcf: {  	s3 =	rddreg [dreg:$0x2];
	[bflag:$0x3] =	sbarrier.arrive $0xFFFF;
	s2 =	simm.s32 @!p0 $0x1C02  }
0xd0: {  	[timem:s3], [sflag:s2] =	dma.local @!p0 [hbm:s0], s1  }
0xd1: {  	s0 =	simm.s32 @!p0 $0x2  }
0xd2: {  	_ =	swait.ge @!p0 [sflag:s0], s1  }
0xd3: {  	s1 =	ssub.s32 @!p0 $0x0, s1;
	[sflag:s0] =	ssyncset.done @!p0 $0x0  }
0xd4: {  	[sflag:s0] =	ssyncadd.s32 @!p0 s1  }
0xd5: {  	[bflag:$0x3] =	sbarrier.arrive $0xFFFF  }
0xd6: {  	_ =	shalt  }

</sc_bundles>
